<compile_context>
chip_gen: v7x
topology: tpu7x:2x2x1
jax: 0.10.2.dev20260603
libtpu: 0.0.44.dev20260713+nightly
codegen_flags: <defaults>
</compile_context>

<pallas_src>
import jax
import jax.numpy as jnp
from jax import lax
from jax.experimental import pallas as pl
from jax.experimental.pallas import tpu as pltpu
from jax.experimental.pallas import tpu_sc as plsc

B = 64
S = 256
Q = 48
HID = 256
DTOK = 300
DPAD = 384
DSM = 9
TB = 16
NB = S // TB

_NC = 2
_NS = 16
_NW = _NC * _NS
_TOK_PER_W = (B * S) // _NW
_TOK_CHUNK = 128
_PREQ_PER_W = (B * Q) // _NW
_PREQ_CHUNK = 48

_dot = jnp.dot


def _sc_gather_tok_body(tok_tab, cis_idx, scat_idx,
                        tok_sb_out, tok_bs_out,
                        idx_a, idx_b, sidx_a, sidx_b, rows_a, rows_b,
                        sem_a, sem_b):
    wid = lax.axis_index("s") * _NC + lax.axis_index("c")
    base = wid * _TOK_PER_W
    n_chunks = _TOK_PER_W // _TOK_CHUNK

    idx_bufs = (idx_a, idx_b)
    sidx_bufs = (sidx_a, sidx_b)
    row_bufs = (rows_a, rows_b)
    sems = (sem_a, sem_b)
    copies = [None, None]

    def drain(c):
        s = c % 2
        copies[s].wait()
        pltpu.sync_copy(row_bufs[s],
                        tok_sb_out.at[pl.ds(base + c * _TOK_CHUNK, _TOK_CHUNK)])
        pltpu.sync_copy(row_bufs[s], tok_bs_out.at[sidx_bufs[s]])

    for c in range(n_chunks):
        s = c % 2
        if copies[s] is not None:
            drain(c - 2)
        pltpu.sync_copy(cis_idx.at[pl.ds(base + c * _TOK_CHUNK, _TOK_CHUNK)],
                        idx_bufs[s])
        pltpu.sync_copy(scat_idx.at[pl.ds(base + c * _TOK_CHUNK, _TOK_CHUNK)],
                        sidx_bufs[s])
        copies[s] = pltpu.async_copy(tok_tab.at[idx_bufs[s]], row_bufs[s], sems[s])
    for c in range(n_chunks - 2, n_chunks):
        drain(c)


def _sc_gather_preq_body(preq_tab, preq_idx, preq_out, pidx_v, prows_v, sem_p):
    wid = lax.axis_index("s") * _NC + lax.axis_index("c")
    for c in range(_PREQ_PER_W // _PREQ_CHUNK):
        pbase = wid * _PREQ_PER_W + c * _PREQ_CHUNK
        pltpu.sync_copy(preq_idx.at[pl.ds(pbase, _PREQ_CHUNK)], pidx_v)
        pltpu.async_copy(preq_tab.at[pidx_v], prows_v, sem_p).wait()
        pltpu.sync_copy(prows_v, preq_out.at[pl.ds(pbase, _PREQ_CHUNK)])


_MESH = plsc.VectorSubcoreMesh(core_axis_name="c", subcore_axis_name="s")


def _sc_gather_tok(token_table, cis_sb, scat_idx):
    f = pl.kernel(
        _sc_gather_tok_body,
        mesh=_MESH,
        out_type=[
            jax.ShapeDtypeStruct((B * S, DPAD), jnp.float32),
            jax.ShapeDtypeStruct((B * S, DPAD), jnp.float32),
        ],
        scratch_types=[
            pltpu.VMEM((_TOK_CHUNK,), jnp.int32),
            pltpu.VMEM((_TOK_CHUNK,), jnp.int32),
            pltpu.VMEM((_TOK_CHUNK,), jnp.int32),
            pltpu.VMEM((_TOK_CHUNK,), jnp.int32),
            pltpu.VMEM((_TOK_CHUNK, DPAD), jnp.float32),
            pltpu.VMEM((_TOK_CHUNK, DPAD), jnp.float32),
            pltpu.SemaphoreType.DMA,
            pltpu.SemaphoreType.DMA,
        ],
    )
    return f(token_table, cis_sb, scat_idx)


def _sc_gather_preq(preq_table, preq_sb):
    f = pl.kernel(
        _sc_gather_preq_body,
        mesh=_MESH,
        out_type=[jax.ShapeDtypeStruct((B * Q, DPAD), jnp.float32)],
        scratch_types=[
            pltpu.VMEM((_PREQ_CHUNK,), jnp.int32),
            pltpu.VMEM((_PREQ_CHUNK, DPAD), jnp.float32),
            pltpu.SemaphoreType.DMA,
        ],
    )
    return f(preq_table, preq_sb)


_PAD_ROWS = 2000


def _pad_body(a_ref, oa_ref):
    za = jnp.zeros((_PAD_ROWS, DPAD - DTOK), jnp.float32)
    oa_ref[...] = jnp.concatenate([a_ref[...], za], axis=-1)


def _pad_one(t1):
    v = t1.shape[0]
    blk = lambda i: (i, 0)
    return pl.pallas_call(
        _pad_body,
        grid=(v // _PAD_ROWS,),
        in_specs=[pl.BlockSpec((_PAD_ROWS, DTOK), blk)],
        out_specs=pl.BlockSpec((_PAD_ROWS, DPAD), blk),
        out_shape=jax.ShapeDtypeStruct((v, DPAD), jnp.float32),
    )(t1)


def _sigmoid(x):
    return 1.0 / (1.0 + jnp.exp(-x))


def _gru_cell(gx, gh, h, m):
    z = _sigmoid(gx[:, :HID] + gh[:, :HID])
    r = _sigmoid(gx[:, HID:2 * HID] + gh[:, HID:2 * HID])
    hh = jnp.tanh(gx[:, 2 * HID:] + r * gh[:, 2 * HID:])
    h_new = z * h + (1.0 - z) * hh
    return m * h_new + (1.0 - m) * h


def _bigru_body(xf_ref, xb_ref, sf_ref, sb_ref, mf_ref, mb_ref,
                h0f_ref, h0b_ref,
                wf_ref, vf_ref, uf_ref, bif_ref, bhf_ref,
                wb_ref, vb_ref, ub_ref, bib_ref, bhb_ref,
                hdf_ref, hdb_ref, hf_ref, hb_ref,
                hf_scr, hb_scr, gxf_scr, gxb_scr):
    i = pl.program_id(0)

    @pl.when(i == 0)
    def _():
        hf_scr[...] = h0f_ref[...]
        hb_scr[...] = h0b_ref[...]

    gxf_scr[...] = (_dot(xf_ref[...].reshape(TB * B, DPAD), wf_ref[...])
                    + _dot(sf_ref[...].reshape(TB * B, DSM), vf_ref[...])
                    + bif_ref[...])
    gxb_scr[...] = (_dot(xb_ref[...].reshape(TB * B, DPAD), wb_ref[...])
                    + _dot(sb_ref[...].reshape(TB * B, DSM), vb_ref[...])
                    + bib_ref[...])

    h_f = hf_scr[...]
    h_b = hb_scr[...]
    uf = uf_ref[...]
    ub = ub_ref[...]
    bhf = bhf_ref[...]
    bhb = bhb_ref[...]

    for j in range(TB):
        gxf = gxf_scr[pl.ds(j * B, B), :]
        ghf = _dot(h_f, uf) + bhf
        h_f = _gru_cell(gxf, ghf, h_f, mf_ref[j])
        hdf_ref[:, j, :] = h_f

        jb = TB - 1 - j
        gxb = gxb_scr[pl.ds(jb * B, B), :]
        ghb = _dot(h_b, ub) + bhb
        h_b = _gru_cell(gxb, ghb, h_b, mb_ref[jb])
        hdb_ref[:, jb, :] = h_b

    hf_scr[...] = h_f
    hb_scr[...] = h_b
    hf_ref[...] = h_f
    hb_ref[...] = h_b


def _run_bigru(tok_sb, sm_sb, mask_sb, h0f, h0b, pf, pb):
    fwd = lambda i: (i, 0, 0)
    bwd = lambda i: (NB - 1 - i, 0, 0)
    ofwd = lambda i: (0, i, 0)
    obwd = lambda i: (0, NB - 1 - i, 0)
    full = lambda shape: pl.BlockSpec(shape, lambda i: (0,) * len(shape))
    out_shapes = (
        jax.ShapeDtypeStruct((B, S, HID), jnp.float32),
        jax.ShapeDtypeStruct((B, S, HID), jnp.float32),
        jax.ShapeDtypeStruct((B, HID), jnp.float32),
        jax.ShapeDtypeStruct((B, HID), jnp.float32),
    )
    out_specs = (
        pl.BlockSpec((B, TB, HID), ofwd),
        pl.BlockSpec((B, TB, HID), obwd),
        full((B, HID)),
        full((B, HID)),
    )
    wpad = lambda w: jnp.pad(w, ((0, DPAD - DTOK), (0, 0)))
    return pl.pallas_call(
        _bigru_body,
        grid=(NB,),
        in_specs=[
            pl.BlockSpec((TB, B, DPAD), fwd), pl.BlockSpec((TB, B, DPAD), bwd),
            pl.BlockSpec((TB, B, DSM), fwd), pl.BlockSpec((TB, B, DSM), bwd),
            pl.BlockSpec((TB, B, 1), fwd), pl.BlockSpec((TB, B, 1), bwd),
            full((B, HID)), full((B, HID)),
            full((DPAD, 3 * HID)), full((DSM, 3 * HID)), full((HID, 3 * HID)),
            full((1, 3 * HID)), full((1, 3 * HID)),
            full((DPAD, 3 * HID)), full((DSM, 3 * HID)), full((HID, 3 * HID)),
            full((1, 3 * HID)), full((1, 3 * HID)),
        ],
        out_specs=out_specs,
        out_shape=out_shapes,
        scratch_shapes=[
            pltpu.VMEM((B, HID), jnp.float32),
            pltpu.VMEM((B, HID), jnp.float32),
            pltpu.VMEM((TB * B, 3 * HID), jnp.float32),
            pltpu.VMEM((TB * B, 3 * HID), jnp.float32),
        ],
        compiler_params=pltpu.CompilerParams(
            dimension_semantics=("arbitrary",),
        ),
    )(tok_sb, tok_sb, sm_sb, sm_sb, mask_sb, mask_sb, h0f, h0b,
      wpad(pf['W'][:DTOK]), pf['W'][DTOK:], pf['U'],
      pf['b_i'].reshape(1, -1), pf['b_h'].reshape(1, -1),
      wpad(pb['W'][:DTOK]), pb['W'][DTOK:], pb['U'],
      pb['b_i'].reshape(1, -1), pb['b_h'].reshape(1, -1))


def _zip_body(f_ref, b_ref, t_ref, o_ref, tok_ref):
    o_ref[:, :, :HID] = f_ref[...]
    o_ref[:, :, HID:] = b_ref[...]
    tok_ref[...] = t_ref[:, :, :DTOK]


def _run_zip(hd_f, hd_b, tok_bs):
    blk = lambda i: (0, i, 0)
    return pl.pallas_call(
        _zip_body,
        grid=(NB,),
        in_specs=[pl.BlockSpec((B, TB, HID), blk),
                  pl.BlockSpec((B, TB, HID), blk),
                  pl.BlockSpec((B, TB, DPAD), blk)],
        out_specs=(pl.BlockSpec((B, TB, 2 * HID), blk),
                   pl.BlockSpec((B, TB, DTOK), blk)),
        out_shape=(jax.ShapeDtypeStruct((B, S, 2 * HID), jnp.float32),
                   jax.ShapeDtypeStruct((B, S, DTOK), jnp.float32)),
    )(hd_f, hd_b, tok_bs)


def _qgru_final_body(xq_ref, mq_ref,
                     wqf_ref, uqf_ref, biqf_ref, bhqf_ref,
                     wqb_ref, uqb_ref, biqb_ref, bhqb_ref,
                     hf_ref, hb_ref, fw_ref, fb_ref,
                     out_ref, gqf_scr, gqb_scr):
    gqf_scr[...] = (_dot(xq_ref[...].reshape(Q * B, DPAD), wqf_ref[...])
                    + biqf_ref[...])
    gqb_scr[...] = (_dot(xq_ref[...].reshape(Q * B, DPAD), wqb_ref[...])
                    + biqb_ref[...])
    uqf = uqf_ref[...]
    uqb = uqb_ref[...]
    bhqf = bhqf_ref[...]
    bhqb = bhqb_ref[...]

    def step(j, carry):
        qf, qb = carry
        gxf = gqf_scr[pl.ds(j * B, B), :]
        mf = mq_ref[pl.ds(j, 1)].reshape(B, 1)
        ghf = _dot(qf, uqf) + bhqf
        qf = _gru_cell(gxf, ghf, qf, mf)

        jb = Q - 1 - j
        gxb = gqb_scr[pl.ds(jb * B, B), :]
        mb = mq_ref[pl.ds(jb, 1)].reshape(B, 1)
        ghb = _dot(qb, uqb) + bhqb
        qb = _gru_cell(gxb, ghb, qb, mb)
        return qf, qb

    zeros = jnp.zeros((B, HID), jnp.float32)
    qf, qb = jax.lax.fori_loop(0, Q, step, (zeros, zeros))

    fw = fw_ref[...]
    acc = _dot(hf_ref[...], fw[0])
    acc = acc + _dot(hb_ref[...], fw[1])
    acc = acc + _dot(qf, fw[2])
    acc = acc + _dot(qb, fw[3])
    out_ref[...] = jnp.tanh(acc + fb_ref[...])


def _run_qgru_final(preq_sb, pmask_sb, hf, hb, pqf, pqb, fw, fb):
    full = lambda shape: pl.BlockSpec(shape, lambda: (0,) * len(shape))
    wpad = lambda w: jnp.pad(w, ((0, DPAD - DTOK), (0, 0)))
    return pl.pallas_call(
        _qgru_final_body,
        in_specs=[
            full((Q, B, DPAD)), full((Q, B, 1)),
            full((DPAD, 3 * HID)), full((HID, 3 * HID)),
            full((1, 3 * HID)), full((1, 3 * HID)),
            full((DPAD, 3 * HID)), full((HID, 3 * HID)),
            full((1, 3 * HID)), full((1, 3 * HID)),
            full((B, HID)), full((B, HID)),
            full((4, HID, 2 * HID)), full((1, 2 * HID)),
        ],
        out_specs=full((B, 2 * HID)),
        out_shape=jax.ShapeDtypeStruct((B, 2 * HID), jnp.float32),
        scratch_shapes=[
            pltpu.VMEM((Q * B, 3 * HID), jnp.float32),
            pltpu.VMEM((Q * B, 3 * HID), jnp.float32),
        ],
    )(preq_sb, pmask_sb,
      wpad(pqf['W']), pqf['U'], pqf['b_i'].reshape(1, -1),
      pqf['b_h'].reshape(1, -1),
      wpad(pqb['W']), pqb['U'], pqb['b_i'].reshape(1, -1),
      pqb['b_h'].reshape(1, -1),
      hf, hb, fw, fb)


def kernel(cis, ans, ner, pos, preq, enc_hidden, params):
    cis_sb = cis.T.reshape(-1).astype(jnp.int32)
    preq_sb_idx = preq.T.reshape(-1).astype(jnp.int32)
    k = jnp.arange(B * S, dtype=jnp.int32)
    scat_idx = (k % B) * S + (k // B)

    tok_tab = _pad_one(params['token_table'])
    tok_sb, tok_bs = _sc_gather_tok(tok_tab, cis_sb, scat_idx)
    preq_tab = _pad_one(params['preq_table'])
    preq_rows, = _sc_gather_preq(preq_tab, preq_sb_idx)
    tok_sb = tok_sb.reshape(S, B, DPAD)
    tok_bs = tok_bs.reshape(B, S, DPAD)
    preq_sb = preq_rows.reshape(Q, B, DPAD)

    source_mask = cis != 0
    preq_mask = preq != 0

    nerT = ner.T
    posT = pos.T
    ansT = ans.T
    sm_sb = jnp.concatenate([
        jnp.take(params['ner_table'], nerT, axis=0),
        jnp.take(params['pos_table'], posT, axis=0),
        jnp.take(params['ans_table'], ansT, axis=0)], axis=-1)
    mask_sb = source_mask.T.astype(jnp.float32)[:, :, None]
    pmask_sb = preq_mask.T.astype(jnp.float32)[:, :, None]

    hd_f, hd_b, hf, hb = _run_bigru(
        tok_sb, sm_sb, mask_sb, enc_hidden[0], enc_hidden[1],
        params['bigru_f'], params['bigru_b'])
    hd, tokenemb = _run_zip(hd_f, hd_b, tok_bs)

    fw = params['final_W'].reshape(4, HID, 2 * HID)
    hD = _run_qgru_final(
        preq_sb, pmask_sb, hf, hb,
        params['qgru_f'], params['qgru_b'],
        fw, params['final_b'].reshape(1, -1))

    return (hd, hD, source_mask, tokenemb)

# --- scband reference (transcript-rebuilt; emitter-appended) ---
"""Pipeline reference for scband-canp-pre-qc-encoder-29695403885043 (READ-ONLY COPY).

The authoritative reference and input builder live on the scoring server;
editing this copy changes nothing except your own understanding.
"""

import jax, jax.numpy as jnp
import numpy as np

HID = 256  # per-direction GRU units (cfg.HIDDEN_DIM // 2)


def _gru_params(k, d_in, h):
    k1, k2 = jax.random.split(k, 2)
    return {
        'W': jax.random.normal(k1, (d_in, 3 * h), dtype=jnp.float32) * 0.05,
        'U': jax.random.normal(k2, (h, 3 * h), dtype=jnp.float32) * 0.05,
        'b_i': jnp.zeros((3 * h,), jnp.float32),
        'b_h': jnp.zeros((3 * h,), jnp.float32),
    }


def setup_inputs(seed: int = 0) -> dict:
    key = jax.random.key(seed)
    ks = jax.random.split(key, 16)
    B, S, Q = 64, 256, 48
    V, D = 100000, 300
    NER, POS = 20, 45
    cis = jax.random.randint(ks[0], (B, S), 0, V)
    ans = jax.random.randint(ks[1], (B, S), 0, 3)
    ner = jax.random.randint(ks[2], (B, S), 0, NER)
    pos = jax.random.randint(ks[3], (B, S), 0, POS)
    preq = jax.random.randint(ks[4], (B, Q), 0, V)
    enc_hidden = jnp.zeros((2, B, HID), jnp.float32)
    din = D + 3 + 3 + 3
    params = {
        'token_table': jax.random.normal(ks[5], (V, D), dtype=jnp.float32) * 0.05,
        'preq_table': jax.random.normal(ks[6], (V, D), dtype=jnp.float32) * 0.05,
        'ner_table': jax.random.normal(ks[7], (NER, 3), dtype=jnp.float32) * 0.05,
        'pos_table': jax.random.normal(ks[8], (POS, 3), dtype=jnp.float32) * 0.05,
        'ans_table': jax.random.normal(ks[9], (3, 3), dtype=jnp.float32) * 0.05,
        'bigru_f': _gru_params(ks[10], din, HID),
        'bigru_b': _gru_params(ks[11], din, HID),
        'qgru_f': _gru_params(ks[12], D, HID),
        'qgru_b': _gru_params(ks[13], D, HID),
        'final_W': jax.random.normal(ks[14], (4 * HID, 2 * HID), dtype=jnp.float32) * 0.05,
        'final_b': jnp.zeros((2 * HID,), jnp.float32),
    }
    return {'cis': cis, 'ans': ans, 'ner': ner, 'pos': pos, 'preq': preq,
            'enc_hidden': enc_hidden, 'params': params}


def _gru(p, x, mask, h0):
    # Keras GRU (reset_after semantics folded into split biases); masked steps carry state.
    def step(h, inp):
        xt, mt = inp
        gx = xt @ p['W'] + p['b_i']
        gh = h @ p['U'] + p['b_h']
        xz, xr, xh = jnp.split(gx, 3, axis=-1)
        hz, hr, hh_lin = jnp.split(gh, 3, axis=-1)
        z = jax.nn.sigmoid(xz + hz)
        r = jax.nn.sigmoid(xr + hr)
        hh = jnp.tanh(xh + r * hh_lin)
        h_new = z * h + (1.0 - z) * hh
        h_new = jnp.where(mt[:, None], h_new, h)
        return h_new, h_new
    xs = jnp.swapaxes(x, 0, 1)
    ms = jnp.swapaxes(mask, 0, 1)
    h_last, outs = jax.lax.scan(step, h0, (xs, ms))
    return jnp.swapaxes(outs, 0, 1), h_last


def _bigru(pf, pb, x, mask, h0f, h0b):
    of, hf = _gru(pf, x, mask, h0f)
    ob, hb = _gru(pb, x[:, ::-1], mask[:, ::-1], h0b)
    ob = ob[:, ::-1]
    return jnp.concatenate([of, ob], axis=-1), hf, hb


def reference(cis, ans, ner, pos, preq, enc_hidden, params):
    tokenemb = jnp.take(params['token_table'], cis, axis=0)
    source_mask = cis != 0
    preqemb = jnp.take(params['preq_table'], preq, axis=0)
    preq_mask = preq != 0
    neremb = jnp.take(params['ner_table'], ner, axis=0)
    posemb = jnp.take(params['pos_table'], pos, axis=0)
    ansemb = jnp.take(params['ans_table'], ans, axis=0)
    gruin = jnp.concatenate([tokenemb, neremb, posemb, ansemb], axis=-1)
    hd, hD_1, hD_2 = _bigru(params['bigru_f'], params['bigru_b'], gruin, source_mask,
                            enc_hidden[0], enc_hidden[1])
    B = preq.shape[0]
    h0q = jnp.zeros((B, HID), jnp.float32)
    _, qf = _gru(params['qgru_f'], preqemb, preq_mask, h0q)
    _, qb = _gru(params['qgru_b'], preqemb[:, ::-1], preq_mask[:, ::-1], h0q)
    preq_final = jnp.concatenate([qf, qb], axis=-1)
    hD = jnp.concatenate([hD_1, hD_2, preq_final], axis=-1)
    hD = jnp.tanh(hD @ params['final_W'] + params['final_b'])
    return (hd, hD, source_mask, tokenemb)

if __name__ == "__main__":
    import jax
    _d = setup_inputs()
    print(jax.jit(kernel)(*tuple(_d.values())))

</pallas_src>

<mosaic_0001>
#map = affine_map<(d0, d1) -> (0, 0)>
#map1 = affine_map<(d0, d1) -> (0)>
module attributes {stable_mosaic.version = 14 : i64} {
  func.func @_sc_gather_tok_body(%arg0: i32, %arg1: i32, %arg2: memref<100000x384xf32, #tpu.memory_space<hbm>>, %arg3: memref<16384xi32, #tpu.memory_space<hbm>>, %arg4: memref<16384xi32, #tpu.memory_space<hbm>>, %arg5: memref<16384x384xf32, #tpu.memory_space<hbm>>, %arg6: memref<16384x384xf32, #tpu.memory_space<hbm>>, %arg7: memref<128xi32, #tpu.memory_space<vmem>>, %arg8: memref<128xi32, #tpu.memory_space<vmem>>, %arg9: memref<128xi32, #tpu.memory_space<vmem>>, %arg10: memref<128xi32, #tpu.memory_space<vmem>>, %arg11: memref<128x384xf32, #tpu.memory_space<vmem>>, %arg12: memref<128x384xf32, #tpu.memory_space<vmem>>, %arg13: memref<!tpu.dma_semaphore, #tpu.memory_space<semaphore_mem>>, %arg14: memref<!tpu.dma_semaphore, #tpu.memory_space<semaphore_mem>>) attributes {dimension_semantics = [#tpu.dimension_semantics<core_parallel>, #tpu.dimension_semantics<subcore_parallel>], iteration_bounds = array<i64: 2, 16>, scalar_prefetch = 0 : i64, scratch_operands = 8 : i64, tpu.core_type = #tpu.core_type<sc_vector_subcore>, window_params = [{transform_indices = #map}, {transform_indices = #map1}, {transform_indices = #map1}, {transform_indices = #map}, {transform_indices = #map}]} {
    %mul3A = arith.constant 2 : i32
    %mul3A_0 = arith.muli %arg1, %mul3A : i32
    %add3A = arith.addi %mul3A_0, %arg0 : i32
    %mul3A_1 = arith.constant 512 : i32
    %mul3A_2 = arith.muli %add3A, %mul3A_1 : i32
    %add3A_3 = arith.constant 0 : i32
    %add3A_4 = arith.addi %mul3A_2, %add3A_3 : i32
    "tpu.region"() ({
      %run_scoped3A = tpu.sem_alloc : memref<!tpu.dma_semaphore, #tpu.memory_space<semaphore_mem>>
      %dma_start3A_49 = tpu.memref_slice %arg3[%add3A_4] : memref<16384xi32, #tpu.memory_space<hbm>> -> memref<128xi32, #tpu.memory_space<hbm>>
      %dma_start3A_50 = tpu.memref_slice %arg3[%add3A_4] : memref<16384xi32, #tpu.memory_space<hbm>> -> memref<128xi32, #tpu.memory_space<hbm>>
      tpu.enqueue_dma source(%dma_start3A_50 : memref<128xi32, #tpu.memory_space<hbm>>) target(%arg7 : memref<128xi32, #tpu.memory_space<vmem>>) target_semaphore(%run_scoped3A : memref<!tpu.dma_semaphore, #tpu.memory_space<semaphore_mem>>)
      %dma_wait3A_51 = tpu.memref_slice %arg3[%add3A_4] : memref<16384xi32, #tpu.memory_space<hbm>> -> memref<128xi32, #tpu.memory_space<hbm>>
      %dma_wait3A_52 = tpu.memref_slice %arg3[%add3A_4] : memref<16384xi32, #tpu.memory_space<hbm>> -> memref<128xi32, #tpu.memory_space<hbm>>
      tpu.wait_dma2 semaphore(%run_scoped3A : memref<!tpu.dma_semaphore, #tpu.memory_space<semaphore_mem>>) src(%dma_wait3A_52 : memref<128xi32, #tpu.memory_space<hbm>>) dst(%arg7 : memref<128xi32, #tpu.memory_space<vmem>>)
      tpu.yield
    }) : () -> ()
    %add3A_5 = arith.constant 0 : i32
    %add3A_6 = arith.addi %mul3A_2, %add3A_5 : i32
    "tpu.region"() ({
      %run_scoped3A = tpu.sem_alloc : memref<!tpu.dma_semaphore, #tpu.memory_space<semaphore_mem>>
      %dma_start3A_49 = tpu.memref_slice %arg4[%add3A_6] : memref<16384xi32, #tpu.memory_space<hbm>> -> memref<128xi32, #tpu.memory_space<hbm>>
      %dma_start3A_50 = tpu.memref_slice %arg4[%add3A_6] : memref<16384xi32, #tpu.memory_space<hbm>> -> memref<128xi32, #tpu.memory_space<hbm>>
      tpu.enqueue_dma source(%dma_start3A_50 : memref<128xi32, #tpu.memory_space<hbm>>) target(%arg9 : memref<128xi32, #tpu.memory_space<vmem>>) target_semaphore(%run_scoped3A : memref<!tpu.dma_semaphore, #tpu.memory_space<semaphore_mem>>)
      %dma_wait3A_51 = tpu.memref_slice %arg4[%add3A_6] : memref<16384xi32, #tpu.memory_space<hbm>> -> memref<128xi32, #tpu.memory_space<hbm>>
      %dma_wait3A_52 = tpu.memref_slice %arg4[%add3A_6] : memref<16384xi32, #tpu.memory_space<hbm>> -> memref<128xi32, #tpu.memory_space<hbm>>
      tpu.wait_dma2 semaphore(%run_scoped3A : memref<!tpu.dma_semaphore, #tpu.memory_space<semaphore_mem>>) src(%dma_wait3A_52 : memref<128xi32, #tpu.memory_space<hbm>>) dst(%arg9 : memref<128xi32, #tpu.memory_space<vmem>>)
      tpu.yield
    }) : () -> ()
    %dma_start3A = arith.constant 0 : i32
    %dma_start3A_7 = arith.constant 0 : i32
    %dma_start3A_8 = tpu.memref_slice %arg2[%dma_start3A, %dma_start3A_7] : memref<100000x384xf32, #tpu.memory_space<hbm>> -> memref<100000x384xf32, #tpu.memory_space<hbm>>
    tpu.enqueue_indirect_dma source(%dma_start3A_8 : memref<100000x384xf32, #tpu.memory_space<hbm>>) target(%arg11 : memref<128x384xf32, #tpu.memory_space<vmem>>) offsets(%arg7 : memref<128xi32, #tpu.memory_space<vmem>>) semaphore(%arg13 : memref<!tpu.dma_semaphore, #tpu.memory_space<semaphore_mem>>)
    %add3A_9 = arith.constant 128 : i32
    %add3A_10 = arith.addi %mul3A_2, %add3A_9 : i32
    "tpu.region"() ({
      %run_scoped3A = tpu.sem_alloc : memref<!tpu.dma_semaphore, #tpu.memory_space<semaphore_mem>>
      %dma_start3A_49 = tpu.memref_slice %arg3[%add3A_10] : memref<16384xi32, #tpu.memory_space<hbm>> -> memref<128xi32, #tpu.memory_space<hbm>>
      %dma_start3A_50 = tpu.memref_slice %arg3[%add3A_10] : memref<16384xi32, #tpu.memory_space<hbm>> -> memref<128xi32, #tpu.memory_space<hbm>>
      tpu.enqueue_dma source(%dma_start3A_50 : memref<128xi32, #tpu.memory_space<hbm>>) target(%arg8 : memref<128xi32, #tpu.memory_space<vmem>>) target_semaphore(%run_scoped3A : memref<!tpu.dma_semaphore, #tpu.memory_space<semaphore_mem>>)
      %dma_wait3A_51 = tpu.memref_slice %arg3[%add3A_10] : memref<16384xi32, #tpu.memory_space<hbm>> -> memref<128xi32, #tpu.memory_space<hbm>>
      %dma_wait3A_52 = tpu.memref_slice %arg3[%add3A_10] : memref<16384xi32, #tpu.memory_space<hbm>> -> memref<128xi32, #tpu.memory_space<hbm>>
      tpu.wait_dma2 semaphore(%run_scoped3A : memref<!tpu.dma_semaphore, #tpu.memory_space<semaphore_mem>>) src(%dma_wait3A_52 : memref<128xi32, #tpu.memory_space<hbm>>) dst(%arg8 : memref<128xi32, #tpu.memory_space<vmem>>)
      tpu.yield
    }) : () -> ()
    %add3A_11 = arith.constant 128 : i32
    %add3A_12 = arith.addi %mul3A_2, %add3A_11 : i32
    "tpu.region"() ({
      %run_scoped3A = tpu.sem_alloc : memref<!tpu.dma_semaphore, #tpu.memory_space<semaphore_mem>>
      %dma_start3A_49 = tpu.memref_slice %arg4[%add3A_12] : memref<16384xi32, #tpu.memory_space<hbm>> -> memref<128xi32, #tpu.memory_space<hbm>>
      %dma_start3A_50 = tpu.memref_slice %arg4[%add3A_12] : memref<16384xi32, #tpu.memory_space<hbm>> -> memref<128xi32, #tpu.memory_space<hbm>>
      tpu.enqueue_dma source(%dma_start3A_50 : memref<128xi32, #tpu.memory_space<hbm>>) target(%arg10 : memref<128xi32, #tpu.memory_space<vmem>>) target_semaphore(%run_scoped3A : memref<!tpu.dma_semaphore, #tpu.memory_space<semaphore_mem>>)
      %dma_wait3A_51 = tpu.memref_slice %arg4[%add3A_12] : memref<16384xi32, #tpu.memory_space<hbm>> -> memref<128xi32, #tpu.memory_space<hbm>>
      %dma_wait3A_52 = tpu.memref_slice %arg4[%add3A_12] : memref<16384xi32, #tpu.memory_space<hbm>> -> memref<128xi32, #tpu.memory_space<hbm>>
      tpu.wait_dma2 semaphore(%run_scoped3A : memref<!tpu.dma_semaphore, #tpu.memory_space<semaphore_mem>>) src(%dma_wait3A_52 : memref<128xi32, #tpu.memory_space<hbm>>) dst(%arg10 : memref<128xi32, #tpu.memory_space<vmem>>)
      tpu.yield
    }) : () -> ()
    %dma_start3A_13 = arith.constant 0 : i32
    %dma_start3A_14 = arith.constant 0 : i32
    %dma_start3A_15 = tpu.memref_slice %arg2[%dma_start3A_13, %dma_start3A_14] : memref<100000x384xf32, #tpu.memory_space<hbm>> -> memref<100000x384xf32, #tpu.memory_space<hbm>>
    tpu.enqueue_indirect_dma source(%dma_start3A_15 : memref<100000x384xf32, #tpu.memory_space<hbm>>) target(%arg12 : memref<128x384xf32, #tpu.memory_space<vmem>>) offsets(%arg8 : memref<128xi32, #tpu.memory_space<vmem>>) semaphore(%arg14 : memref<!tpu.dma_semaphore, #tpu.memory_space<semaphore_mem>>)
    %dma_wait3A = arith.constant 0 : i32
    %dma_wait3A_16 = arith.constant 0 : i32
    %dma_wait3A_17 = tpu.memref_slice %arg2[%dma_wait3A, %dma_wait3A_16] : memref<100000x384xf32, #tpu.memory_space<hbm>> -> memref<100000x384xf32, #tpu.memory_space<hbm>>
    tpu.wait_indirect_dma semaphore(%arg13 : memref<!tpu.dma_semaphore, #tpu.memory_space<semaphore_mem>>) src(%dma_wait3A_17 : memref<100000x384xf32, #tpu.memory_space<hbm>>) dst(%arg11 : memref<128x384xf32, #tpu.memory_space<vmem>>)
    %add3A_18 = arith.constant 0 : i32
    %add3A_19 = arith.addi %mul3A_2, %add3A_18 : i32
    "tpu.region"() ({
      %run_scoped3A = tpu.sem_alloc : memref<!tpu.dma_semaphore, #tpu.memory_space<semaphore_mem>>
      %dma_start3A_49 = arith.constant 0 : i32
      %dma_start3A_50 = tpu.memref_slice %arg5[%add3A_19, %dma_start3A_49] : memref<16384x384xf32, #tpu.memory_space<hbm>> -> memref<128x384xf32, #tpu.memory_space<hbm>>
      %dma_start3A_51 = arith.constant 0 : i32
      %dma_start3A_52 = tpu.memref_slice %arg5[%add3A_19, %dma_start3A_51] : memref<16384x384xf32, #tpu.memory_space<hbm>> -> memref<128x384xf32, #tpu.memory_space<hbm>>
      tpu.enqueue_dma source(%arg11 : memref<128x384xf32, #tpu.memory_space<vmem>>) target(%dma_start3A_52 : memref<128x384xf32, #tpu.memory_space<hbm>>) target_semaphore(%run_scoped3A : memref<!tpu.dma_semaphore, #tpu.memory_space<semaphore_mem>>)
      %dma_wait3A_53 = arith.constant 0 : i32
      %dma_wait3A_54 = tpu.memref_slice %arg5[%add3A_19, %dma_wait3A_53] : memref<16384x384xf32, #tpu.memory_space<hbm>> -> memref<128x384xf32, #tpu.memory_space<hbm>>
      %dma_wait3A_55 = arith.constant 0 : i32
      %dma_wait3A_56 = tpu.memref_slice %arg5[%add3A_19, %dma_wait3A_55] : memref<16384x384xf32, #tpu.memory_space<hbm>> -> memref<128x384xf32, #tpu.memory_space<hbm>>
      tpu.wait_dma2 semaphore(%run_scoped3A : memref<!tpu.dma_semaphore, #tpu.memory_space<semaphore_mem>>) src(%arg11 : memref<128x384xf32, #tpu.memory_space<vmem>>) dst(%dma_wait3A_56 : memref<128x384xf32, #tpu.memory_space<hbm>>)
      tpu.yield
    }) : () -> ()
    "tpu.region"() ({
      %run_scoped3A = tpu.sem_alloc : memref<!tpu.dma_semaphore, #tpu.memory_space<semaphore_mem>>
      %dma_start3A_49 = arith.constant 0 : i32
      %dma_start3A_50 = arith.constant 0 : i32
      %dma_start3A_51 = tpu.memref_slice %arg6[%dma_start3A_49, %dma_start3A_50] : memref<16384x384xf32, #tpu.memory_space<hbm>> -> memref<16384x384xf32, #tpu.memory_space<hbm>>
      tpu.enqueue_indirect_dma source(%arg11 : memref<128x384xf32, #tpu.memory_space<vmem>>) target(%dma_start3A_51 : memref<16384x384xf32, #tpu.memory_space<hbm>>) offsets(%arg9 : memref<128xi32, #tpu.memory_space<vmem>>) semaphore(%run_scoped3A : memref<!tpu.dma_semaphore, #tpu.memory_space<semaphore_mem>>)
      %dma_wait3A_52 = arith.constant 0 : i32
      %dma_wait3A_53 = arith.constant 0 : i32
      %dma_wait3A_54 = tpu.memref_slice %arg6[%dma_wait3A_52, %dma_wait3A_53] : memref<16384x384xf32, #tpu.memory_space<hbm>> -> memref<16384x384xf32, #tpu.memory_space<hbm>>
      tpu.wait_indirect_dma semaphore(%run_scoped3A : memref<!tpu.dma_semaphore, #tpu.memory_space<semaphore_mem>>) src(%arg11 : memref<128x384xf32, #tpu.memory_space<vmem>>) dst(%dma_wait3A_54 : memref<16384x384xf32, #tpu.memory_space<hbm>>)
      tpu.yield
    }) : () -> ()
    %add3A_20 = arith.constant 256 : i32
    %add3A_21 = arith.addi %mul3A_2, %add3A_20 : i32
    "tpu.region"() ({
      %run_scoped3A = tpu.sem_alloc : memref<!tpu.dma_semaphore, #tpu.memory_space<semaphore_mem>>
      %dma_start3A_49 = tpu.memref_slice %arg3[%add3A_21] : memref<16384xi32, #tpu.memory_space<hbm>> -> memref<128xi32, #tpu.memory_space<hbm>>
      %dma_start3A_50 = tpu.memref_slice %arg3[%add3A_21] : memref<16384xi32, #tpu.memory_space<hbm>> -> memref<128xi32, #tpu.memory_space<hbm>>
      tpu.enqueue_dma source(%dma_start3A_50 : memref<128xi32, #tpu.memory_space<hbm>>) target(%arg7 : memref<128xi32, #tpu.memory_space<vmem>>) target_semaphore(%run_scoped3A : memref<!tpu.dma_semaphore, #tpu.memory_space<semaphore_mem>>)
      %dma_wait3A_51 = tpu.memref_slice %arg3[%add3A_21] : memref<16384xi32, #tpu.memory_space<hbm>> -> memref<128xi32, #tpu.memory_space<hbm>>
      %dma_wait3A_52 = tpu.memref_slice %arg3[%add3A_21] : memref<16384xi32, #tpu.memory_space<hbm>> -> memref<128xi32, #tpu.memory_space<hbm>>
      tpu.wait_dma2 semaphore(%run_scoped3A : memref<!tpu.dma_semaphore, #tpu.memory_space<semaphore_mem>>) src(%dma_wait3A_52 : memref<128xi32, #tpu.memory_space<hbm>>) dst(%arg7 : memref<128xi32, #tpu.memory_space<vmem>>)
      tpu.yield
    }) : () -> ()
    %add3A_22 = arith.constant 256 : i32
    %add3A_23 = arith.addi %mul3A_2, %add3A_22 : i32
    "tpu.region"() ({
      %run_scoped3A = tpu.sem_alloc : memref<!tpu.dma_semaphore, #tpu.memory_space<semaphore_mem>>
      %dma_start3A_49 = tpu.memref_slice %arg4[%add3A_23] : memref<16384xi32, #tpu.memory_space<hbm>> -> memref<128xi32, #tpu.memory_space<hbm>>
      %dma_start3A_50 = tpu.memref_slice %arg4[%add3A_23] : memref<16384xi32, #tpu.memory_space<hbm>> -> memref<128xi32, #tpu.memory_space<hbm>>
      tpu.enqueue_dma source(%dma_start3A_50 : memref<128xi32, #tpu.memory_space<hbm>>) target(%arg9 : memref<128xi32, #tpu.memory_space<vmem>>) target_semaphore(%run_scoped3A : memref<!tpu.dma_semaphore, #tpu.memory_space<semaphore_mem>>)
      %dma_wait3A_51 = tpu.memref_slice %arg4[%add3A_23] : memref<16384xi32, #tpu.memory_space<hbm>> -> memref<128xi32, #tpu.memory_space<hbm>>
      %dma_wait3A_52 = tpu.memref_slice %arg4[%add3A_23] : memref<16384xi32, #tpu.memory_space<hbm>> -> memref<128xi32, #tpu.memory_space<hbm>>
      tpu.wait_dma2 semaphore(%run_scoped3A : memref<!tpu.dma_semaphore, #tpu.memory_space<semaphore_mem>>) src(%dma_wait3A_52 : memref<128xi32, #tpu.memory_space<hbm>>) dst(%arg9 : memref<128xi32, #tpu.memory_space<vmem>>)
      tpu.yield
    }) : () -> ()
    %dma_start3A_24 = arith.constant 0 : i32
    %dma_start3A_25 = arith.constant 0 : i32
    %dma_start3A_26 = tpu.memref_slice %arg2[%dma_start3A_24, %dma_start3A_25] : memref<100000x384xf32, #tpu.memory_space<hbm>> -> memref<100000x384xf32, #tpu.memory_space<hbm>>
    tpu.enqueue_indirect_dma source(%dma_start3A_26 : memref<100000x384xf32, #tpu.memory_space<hbm>>) target(%arg11 : memref<128x384xf32, #tpu.memory_space<vmem>>) offsets(%arg7 : memref<128xi32, #tpu.memory_space<vmem>>) semaphore(%arg13 : memref<!tpu.dma_semaphore, #tpu.memory_space<semaphore_mem>>)
    %dma_wait3A_27 = arith.constant 0 : i32
    %dma_wait3A_28 = arith.constant 0 : i32
    %dma_wait3A_29 = tpu.memref_slice %arg2[%dma_wait3A_27, %dma_wait3A_28] : memref<100000x384xf32, #tpu.memory_space<hbm>> -> memref<100000x384xf32, #tpu.memory_space<hbm>>
    tpu.wait_indirect_dma semaphore(%arg14 : memref<!tpu.dma_semaphore, #tpu.memory_space<semaphore_mem>>) src(%dma_wait3A_29 : memref<100000x384xf32, #tpu.memory_space<hbm>>) dst(%arg12 : memref<128x384xf32, #tpu.memory_space<vmem>>)
    %add3A_30 = arith.constant 128 : i32
    %add3A_31 = arith.addi %mul3A_2, %add3A_30 : i32
    "tpu.region"() ({
      %run_scoped3A = tpu.sem_alloc : memref<!tpu.dma_semaphore, #tpu.memory_space<semaphore_mem>>
      %dma_start3A_49 = arith.constant 0 : i32
      %dma_start3A_50 = tpu.memref_slice %arg5[%add3A_31, %dma_start3A_49] : memref<16384x384xf32, #tpu.memory_space<hbm>> -> memref<128x384xf32, #tpu.memory_space<hbm>>
      %dma_start3A_51 = arith.constant 0 : i32
      %dma_start3A_52 = tpu.memref_slice %arg5[%add3A_31, %dma_start3A_51] : memref<16384x384xf32, #tpu.memory_space<hbm>> -> memref<128x384xf32, #tpu.memory_space<hbm>>
      tpu.enqueue_dma source(%arg12 : memref<128x384xf32, #tpu.memory_space<vmem>>) target(%dma_start3A_52 : memref<128x384xf32, #tpu.memory_space<hbm>>) target_semaphore(%run_scoped3A : memref<!tpu.dma_semaphore, #tpu.memory_space<semaphore_mem>>)
      %dma_wait3A_53 = arith.constant 0 : i32
      %dma_wait3A_54 = tpu.memref_slice %arg5[%add3A_31, %dma_wait3A_53] : memref<16384x384xf32, #tpu.memory_space<hbm>> -> memref<128x384xf32, #tpu.memory_space<hbm>>
      %dma_wait3A_55 = arith.constant 0 : i32
      %dma_wait3A_56 = tpu.memref_slice %arg5[%add3A_31, %dma_wait3A_55] : memref<16384x384xf32, #tpu.memory_space<hbm>> -> memref<128x384xf32, #tpu.memory_space<hbm>>
      tpu.wait_dma2 semaphore(%run_scoped3A : memref<!tpu.dma_semaphore, #tpu.memory_space<semaphore_mem>>) src(%arg12 : memref<128x384xf32, #tpu.memory_space<vmem>>) dst(%dma_wait3A_56 : memref<128x384xf32, #tpu.memory_space<hbm>>)
      tpu.yield
    }) : () -> ()
    "tpu.region"() ({
      %run_scoped3A = tpu.sem_alloc : memref<!tpu.dma_semaphore, #tpu.memory_space<semaphore_mem>>
      %dma_start3A_49 = arith.constant 0 : i32
      %dma_start3A_50 = arith.constant 0 : i32
      %dma_start3A_51 = tpu.memref_slice %arg6[%dma_start3A_49, %dma_start3A_50] : memref<16384x384xf32, #tpu.memory_space<hbm>> -> memref<16384x384xf32, #tpu.memory_space<hbm>>
      tpu.enqueue_indirect_dma source(%arg12 : memref<128x384xf32, #tpu.memory_space<vmem>>) target(%dma_start3A_51 : memref<16384x384xf32, #tpu.memory_space<hbm>>) offsets(%arg10 : memref<128xi32, #tpu.memory_space<vmem>>) semaphore(%run_scoped3A : memref<!tpu.dma_semaphore, #tpu.memory_space<semaphore_mem>>)
      %dma_wait3A_52 = arith.constant 0 : i32
      %dma_wait3A_53 = arith.constant 0 : i32
      %dma_wait3A_54 = tpu.memref_slice %arg6[%dma_wait3A_52, %dma_wait3A_53] : memref<16384x384xf32, #tpu.memory_space<hbm>> -> memref<16384x384xf32, #tpu.memory_space<hbm>>
      tpu.wait_indirect_dma semaphore(%run_scoped3A : memref<!tpu.dma_semaphore, #tpu.memory_space<semaphore_mem>>) src(%arg12 : memref<128x384xf32, #tpu.memory_space<vmem>>) dst(%dma_wait3A_54 : memref<16384x384xf32, #tpu.memory_space<hbm>>)
      tpu.yield
    }) : () -> ()
    %add3A_32 = arith.constant 384 : i32
    %add3A_33 = arith.addi %mul3A_2, %add3A_32 : i32
    "tpu.region"() ({
      %run_scoped3A = tpu.sem_alloc : memref<!tpu.dma_semaphore, #tpu.memory_space<semaphore_mem>>
      %dma_start3A_49 = tpu.memref_slice %arg3[%add3A_33] : memref<16384xi32, #tpu.memory_space<hbm>> -> memref<128xi32, #tpu.memory_space<hbm>>
      %dma_start3A_50 = tpu.memref_slice %arg3[%add3A_33] : memref<16384xi32, #tpu.memory_space<hbm>> -> memref<128xi32, #tpu.memory_space<hbm>>
      tpu.enqueue_dma source(%dma_start3A_50 : memref<128xi32, #tpu.memory_space<hbm>>) target(%arg8 : memref<128xi32, #tpu.memory_space<vmem>>) target_semaphore(%run_scoped3A : memref<!tpu.dma_semaphore, #tpu.memory_space<semaphore_mem>>)
      %dma_wait3A_51 = tpu.memref_slice %arg3[%add3A_33] : memref<16384xi32, #tpu.memory_space<hbm>> -> memref<128xi32, #tpu.memory_space<hbm>>
      %dma_wait3A_52 = tpu.memref_slice %arg3[%add3A_33] : memref<16384xi32, #tpu.memory_space<hbm>> -> memref<128xi32, #tpu.memory_space<hbm>>
      tpu.wait_dma2 semaphore(%run_scoped3A : memref<!tpu.dma_semaphore, #tpu.memory_space<semaphore_mem>>) src(%dma_wait3A_52 : memref<128xi32, #tpu.memory_space<hbm>>) dst(%arg8 : memref<128xi32, #tpu.memory_space<vmem>>)
      tpu.yield
    }) : () -> ()
    %add3A_34 = arith.constant 384 : i32
    %add3A_35 = arith.addi %mul3A_2, %add3A_34 : i32
    "tpu.region"() ({
      %run_scoped3A = tpu.sem_alloc : memref<!tpu.dma_semaphore, #tpu.memory_space<semaphore_mem>>
      %dma_start3A_49 = tpu.memref_slice %arg4[%add3A_35] : memref<16384xi32, #tpu.memory_space<hbm>> -> memref<128xi32, #tpu.memory_space<hbm>>
      %dma_start3A_50 = tpu.memref_slice %arg4[%add3A_35] : memref<16384xi32, #tpu.memory_space<hbm>> -> memref<128xi32, #tpu.memory_space<hbm>>
      tpu.enqueue_dma source(%dma_start3A_50 : memref<128xi32, #tpu.memory_space<hbm>>) target(%arg10 : memref<128xi32, #tpu.memory_space<vmem>>) target_semaphore(%run_scoped3A : memref<!tpu.dma_semaphore, #tpu.memory_space<semaphore_mem>>)
      %dma_wait3A_51 = tpu.memref_slice %arg4[%add3A_35] : memref<16384xi32, #tpu.memory_space<hbm>> -> memref<128xi32, #tpu.memory_space<hbm>>
      %dma_wait3A_52 = tpu.memref_slice %arg4[%add3A_35] : memref<16384xi32, #tpu.memory_space<hbm>> -> memref<128xi32, #tpu.memory_space<hbm>>
      tpu.wait_dma2 semaphore(%run_scoped3A : memref<!tpu.dma_semaphore, #tpu.memory_space<semaphore_mem>>) src(%dma_wait3A_52 : memref<128xi32, #tpu.memory_space<hbm>>) dst(%arg10 : memref<128xi32, #tpu.memory_space<vmem>>)
      tpu.yield
    }) : () -> ()
    %dma_start3A_36 = arith.constant 0 : i32
    %dma_start3A_37 = arith.constant 0 : i32
    %dma_start3A_38 = tpu.memref_slice %arg2[%dma_start3A_36, %dma_start3A_37] : memref<100000x384xf32, #tpu.memory_space<hbm>> -> memref<100000x384xf32, #tpu.memory_space<hbm>>
    tpu.enqueue_indirect_dma source(%dma_start3A_38 : memref<100000x384xf32, #tpu.memory_space<hbm>>) target(%arg12 : memref<128x384xf32, #tpu.memory_space<vmem>>) offsets(%arg8 : memref<128xi32, #tpu.memory_space<vmem>>) semaphore(%arg14 : memref<!tpu.dma_semaphore, #tpu.memory_space<semaphore_mem>>)
    %dma_wait3A_39 = arith.constant 0 : i32
    %dma_wait3A_40 = arith.constant 0 : i32
    %dma_wait3A_41 = tpu.memref_slice %arg2[%dma_wait3A_39, %dma_wait3A_40] : memref<100000x384xf32, #tpu.memory_space<hbm>> -> memref<100000x384xf32, #tpu.memory_space<hbm>>
    tpu.wait_indirect_dma semaphore(%arg13 : memref<!tpu.dma_semaphore, #tpu.memory_space<semaphore_mem>>) src(%dma_wait3A_41 : memref<100000x384xf32, #tpu.memory_space<hbm>>) dst(%arg11 : memref<128x384xf32, #tpu.memory_space<vmem>>)
    %add3A_42 = arith.constant 256 : i32
    %add3A_43 = arith.addi %mul3A_2, %add3A_42 : i32
    "tpu.region"() ({
      %run_scoped3A = tpu.sem_alloc : memref<!tpu.dma_semaphore, #tpu.memory_space<semaphore_mem>>
      %dma_start3A_49 = arith.constant 0 : i32
      %dma_start3A_50 = tpu.memref_slice %arg5[%add3A_43, %dma_start3A_49] : memref<16384x384xf32, #tpu.memory_space<hbm>> -> memref<128x384xf32, #tpu.memory_space<hbm>>
      %dma_start3A_51 = arith.constant 0 : i32
      %dma_start3A_52 = tpu.memref_slice %arg5[%add3A_43, %dma_start3A_51] : memref<16384x384xf32, #tpu.memory_space<hbm>> -> memref<128x384xf32, #tpu.memory_space<hbm>>
      tpu.enqueue_dma source(%arg11 : memref<128x384xf32, #tpu.memory_space<vmem>>) target(%dma_start3A_52 : memref<128x384xf32, #tpu.memory_space<hbm>>) target_semaphore(%run_scoped3A : memref<!tpu.dma_semaphore, #tpu.memory_space<semaphore_mem>>)
      %dma_wait3A_53 = arith.constant 0 : i32
      %dma_wait3A_54 = tpu.memref_slice %arg5[%add3A_43, %dma_wait3A_53] : memref<16384x384xf32, #tpu.memory_space<hbm>> -> memref<128x384xf32, #tpu.memory_space<hbm>>
      %dma_wait3A_55 = arith.constant 0 : i32
      %dma_wait3A_56 = tpu.memref_slice %arg5[%add3A_43, %dma_wait3A_55] : memref<16384x384xf32, #tpu.memory_space<hbm>> -> memref<128x384xf32, #tpu.memory_space<hbm>>
      tpu.wait_dma2 semaphore(%run_scoped3A : memref<!tpu.dma_semaphore, #tpu.memory_space<semaphore_mem>>) src(%arg11 : memref<128x384xf32, #tpu.memory_space<vmem>>) dst(%dma_wait3A_56 : memref<128x384xf32, #tpu.memory_space<hbm>>)
      tpu.yield
    }) : () -> ()
    "tpu.region"() ({
      %run_scoped3A = tpu.sem_alloc : memref<!tpu.dma_semaphore, #tpu.memory_space<semaphore_mem>>
      %dma_start3A_49 = arith.constant 0 : i32
      %dma_start3A_50 = arith.constant 0 : i32
      %dma_start3A_51 = tpu.memref_slice %arg6[%dma_start3A_49, %dma_start3A_50] : memref<16384x384xf32, #tpu.memory_space<hbm>> -> memref<16384x384xf32, #tpu.memory_space<hbm>>
      tpu.enqueue_indirect_dma source(%arg11 : memref<128x384xf32, #tpu.memory_space<vmem>>) target(%dma_start3A_51 : memref<16384x384xf32, #tpu.memory_space<hbm>>) offsets(%arg9 : memref<128xi32, #tpu.memory_space<vmem>>) semaphore(%run_scoped3A : memref<!tpu.dma_semaphore, #tpu.memory_space<semaphore_mem>>)
      %dma_wait3A_52 = arith.constant 0 : i32
      %dma_wait3A_53 = arith.constant 0 : i32
      %dma_wait3A_54 = tpu.memref_slice %arg6[%dma_wait3A_52, %dma_wait3A_53] : memref<16384x384xf32, #tpu.memory_space<hbm>> -> memref<16384x384xf32, #tpu.memory_space<hbm>>
      tpu.wait_indirect_dma semaphore(%run_scoped3A : memref<!tpu.dma_semaphore, #tpu.memory_space<semaphore_mem>>) src(%arg11 : memref<128x384xf32, #tpu.memory_space<vmem>>) dst(%dma_wait3A_54 : memref<16384x384xf32, #tpu.memory_space<hbm>>)
      tpu.yield
    }) : () -> ()
    %dma_wait3A_44 = arith.constant 0 : i32
    %dma_wait3A_45 = arith.constant 0 : i32
    %dma_wait3A_46 = tpu.memref_slice %arg2[%dma_wait3A_44, %dma_wait3A_45] : memref<100000x384xf32, #tpu.memory_space<hbm>> -> memref<100000x384xf32, #tpu.memory_space<hbm>>
    tpu.wait_indirect_dma semaphore(%arg14 : memref<!tpu.dma_semaphore, #tpu.memory_space<semaphore_mem>>) src(%dma_wait3A_46 : memref<100000x384xf32, #tpu.memory_space<hbm>>) dst(%arg12 : memref<128x384xf32, #tpu.memory_space<vmem>>)
    %add3A_47 = arith.constant 384 : i32
    %add3A_48 = arith.addi %mul3A_2, %add3A_47 : i32
    "tpu.region"() ({
      %run_scoped3A = tpu.sem_alloc : memref<!tpu.dma_semaphore, #tpu.memory_space<semaphore_mem>>
      %dma_start3A_49 = arith.constant 0 : i32
      %dma_start3A_50 = tpu.memref_slice %arg5[%add3A_48, %dma_start3A_49] : memref<16384x384xf32, #tpu.memory_space<hbm>> -> memref<128x384xf32, #tpu.memory_space<hbm>>
      %dma_start3A_51 = arith.constant 0 : i32
      %dma_start3A_52 = tpu.memref_slice %arg5[%add3A_48, %dma_start3A_51] : memref<16384x384xf32, #tpu.memory_space<hbm>> -> memref<128x384xf32, #tpu.memory_space<hbm>>
      tpu.enqueue_dma source(%arg12 : memref<128x384xf32, #tpu.memory_space<vmem>>) target(%dma_start3A_52 : memref<128x384xf32, #tpu.memory_space<hbm>>) target_semaphore(%run_scoped3A : memref<!tpu.dma_semaphore, #tpu.memory_space<semaphore_mem>>)
      %dma_wait3A_53 = arith.constant 0 : i32
      %dma_wait3A_54 = tpu.memref_slice %arg5[%add3A_48, %dma_wait3A_53] : memref<16384x384xf32, #tpu.memory_space<hbm>> -> memref<128x384xf32, #tpu.memory_space<hbm>>
      %dma_wait3A_55 = arith.constant 0 : i32
      %dma_wait3A_56 = tpu.memref_slice %arg5[%add3A_48, %dma_wait3A_55] : memref<16384x384xf32, #tpu.memory_space<hbm>> -> memref<128x384xf32, #tpu.memory_space<hbm>>
      tpu.wait_dma2 semaphore(%run_scoped3A : memref<!tpu.dma_semaphore, #tpu.memory_space<semaphore_mem>>) src(%arg12 : memref<128x384xf32, #tpu.memory_space<vmem>>) dst(%dma_wait3A_56 : memref<128x384xf32, #tpu.memory_space<hbm>>)
      tpu.yield
    }) : () -> ()
    "tpu.region"() ({
      %run_scoped3A = tpu.sem_alloc : memref<!tpu.dma_semaphore, #tpu.memory_space<semaphore_mem>>
      %dma_start3A_49 = arith.constant 0 : i32
      %dma_start3A_50 = arith.constant 0 : i32
      %dma_start3A_51 = tpu.memref_slice %arg6[%dma_start3A_49, %dma_start3A_50] : memref<16384x384xf32, #tpu.memory_space<hbm>> -> memref<16384x384xf32, #tpu.memory_space<hbm>>
      tpu.enqueue_indirect_dma source(%arg12 : memref<128x384xf32, #tpu.memory_space<vmem>>) target(%dma_start3A_51 : memref<16384x384xf32, #tpu.memory_space<hbm>>) offsets(%arg10 : memref<128xi32, #tpu.memory_space<vmem>>) semaphore(%run_scoped3A : memref<!tpu.dma_semaphore, #tpu.memory_space<semaphore_mem>>)
      %dma_wait3A_52 = arith.constant 0 : i32
      %dma_wait3A_53 = arith.constant 0 : i32
      %dma_wait3A_54 = tpu.memref_slice %arg6[%dma_wait3A_52, %dma_wait3A_53] : memref<16384x384xf32, #tpu.memory_space<hbm>> -> memref<16384x384xf32, #tpu.memory_space<hbm>>
      tpu.wait_indirect_dma semaphore(%run_scoped3A : memref<!tpu.dma_semaphore, #tpu.memory_space<semaphore_mem>>) src(%arg12 : memref<128x384xf32, #tpu.memory_space<vmem>>) dst(%dma_wait3A_54 : memref<16384x384xf32, #tpu.memory_space<hbm>>)
      tpu.yield
    }) : () -> ()
    return
  }
}

#map = affine_map<(d0, d1) -> (0, 0)>
#map1 = affine_map<(d0, d1) -> (0)>
module attributes {stable_mosaic.version = 14 : i64} {
  func.func @_sc_gather_preq_body(%arg0: i32, %arg1: i32, %arg2: memref<100000x384xf32, #tpu.memory_space<hbm>>, %arg3: memref<3072xi32, #tpu.memory_space<hbm>>, %arg4: memref<3072x384xf32, #tpu.memory_space<hbm>>, %arg5: memref<48xi32, #tpu.memory_space<vmem>>, %arg6: memref<48x384xf32, #tpu.memory_space<vmem>>, %arg7: memref<!tpu.dma_semaphore, #tpu.memory_space<semaphore_mem>>) attributes {dimension_semantics = [#tpu.dimension_semantics<core_parallel>, #tpu.dimension_semantics<subcore_parallel>], iteration_bounds = array<i64: 2, 16>, scalar_prefetch = 0 : i64, scratch_operands = 3 : i64, tpu.core_type = #tpu.core_type<sc_vector_subcore>, window_params = [{transform_indices = #map}, {transform_indices = #map1}, {transform_indices = #map}]} {
    %mul3A = arith.constant 2 : i32
    %mul3A_0 = arith.muli %arg1, %mul3A : i32
    %add3A = arith.addi %mul3A_0, %arg0 : i32
    %mul3A_1 = arith.constant 96 : i32
    %mul3A_2 = arith.muli %add3A, %mul3A_1 : i32
    %add3A_3 = arith.constant 0 : i32
    %add3A_4 = arith.addi %mul3A_2, %add3A_3 : i32
    "tpu.region"() ({
      %run_scoped3A = tpu.sem_alloc : memref<!tpu.dma_semaphore, #tpu.memory_space<semaphore_mem>>
      %dma_start3A_19 = tpu.memref_slice %arg3[%add3A_4] : memref<3072xi32, #tpu.memory_space<hbm>> -> memref<48xi32, #tpu.memory_space<hbm>>
      %dma_start3A_20 = tpu.memref_slice %arg3[%add3A_4] : memref<3072xi32, #tpu.memory_space<hbm>> -> memref<48xi32, #tpu.memory_space<hbm>>
      tpu.enqueue_dma source(%dma_start3A_20 : memref<48xi32, #tpu.memory_space<hbm>>) target(%arg5 : memref<48xi32, #tpu.memory_space<vmem>>) target_semaphore(%run_scoped3A : memref<!tpu.dma_semaphore, #tpu.memory_space<semaphore_mem>>)
      %dma_wait3A_21 = tpu.memref_slice %arg3[%add3A_4] : memref<3072xi32, #tpu.memory_space<hbm>> -> memref<48xi32, #tpu.memory_space<hbm>>
      %dma_wait3A_22 = tpu.memref_slice %arg3[%add3A_4] : memref<3072xi32, #tpu.memory_space<hbm>> -> memref<48xi32, #tpu.memory_space<hbm>>
      tpu.wait_dma2 semaphore(%run_scoped3A : memref<!tpu.dma_semaphore, #tpu.memory_space<semaphore_mem>>) src(%dma_wait3A_22 : memref<48xi32, #tpu.memory_space<hbm>>) dst(%arg5 : memref<48xi32, #tpu.memory_space<vmem>>)
      tpu.yield
    }) : () -> ()
    %dma_start3A = arith.constant 0 : i32
    %dma_start3A_5 = arith.constant 0 : i32
    %dma_start3A_6 = tpu.memref_slice %arg2[%dma_start3A, %dma_start3A_5] : memref<100000x384xf32, #tpu.memory_space<hbm>> -> memref<100000x384xf32, #tpu.memory_space<hbm>>
    tpu.enqueue_indirect_dma source(%dma_start3A_6 : memref<100000x384xf32, #tpu.memory_space<hbm>>) target(%arg6 : memref<48x384xf32, #tpu.memory_space<vmem>>) offsets(%arg5 : memref<48xi32, #tpu.memory_space<vmem>>) semaphore(%arg7 : memref<!tpu.dma_semaphore, #tpu.memory_space<semaphore_mem>>)
    %dma_wait3A = arith.constant 0 : i32
    %dma_wait3A_7 = arith.constant 0 : i32
    %dma_wait3A_8 = tpu.memref_slice %arg2[%dma_wait3A, %dma_wait3A_7] : memref<100000x384xf32, #tpu.memory_space<hbm>> -> memref<100000x384xf32, #tpu.memory_space<hbm>>
    tpu.wait_indirect_dma semaphore(%arg7 : memref<!tpu.dma_semaphore, #tpu.memory_space<semaphore_mem>>) src(%dma_wait3A_8 : memref<100000x384xf32, #tpu.memory_space<hbm>>) dst(%arg6 : memref<48x384xf32, #tpu.memory_space<vmem>>)
    "tpu.region"() ({
      %run_scoped3A = tpu.sem_alloc : memref<!tpu.dma_semaphore, #tpu.memory_space<semaphore_mem>>
      %dma_start3A_19 = arith.constant 0 : i32
      %dma_start3A_20 = tpu.memref_slice %arg4[%add3A_4, %dma_start3A_19] : memref<3072x384xf32, #tpu.memory_space<hbm>> -> memref<48x384xf32, #tpu.memory_space<hbm>>
      %dma_start3A_21 = arith.constant 0 : i32
      %dma_start3A_22 = tpu.memref_slice %arg4[%add3A_4, %dma_start3A_21] : memref<3072x384xf32, #tpu.memory_space<hbm>> -> memref<48x384xf32, #tpu.memory_space<hbm>>
      tpu.enqueue_dma source(%arg6 : memref<48x384xf32, #tpu.memory_space<vmem>>) target(%dma_start3A_22 : memref<48x384xf32, #tpu.memory_space<hbm>>) target_semaphore(%run_scoped3A : memref<!tpu.dma_semaphore, #tpu.memory_space<semaphore_mem>>)
      %dma_wait3A_23 = arith.constant 0 : i32
      %dma_wait3A_24 = tpu.memref_slice %arg4[%add3A_4, %dma_wait3A_23] : memref<3072x384xf32, #tpu.memory_space<hbm>> -> memref<48x384xf32, #tpu.memory_space<hbm>>
      %dma_wait3A_25 = arith.constant 0 : i32
      %dma_wait3A_26 = tpu.memref_slice %arg4[%add3A_4, %dma_wait3A_25] : memref<3072x384xf32, #tpu.memory_space<hbm>> -> memref<48x384xf32, #tpu.memory_space<hbm>>
      tpu.wait_dma2 semaphore(%run_scoped3A : memref<!tpu.dma_semaphore, #tpu.memory_space<semaphore_mem>>) src(%arg6 : memref<48x384xf32, #tpu.memory_space<vmem>>) dst(%dma_wait3A_26 : memref<48x384xf32, #tpu.memory_space<hbm>>)
      tpu.yield
    }) : () -> ()
    %mul3A_9 = arith.constant 96 : i32
    %mul3A_10 = arith.muli %add3A, %mul3A_9 : i32
    %add3A_11 = arith.constant 48 : i32
    %add3A_12 = arith.addi %mul3A_10, %add3A_11 : i32
    "tpu.region"() ({
      %run_scoped3A = tpu.sem_alloc : memref<!tpu.dma_semaphore, #tpu.memory_space<semaphore_mem>>
      %dma_start3A_19 = tpu.memref_slice %arg3[%add3A_12] : memref<3072xi32, #tpu.memory_space<hbm>> -> memref<48xi32, #tpu.memory_space<hbm>>
      %dma_start3A_20 = tpu.memref_slice %arg3[%add3A_12] : memref<3072xi32, #tpu.memory_space<hbm>> -> memref<48xi32, #tpu.memory_space<hbm>>
      tpu.enqueue_dma source(%dma_start3A_20 : memref<48xi32, #tpu.memory_space<hbm>>) target(%arg5 : memref<48xi32, #tpu.memory_space<vmem>>) target_semaphore(%run_scoped3A : memref<!tpu.dma_semaphore, #tpu.memory_space<semaphore_mem>>)
      %dma_wait3A_21 = tpu.memref_slice %arg3[%add3A_12] : memref<3072xi32, #tpu.memory_space<hbm>> -> memref<48xi32, #tpu.memory_space<hbm>>
      %dma_wait3A_22 = tpu.memref_slice %arg3[%add3A_12] : memref<3072xi32, #tpu.memory_space<hbm>> -> memref<48xi32, #tpu.memory_space<hbm>>
      tpu.wait_dma2 semaphore(%run_scoped3A : memref<!tpu.dma_semaphore, #tpu.memory_space<semaphore_mem>>) src(%dma_wait3A_22 : memref<48xi32, #tpu.memory_space<hbm>>) dst(%arg5 : memref<48xi32, #tpu.memory_space<vmem>>)
      tpu.yield
    }) : () -> ()
    %dma_start3A_13 = arith.constant 0 : i32
    %dma_start3A_14 = arith.constant 0 : i32
    %dma_start3A_15 = tpu.memref_slice %arg2[%dma_start3A_13, %dma_start3A_14] : memref<100000x384xf32, #tpu.memory_space<hbm>> -> memref<100000x384xf32, #tpu.memory_space<hbm>>
    tpu.enqueue_indirect_dma source(%dma_start3A_15 : memref<100000x384xf32, #tpu.memory_space<hbm>>) target(%arg6 : memref<48x384xf32, #tpu.memory_space<vmem>>) offsets(%arg5 : memref<48xi32, #tpu.memory_space<vmem>>) semaphore(%arg7 : memref<!tpu.dma_semaphore, #tpu.memory_space<semaphore_mem>>)
    %dma_wait3A_16 = arith.constant 0 : i32
    %dma_wait3A_17 = arith.constant 0 : i32
    %dma_wait3A_18 = tpu.memref_slice %arg2[%dma_wait3A_16, %dma_wait3A_17] : memref<100000x384xf32, #tpu.memory_space<hbm>> -> memref<100000x384xf32, #tpu.memory_space<hbm>>
    tpu.wait_indirect_dma semaphore(%arg7 : memref<!tpu.dma_semaphore, #tpu.memory_space<semaphore_mem>>) src(%dma_wait3A_18 : memref<100000x384xf32, #tpu.memory_space<hbm>>) dst(%arg6 : memref<48x384xf32, #tpu.memory_space<vmem>>)
    "tpu.region"() ({
      %run_scoped3A = tpu.sem_alloc : memref<!tpu.dma_semaphore, #tpu.memory_space<semaphore_mem>>
      %dma_start3A_19 = arith.constant 0 : i32
      %dma_start3A_20 = tpu.memref_slice %arg4[%add3A_12, %dma_start3A_19] : memref<3072x384xf32, #tpu.memory_space<hbm>> -> memref<48x384xf32, #tpu.memory_space<hbm>>
      %dma_start3A_21 = arith.constant 0 : i32
      %dma_start3A_22 = tpu.memref_slice %arg4[%add3A_12, %dma_start3A_21] : memref<3072x384xf32, #tpu.memory_space<hbm>> -> memref<48x384xf32, #tpu.memory_space<hbm>>
      tpu.enqueue_dma source(%arg6 : memref<48x384xf32, #tpu.memory_space<vmem>>) target(%dma_start3A_22 : memref<48x384xf32, #tpu.memory_space<hbm>>) target_semaphore(%run_scoped3A : memref<!tpu.dma_semaphore, #tpu.memory_space<semaphore_mem>>)
      %dma_wait3A_23 = arith.constant 0 : i32
      %dma_wait3A_24 = tpu.memref_slice %arg4[%add3A_12, %dma_wait3A_23] : memref<3072x384xf32, #tpu.memory_space<hbm>> -> memref<48x384xf32, #tpu.memory_space<hbm>>
      %dma_wait3A_25 = arith.constant 0 : i32
      %dma_wait3A_26 = tpu.memref_slice %arg4[%add3A_12, %dma_wait3A_25] : memref<3072x384xf32, #tpu.memory_space<hbm>> -> memref<48x384xf32, #tpu.memory_space<hbm>>
      tpu.wait_dma2 semaphore(%run_scoped3A : memref<!tpu.dma_semaphore, #tpu.memory_space<semaphore_mem>>) src(%arg6 : memref<48x384xf32, #tpu.memory_space<vmem>>) dst(%dma_wait3A_26 : memref<48x384xf32, #tpu.memory_space<hbm>>)
      tpu.yield
    }) : () -> ()
    return
  }
}

module attributes {stable_mosaic.version = 14 : i64} {
  func.func @_pad_body(%arg0: i32, %arg1: memref<2000x300xf32, #tpu.memory_space<vmem>>, %arg2: memref<2000x384xf32, #tpu.memory_space<vmem>>) attributes {dimension_semantics = [#tpu.dimension_semantics<arbitrary>], iteration_bounds = array<i64: 50>, scalar_prefetch = 0 : i64, scratch_operands = 0 : i64, tpu.core_type = #tpu.core_type<tc>, window_params = [{transform_indices = @transform_0, window_bounds = array<i64: 2000, 300>}, {transform_indices = @transform_1, window_bounds = array<i64: 2000, 384>}]} {
    %broadcast_in_dim3A = arith.constant 0.000000e+00 : f32
    %broadcast_in_dim3A_0 = vector.broadcast %broadcast_in_dim3A : f32 to vector<2000x84xf32>
    %get3A = arith.constant 0 : index
    %get3A_1 = arith.constant 0 : index
    %get3A_2 = vector.load %arg1[%get3A, %get3A_1] : memref<2000x300xf32, #tpu.memory_space<vmem>>, vector<2000x300xf32>
    %concatenate3A = tpu.concatenate %get3A_2, %broadcast_in_dim3A_0 in 1 : vector<2000x300xf32>, vector<2000x84xf32> -> vector<2000x384xf32>
    %swap3A = arith.constant 0 : index
    %swap3A_3 = arith.constant 0 : index
    %swap3A_4 = vector.load %arg2[%swap3A, %swap3A_3] : memref<2000x384xf32, #tpu.memory_space<vmem>>, vector<2000x384xf32>
    tpu.vector_store %arg2[%swap3A, %swap3A_3], %concatenate3A {strides = array<i32>} : memref<2000x384xf32, #tpu.memory_space<vmem>>, vector<2000x384xf32>,
    return
  }
  func.func @transform_0(%arg0: i32) -> (i32, i32) {
    %c0_i32 = arith.constant 0 : i32
    %c0_i32_0 = arith.constant 0 : i32
    return %arg0, %c0_i32 : i32, i32
  }
  func.func @transform_1(%arg0: i32) -> (i32, i32) {
    %c0_i32 = arith.constant 0 : i32
    %c0_i32_0 = arith.constant 0 : i32
    return %arg0, %c0_i32 : i32, i32
  }
}

module attributes {stable_mosaic.version = 14 : i64} {
  func.func @_bigru_body(%arg0: i32, %arg1: memref<16x64x384xf32, #tpu.memory_space<vmem>>, %arg2: memref<16x64x384xf32, #tpu.memory_space<vmem>>, %arg3: memref<16x64x9xf32, #tpu.memory_space<vmem>>, %arg4: memref<16x64x9xf32, #tpu.memory_space<vmem>>, %arg5: memref<16x64x1xf32, #tpu.memory_space<vmem>>, %arg6: memref<16x64x1xf32, #tpu.memory_space<vmem>>, %arg7: memref<64x256xf32, #tpu.memory_space<vmem>>, %arg8: memref<64x256xf32, #tpu.memory_space<vmem>>, %arg9: memref<384x768xf32, #tpu.memory_space<vmem>>, %arg10: memref<9x768xf32, #tpu.memory_space<vmem>>, %arg11: memref<256x768xf32, #tpu.memory_space<vmem>>, %arg12: memref<1x768xf32, #tpu.memory_space<vmem>>, %arg13: memref<1x768xf32, #tpu.memory_space<vmem>>, %arg14: memref<384x768xf32, #tpu.memory_space<vmem>>, %arg15: memref<9x768xf32, #tpu.memory_space<vmem>>, %arg16: memref<256x768xf32, #tpu.memory_space<vmem>>, %arg17: memref<1x768xf32, #tpu.memory_space<vmem>>, %arg18: memref<1x768xf32, #tpu.memory_space<vmem>>, %arg19: memref<64x16x256xf32, #tpu.memory_space<vmem>>, %arg20: memref<64x16x256xf32, #tpu.memory_space<vmem>>, %arg21: memref<64x256xf32, #tpu.memory_space<vmem>>, %arg22: memref<64x256xf32, #tpu.memory_space<vmem>>, %arg23: memref<64x256xf32, #tpu.memory_space<vmem>>, %arg24: memref<64x256xf32, #tpu.memory_space<vmem>>, %arg25: memref<1024x768xf32, #tpu.memory_space<vmem>>, %arg26: memref<1024x768xf32, #tpu.memory_space<vmem>>) attributes {dimension_semantics = [#tpu.dimension_semantics<arbitrary>], iteration_bounds = array<i64: 16>, scalar_prefetch = 0 : i64, scratch_operands = 4 : i64, tpu.core_type = #tpu.core_type<tc>, window_params = [{transform_indices = @transform_0, window_bounds = array<i64: 16, 64, 384>}, {transform_indices = @transform_1, window_bounds = array<i64: 16, 64, 384>}, {transform_indices = @transform_2, window_bounds = array<i64: 16, 64, 9>}, {transform_indices = @transform_3, window_bounds = array<i64: 16, 64, 9>}, {transform_indices = @transform_4, window_bounds = array<i64: 16, 64, 1>}, {transform_indices = @transform_5, window_bounds = array<i64: 16, 64, 1>}, {pipeline_mode = #tpu.pipeline_mode<synchronous>, transform_indices = @transform_6, window_bounds = array<i64: 64, 256>}, {pipeline_mode = #tpu.pipeline_mode<synchronous>, transform_indices = @transform_7, window_bounds = array<i64: 64, 256>}, {pipeline_mode = #tpu.pipeline_mode<synchronous>, transform_indices = @transform_8, window_bounds = array<i64: 384, 768>}, {pipeline_mode = #tpu.pipeline_mode<synchronous>, transform_indices = @transform_9, window_bounds = array<i64: 9, 768>}, {pipeline_mode = #tpu.pipeline_mode<synchronous>, transform_indices = @transform_10, window_bounds = array<i64: 256, 768>}, {pipeline_mode = #tpu.pipeline_mode<synchronous>, transform_indices = @transform_11, window_bounds = array<i64: 1, 768>}, {pipeline_mode = #tpu.pipeline_mode<synchronous>, transform_indices = @transform_12, window_bounds = array<i64: 1, 768>}, {pipeline_mode = #tpu.pipeline_mode<synchronous>, transform_indices = @transform_13, window_bounds = array<i64: 384, 768>}, {pipeline_mode = #tpu.pipeline_mode<synchronous>, transform_indices = @transform_14, window_bounds = array<i64: 9, 768>}, {pipeline_mode = #tpu.pipeline_mode<synchronous>, transform_indices = @transform_15, window_bounds = array<i64: 256, 768>}, {pipeline_mode = #tpu.pipeline_mode<synchronous>, transform_indices = @transform_16, window_bounds = array<i64: 1, 768>}, {pipeline_mode = #tpu.pipeline_mode<synchronous>, transform_indices = @transform_17, window_bounds = array<i64: 1, 768>}, {transform_indices = @transform_18, window_bounds = array<i64: 64, 16, 256>}, {transform_indices = @transform_19, window_bounds = array<i64: 64, 16, 256>}, {pipeline_mode = #tpu.pipeline_mode<synchronous>, transform_indices = @transform_20, window_bounds = array<i64: 64, 256>}, {pipeline_mode = #tpu.pipeline_mode<synchronous>, transform_indices = @transform_21, window_bounds = array<i64: 64, 256>}]} {
    %eq3A = arith.constant 0 : i32
    %eq3A_0 = arith.cmpi eq, %arg0, %eq3A : i32
    %convert_element_type3A = arith.extui %eq3A_0 : i1 to i32
    %cond3A = arith.constant 0 : i32
    %cond3A_1 = arith.cmpi ne, %convert_element_type3A, %cond3A : i32
    scf.if %cond3A_1 {
      %get3A_2094 = arith.constant 0 : index
      %get3A_2095 = arith.constant 0 : index
      %get3A_2096 = vector.load %arg7[%get3A_2094, %get3A_2095] : memref<64x256xf32, #tpu.memory_space<vmem>>, vector<64x256xf32>
      %swap3A_2097 = arith.constant 0 : index
      %swap3A_2098 = arith.constant 0 : index
      %swap3A_2099 = vector.load %arg23[%swap3A_2097, %swap3A_2098] : memref<64x256xf32, #tpu.memory_space<vmem>>, vector<64x256xf32>
      tpu.vector_store %arg23[%swap3A_2097, %swap3A_2098], %get3A_2096 {strides = array<i32>} : memref<64x256xf32, #tpu.memory_space<vmem>>, vector<64x256xf32>,
      %get3A_2100 = arith.constant 0 : index
      %get3A_2101 = arith.constant 0 : index
      %get3A_2102 = vector.load %arg8[%get3A_2100, %get3A_2101] : memref<64x256xf32, #tpu.memory_space<vmem>>, vector<64x256xf32>
      %swap3A_2103 = arith.constant 0 : index
      %swap3A_2104 = arith.constant 0 : index
      %swap3A_2105 = vector.load %arg24[%swap3A_2103, %swap3A_2104] : memref<64x256xf32, #tpu.memory_space<vmem>>, vector<64x256xf32>
      tpu.vector_store %arg24[%swap3A_2103, %swap3A_2104], %get3A_2102 {strides = array<i32>} : memref<64x256xf32, #tpu.memory_space<vmem>>, vector<64x256xf32>,
    } else {
    }
    %get3A = arith.constant 0 : index
    %get3A_2 = arith.constant 0 : index
    %get3A_3 = arith.constant 0 : index
    %get3A_4 = vector.load %arg1[%get3A, %get3A_2, %get3A_3] : memref<16x64x384xf32, #tpu.memory_space<vmem>>, vector<16x64x384xf32>
    %reshape3A = vector.shape_cast %get3A_4 : vector<16x64x384xf32> to vector<1024x384xf32>
    %get3A_5 = arith.constant 0 : index
    %get3A_6 = arith.constant 0 : index
    %get3A_7 = vector.load %arg9[%get3A_5, %get3A_6] : memref<384x768xf32, #tpu.memory_space<vmem>>, vector<384x768xf32>
    %dot_general3A = arith.constant dense<0.000000e+00> : vector<1024x768xf32>
    %dot_general3A_8 = tpu.matmul %reshape3A, %get3A_7, %dot_general3A {dimension_numbers = #tpu.dot_dimension_numbers<[1], [0], [0], [1], [0, 0, 1, 1], [], []>, transpose_lhs_hint = false} : vector<1024x384xf32>, vector<384x768xf32>, vector<1024x768xf32> -> vector<1024x768xf32>
    %get3A_9 = arith.constant 0 : index
    %get3A_10 = arith.constant 0 : index
    %get3A_11 = arith.constant 0 : index
    %get3A_12 = vector.load %arg3[%get3A_9, %get3A_10, %get3A_11] : memref<16x64x9xf32, #tpu.memory_space<vmem>>, vector<16x64x9xf32>
    %reshape3A_13 = vector.shape_cast %get3A_12 : vector<16x64x9xf32> to vector<1024x9xf32>
    %get3A_14 = arith.constant 0 : index
    %get3A_15 = arith.constant 0 : index
    %get3A_16 = vector.load %arg10[%get3A_14, %get3A_15] : memref<9x768xf32, #tpu.memory_space<vmem>>, vector<9x768xf32>
    %dot_general3A_17 = arith.constant dense<0.000000e+00> : vector<1024x768xf32>
    %dot_general3A_18 = tpu.matmul %reshape3A_13, %get3A_16, %dot_general3A_17 {dimension_numbers = #tpu.dot_dimension_numbers<[1], [0], [0], [1], [0, 0, 1, 1], [], []>, transpose_lhs_hint = false} : vector<1024x9xf32>, vector<9x768xf32>, vector<1024x768xf32> -> vector<1024x768xf32>
    %add3A = arith.addf %dot_general3A_8, %dot_general3A_18 : vector<1024x768xf32>
    %get3A_19 = arith.constant 0 : index
    %get3A_20 = arith.constant 0 : index
    %get3A_21 = vector.load %arg12[%get3A_19, %get3A_20] : memref<1x768xf32, #tpu.memory_space<vmem>>, vector<1x768xf32>
    %add3A_22 = vector.broadcast %get3A_21 : vector<1x768xf32> to vector<1024x768xf32>
    %add3A_23 = arith.addf %add3A, %add3A_22 : vector<1024x768xf32>
    %swap3A = arith.constant 0 : index
    %swap3A_24 = arith.constant 0 : index
    %swap3A_25 = vector.load %arg25[%swap3A, %swap3A_24] : memref<1024x768xf32, #tpu.memory_space<vmem>>, vector<1024x768xf32>
    tpu.vector_store %arg25[%swap3A, %swap3A_24], %add3A_23 {strides = array<i32>} : memref<1024x768xf32, #tpu.memory_space<vmem>>, vector<1024x768xf32>,
    %get3A_26 = arith.constant 0 : index
    %get3A_27 = arith.constant 0 : index
    %get3A_28 = arith.constant 0 : index
    %get3A_29 = vector.load %arg2[%get3A_26, %get3A_27, %get3A_28] : memref<16x64x384xf32, #tpu.memory_space<vmem>>, vector<16x64x384xf32>
    %reshape3A_30 = vector.shape_cast %get3A_29 : vector<16x64x384xf32> to vector<1024x384xf32>
    %get3A_31 = arith.constant 0 : index
    %get3A_32 = arith.constant 0 : index
    %get3A_33 = vector.load %arg14[%get3A_31, %get3A_32] : memref<384x768xf32, #tpu.memory_space<vmem>>, vector<384x768xf32>
    %dot_general3A_34 = arith.constant dense<0.000000e+00> : vector<1024x768xf32>
    %dot_general3A_35 = tpu.matmul %reshape3A_30, %get3A_33, %dot_general3A_34 {dimension_numbers = #tpu.dot_dimension_numbers<[1], [0], [0], [1], [0, 0, 1, 1], [], []>, transpose_lhs_hint = false} : vector<1024x384xf32>, vector<384x768xf32>, vector<1024x768xf32> -> vector<1024x768xf32>
    %get3A_36 = arith.constant 0 : index
    %get3A_37 = arith.constant 0 : index
    %get3A_38 = arith.constant 0 : index
    %get3A_39 = vector.load %arg4[%get3A_36, %get3A_37, %get3A_38] : memref<16x64x9xf32, #tpu.memory_space<vmem>>, vector<16x64x9xf32>
    %reshape3A_40 = vector.shape_cast %get3A_39 : vector<16x64x9xf32> to vector<1024x9xf32>
    %get3A_41 = arith.constant 0 : index
    %get3A_42 = arith.constant 0 : index
    %get3A_43 = vector.load %arg15[%get3A_41, %get3A_42] : memref<9x768xf32, #tpu.memory_space<vmem>>, vector<9x768xf32>
    %dot_general3A_44 = arith.constant dense<0.000000e+00> : vector<1024x768xf32>
    %dot_general3A_45 = tpu.matmul %reshape3A_40, %get3A_43, %dot_general3A_44 {dimension_numbers = #tpu.dot_dimension_numbers<[1], [0], [0], [1], [0, 0, 1, 1], [], []>, transpose_lhs_hint = false} : vector<1024x9xf32>, vector<9x768xf32>, vector<1024x768xf32> -> vector<1024x768xf32>
    %add3A_46 = arith.addf %dot_general3A_35, %dot_general3A_45 : vector<1024x768xf32>
    %get3A_47 = arith.constant 0 : index
    %get3A_48 = arith.constant 0 : index
    %get3A_49 = vector.load %arg17[%get3A_47, %get3A_48] : memref<1x768xf32, #tpu.memory_space<vmem>>, vector<1x768xf32>
    %add3A_50 = vector.broadcast %get3A_49 : vector<1x768xf32> to vector<1024x768xf32>
    %add3A_51 = arith.addf %add3A_46, %add3A_50 : vector<1024x768xf32>
    %swap3A_52 = arith.constant 0 : index
    %swap3A_53 = arith.constant 0 : index
    %swap3A_54 = vector.load %arg26[%swap3A_52, %swap3A_53] : memref<1024x768xf32, #tpu.memory_space<vmem>>, vector<1024x768xf32>
    tpu.vector_store %arg26[%swap3A_52, %swap3A_53], %add3A_51 {strides = array<i32>} : memref<1024x768xf32, #tpu.memory_space<vmem>>, vector<1024x768xf32>,
    %get3A_55 = arith.constant 0 : index
    %get3A_56 = arith.constant 0 : index
    %get3A_57 = vector.load %arg23[%get3A_55, %get3A_56] : memref<64x256xf32, #tpu.memory_space<vmem>>, vector<64x256xf32>
    %get3A_58 = arith.constant 0 : index
    %get3A_59 = arith.constant 0 : index
    %get3A_60 = vector.load %arg24[%get3A_58, %get3A_59] : memref<64x256xf32, #tpu.memory_space<vmem>>, vector<64x256xf32>
    %get3A_61 = arith.constant 0 : index
    %get3A_62 = arith.constant 0 : index
    %get3A_63 = vector.load %arg11[%get3A_61, %get3A_62] : memref<256x768xf32, #tpu.memory_space<vmem>>, vector<256x768xf32>
    %get3A_64 = arith.constant 0 : index
    %get3A_65 = arith.constant 0 : index
    %get3A_66 = vector.load %arg16[%get3A_64, %get3A_65] : memref<256x768xf32, #tpu.memory_space<vmem>>, vector<256x768xf32>
    %get3A_67 = arith.constant 0 : index
    %get3A_68 = arith.constant 0 : index
    %get3A_69 = vector.load %arg13[%get3A_67, %get3A_68] : memref<1x768xf32, #tpu.memory_space<vmem>>, vector<1x768xf32>
    %get3A_70 = arith.constant 0 : index
    %get3A_71 = arith.constant 0 : index
    %get3A_72 = vector.load %arg18[%get3A_70, %get3A_71] : memref<1x768xf32, #tpu.memory_space<vmem>>, vector<1x768xf32>
    %get3A_73 = arith.constant 0 : index
    %get3A_74 = arith.constant 0 : index
    %get3A_75 = vector.load %arg25[%get3A_73, %get3A_74] : memref<1024x768xf32, #tpu.memory_space<vmem>>, vector<64x768xf32>
    %dot_general3A_76 = arith.constant dense<0.000000e+00> : vector<64x768xf32>
    %dot_general3A_77 = tpu.matmul %get3A_57, %get3A_63, %dot_general3A_76 {dimension_numbers = #tpu.dot_dimension_numbers<[1], [0], [0], [1], [0, 0, 1, 1], [], []>, transpose_lhs_hint = false} : vector<64x256xf32>, vector<256x768xf32>, vector<64x768xf32> -> vector<64x768xf32>
    %add3A_78 = vector.broadcast %get3A_69 : vector<1x768xf32> to vector<64x768xf32>
    %add3A_79 = arith.addf %dot_general3A_77, %add3A_78 : vector<64x768xf32>
    %get3A_80 = arith.constant 0 : index
    %get3A_81 = arith.constant 0 : index
    %get3A_82 = arith.constant 0 : index
    %get3A_83 = vector.load %arg5[%get3A_80, %get3A_81, %get3A_82] : memref<16x64x1xf32, #tpu.memory_space<vmem>>, vector<1x64x1xf32>
    %get3A_84 = vector.shape_cast %get3A_83 : vector<1x64x1xf32> to vector<64x1xf32>
    %slice3A = vector.extract_strided_slice %get3A_75 {offsets = [0, 0], sizes = [64, 256], strides = [1, 1]} : vector<64x768xf32> to vector<64x256xf32>
    %slice3A_85 = vector.extract_strided_slice %add3A_79 {offsets = [0, 0], sizes = [64, 256], strides = [1, 1]} : vector<64x768xf32> to vector<64x256xf32>
    %add3A_86 = arith.addf %slice3A, %slice3A_85 : vector<64x256xf32>
    %neg3A = arith.constant 0.000000e+00 : f32
    %neg3A_87 = vector.broadcast %neg3A : f32 to vector<64x256xf32>
    %neg3A_88 = arith.subf %neg3A_87, %add3A_86 : vector<64x256xf32>
    %exp3A = math.exp %neg3A_88 : vector<64x256xf32>
    %add3A_89 = arith.constant 1.000000e+00 : f32
    %add3A_90 = vector.broadcast %add3A_89 : f32 to vector<64x256xf32>
    %add3A_91 = arith.addf %add3A_90, %exp3A : vector<64x256xf32>
    %div3A = arith.constant 1.000000e+00 : f32
    %div3A_92 = vector.broadcast %div3A : f32 to vector<64x256xf32>
    %div3A_93 = arith.divf %div3A_92, %add3A_91 : vector<64x256xf32>
    %slice3A_94 = vector.extract_strided_slice %get3A_75 {offsets = [0, 256], sizes = [64, 256], strides = [1, 1]} : vector<64x768xf32> to vector<64x256xf32>
    %slice3A_95 = vector.extract_strided_slice %add3A_79 {offsets = [0, 256], sizes = [64, 256], strides = [1, 1]} : vector<64x768xf32> to vector<64x256xf32>
    %add3A_96 = arith.addf %slice3A_94, %slice3A_95 : vector<64x256xf32>
    %neg3A_97 = arith.constant 0.000000e+00 : f32
    %neg3A_98 = vector.broadcast %neg3A_97 : f32 to vector<64x256xf32>
    %neg3A_99 = arith.subf %neg3A_98, %add3A_96 : vector<64x256xf32>
    %exp3A_100 = math.exp %neg3A_99 : vector<64x256xf32>
    %add3A_101 = arith.constant 1.000000e+00 : f32
    %add3A_102 = vector.broadcast %add3A_101 : f32 to vector<64x256xf32>
    %add3A_103 = arith.addf %add3A_102, %exp3A_100 : vector<64x256xf32>
    %div3A_104 = arith.constant 1.000000e+00 : f32
    %div3A_105 = vector.broadcast %div3A_104 : f32 to vector<64x256xf32>
    %div3A_106 = arith.divf %div3A_105, %add3A_103 : vector<64x256xf32>
    %slice3A_107 = vector.extract_strided_slice %get3A_75 {offsets = [0, 512], sizes = [64, 256], strides = [1, 1]} : vector<64x768xf32> to vector<64x256xf32>
    %slice3A_108 = vector.extract_strided_slice %add3A_79 {offsets = [0, 512], sizes = [64, 256], strides = [1, 1]} : vector<64x768xf32> to vector<64x256xf32>
    %mul3A = arith.mulf %div3A_106, %slice3A_108 : vector<64x256xf32>
    %add3A_109 = arith.addf %slice3A_107, %mul3A : vector<64x256xf32>
    %tanh3A = math.tanh %add3A_109 : vector<64x256xf32>
    %mul3A_110 = arith.mulf %div3A_93, %get3A_57 : vector<64x256xf32>
    %sub3A = arith.constant 1.000000e+00 : f32
    %sub3A_111 = vector.broadcast %sub3A : f32 to vector<64x256xf32>
    %sub3A_112 = arith.subf %sub3A_111, %div3A_93 : vector<64x256xf32>
    %mul3A_113 = arith.mulf %sub3A_112, %tanh3A : vector<64x256xf32>
    %add3A_114 = arith.addf %mul3A_110, %mul3A_113 : vector<64x256xf32>
    %mul3A_115 = vector.broadcast %get3A_84 : vector<64x1xf32> to vector<64x256xf32>
    %mul3A_116 = arith.mulf %mul3A_115, %add3A_114 : vector<64x256xf32>
    %sub3A_117 = arith.constant 1.000000e+00 : f32
    %sub3A_118 = vector.broadcast %sub3A_117 : f32 to vector<64x1xf32>
    %sub3A_119 = arith.subf %sub3A_118, %get3A_84 : vector<64x1xf32>
    %mul3A_120 = vector.broadcast %sub3A_119 : vector<64x1xf32> to vector<64x256xf32>
    %mul3A_121 = arith.mulf %mul3A_120, %get3A_57 : vector<64x256xf32>
    %add3A_122 = arith.addf %mul3A_116, %mul3A_121 : vector<64x256xf32>
    %swap3A_123 = arith.constant 0 : index
    %swap3A_124 = arith.constant 0 : index
    %swap3A_125 = arith.constant 0 : index
    %swap3A_126 = vector.load %arg19[%swap3A_123, %swap3A_124, %swap3A_125] : memref<64x16x256xf32, #tpu.memory_space<vmem>>, vector<64x1x256xf32>
    %swap3A_127 = vector.shape_cast %swap3A_126 : vector<64x1x256xf32> to vector<64x256xf32>
    %swap3A_128 = vector.shape_cast %add3A_122 : vector<64x256xf32> to vector<64x1x256xf32>
    tpu.vector_store %arg19[%swap3A_123, %swap3A_124, %swap3A_125], %swap3A_128 {strides = array<i32>} : memref<64x16x256xf32, #tpu.memory_space<vmem>>, vector<64x1x256xf32>,
    %get3A_129 = arith.constant 960 : index
    %get3A_130 = arith.constant 0 : index
    %get3A_131 = vector.load %arg26[%get3A_129, %get3A_130] : memref<1024x768xf32, #tpu.memory_space<vmem>>, vector<64x768xf32>
    %dot_general3A_132 = arith.constant dense<0.000000e+00> : vector<64x768xf32>
    %dot_general3A_133 = tpu.matmul %get3A_60, %get3A_66, %dot_general3A_132 {dimension_numbers = #tpu.dot_dimension_numbers<[1], [0], [0], [1], [0, 0, 1, 1], [], []>, transpose_lhs_hint = false} : vector<64x256xf32>, vector<256x768xf32>, vector<64x768xf32> -> vector<64x768xf32>
    %add3A_134 = vector.broadcast %get3A_72 : vector<1x768xf32> to vector<64x768xf32>
    %add3A_135 = arith.addf %dot_general3A_133, %add3A_134 : vector<64x768xf32>
    %get3A_136 = arith.constant 15 : index
    %get3A_137 = arith.constant 0 : index
    %get3A_138 = arith.constant 0 : index
    %get3A_139 = vector.load %arg6[%get3A_136, %get3A_137, %get3A_138] : memref<16x64x1xf32, #tpu.memory_space<vmem>>, vector<1x64x1xf32>
    %get3A_140 = vector.shape_cast %get3A_139 : vector<1x64x1xf32> to vector<64x1xf32>
    %slice3A_141 = vector.extract_strided_slice %get3A_131 {offsets = [0, 0], sizes = [64, 256], strides = [1, 1]} : vector<64x768xf32> to vector<64x256xf32>
    %slice3A_142 = vector.extract_strided_slice %add3A_135 {offsets = [0, 0], sizes = [64, 256], strides = [1, 1]} : vector<64x768xf32> to vector<64x256xf32>
    %add3A_143 = arith.addf %slice3A_141, %slice3A_142 : vector<64x256xf32>
    %neg3A_144 = arith.constant 0.000000e+00 : f32
    %neg3A_145 = vector.broadcast %neg3A_144 : f32 to vector<64x256xf32>
    %neg3A_146 = arith.subf %neg3A_145, %add3A_143 : vector<64x256xf32>
    %exp3A_147 = math.exp %neg3A_146 : vector<64x256xf32>
    %add3A_148 = arith.constant 1.000000e+00 : f32
    %add3A_149 = vector.broadcast %add3A_148 : f32 to vector<64x256xf32>
    %add3A_150 = arith.addf %add3A_149, %exp3A_147 : vector<64x256xf32>
    %div3A_151 = arith.constant 1.000000e+00 : f32
    %div3A_152 = vector.broadcast %div3A_151 : f32 to vector<64x256xf32>
    %div3A_153 = arith.divf %div3A_152, %add3A_150 : vector<64x256xf32>
    %slice3A_154 = vector.extract_strided_slice %get3A_131 {offsets = [0, 256], sizes = [64, 256], strides = [1, 1]} : vector<64x768xf32> to vector<64x256xf32>
    %slice3A_155 = vector.extract_strided_slice %add3A_135 {offsets = [0, 256], sizes = [64, 256], strides = [1, 1]} : vector<64x768xf32> to vector<64x256xf32>
    %add3A_156 = arith.addf %slice3A_154, %slice3A_155 : vector<64x256xf32>
    %neg3A_157 = arith.constant 0.000000e+00 : f32
    %neg3A_158 = vector.broadcast %neg3A_157 : f32 to vector<64x256xf32>
    %neg3A_159 = arith.subf %neg3A_158, %add3A_156 : vector<64x256xf32>
    %exp3A_160 = math.exp %neg3A_159 : vector<64x256xf32>
    %add3A_161 = arith.constant 1.000000e+00 : f32
    %add3A_162 = vector.broadcast %add3A_161 : f32 to vector<64x256xf32>
    %add3A_163 = arith.addf %add3A_162, %exp3A_160 : vector<64x256xf32>
    %div3A_164 = arith.constant 1.000000e+00 : f32
    %div3A_165 = vector.broadcast %div3A_164 : f32 to vector<64x256xf32>
    %div3A_166 = arith.divf %div3A_165, %add3A_163 : vector<64x256xf32>
    %slice3A_167 = vector.extract_strided_slice %get3A_131 {offsets = [0, 512], sizes = [64, 256], strides = [1, 1]} : vector<64x768xf32> to vector<64x256xf32>
    %slice3A_168 = vector.extract_strided_slice %add3A_135 {offsets = [0, 512], sizes = [64, 256], strides = [1, 1]} : vector<64x768xf32> to vector<64x256xf32>
    %mul3A_169 = arith.mulf %div3A_166, %slice3A_168 : vector<64x256xf32>
    %add3A_170 = arith.addf %slice3A_167, %mul3A_169 : vector<64x256xf32>
    %tanh3A_171 = math.tanh %add3A_170 : vector<64x256xf32>
    %mul3A_172 = arith.mulf %div3A_153, %get3A_60 : vector<64x256xf32>
    %sub3A_173 = arith.constant 1.000000e+00 : f32
    %sub3A_174 = vector.broadcast %sub3A_173 : f32 to vector<64x256xf32>
    %sub3A_175 = arith.subf %sub3A_174, %div3A_153 : vector<64x256xf32>
    %mul3A_176 = arith.mulf %sub3A_175, %tanh3A_171 : vector<64x256xf32>
    %add3A_177 = arith.addf %mul3A_172, %mul3A_176 : vector<64x256xf32>
    %mul3A_178 = vector.broadcast %get3A_140 : vector<64x1xf32> to vector<64x256xf32>
    %mul3A_179 = arith.mulf %mul3A_178, %add3A_177 : vector<64x256xf32>
    %sub3A_180 = arith.constant 1.000000e+00 : f32
    %sub3A_181 = vector.broadcast %sub3A_180 : f32 to vector<64x1xf32>
    %sub3A_182 = arith.subf %sub3A_181, %get3A_140 : vector<64x1xf32>
    %mul3A_183 = vector.broadcast %sub3A_182 : vector<64x1xf32> to vector<64x256xf32>
    %mul3A_184 = arith.mulf %mul3A_183, %get3A_60 : vector<64x256xf32>
    %add3A_185 = arith.addf %mul3A_179, %mul3A_184 : vector<64x256xf32>
    %swap3A_186 = arith.constant 0 : index
    %swap3A_187 = arith.constant 15 : index
    %swap3A_188 = arith.constant 0 : index
    %swap3A_189 = vector.load %arg20[%swap3A_186, %swap3A_187, %swap3A_188] : memref<64x16x256xf32, #tpu.memory_space<vmem>>, vector<64x1x256xf32>
    %swap3A_190 = vector.shape_cast %swap3A_189 : vector<64x1x256xf32> to vector<64x256xf32>
    %swap3A_191 = vector.shape_cast %add3A_185 : vector<64x256xf32> to vector<64x1x256xf32>
    tpu.vector_store %arg20[%swap3A_186, %swap3A_187, %swap3A_188], %swap3A_191 {strides = array<i32>} : memref<64x16x256xf32, #tpu.memory_space<vmem>>, vector<64x1x256xf32>,
    %get3A_192 = arith.constant 64 : index
    %get3A_193 = arith.constant 0 : index
    %get3A_194 = vector.load %arg25[%get3A_192, %get3A_193] : memref<1024x768xf32, #tpu.memory_space<vmem>>, vector<64x768xf32>
    %dot_general3A_195 = arith.constant dense<0.000000e+00> : vector<64x768xf32>
    %dot_general3A_196 = tpu.matmul %add3A_122, %get3A_63, %dot_general3A_195 {dimension_numbers = #tpu.dot_dimension_numbers<[1], [0], [0], [1], [0, 0, 1, 1], [], []>, transpose_lhs_hint = false} : vector<64x256xf32>, vector<256x768xf32>, vector<64x768xf32> -> vector<64x768xf32>
    %add3A_197 = vector.broadcast %get3A_69 : vector<1x768xf32> to vector<64x768xf32>
    %add3A_198 = arith.addf %dot_general3A_196, %add3A_197 : vector<64x768xf32>
    %get3A_199 = arith.constant 1 : index
    %get3A_200 = arith.constant 0 : index
    %get3A_201 = arith.constant 0 : index
    %get3A_202 = vector.load %arg5[%get3A_199, %get3A_200, %get3A_201] : memref<16x64x1xf32, #tpu.memory_space<vmem>>, vector<1x64x1xf32>
    %get3A_203 = vector.shape_cast %get3A_202 : vector<1x64x1xf32> to vector<64x1xf32>
    %slice3A_204 = vector.extract_strided_slice %get3A_194 {offsets = [0, 0], sizes = [64, 256], strides = [1, 1]} : vector<64x768xf32> to vector<64x256xf32>
    %slice3A_205 = vector.extract_strided_slice %add3A_198 {offsets = [0, 0], sizes = [64, 256], strides = [1, 1]} : vector<64x768xf32> to vector<64x256xf32>
    %add3A_206 = arith.addf %slice3A_204, %slice3A_205 : vector<64x256xf32>
    %neg3A_207 = arith.constant 0.000000e+00 : f32
    %neg3A_208 = vector.broadcast %neg3A_207 : f32 to vector<64x256xf32>
    %neg3A_209 = arith.subf %neg3A_208, %add3A_206 : vector<64x256xf32>
    %exp3A_210 = math.exp %neg3A_209 : vector<64x256xf32>
    %add3A_211 = arith.constant 1.000000e+00 : f32
    %add3A_212 = vector.broadcast %add3A_211 : f32 to vector<64x256xf32>
    %add3A_213 = arith.addf %add3A_212, %exp3A_210 : vector<64x256xf32>
    %div3A_214 = arith.constant 1.000000e+00 : f32
    %div3A_215 = vector.broadcast %div3A_214 : f32 to vector<64x256xf32>
    %div3A_216 = arith.divf %div3A_215, %add3A_213 : vector<64x256xf32>
    %slice3A_217 = vector.extract_strided_slice %get3A_194 {offsets = [0, 256], sizes = [64, 256], strides = [1, 1]} : vector<64x768xf32> to vector<64x256xf32>
    %slice3A_218 = vector.extract_strided_slice %add3A_198 {offsets = [0, 256], sizes = [64, 256], strides = [1, 1]} : vector<64x768xf32> to vector<64x256xf32>
    %add3A_219 = arith.addf %slice3A_217, %slice3A_218 : vector<64x256xf32>
    %neg3A_220 = arith.constant 0.000000e+00 : f32
    %neg3A_221 = vector.broadcast %neg3A_220 : f32 to vector<64x256xf32>
    %neg3A_222 = arith.subf %neg3A_221, %add3A_219 : vector<64x256xf32>
    %exp3A_223 = math.exp %neg3A_222 : vector<64x256xf32>
    %add3A_224 = arith.constant 1.000000e+00 : f32
    %add3A_225 = vector.broadcast %add3A_224 : f32 to vector<64x256xf32>
    %add3A_226 = arith.addf %add3A_225, %exp3A_223 : vector<64x256xf32>
    %div3A_227 = arith.constant 1.000000e+00 : f32
    %div3A_228 = vector.broadcast %div3A_227 : f32 to vector<64x256xf32>
    %div3A_229 = arith.divf %div3A_228, %add3A_226 : vector<64x256xf32>
    %slice3A_230 = vector.extract_strided_slice %get3A_194 {offsets = [0, 512], sizes = [64, 256], strides = [1, 1]} : vector<64x768xf32> to vector<64x256xf32>
    %slice3A_231 = vector.extract_strided_slice %add3A_198 {offsets = [0, 512], sizes = [64, 256], strides = [1, 1]} : vector<64x768xf32> to vector<64x256xf32>
    %mul3A_232 = arith.mulf %div3A_229, %slice3A_231 : vector<64x256xf32>
    %add3A_233 = arith.addf %slice3A_230, %mul3A_232 : vector<64x256xf32>
    %tanh3A_234 = math.tanh %add3A_233 : vector<64x256xf32>
    %mul3A_235 = arith.mulf %div3A_216, %add3A_122 : vector<64x256xf32>
    %sub3A_236 = arith.constant 1.000000e+00 : f32
    %sub3A_237 = vector.broadcast %sub3A_236 : f32 to vector<64x256xf32>
    %sub3A_238 = arith.subf %sub3A_237, %div3A_216 : vector<64x256xf32>
    %mul3A_239 = arith.mulf %sub3A_238, %tanh3A_234 : vector<64x256xf32>
    %add3A_240 = arith.addf %mul3A_235, %mul3A_239 : vector<64x256xf32>
    %mul3A_241 = vector.broadcast %get3A_203 : vector<64x1xf32> to vector<64x256xf32>
    %mul3A_242 = arith.mulf %mul3A_241, %add3A_240 : vector<64x256xf32>
    %sub3A_243 = arith.constant 1.000000e+00 : f32
    %sub3A_244 = vector.broadcast %sub3A_243 : f32 to vector<64x1xf32>
    %sub3A_245 = arith.subf %sub3A_244, %get3A_203 : vector<64x1xf32>
    %mul3A_246 = vector.broadcast %sub3A_245 : vector<64x1xf32> to vector<64x256xf32>
    %mul3A_247 = arith.mulf %mul3A_246, %add3A_122 : vector<64x256xf32>
    %add3A_248 = arith.addf %mul3A_242, %mul3A_247 : vector<64x256xf32>
    %swap3A_249 = arith.constant 0 : index
    %swap3A_250 = arith.constant 1 : index
    %swap3A_251 = arith.constant 0 : index
    %swap3A_252 = vector.load %arg19[%swap3A_249, %swap3A_250, %swap3A_251] : memref<64x16x256xf32, #tpu.memory_space<vmem>>, vector<64x1x256xf32>
    %swap3A_253 = vector.shape_cast %swap3A_252 : vector<64x1x256xf32> to vector<64x256xf32>
    %swap3A_254 = vector.shape_cast %add3A_248 : vector<64x256xf32> to vector<64x1x256xf32>
    tpu.vector_store %arg19[%swap3A_249, %swap3A_250, %swap3A_251], %swap3A_254 {strides = array<i32>} : memref<64x16x256xf32, #tpu.memory_space<vmem>>, vector<64x1x256xf32>,
    %get3A_255 = arith.constant 896 : index
    %get3A_256 = arith.constant 0 : index
    %get3A_257 = vector.load %arg26[%get3A_255, %get3A_256] : memref<1024x768xf32, #tpu.memory_space<vmem>>, vector<64x768xf32>
    %dot_general3A_258 = arith.constant dense<0.000000e+00> : vector<64x768xf32>
    %dot_general3A_259 = tpu.matmul %add3A_185, %get3A_66, %dot_general3A_258 {dimension_numbers = #tpu.dot_dimension_numbers<[1], [0], [0], [1], [0, 0, 1, 1], [], []>, transpose_lhs_hint = false} : vector<64x256xf32>, vector<256x768xf32>, vector<64x768xf32> -> vector<64x768xf32>
    %add3A_260 = vector.broadcast %get3A_72 : vector<1x768xf32> to vector<64x768xf32>
    %add3A_261 = arith.addf %dot_general3A_259, %add3A_260 : vector<64x768xf32>
    %get3A_262 = arith.constant 14 : index
    %get3A_263 = arith.constant 0 : index
    %get3A_264 = arith.constant 0 : index
    %get3A_265 = vector.load %arg6[%get3A_262, %get3A_263, %get3A_264] : memref<16x64x1xf32, #tpu.memory_space<vmem>>, vector<1x64x1xf32>
    %get3A_266 = vector.shape_cast %get3A_265 : vector<1x64x1xf32> to vector<64x1xf32>
    %slice3A_267 = vector.extract_strided_slice %get3A_257 {offsets = [0, 0], sizes = [64, 256], strides = [1, 1]} : vector<64x768xf32> to vector<64x256xf32>
    %slice3A_268 = vector.extract_strided_slice %add3A_261 {offsets = [0, 0], sizes = [64, 256], strides = [1, 1]} : vector<64x768xf32> to vector<64x256xf32>
    %add3A_269 = arith.addf %slice3A_267, %slice3A_268 : vector<64x256xf32>
    %neg3A_270 = arith.constant 0.000000e+00 : f32
    %neg3A_271 = vector.broadcast %neg3A_270 : f32 to vector<64x256xf32>
    %neg3A_272 = arith.subf %neg3A_271, %add3A_269 : vector<64x256xf32>
    %exp3A_273 = math.exp %neg3A_272 : vector<64x256xf32>
    %add3A_274 = arith.constant 1.000000e+00 : f32
    %add3A_275 = vector.broadcast %add3A_274 : f32 to vector<64x256xf32>
    %add3A_276 = arith.addf %add3A_275, %exp3A_273 : vector<64x256xf32>
    %div3A_277 = arith.constant 1.000000e+00 : f32
    %div3A_278 = vector.broadcast %div3A_277 : f32 to vector<64x256xf32>
    %div3A_279 = arith.divf %div3A_278, %add3A_276 : vector<64x256xf32>
    %slice3A_280 = vector.extract_strided_slice %get3A_257 {offsets = [0, 256], sizes = [64, 256], strides = [1, 1]} : vector<64x768xf32> to vector<64x256xf32>
    %slice3A_281 = vector.extract_strided_slice %add3A_261 {offsets = [0, 256], sizes = [64, 256], strides = [1, 1]} : vector<64x768xf32> to vector<64x256xf32>
    %add3A_282 = arith.addf %slice3A_280, %slice3A_281 : vector<64x256xf32>
    %neg3A_283 = arith.constant 0.000000e+00 : f32
    %neg3A_284 = vector.broadcast %neg3A_283 : f32 to vector<64x256xf32>
    %neg3A_285 = arith.subf %neg3A_284, %add3A_282 : vector<64x256xf32>
    %exp3A_286 = math.exp %neg3A_285 : vector<64x256xf32>
    %add3A_287 = arith.constant 1.000000e+00 : f32
    %add3A_288 = vector.broadcast %add3A_287 : f32 to vector<64x256xf32>
    %add3A_289 = arith.addf %add3A_288, %exp3A_286 : vector<64x256xf32>
    %div3A_290 = arith.constant 1.000000e+00 : f32
    %div3A_291 = vector.broadcast %div3A_290 : f32 to vector<64x256xf32>
    %div3A_292 = arith.divf %div3A_291, %add3A_289 : vector<64x256xf32>
    %slice3A_293 = vector.extract_strided_slice %get3A_257 {offsets = [0, 512], sizes = [64, 256], strides = [1, 1]} : vector<64x768xf32> to vector<64x256xf32>
    %slice3A_294 = vector.extract_strided_slice %add3A_261 {offsets = [0, 512], sizes = [64, 256], strides = [1, 1]} : vector<64x768xf32> to vector<64x256xf32>
    %mul3A_295 = arith.mulf %div3A_292, %slice3A_294 : vector<64x256xf32>
    %add3A_296 = arith.addf %slice3A_293, %mul3A_295 : vector<64x256xf32>
    %tanh3A_297 = math.tanh %add3A_296 : vector<64x256xf32>
    %mul3A_298 = arith.mulf %div3A_279, %add3A_185 : vector<64x256xf32>
    %sub3A_299 = arith.constant 1.000000e+00 : f32
    %sub3A_300 = vector.broadcast %sub3A_299 : f32 to vector<64x256xf32>
    %sub3A_301 = arith.subf %sub3A_300, %div3A_279 : vector<64x256xf32>
    %mul3A_302 = arith.mulf %sub3A_301, %tanh3A_297 : vector<64x256xf32>
    %add3A_303 = arith.addf %mul3A_298, %mul3A_302 : vector<64x256xf32>
    %mul3A_304 = vector.broadcast %get3A_266 : vector<64x1xf32> to vector<64x256xf32>
    %mul3A_305 = arith.mulf %mul3A_304, %add3A_303 : vector<64x256xf32>
    %sub3A_306 = arith.constant 1.000000e+00 : f32
    %sub3A_307 = vector.broadcast %sub3A_306 : f32 to vector<64x1xf32>
    %sub3A_308 = arith.subf %sub3A_307, %get3A_266 : vector<64x1xf32>
    %mul3A_309 = vector.broadcast %sub3A_308 : vector<64x1xf32> to vector<64x256xf32>
    %mul3A_310 = arith.mulf %mul3A_309, %add3A_185 : vector<64x256xf32>
    %add3A_311 = arith.addf %mul3A_305, %mul3A_310 : vector<64x256xf32>
    %swap3A_312 = arith.constant 0 : index
    %swap3A_313 = arith.constant 14 : index
    %swap3A_314 = arith.constant 0 : index
    %swap3A_315 = vector.load %arg20[%swap3A_312, %swap3A_313, %swap3A_314] : memref<64x16x256xf32, #tpu.memory_space<vmem>>, vector<64x1x256xf32>
    %swap3A_316 = vector.shape_cast %swap3A_315 : vector<64x1x256xf32> to vector<64x256xf32>
    %swap3A_317 = vector.shape_cast %add3A_311 : vector<64x256xf32> to vector<64x1x256xf32>
    tpu.vector_store %arg20[%swap3A_312, %swap3A_313, %swap3A_314], %swap3A_317 {strides = array<i32>} : memref<64x16x256xf32, #tpu.memory_space<vmem>>, vector<64x1x256xf32>,
    %get3A_318 = arith.constant 128 : index
    %get3A_319 = arith.constant 0 : index
    %get3A_320 = vector.load %arg25[%get3A_318, %get3A_319] : memref<1024x768xf32, #tpu.memory_space<vmem>>, vector<64x768xf32>
    %dot_general3A_321 = arith.constant dense<0.000000e+00> : vector<64x768xf32>
    %dot_general3A_322 = tpu.matmul %add3A_248, %get3A_63, %dot_general3A_321 {dimension_numbers = #tpu.dot_dimension_numbers<[1], [0], [0], [1], [0, 0, 1, 1], [], []>, transpose_lhs_hint = false} : vector<64x256xf32>, vector<256x768xf32>, vector<64x768xf32> -> vector<64x768xf32>
    %add3A_323 = vector.broadcast %get3A_69 : vector<1x768xf32> to vector<64x768xf32>
    %add3A_324 = arith.addf %dot_general3A_322, %add3A_323 : vector<64x768xf32>
    %get3A_325 = arith.constant 2 : index
    %get3A_326 = arith.constant 0 : index
    %get3A_327 = arith.constant 0 : index
    %get3A_328 = vector.load %arg5[%get3A_325, %get3A_326, %get3A_327] : memref<16x64x1xf32, #tpu.memory_space<vmem>>, vector<1x64x1xf32>
    %get3A_329 = vector.shape_cast %get3A_328 : vector<1x64x1xf32> to vector<64x1xf32>
    %slice3A_330 = vector.extract_strided_slice %get3A_320 {offsets = [0, 0], sizes = [64, 256], strides = [1, 1]} : vector<64x768xf32> to vector<64x256xf32>
    %slice3A_331 = vector.extract_strided_slice %add3A_324 {offsets = [0, 0], sizes = [64, 256], strides = [1, 1]} : vector<64x768xf32> to vector<64x256xf32>
    %add3A_332 = arith.addf %slice3A_330, %slice3A_331 : vector<64x256xf32>
    %neg3A_333 = arith.constant 0.000000e+00 : f32
    %neg3A_334 = vector.broadcast %neg3A_333 : f32 to vector<64x256xf32>
    %neg3A_335 = arith.subf %neg3A_334, %add3A_332 : vector<64x256xf32>
    %exp3A_336 = math.exp %neg3A_335 : vector<64x256xf32>
    %add3A_337 = arith.constant 1.000000e+00 : f32
    %add3A_338 = vector.broadcast %add3A_337 : f32 to vector<64x256xf32>
    %add3A_339 = arith.addf %add3A_338, %exp3A_336 : vector<64x256xf32>
    %div3A_340 = arith.constant 1.000000e+00 : f32
    %div3A_341 = vector.broadcast %div3A_340 : f32 to vector<64x256xf32>
    %div3A_342 = arith.divf %div3A_341, %add3A_339 : vector<64x256xf32>
    %slice3A_343 = vector.extract_strided_slice %get3A_320 {offsets = [0, 256], sizes = [64, 256], strides = [1, 1]} : vector<64x768xf32> to vector<64x256xf32>
    %slice3A_344 = vector.extract_strided_slice %add3A_324 {offsets = [0, 256], sizes = [64, 256], strides = [1, 1]} : vector<64x768xf32> to vector<64x256xf32>
    %add3A_345 = arith.addf %slice3A_343, %slice3A_344 : vector<64x256xf32>
    %neg3A_346 = arith.constant 0.000000e+00 : f32
    %neg3A_347 = vector.broadcast %neg3A_346 : f32 to vector<64x256xf32>
    %neg3A_348 = arith.subf %neg3A_347, %add3A_345 : vector<64x256xf32>
    %exp3A_349 = math.exp %neg3A_348 : vector<64x256xf32>
    %add3A_350 = arith.constant 1.000000e+00 : f32
    %add3A_351 = vector.broadcast %add3A_350 : f32 to vector<64x256xf32>
    %add3A_352 = arith.addf %add3A_351, %exp3A_349 : vector<64x256xf32>
    %div3A_353 = arith.constant 1.000000e+00 : f32
    %div3A_354 = vector.broadcast %div3A_353 : f32 to vector<64x256xf32>
    %div3A_355 = arith.divf %div3A_354, %add3A_352 : vector<64x256xf32>
    %slice3A_356 = vector.extract_strided_slice %get3A_320 {offsets = [0, 512], sizes = [64, 256], strides = [1, 1]} : vector<64x768xf32> to vector<64x256xf32>
    %slice3A_357 = vector.extract_strided_slice %add3A_324 {offsets = [0, 512], sizes = [64, 256], strides = [1, 1]} : vector<64x768xf32> to vector<64x256xf32>
    %mul3A_358 = arith.mulf %div3A_355, %slice3A_357 : vector<64x256xf32>
    %add3A_359 = arith.addf %slice3A_356, %mul3A_358 : vector<64x256xf32>
    %tanh3A_360 = math.tanh %add3A_359 : vector<64x256xf32>
    %mul3A_361 = arith.mulf %div3A_342, %add3A_248 : vector<64x256xf32>
    %sub3A_362 = arith.constant 1.000000e+00 : f32
    %sub3A_363 = vector.broadcast %sub3A_362 : f32 to vector<64x256xf32>
    %sub3A_364 = arith.subf %sub3A_363, %div3A_342 : vector<64x256xf32>
    %mul3A_365 = arith.mulf %sub3A_364, %tanh3A_360 : vector<64x256xf32>
    %add3A_366 = arith.addf %mul3A_361, %mul3A_365 : vector<64x256xf32>
    %mul3A_367 = vector.broadcast %get3A_329 : vector<64x1xf32> to vector<64x256xf32>
    %mul3A_368 = arith.mulf %mul3A_367, %add3A_366 : vector<64x256xf32>
    %sub3A_369 = arith.constant 1.000000e+00 : f32
    %sub3A_370 = vector.broadcast %sub3A_369 : f32 to vector<64x1xf32>
    %sub3A_371 = arith.subf %sub3A_370, %get3A_329 : vector<64x1xf32>
    %mul3A_372 = vector.broadcast %sub3A_371 : vector<64x1xf32> to vector<64x256xf32>
    %mul3A_373 = arith.mulf %mul3A_372, %add3A_248 : vector<64x256xf32>
    %add3A_374 = arith.addf %mul3A_368, %mul3A_373 : vector<64x256xf32>
    %swap3A_375 = arith.constant 0 : index
    %swap3A_376 = arith.constant 2 : index
    %swap3A_377 = arith.constant 0 : index
    %swap3A_378 = vector.load %arg19[%swap3A_375, %swap3A_376, %swap3A_377] : memref<64x16x256xf32, #tpu.memory_space<vmem>>, vector<64x1x256xf32>
    %swap3A_379 = vector.shape_cast %swap3A_378 : vector<64x1x256xf32> to vector<64x256xf32>
    %swap3A_380 = vector.shape_cast %add3A_374 : vector<64x256xf32> to vector<64x1x256xf32>
    tpu.vector_store %arg19[%swap3A_375, %swap3A_376, %swap3A_377], %swap3A_380 {strides = array<i32>} : memref<64x16x256xf32, #tpu.memory_space<vmem>>, vector<64x1x256xf32>,
    %get3A_381 = arith.constant 832 : index
    %get3A_382 = arith.constant 0 : index
    %get3A_383 = vector.load %arg26[%get3A_381, %get3A_382] : memref<1024x768xf32, #tpu.memory_space<vmem>>, vector<64x768xf32>
    %dot_general3A_384 = arith.constant dense<0.000000e+00> : vector<64x768xf32>
    %dot_general3A_385 = tpu.matmul %add3A_311, %get3A_66, %dot_general3A_384 {dimension_numbers = #tpu.dot_dimension_numbers<[1], [0], [0], [1], [0, 0, 1, 1], [], []>, transpose_lhs_hint = false} : vector<64x256xf32>, vector<256x768xf32>, vector<64x768xf32> -> vector<64x768xf32>
    %add3A_386 = vector.broadcast %get3A_72 : vector<1x768xf32> to vector<64x768xf32>
    %add3A_387 = arith.addf %dot_general3A_385, %add3A_386 : vector<64x768xf32>
    %get3A_388 = arith.constant 13 : index
    %get3A_389 = arith.constant 0 : index
    %get3A_390 = arith.constant 0 : index
    %get3A_391 = vector.load %arg6[%get3A_388, %get3A_389, %get3A_390] : memref<16x64x1xf32, #tpu.memory_space<vmem>>, vector<1x64x1xf32>
    %get3A_392 = vector.shape_cast %get3A_391 : vector<1x64x1xf32> to vector<64x1xf32>
    %slice3A_393 = vector.extract_strided_slice %get3A_383 {offsets = [0, 0], sizes = [64, 256], strides = [1, 1]} : vector<64x768xf32> to vector<64x256xf32>
    %slice3A_394 = vector.extract_strided_slice %add3A_387 {offsets = [0, 0], sizes = [64, 256], strides = [1, 1]} : vector<64x768xf32> to vector<64x256xf32>
    %add3A_395 = arith.addf %slice3A_393, %slice3A_394 : vector<64x256xf32>
    %neg3A_396 = arith.constant 0.000000e+00 : f32
    %neg3A_397 = vector.broadcast %neg3A_396 : f32 to vector<64x256xf32>
    %neg3A_398 = arith.subf %neg3A_397, %add3A_395 : vector<64x256xf32>
    %exp3A_399 = math.exp %neg3A_398 : vector<64x256xf32>
    %add3A_400 = arith.constant 1.000000e+00 : f32
    %add3A_401 = vector.broadcast %add3A_400 : f32 to vector<64x256xf32>
    %add3A_402 = arith.addf %add3A_401, %exp3A_399 : vector<64x256xf32>
    %div3A_403 = arith.constant 1.000000e+00 : f32
    %div3A_404 = vector.broadcast %div3A_403 : f32 to vector<64x256xf32>
    %div3A_405 = arith.divf %div3A_404, %add3A_402 : vector<64x256xf32>
    %slice3A_406 = vector.extract_strided_slice %get3A_383 {offsets = [0, 256], sizes = [64, 256], strides = [1, 1]} : vector<64x768xf32> to vector<64x256xf32>
    %slice3A_407 = vector.extract_strided_slice %add3A_387 {offsets = [0, 256], sizes = [64, 256], strides = [1, 1]} : vector<64x768xf32> to vector<64x256xf32>
    %add3A_408 = arith.addf %slice3A_406, %slice3A_407 : vector<64x256xf32>
    %neg3A_409 = arith.constant 0.000000e+00 : f32
    %neg3A_410 = vector.broadcast %neg3A_409 : f32 to vector<64x256xf32>
    %neg3A_411 = arith.subf %neg3A_410, %add3A_408 : vector<64x256xf32>
    %exp3A_412 = math.exp %neg3A_411 : vector<64x256xf32>
    %add3A_413 = arith.constant 1.000000e+00 : f32
    %add3A_414 = vector.broadcast %add3A_413 : f32 to vector<64x256xf32>
    %add3A_415 = arith.addf %add3A_414, %exp3A_412 : vector<64x256xf32>
    %div3A_416 = arith.constant 1.000000e+00 : f32
    %div3A_417 = vector.broadcast %div3A_416 : f32 to vector<64x256xf32>
    %div3A_418 = arith.divf %div3A_417, %add3A_415 : vector<64x256xf32>
    %slice3A_419 = vector.extract_strided_slice %get3A_383 {offsets = [0, 512], sizes = [64, 256], strides = [1, 1]} : vector<64x768xf32> to vector<64x256xf32>
    %slice3A_420 = vector.extract_strided_slice %add3A_387 {offsets = [0, 512], sizes = [64, 256], strides = [1, 1]} : vector<64x768xf32> to vector<64x256xf32>
    %mul3A_421 = arith.mulf %div3A_418, %slice3A_420 : vector<64x256xf32>
    %add3A_422 = arith.addf %slice3A_419, %mul3A_421 : vector<64x256xf32>
    %tanh3A_423 = math.tanh %add3A_422 : vector<64x256xf32>
    %mul3A_424 = arith.mulf %div3A_405, %add3A_311 : vector<64x256xf32>
    %sub3A_425 = arith.constant 1.000000e+00 : f32
    %sub3A_426 = vector.broadcast %sub3A_425 : f32 to vector<64x256xf32>
    %sub3A_427 = arith.subf %sub3A_426, %div3A_405 : vector<64x256xf32>
    %mul3A_428 = arith.mulf %sub3A_427, %tanh3A_423 : vector<64x256xf32>
    %add3A_429 = arith.addf %mul3A_424, %mul3A_428 : vector<64x256xf32>
    %mul3A_430 = vector.broadcast %get3A_392 : vector<64x1xf32> to vector<64x256xf32>
    %mul3A_431 = arith.mulf %mul3A_430, %add3A_429 : vector<64x256xf32>
    %sub3A_432 = arith.constant 1.000000e+00 : f32
    %sub3A_433 = vector.broadcast %sub3A_432 : f32 to vector<64x1xf32>
    %sub3A_434 = arith.subf %sub3A_433, %get3A_392 : vector<64x1xf32>
    %mul3A_435 = vector.broadcast %sub3A_434 : vector<64x1xf32> to vector<64x256xf32>
    %mul3A_436 = arith.mulf %mul3A_435, %add3A_311 : vector<64x256xf32>
    %add3A_437 = arith.addf %mul3A_431, %mul3A_436 : vector<64x256xf32>
    %swap3A_438 = arith.constant 0 : index
    %swap3A_439 = arith.constant 13 : index
    %swap3A_440 = arith.constant 0 : index
    %swap3A_441 = vector.load %arg20[%swap3A_438, %swap3A_439, %swap3A_440] : memref<64x16x256xf32, #tpu.memory_space<vmem>>, vector<64x1x256xf32>
    %swap3A_442 = vector.shape_cast %swap3A_441 : vector<64x1x256xf32> to vector<64x256xf32>
    %swap3A_443 = vector.shape_cast %add3A_437 : vector<64x256xf32> to vector<64x1x256xf32>
    tpu.vector_store %arg20[%swap3A_438, %swap3A_439, %swap3A_440], %swap3A_443 {strides = array<i32>} : memref<64x16x256xf32, #tpu.memory_space<vmem>>, vector<64x1x256xf32>,
    %get3A_444 = arith.constant 192 : index
    %get3A_445 = arith.constant 0 : index
    %get3A_446 = vector.load %arg25[%get3A_444, %get3A_445] : memref<1024x768xf32, #tpu.memory_space<vmem>>, vector<64x768xf32>
    %dot_general3A_447 = arith.constant dense<0.000000e+00> : vector<64x768xf32>
    %dot_general3A_448 = tpu.matmul %add3A_374, %get3A_63, %dot_general3A_447 {dimension_numbers = #tpu.dot_dimension_numbers<[1], [0], [0], [1], [0, 0, 1, 1], [], []>, transpose_lhs_hint = false} : vector<64x256xf32>, vector<256x768xf32>, vector<64x768xf32> -> vector<64x768xf32>
    %add3A_449 = vector.broadcast %get3A_69 : vector<1x768xf32> to vector<64x768xf32>
    %add3A_450 = arith.addf %dot_general3A_448, %add3A_449 : vector<64x768xf32>
    %get3A_451 = arith.constant 3 : index
    %get3A_452 = arith.constant 0 : index
    %get3A_453 = arith.constant 0 : index
    %get3A_454 = vector.load %arg5[%get3A_451, %get3A_452, %get3A_453] : memref<16x64x1xf32, #tpu.memory_space<vmem>>, vector<1x64x1xf32>
    %get3A_455 = vector.shape_cast %get3A_454 : vector<1x64x1xf32> to vector<64x1xf32>
    %slice3A_456 = vector.extract_strided_slice %get3A_446 {offsets = [0, 0], sizes = [64, 256], strides = [1, 1]} : vector<64x768xf32> to vector<64x256xf32>
    %slice3A_457 = vector.extract_strided_slice %add3A_450 {offsets = [0, 0], sizes = [64, 256], strides = [1, 1]} : vector<64x768xf32> to vector<64x256xf32>
    %add3A_458 = arith.addf %slice3A_456, %slice3A_457 : vector<64x256xf32>
    %neg3A_459 = arith.constant 0.000000e+00 : f32
    %neg3A_460 = vector.broadcast %neg3A_459 : f32 to vector<64x256xf32>
    %neg3A_461 = arith.subf %neg3A_460, %add3A_458 : vector<64x256xf32>
    %exp3A_462 = math.exp %neg3A_461 : vector<64x256xf32>
    %add3A_463 = arith.constant 1.000000e+00 : f32
    %add3A_464 = vector.broadcast %add3A_463 : f32 to vector<64x256xf32>
    %add3A_465 = arith.addf %add3A_464, %exp3A_462 : vector<64x256xf32>
    %div3A_466 = arith.constant 1.000000e+00 : f32
    %div3A_467 = vector.broadcast %div3A_466 : f32 to vector<64x256xf32>
    %div3A_468 = arith.divf %div3A_467, %add3A_465 : vector<64x256xf32>
    %slice3A_469 = vector.extract_strided_slice %get3A_446 {offsets = [0, 256], sizes = [64, 256], strides = [1, 1]} : vector<64x768xf32> to vector<64x256xf32>
    %slice3A_470 = vector.extract_strided_slice %add3A_450 {offsets = [0, 256], sizes = [64, 256], strides = [1, 1]} : vector<64x768xf32> to vector<64x256xf32>
    %add3A_471 = arith.addf %slice3A_469, %slice3A_470 : vector<64x256xf32>
    %neg3A_472 = arith.constant 0.000000e+00 : f32
    %neg3A_473 = vector.broadcast %neg3A_472 : f32 to vector<64x256xf32>
    %neg3A_474 = arith.subf %neg3A_473, %add3A_471 : vector<64x256xf32>
    %exp3A_475 = math.exp %neg3A_474 : vector<64x256xf32>
    %add3A_476 = arith.constant 1.000000e+00 : f32
    %add3A_477 = vector.broadcast %add3A_476 : f32 to vector<64x256xf32>
    %add3A_478 = arith.addf %add3A_477, %exp3A_475 : vector<64x256xf32>
    %div3A_479 = arith.constant 1.000000e+00 : f32
    %div3A_480 = vector.broadcast %div3A_479 : f32 to vector<64x256xf32>
    %div3A_481 = arith.divf %div3A_480, %add3A_478 : vector<64x256xf32>
    %slice3A_482 = vector.extract_strided_slice %get3A_446 {offsets = [0, 512], sizes = [64, 256], strides = [1, 1]} : vector<64x768xf32> to vector<64x256xf32>
    %slice3A_483 = vector.extract_strided_slice %add3A_450 {offsets = [0, 512], sizes = [64, 256], strides = [1, 1]} : vector<64x768xf32> to vector<64x256xf32>
    %mul3A_484 = arith.mulf %div3A_481, %slice3A_483 : vector<64x256xf32>
    %add3A_485 = arith.addf %slice3A_482, %mul3A_484 : vector<64x256xf32>
    %tanh3A_486 = math.tanh %add3A_485 : vector<64x256xf32>
    %mul3A_487 = arith.mulf %div3A_468, %add3A_374 : vector<64x256xf32>
    %sub3A_488 = arith.constant 1.000000e+00 : f32
    %sub3A_489 = vector.broadcast %sub3A_488 : f32 to vector<64x256xf32>
    %sub3A_490 = arith.subf %sub3A_489, %div3A_468 : vector<64x256xf32>
    %mul3A_491 = arith.mulf %sub3A_490, %tanh3A_486 : vector<64x256xf32>
    %add3A_492 = arith.addf %mul3A_487, %mul3A_491 : vector<64x256xf32>
    %mul3A_493 = vector.broadcast %get3A_455 : vector<64x1xf32> to vector<64x256xf32>
    %mul3A_494 = arith.mulf %mul3A_493, %add3A_492 : vector<64x256xf32>
    %sub3A_495 = arith.constant 1.000000e+00 : f32
    %sub3A_496 = vector.broadcast %sub3A_495 : f32 to vector<64x1xf32>
    %sub3A_497 = arith.subf %sub3A_496, %get3A_455 : vector<64x1xf32>
    %mul3A_498 = vector.broadcast %sub3A_497 : vector<64x1xf32> to vector<64x256xf32>
    %mul3A_499 = arith.mulf %mul3A_498, %add3A_374 : vector<64x256xf32>
    %add3A_500 = arith.addf %mul3A_494, %mul3A_499 : vector<64x256xf32>
    %swap3A_501 = arith.constant 0 : index
    %swap3A_502 = arith.constant 3 : index
    %swap3A_503 = arith.constant 0 : index
    %swap3A_504 = vector.load %arg19[%swap3A_501, %swap3A_502, %swap3A_503] : memref<64x16x256xf32, #tpu.memory_space<vmem>>, vector<64x1x256xf32>
    %swap3A_505 = vector.shape_cast %swap3A_504 : vector<64x1x256xf32> to vector<64x256xf32>
    %swap3A_506 = vector.shape_cast %add3A_500 : vector<64x256xf32> to vector<64x1x256xf32>
    tpu.vector_store %arg19[%swap3A_501, %swap3A_502, %swap3A_503], %swap3A_506 {strides = array<i32>} : memref<64x16x256xf32, #tpu.memory_space<vmem>>, vector<64x1x256xf32>,
    %get3A_507 = arith.constant 768 : index
    %get3A_508 = arith.constant 0 : index
    %get3A_509 = vector.load %arg26[%get3A_507, %get3A_508] : memref<1024x768xf32, #tpu.memory_space<vmem>>, vector<64x768xf32>
    %dot_general3A_510 = arith.constant dense<0.000000e+00> : vector<64x768xf32>
    %dot_general3A_511 = tpu.matmul %add3A_437, %get3A_66, %dot_general3A_510 {dimension_numbers = #tpu.dot_dimension_numbers<[1], [0], [0], [1], [0, 0, 1, 1], [], []>, transpose_lhs_hint = false} : vector<64x256xf32>, vector<256x768xf32>, vector<64x768xf32> -> vector<64x768xf32>
    %add3A_512 = vector.broadcast %get3A_72 : vector<1x768xf32> to vector<64x768xf32>
    %add3A_513 = arith.addf %dot_general3A_511, %add3A_512 : vector<64x768xf32>
    %get3A_514 = arith.constant 12 : index
    %get3A_515 = arith.constant 0 : index
    %get3A_516 = arith.constant 0 : index
    %get3A_517 = vector.load %arg6[%get3A_514, %get3A_515, %get3A_516] : memref<16x64x1xf32, #tpu.memory_space<vmem>>, vector<1x64x1xf32>
    %get3A_518 = vector.shape_cast %get3A_517 : vector<1x64x1xf32> to vector<64x1xf32>
    %slice3A_519 = vector.extract_strided_slice %get3A_509 {offsets = [0, 0], sizes = [64, 256], strides = [1, 1]} : vector<64x768xf32> to vector<64x256xf32>
    %slice3A_520 = vector.extract_strided_slice %add3A_513 {offsets = [0, 0], sizes = [64, 256], strides = [1, 1]} : vector<64x768xf32> to vector<64x256xf32>
    %add3A_521 = arith.addf %slice3A_519, %slice3A_520 : vector<64x256xf32>
    %neg3A_522 = arith.constant 0.000000e+00 : f32
    %neg3A_523 = vector.broadcast %neg3A_522 : f32 to vector<64x256xf32>
    %neg3A_524 = arith.subf %neg3A_523, %add3A_521 : vector<64x256xf32>
    %exp3A_525 = math.exp %neg3A_524 : vector<64x256xf32>
    %add3A_526 = arith.constant 1.000000e+00 : f32
    %add3A_527 = vector.broadcast %add3A_526 : f32 to vector<64x256xf32>
    %add3A_528 = arith.addf %add3A_527, %exp3A_525 : vector<64x256xf32>
    %div3A_529 = arith.constant 1.000000e+00 : f32
    %div3A_530 = vector.broadcast %div3A_529 : f32 to vector<64x256xf32>
    %div3A_531 = arith.divf %div3A_530, %add3A_528 : vector<64x256xf32>
    %slice3A_532 = vector.extract_strided_slice %get3A_509 {offsets = [0, 256], sizes = [64, 256], strides = [1, 1]} : vector<64x768xf32> to vector<64x256xf32>
    %slice3A_533 = vector.extract_strided_slice %add3A_513 {offsets = [0, 256], sizes = [64, 256], strides = [1, 1]} : vector<64x768xf32> to vector<64x256xf32>
    %add3A_534 = arith.addf %slice3A_532, %slice3A_533 : vector<64x256xf32>
    %neg3A_535 = arith.constant 0.000000e+00 : f32
    %neg3A_536 = vector.broadcast %neg3A_535 : f32 to vector<64x256xf32>
    %neg3A_537 = arith.subf %neg3A_536, %add3A_534 : vector<64x256xf32>
    %exp3A_538 = math.exp %neg3A_537 : vector<64x256xf32>
    %add3A_539 = arith.constant 1.000000e+00 : f32
    %add3A_540 = vector.broadcast %add3A_539 : f32 to vector<64x256xf32>
    %add3A_541 = arith.addf %add3A_540, %exp3A_538 : vector<64x256xf32>
    %div3A_542 = arith.constant 1.000000e+00 : f32
    %div3A_543 = vector.broadcast %div3A_542 : f32 to vector<64x256xf32>
    %div3A_544 = arith.divf %div3A_543, %add3A_541 : vector<64x256xf32>
    %slice3A_545 = vector.extract_strided_slice %get3A_509 {offsets = [0, 512], sizes = [64, 256], strides = [1, 1]} : vector<64x768xf32> to vector<64x256xf32>
    %slice3A_546 = vector.extract_strided_slice %add3A_513 {offsets = [0, 512], sizes = [64, 256], strides = [1, 1]} : vector<64x768xf32> to vector<64x256xf32>
    %mul3A_547 = arith.mulf %div3A_544, %slice3A_546 : vector<64x256xf32>
    %add3A_548 = arith.addf %slice3A_545, %mul3A_547 : vector<64x256xf32>
    %tanh3A_549 = math.tanh %add3A_548 : vector<64x256xf32>
    %mul3A_550 = arith.mulf %div3A_531, %add3A_437 : vector<64x256xf32>
    %sub3A_551 = arith.constant 1.000000e+00 : f32
    %sub3A_552 = vector.broadcast %sub3A_551 : f32 to vector<64x256xf32>
    %sub3A_553 = arith.subf %sub3A_552, %div3A_531 : vector<64x256xf32>
    %mul3A_554 = arith.mulf %sub3A_553, %tanh3A_549 : vector<64x256xf32>
    %add3A_555 = arith.addf %mul3A_550, %mul3A_554 : vector<64x256xf32>
    %mul3A_556 = vector.broadcast %get3A_518 : vector<64x1xf32> to vector<64x256xf32>
    %mul3A_557 = arith.mulf %mul3A_556, %add3A_555 : vector<64x256xf32>
    %sub3A_558 = arith.constant 1.000000e+00 : f32
    %sub3A_559 = vector.broadcast %sub3A_558 : f32 to vector<64x1xf32>
    %sub3A_560 = arith.subf %sub3A_559, %get3A_518 : vector<64x1xf32>
    %mul3A_561 = vector.broadcast %sub3A_560 : vector<64x1xf32> to vector<64x256xf32>
    %mul3A_562 = arith.mulf %mul3A_561, %add3A_437 : vector<64x256xf32>
    %add3A_563 = arith.addf %mul3A_557, %mul3A_562 : vector<64x256xf32>
    %swap3A_564 = arith.constant 0 : index
    %swap3A_565 = arith.constant 12 : index
    %swap3A_566 = arith.constant 0 : index
    %swap3A_567 = vector.load %arg20[%swap3A_564, %swap3A_565, %swap3A_566] : memref<64x16x256xf32, #tpu.memory_space<vmem>>, vector<64x1x256xf32>
    %swap3A_568 = vector.shape_cast %swap3A_567 : vector<64x1x256xf32> to vector<64x256xf32>
    %swap3A_569 = vector.shape_cast %add3A_563 : vector<64x256xf32> to vector<64x1x256xf32>
    tpu.vector_store %arg20[%swap3A_564, %swap3A_565, %swap3A_566], %swap3A_569 {strides = array<i32>} : memref<64x16x256xf32, #tpu.memory_space<vmem>>, vector<64x1x256xf32>,
    %get3A_570 = arith.constant 256 : index
    %get3A_571 = arith.constant 0 : index
    %get3A_572 = vector.load %arg25[%get3A_570, %get3A_571] : memref<1024x768xf32, #tpu.memory_space<vmem>>, vector<64x768xf32>
    %dot_general3A_573 = arith.constant dense<0.000000e+00> : vector<64x768xf32>
    %dot_general3A_574 = tpu.matmul %add3A_500, %get3A_63, %dot_general3A_573 {dimension_numbers = #tpu.dot_dimension_numbers<[1], [0], [0], [1], [0, 0, 1, 1], [], []>, transpose_lhs_hint = false} : vector<64x256xf32>, vector<256x768xf32>, vector<64x768xf32> -> vector<64x768xf32>
    %add3A_575 = vector.broadcast %get3A_69 : vector<1x768xf32> to vector<64x768xf32>
    %add3A_576 = arith.addf %dot_general3A_574, %add3A_575 : vector<64x768xf32>
    %get3A_577 = arith.constant 4 : index
    %get3A_578 = arith.constant 0 : index
    %get3A_579 = arith.constant 0 : index
    %get3A_580 = vector.load %arg5[%get3A_577, %get3A_578, %get3A_579] : memref<16x64x1xf32, #tpu.memory_space<vmem>>, vector<1x64x1xf32>
    %get3A_581 = vector.shape_cast %get3A_580 : vector<1x64x1xf32> to vector<64x1xf32>
    %slice3A_582 = vector.extract_strided_slice %get3A_572 {offsets = [0, 0], sizes = [64, 256], strides = [1, 1]} : vector<64x768xf32> to vector<64x256xf32>
    %slice3A_583 = vector.extract_strided_slice %add3A_576 {offsets = [0, 0], sizes = [64, 256], strides = [1, 1]} : vector<64x768xf32> to vector<64x256xf32>
    %add3A_584 = arith.addf %slice3A_582, %slice3A_583 : vector<64x256xf32>
    %neg3A_585 = arith.constant 0.000000e+00 : f32
    %neg3A_586 = vector.broadcast %neg3A_585 : f32 to vector<64x256xf32>
    %neg3A_587 = arith.subf %neg3A_586, %add3A_584 : vector<64x256xf32>
    %exp3A_588 = math.exp %neg3A_587 : vector<64x256xf32>
    %add3A_589 = arith.constant 1.000000e+00 : f32
    %add3A_590 = vector.broadcast %add3A_589 : f32 to vector<64x256xf32>
    %add3A_591 = arith.addf %add3A_590, %exp3A_588 : vector<64x256xf32>
    %div3A_592 = arith.constant 1.000000e+00 : f32
    %div3A_593 = vector.broadcast %div3A_592 : f32 to vector<64x256xf32>
    %div3A_594 = arith.divf %div3A_593, %add3A_591 : vector<64x256xf32>
    %slice3A_595 = vector.extract_strided_slice %get3A_572 {offsets = [0, 256], sizes = [64, 256], strides = [1, 1]} : vector<64x768xf32> to vector<64x256xf32>
    %slice3A_596 = vector.extract_strided_slice %add3A_576 {offsets = [0, 256], sizes = [64, 256], strides = [1, 1]} : vector<64x768xf32> to vector<64x256xf32>
    %add3A_597 = arith.addf %slice3A_595, %slice3A_596 : vector<64x256xf32>
    %neg3A_598 = arith.constant 0.000000e+00 : f32
    %neg3A_599 = vector.broadcast %neg3A_598 : f32 to vector<64x256xf32>
    %neg3A_600 = arith.subf %neg3A_599, %add3A_597 : vector<64x256xf32>
    %exp3A_601 = math.exp %neg3A_600 : vector<64x256xf32>
    %add3A_602 = arith.constant 1.000000e+00 : f32
    %add3A_603 = vector.broadcast %add3A_602 : f32 to vector<64x256xf32>
    %add3A_604 = arith.addf %add3A_603, %exp3A_601 : vector<64x256xf32>
    %div3A_605 = arith.constant 1.000000e+00 : f32
    %div3A_606 = vector.broadcast %div3A_605 : f32 to vector<64x256xf32>
    %div3A_607 = arith.divf %div3A_606, %add3A_604 : vector<64x256xf32>
    %slice3A_608 = vector.extract_strided_slice %get3A_572 {offsets = [0, 512], sizes = [64, 256], strides = [1, 1]} : vector<64x768xf32> to vector<64x256xf32>
    %slice3A_609 = vector.extract_strided_slice %add3A_576 {offsets = [0, 512], sizes = [64, 256], strides = [1, 1]} : vector<64x768xf32> to vector<64x256xf32>
    %mul3A_610 = arith.mulf %div3A_607, %slice3A_609 : vector<64x256xf32>
    %add3A_611 = arith.addf %slice3A_608, %mul3A_610 : vector<64x256xf32>
    %tanh3A_612 = math.tanh %add3A_611 : vector<64x256xf32>
    %mul3A_613 = arith.mulf %div3A_594, %add3A_500 : vector<64x256xf32>
    %sub3A_614 = arith.constant 1.000000e+00 : f32
    %sub3A_615 = vector.broadcast %sub3A_614 : f32 to vector<64x256xf32>
    %sub3A_616 = arith.subf %sub3A_615, %div3A_594 : vector<64x256xf32>
    %mul3A_617 = arith.mulf %sub3A_616, %tanh3A_612 : vector<64x256xf32>
    %add3A_618 = arith.addf %mul3A_613, %mul3A_617 : vector<64x256xf32>
    %mul3A_619 = vector.broadcast %get3A_581 : vector<64x1xf32> to vector<64x256xf32>
    %mul3A_620 = arith.mulf %mul3A_619, %add3A_618 : vector<64x256xf32>
    %sub3A_621 = arith.constant 1.000000e+00 : f32
    %sub3A_622 = vector.broadcast %sub3A_621 : f32 to vector<64x1xf32>
    %sub3A_623 = arith.subf %sub3A_622, %get3A_581 : vector<64x1xf32>
    %mul3A_624 = vector.broadcast %sub3A_623 : vector<64x1xf32> to vector<64x256xf32>
    %mul3A_625 = arith.mulf %mul3A_624, %add3A_500 : vector<64x256xf32>
    %add3A_626 = arith.addf %mul3A_620, %mul3A_625 : vector<64x256xf32>
    %swap3A_627 = arith.constant 0 : index
    %swap3A_628 = arith.constant 4 : index
    %swap3A_629 = arith.constant 0 : index
    %swap3A_630 = vector.load %arg19[%swap3A_627, %swap3A_628, %swap3A_629] : memref<64x16x256xf32, #tpu.memory_space<vmem>>, vector<64x1x256xf32>
    %swap3A_631 = vector.shape_cast %swap3A_630 : vector<64x1x256xf32> to vector<64x256xf32>
    %swap3A_632 = vector.shape_cast %add3A_626 : vector<64x256xf32> to vector<64x1x256xf32>
    tpu.vector_store %arg19[%swap3A_627, %swap3A_628, %swap3A_629], %swap3A_632 {strides = array<i32>} : memref<64x16x256xf32, #tpu.memory_space<vmem>>, vector<64x1x256xf32>,
    %get3A_633 = arith.constant 704 : index
    %get3A_634 = arith.constant 0 : index
    %get3A_635 = vector.load %arg26[%get3A_633, %get3A_634] : memref<1024x768xf32, #tpu.memory_space<vmem>>, vector<64x768xf32>
    %dot_general3A_636 = arith.constant dense<0.000000e+00> : vector<64x768xf32>
    %dot_general3A_637 = tpu.matmul %add3A_563, %get3A_66, %dot_general3A_636 {dimension_numbers = #tpu.dot_dimension_numbers<[1], [0], [0], [1], [0, 0, 1, 1], [], []>, transpose_lhs_hint = false} : vector<64x256xf32>, vector<256x768xf32>, vector<64x768xf32> -> vector<64x768xf32>
    %add3A_638 = vector.broadcast %get3A_72 : vector<1x768xf32> to vector<64x768xf32>
    %add3A_639 = arith.addf %dot_general3A_637, %add3A_638 : vector<64x768xf32>
    %get3A_640 = arith.constant 11 : index
    %get3A_641 = arith.constant 0 : index
    %get3A_642 = arith.constant 0 : index
    %get3A_643 = vector.load %arg6[%get3A_640, %get3A_641, %get3A_642] : memref<16x64x1xf32, #tpu.memory_space<vmem>>, vector<1x64x1xf32>
    %get3A_644 = vector.shape_cast %get3A_643 : vector<1x64x1xf32> to vector<64x1xf32>
    %slice3A_645 = vector.extract_strided_slice %get3A_635 {offsets = [0, 0], sizes = [64, 256], strides = [1, 1]} : vector<64x768xf32> to vector<64x256xf32>
    %slice3A_646 = vector.extract_strided_slice %add3A_639 {offsets = [0, 0], sizes = [64, 256], strides = [1, 1]} : vector<64x768xf32> to vector<64x256xf32>
    %add3A_647 = arith.addf %slice3A_645, %slice3A_646 : vector<64x256xf32>
    %neg3A_648 = arith.constant 0.000000e+00 : f32
    %neg3A_649 = vector.broadcast %neg3A_648 : f32 to vector<64x256xf32>
    %neg3A_650 = arith.subf %neg3A_649, %add3A_647 : vector<64x256xf32>
    %exp3A_651 = math.exp %neg3A_650 : vector<64x256xf32>
    %add3A_652 = arith.constant 1.000000e+00 : f32
    %add3A_653 = vector.broadcast %add3A_652 : f32 to vector<64x256xf32>
    %add3A_654 = arith.addf %add3A_653, %exp3A_651 : vector<64x256xf32>
    %div3A_655 = arith.constant 1.000000e+00 : f32
    %div3A_656 = vector.broadcast %div3A_655 : f32 to vector<64x256xf32>
    %div3A_657 = arith.divf %div3A_656, %add3A_654 : vector<64x256xf32>
    %slice3A_658 = vector.extract_strided_slice %get3A_635 {offsets = [0, 256], sizes = [64, 256], strides = [1, 1]} : vector<64x768xf32> to vector<64x256xf32>
    %slice3A_659 = vector.extract_strided_slice %add3A_639 {offsets = [0, 256], sizes = [64, 256], strides = [1, 1]} : vector<64x768xf32> to vector<64x256xf32>
    %add3A_660 = arith.addf %slice3A_658, %slice3A_659 : vector<64x256xf32>
    %neg3A_661 = arith.constant 0.000000e+00 : f32
    %neg3A_662 = vector.broadcast %neg3A_661 : f32 to vector<64x256xf32>
    %neg3A_663 = arith.subf %neg3A_662, %add3A_660 : vector<64x256xf32>
    %exp3A_664 = math.exp %neg3A_663 : vector<64x256xf32>
    %add3A_665 = arith.constant 1.000000e+00 : f32
    %add3A_666 = vector.broadcast %add3A_665 : f32 to vector<64x256xf32>
    %add3A_667 = arith.addf %add3A_666, %exp3A_664 : vector<64x256xf32>
    %div3A_668 = arith.constant 1.000000e+00 : f32
    %div3A_669 = vector.broadcast %div3A_668 : f32 to vector<64x256xf32>
    %div3A_670 = arith.divf %div3A_669, %add3A_667 : vector<64x256xf32>
    %slice3A_671 = vector.extract_strided_slice %get3A_635 {offsets = [0, 512], sizes = [64, 256], strides = [1, 1]} : vector<64x768xf32> to vector<64x256xf32>
    %slice3A_672 = vector.extract_strided_slice %add3A_639 {offsets = [0, 512], sizes = [64, 256], strides = [1, 1]} : vector<64x768xf32> to vector<64x256xf32>
    %mul3A_673 = arith.mulf %div3A_670, %slice3A_672 : vector<64x256xf32>
    %add3A_674 = arith.addf %slice3A_671, %mul3A_673 : vector<64x256xf32>
    %tanh3A_675 = math.tanh %add3A_674 : vector<64x256xf32>
    %mul3A_676 = arith.mulf %div3A_657, %add3A_563 : vector<64x256xf32>
    %sub3A_677 = arith.constant 1.000000e+00 : f32
    %sub3A_678 = vector.broadcast %sub3A_677 : f32 to vector<64x256xf32>
    %sub3A_679 = arith.subf %sub3A_678, %div3A_657 : vector<64x256xf32>
    %mul3A_680 = arith.mulf %sub3A_679, %tanh3A_675 : vector<64x256xf32>
    %add3A_681 = arith.addf %mul3A_676, %mul3A_680 : vector<64x256xf32>
    %mul3A_682 = vector.broadcast %get3A_644 : vector<64x1xf32> to vector<64x256xf32>
    %mul3A_683 = arith.mulf %mul3A_682, %add3A_681 : vector<64x256xf32>
    %sub3A_684 = arith.constant 1.000000e+00 : f32
    %sub3A_685 = vector.broadcast %sub3A_684 : f32 to vector<64x1xf32>
    %sub3A_686 = arith.subf %sub3A_685, %get3A_644 : vector<64x1xf32>
    %mul3A_687 = vector.broadcast %sub3A_686 : vector<64x1xf32> to vector<64x256xf32>
    %mul3A_688 = arith.mulf %mul3A_687, %add3A_563 : vector<64x256xf32>
    %add3A_689 = arith.addf %mul3A_683, %mul3A_688 : vector<64x256xf32>
    %swap3A_690 = arith.constant 0 : index
    %swap3A_691 = arith.constant 11 : index
    %swap3A_692 = arith.constant 0 : index
    %swap3A_693 = vector.load %arg20[%swap3A_690, %swap3A_691, %swap3A_692] : memref<64x16x256xf32, #tpu.memory_space<vmem>>, vector<64x1x256xf32>
    %swap3A_694 = vector.shape_cast %swap3A_693 : vector<64x1x256xf32> to vector<64x256xf32>
    %swap3A_695 = vector.shape_cast %add3A_689 : vector<64x256xf32> to vector<64x1x256xf32>
    tpu.vector_store %arg20[%swap3A_690, %swap3A_691, %swap3A_692], %swap3A_695 {strides = array<i32>} : memref<64x16x256xf32, #tpu.memory_space<vmem>>, vector<64x1x256xf32>,
    %get3A_696 = arith.constant 320 : index
    %get3A_697 = arith.constant 0 : index
    %get3A_698 = vector.load %arg25[%get3A_696, %get3A_697] : memref<1024x768xf32, #tpu.memory_space<vmem>>, vector<64x768xf32>
    %dot_general3A_699 = arith.constant dense<0.000000e+00> : vector<64x768xf32>
    %dot_general3A_700 = tpu.matmul %add3A_626, %get3A_63, %dot_general3A_699 {dimension_numbers = #tpu.dot_dimension_numbers<[1], [0], [0], [1], [0, 0, 1, 1], [], []>, transpose_lhs_hint = false} : vector<64x256xf32>, vector<256x768xf32>, vector<64x768xf32> -> vector<64x768xf32>
    %add3A_701 = vector.broadcast %get3A_69 : vector<1x768xf32> to vector<64x768xf32>
    %add3A_702 = arith.addf %dot_general3A_700, %add3A_701 : vector<64x768xf32>
    %get3A_703 = arith.constant 5 : index
    %get3A_704 = arith.constant 0 : index
    %get3A_705 = arith.constant 0 : index
    %get3A_706 = vector.load %arg5[%get3A_703, %get3A_704, %get3A_705] : memref<16x64x1xf32, #tpu.memory_space<vmem>>, vector<1x64x1xf32>
    %get3A_707 = vector.shape_cast %get3A_706 : vector<1x64x1xf32> to vector<64x1xf32>
    %slice3A_708 = vector.extract_strided_slice %get3A_698 {offsets = [0, 0], sizes = [64, 256], strides = [1, 1]} : vector<64x768xf32> to vector<64x256xf32>
    %slice3A_709 = vector.extract_strided_slice %add3A_702 {offsets = [0, 0], sizes = [64, 256], strides = [1, 1]} : vector<64x768xf32> to vector<64x256xf32>
    %add3A_710 = arith.addf %slice3A_708, %slice3A_709 : vector<64x256xf32>
    %neg3A_711 = arith.constant 0.000000e+00 : f32
    %neg3A_712 = vector.broadcast %neg3A_711 : f32 to vector<64x256xf32>
    %neg3A_713 = arith.subf %neg3A_712, %add3A_710 : vector<64x256xf32>
    %exp3A_714 = math.exp %neg3A_713 : vector<64x256xf32>
    %add3A_715 = arith.constant 1.000000e+00 : f32
    %add3A_716 = vector.broadcast %add3A_715 : f32 to vector<64x256xf32>
    %add3A_717 = arith.addf %add3A_716, %exp3A_714 : vector<64x256xf32>
    %div3A_718 = arith.constant 1.000000e+00 : f32
    %div3A_719 = vector.broadcast %div3A_718 : f32 to vector<64x256xf32>
    %div3A_720 = arith.divf %div3A_719, %add3A_717 : vector<64x256xf32>
    %slice3A_721 = vector.extract_strided_slice %get3A_698 {offsets = [0, 256], sizes = [64, 256], strides = [1, 1]} : vector<64x768xf32> to vector<64x256xf32>
    %slice3A_722 = vector.extract_strided_slice %add3A_702 {offsets = [0, 256], sizes = [64, 256], strides = [1, 1]} : vector<64x768xf32> to vector<64x256xf32>
    %add3A_723 = arith.addf %slice3A_721, %slice3A_722 : vector<64x256xf32>
    %neg3A_724 = arith.constant 0.000000e+00 : f32
    %neg3A_725 = vector.broadcast %neg3A_724 : f32 to vector<64x256xf32>
    %neg3A_726 = arith.subf %neg3A_725, %add3A_723 : vector<64x256xf32>
    %exp3A_727 = math.exp %neg3A_726 : vector<64x256xf32>
    %add3A_728 = arith.constant 1.000000e+00 : f32
    %add3A_729 = vector.broadcast %add3A_728 : f32 to vector<64x256xf32>
    %add3A_730 = arith.addf %add3A_729, %exp3A_727 : vector<64x256xf32>
    %div3A_731 = arith.constant 1.000000e+00 : f32
    %div3A_732 = vector.broadcast %div3A_731 : f32 to vector<64x256xf32>
    %div3A_733 = arith.divf %div3A_732, %add3A_730 : vector<64x256xf32>
    %slice3A_734 = vector.extract_strided_slice %get3A_698 {offsets = [0, 512], sizes = [64, 256], strides = [1, 1]} : vector<64x768xf32> to vector<64x256xf32>
    %slice3A_735 = vector.extract_strided_slice %add3A_702 {offsets = [0, 512], sizes = [64, 256], strides = [1, 1]} : vector<64x768xf32> to vector<64x256xf32>
    %mul3A_736 = arith.mulf %div3A_733, %slice3A_735 : vector<64x256xf32>
    %add3A_737 = arith.addf %slice3A_734, %mul3A_736 : vector<64x256xf32>
    %tanh3A_738 = math.tanh %add3A_737 : vector<64x256xf32>
    %mul3A_739 = arith.mulf %div3A_720, %add3A_626 : vector<64x256xf32>
    %sub3A_740 = arith.constant 1.000000e+00 : f32
    %sub3A_741 = vector.broadcast %sub3A_740 : f32 to vector<64x256xf32>
    %sub3A_742 = arith.subf %sub3A_741, %div3A_720 : vector<64x256xf32>
    %mul3A_743 = arith.mulf %sub3A_742, %tanh3A_738 : vector<64x256xf32>
    %add3A_744 = arith.addf %mul3A_739, %mul3A_743 : vector<64x256xf32>
    %mul3A_745 = vector.broadcast %get3A_707 : vector<64x1xf32> to vector<64x256xf32>
    %mul3A_746 = arith.mulf %mul3A_745, %add3A_744 : vector<64x256xf32>
    %sub3A_747 = arith.constant 1.000000e+00 : f32
    %sub3A_748 = vector.broadcast %sub3A_747 : f32 to vector<64x1xf32>
    %sub3A_749 = arith.subf %sub3A_748, %get3A_707 : vector<64x1xf32>
    %mul3A_750 = vector.broadcast %sub3A_749 : vector<64x1xf32> to vector<64x256xf32>
    %mul3A_751 = arith.mulf %mul3A_750, %add3A_626 : vector<64x256xf32>
    %add3A_752 = arith.addf %mul3A_746, %mul3A_751 : vector<64x256xf32>
    %swap3A_753 = arith.constant 0 : index
    %swap3A_754 = arith.constant 5 : index
    %swap3A_755 = arith.constant 0 : index
    %swap3A_756 = vector.load %arg19[%swap3A_753, %swap3A_754, %swap3A_755] : memref<64x16x256xf32, #tpu.memory_space<vmem>>, vector<64x1x256xf32>
    %swap3A_757 = vector.shape_cast %swap3A_756 : vector<64x1x256xf32> to vector<64x256xf32>
    %swap3A_758 = vector.shape_cast %add3A_752 : vector<64x256xf32> to vector<64x1x256xf32>
    tpu.vector_store %arg19[%swap3A_753, %swap3A_754, %swap3A_755], %swap3A_758 {strides = array<i32>} : memref<64x16x256xf32, #tpu.memory_space<vmem>>, vector<64x1x256xf32>,
    %get3A_759 = arith.constant 640 : index
    %get3A_760 = arith.constant 0 : index
    %get3A_761 = vector.load %arg26[%get3A_759, %get3A_760] : memref<1024x768xf32, #tpu.memory_space<vmem>>, vector<64x768xf32>
    %dot_general3A_762 = arith.constant dense<0.000000e+00> : vector<64x768xf32>
    %dot_general3A_763 = tpu.matmul %add3A_689, %get3A_66, %dot_general3A_762 {dimension_numbers = #tpu.dot_dimension_numbers<[1], [0], [0], [1], [0, 0, 1, 1], [], []>, transpose_lhs_hint = false} : vector<64x256xf32>, vector<256x768xf32>, vector<64x768xf32> -> vector<64x768xf32>
    %add3A_764 = vector.broadcast %get3A_72 : vector<1x768xf32> to vector<64x768xf32>
    %add3A_765 = arith.addf %dot_general3A_763, %add3A_764 : vector<64x768xf32>
    %get3A_766 = arith.constant 10 : index
    %get3A_767 = arith.constant 0 : index
    %get3A_768 = arith.constant 0 : index
    %get3A_769 = vector.load %arg6[%get3A_766, %get3A_767, %get3A_768] : memref<16x64x1xf32, #tpu.memory_space<vmem>>, vector<1x64x1xf32>
    %get3A_770 = vector.shape_cast %get3A_769 : vector<1x64x1xf32> to vector<64x1xf32>
    %slice3A_771 = vector.extract_strided_slice %get3A_761 {offsets = [0, 0], sizes = [64, 256], strides = [1, 1]} : vector<64x768xf32> to vector<64x256xf32>
    %slice3A_772 = vector.extract_strided_slice %add3A_765 {offsets = [0, 0], sizes = [64, 256], strides = [1, 1]} : vector<64x768xf32> to vector<64x256xf32>
    %add3A_773 = arith.addf %slice3A_771, %slice3A_772 : vector<64x256xf32>
    %neg3A_774 = arith.constant 0.000000e+00 : f32
    %neg3A_775 = vector.broadcast %neg3A_774 : f32 to vector<64x256xf32>
    %neg3A_776 = arith.subf %neg3A_775, %add3A_773 : vector<64x256xf32>
    %exp3A_777 = math.exp %neg3A_776 : vector<64x256xf32>
    %add3A_778 = arith.constant 1.000000e+00 : f32
    %add3A_779 = vector.broadcast %add3A_778 : f32 to vector<64x256xf32>
    %add3A_780 = arith.addf %add3A_779, %exp3A_777 : vector<64x256xf32>
    %div3A_781 = arith.constant 1.000000e+00 : f32
    %div3A_782 = vector.broadcast %div3A_781 : f32 to vector<64x256xf32>
    %div3A_783 = arith.divf %div3A_782, %add3A_780 : vector<64x256xf32>
    %slice3A_784 = vector.extract_strided_slice %get3A_761 {offsets = [0, 256], sizes = [64, 256], strides = [1, 1]} : vector<64x768xf32> to vector<64x256xf32>
    %slice3A_785 = vector.extract_strided_slice %add3A_765 {offsets = [0, 256], sizes = [64, 256], strides = [1, 1]} : vector<64x768xf32> to vector<64x256xf32>
    %add3A_786 = arith.addf %slice3A_784, %slice3A_785 : vector<64x256xf32>
    %neg3A_787 = arith.constant 0.000000e+00 : f32
    %neg3A_788 = vector.broadcast %neg3A_787 : f32 to vector<64x256xf32>
    %neg3A_789 = arith.subf %neg3A_788, %add3A_786 : vector<64x256xf32>
    %exp3A_790 = math.exp %neg3A_789 : vector<64x256xf32>
    %add3A_791 = arith.constant 1.000000e+00 : f32
    %add3A_792 = vector.broadcast %add3A_791 : f32 to vector<64x256xf32>
    %add3A_793 = arith.addf %add3A_792, %exp3A_790 : vector<64x256xf32>
    %div3A_794 = arith.constant 1.000000e+00 : f32
    %div3A_795 = vector.broadcast %div3A_794 : f32 to vector<64x256xf32>
    %div3A_796 = arith.divf %div3A_795, %add3A_793 : vector<64x256xf32>
    %slice3A_797 = vector.extract_strided_slice %get3A_761 {offsets = [0, 512], sizes = [64, 256], strides = [1, 1]} : vector<64x768xf32> to vector<64x256xf32>
    %slice3A_798 = vector.extract_strided_slice %add3A_765 {offsets = [0, 512], sizes = [64, 256], strides = [1, 1]} : vector<64x768xf32> to vector<64x256xf32>
    %mul3A_799 = arith.mulf %div3A_796, %slice3A_798 : vector<64x256xf32>
    %add3A_800 = arith.addf %slice3A_797, %mul3A_799 : vector<64x256xf32>
    %tanh3A_801 = math.tanh %add3A_800 : vector<64x256xf32>
    %mul3A_802 = arith.mulf %div3A_783, %add3A_689 : vector<64x256xf32>
    %sub3A_803 = arith.constant 1.000000e+00 : f32
    %sub3A_804 = vector.broadcast %sub3A_803 : f32 to vector<64x256xf32>
    %sub3A_805 = arith.subf %sub3A_804, %div3A_783 : vector<64x256xf32>
    %mul3A_806 = arith.mulf %sub3A_805, %tanh3A_801 : vector<64x256xf32>
    %add3A_807 = arith.addf %mul3A_802, %mul3A_806 : vector<64x256xf32>
    %mul3A_808 = vector.broadcast %get3A_770 : vector<64x1xf32> to vector<64x256xf32>
    %mul3A_809 = arith.mulf %mul3A_808, %add3A_807 : vector<64x256xf32>
    %sub3A_810 = arith.constant 1.000000e+00 : f32
    %sub3A_811 = vector.broadcast %sub3A_810 : f32 to vector<64x1xf32>
    %sub3A_812 = arith.subf %sub3A_811, %get3A_770 : vector<64x1xf32>
    %mul3A_813 = vector.broadcast %sub3A_812 : vector<64x1xf32> to vector<64x256xf32>
    %mul3A_814 = arith.mulf %mul3A_813, %add3A_689 : vector<64x256xf32>
    %add3A_815 = arith.addf %mul3A_809, %mul3A_814 : vector<64x256xf32>
    %swap3A_816 = arith.constant 0 : index
    %swap3A_817 = arith.constant 10 : index
    %swap3A_818 = arith.constant 0 : index
    %swap3A_819 = vector.load %arg20[%swap3A_816, %swap3A_817, %swap3A_818] : memref<64x16x256xf32, #tpu.memory_space<vmem>>, vector<64x1x256xf32>
    %swap3A_820 = vector.shape_cast %swap3A_819 : vector<64x1x256xf32> to vector<64x256xf32>
    %swap3A_821 = vector.shape_cast %add3A_815 : vector<64x256xf32> to vector<64x1x256xf32>
    tpu.vector_store %arg20[%swap3A_816, %swap3A_817, %swap3A_818], %swap3A_821 {strides = array<i32>} : memref<64x16x256xf32, #tpu.memory_space<vmem>>, vector<64x1x256xf32>,
    %get3A_822 = arith.constant 384 : index
    %get3A_823 = arith.constant 0 : index
    %get3A_824 = vector.load %arg25[%get3A_822, %get3A_823] : memref<1024x768xf32, #tpu.memory_space<vmem>>, vector<64x768xf32>
    %dot_general3A_825 = arith.constant dense<0.000000e+00> : vector<64x768xf32>
    %dot_general3A_826 = tpu.matmul %add3A_752, %get3A_63, %dot_general3A_825 {dimension_numbers = #tpu.dot_dimension_numbers<[1], [0], [0], [1], [0, 0, 1, 1], [], []>, transpose_lhs_hint = false} : vector<64x256xf32>, vector<256x768xf32>, vector<64x768xf32> -> vector<64x768xf32>
    %add3A_827 = vector.broadcast %get3A_69 : vector<1x768xf32> to vector<64x768xf32>
    %add3A_828 = arith.addf %dot_general3A_826, %add3A_827 : vector<64x768xf32>
    %get3A_829 = arith.constant 6 : index
    %get3A_830 = arith.constant 0 : index
    %get3A_831 = arith.constant 0 : index
    %get3A_832 = vector.load %arg5[%get3A_829, %get3A_830, %get3A_831] : memref<16x64x1xf32, #tpu.memory_space<vmem>>, vector<1x64x1xf32>
    %get3A_833 = vector.shape_cast %get3A_832 : vector<1x64x1xf32> to vector<64x1xf32>
    %slice3A_834 = vector.extract_strided_slice %get3A_824 {offsets = [0, 0], sizes = [64, 256], strides = [1, 1]} : vector<64x768xf32> to vector<64x256xf32>
    %slice3A_835 = vector.extract_strided_slice %add3A_828 {offsets = [0, 0], sizes = [64, 256], strides = [1, 1]} : vector<64x768xf32> to vector<64x256xf32>
    %add3A_836 = arith.addf %slice3A_834, %slice3A_835 : vector<64x256xf32>
    %neg3A_837 = arith.constant 0.000000e+00 : f32
    %neg3A_838 = vector.broadcast %neg3A_837 : f32 to vector<64x256xf32>
    %neg3A_839 = arith.subf %neg3A_838, %add3A_836 : vector<64x256xf32>
    %exp3A_840 = math.exp %neg3A_839 : vector<64x256xf32>
    %add3A_841 = arith.constant 1.000000e+00 : f32
    %add3A_842 = vector.broadcast %add3A_841 : f32 to vector<64x256xf32>
    %add3A_843 = arith.addf %add3A_842, %exp3A_840 : vector<64x256xf32>
    %div3A_844 = arith.constant 1.000000e+00 : f32
    %div3A_845 = vector.broadcast %div3A_844 : f32 to vector<64x256xf32>
    %div3A_846 = arith.divf %div3A_845, %add3A_843 : vector<64x256xf32>
    %slice3A_847 = vector.extract_strided_slice %get3A_824 {offsets = [0, 256], sizes = [64, 256], strides = [1, 1]} : vector<64x768xf32> to vector<64x256xf32>
    %slice3A_848 = vector.extract_strided_slice %add3A_828 {offsets = [0, 256], sizes = [64, 256], strides = [1, 1]} : vector<64x768xf32> to vector<64x256xf32>
    %add3A_849 = arith.addf %slice3A_847, %slice3A_848 : vector<64x256xf32>
    %neg3A_850 = arith.constant 0.000000e+00 : f32
    %neg3A_851 = vector.broadcast %neg3A_850 : f32 to vector<64x256xf32>
    %neg3A_852 = arith.subf %neg3A_851, %add3A_849 : vector<64x256xf32>
    %exp3A_853 = math.exp %neg3A_852 : vector<64x256xf32>
    %add3A_854 = arith.constant 1.000000e+00 : f32
    %add3A_855 = vector.broadcast %add3A_854 : f32 to vector<64x256xf32>
    %add3A_856 = arith.addf %add3A_855, %exp3A_853 : vector<64x256xf32>
    %div3A_857 = arith.constant 1.000000e+00 : f32
    %div3A_858 = vector.broadcast %div3A_857 : f32 to vector<64x256xf32>
    %div3A_859 = arith.divf %div3A_858, %add3A_856 : vector<64x256xf32>
    %slice3A_860 = vector.extract_strided_slice %get3A_824 {offsets = [0, 512], sizes = [64, 256], strides = [1, 1]} : vector<64x768xf32> to vector<64x256xf32>
    %slice3A_861 = vector.extract_strided_slice %add3A_828 {offsets = [0, 512], sizes = [64, 256], strides = [1, 1]} : vector<64x768xf32> to vector<64x256xf32>
    %mul3A_862 = arith.mulf %div3A_859, %slice3A_861 : vector<64x256xf32>
    %add3A_863 = arith.addf %slice3A_860, %mul3A_862 : vector<64x256xf32>
    %tanh3A_864 = math.tanh %add3A_863 : vector<64x256xf32>
    %mul3A_865 = arith.mulf %div3A_846, %add3A_752 : vector<64x256xf32>
    %sub3A_866 = arith.constant 1.000000e+00 : f32
    %sub3A_867 = vector.broadcast %sub3A_866 : f32 to vector<64x256xf32>
    %sub3A_868 = arith.subf %sub3A_867, %div3A_846 : vector<64x256xf32>
    %mul3A_869 = arith.mulf %sub3A_868, %tanh3A_864 : vector<64x256xf32>
    %add3A_870 = arith.addf %mul3A_865, %mul3A_869 : vector<64x256xf32>
    %mul3A_871 = vector.broadcast %get3A_833 : vector<64x1xf32> to vector<64x256xf32>
    %mul3A_872 = arith.mulf %mul3A_871, %add3A_870 : vector<64x256xf32>
    %sub3A_873 = arith.constant 1.000000e+00 : f32
    %sub3A_874 = vector.broadcast %sub3A_873 : f32 to vector<64x1xf32>
    %sub3A_875 = arith.subf %sub3A_874, %get3A_833 : vector<64x1xf32>
    %mul3A_876 = vector.broadcast %sub3A_875 : vector<64x1xf32> to vector<64x256xf32>
    %mul3A_877 = arith.mulf %mul3A_876, %add3A_752 : vector<64x256xf32>
    %add3A_878 = arith.addf %mul3A_872, %mul3A_877 : vector<64x256xf32>
    %swap3A_879 = arith.constant 0 : index
    %swap3A_880 = arith.constant 6 : index
    %swap3A_881 = arith.constant 0 : index
    %swap3A_882 = vector.load %arg19[%swap3A_879, %swap3A_880, %swap3A_881] : memref<64x16x256xf32, #tpu.memory_space<vmem>>, vector<64x1x256xf32>
    %swap3A_883 = vector.shape_cast %swap3A_882 : vector<64x1x256xf32> to vector<64x256xf32>
    %swap3A_884 = vector.shape_cast %add3A_878 : vector<64x256xf32> to vector<64x1x256xf32>
    tpu.vector_store %arg19[%swap3A_879, %swap3A_880, %swap3A_881], %swap3A_884 {strides = array<i32>} : memref<64x16x256xf32, #tpu.memory_space<vmem>>, vector<64x1x256xf32>,
    %get3A_885 = arith.constant 576 : index
    %get3A_886 = arith.constant 0 : index
    %get3A_887 = vector.load %arg26[%get3A_885, %get3A_886] : memref<1024x768xf32, #tpu.memory_space<vmem>>, vector<64x768xf32>
    %dot_general3A_888 = arith.constant dense<0.000000e+00> : vector<64x768xf32>
    %dot_general3A_889 = tpu.matmul %add3A_815, %get3A_66, %dot_general3A_888 {dimension_numbers = #tpu.dot_dimension_numbers<[1], [0], [0], [1], [0, 0, 1, 1], [], []>, transpose_lhs_hint = false} : vector<64x256xf32>, vector<256x768xf32>, vector<64x768xf32> -> vector<64x768xf32>
    %add3A_890 = vector.broadcast %get3A_72 : vector<1x768xf32> to vector<64x768xf32>
    %add3A_891 = arith.addf %dot_general3A_889, %add3A_890 : vector<64x768xf32>
    %get3A_892 = arith.constant 9 : index
    %get3A_893 = arith.constant 0 : index
    %get3A_894 = arith.constant 0 : index
    %get3A_895 = vector.load %arg6[%get3A_892, %get3A_893, %get3A_894] : memref<16x64x1xf32, #tpu.memory_space<vmem>>, vector<1x64x1xf32>
    %get3A_896 = vector.shape_cast %get3A_895 : vector<1x64x1xf32> to vector<64x1xf32>
    %slice3A_897 = vector.extract_strided_slice %get3A_887 {offsets = [0, 0], sizes = [64, 256], strides = [1, 1]} : vector<64x768xf32> to vector<64x256xf32>
    %slice3A_898 = vector.extract_strided_slice %add3A_891 {offsets = [0, 0], sizes = [64, 256], strides = [1, 1]} : vector<64x768xf32> to vector<64x256xf32>
    %add3A_899 = arith.addf %slice3A_897, %slice3A_898 : vector<64x256xf32>
    %neg3A_900 = arith.constant 0.000000e+00 : f32
    %neg3A_901 = vector.broadcast %neg3A_900 : f32 to vector<64x256xf32>
    %neg3A_902 = arith.subf %neg3A_901, %add3A_899 : vector<64x256xf32>
    %exp3A_903 = math.exp %neg3A_902 : vector<64x256xf32>
    %add3A_904 = arith.constant 1.000000e+00 : f32
    %add3A_905 = vector.broadcast %add3A_904 : f32 to vector<64x256xf32>
    %add3A_906 = arith.addf %add3A_905, %exp3A_903 : vector<64x256xf32>
    %div3A_907 = arith.constant 1.000000e+00 : f32
    %div3A_908 = vector.broadcast %div3A_907 : f32 to vector<64x256xf32>
    %div3A_909 = arith.divf %div3A_908, %add3A_906 : vector<64x256xf32>
    %slice3A_910 = vector.extract_strided_slice %get3A_887 {offsets = [0, 256], sizes = [64, 256], strides = [1, 1]} : vector<64x768xf32> to vector<64x256xf32>
    %slice3A_911 = vector.extract_strided_slice %add3A_891 {offsets = [0, 256], sizes = [64, 256], strides = [1, 1]} : vector<64x768xf32> to vector<64x256xf32>
    %add3A_912 = arith.addf %slice3A_910, %slice3A_911 : vector<64x256xf32>
    %neg3A_913 = arith.constant 0.000000e+00 : f32
    %neg3A_914 = vector.broadcast %neg3A_913 : f32 to vector<64x256xf32>
    %neg3A_915 = arith.subf %neg3A_914, %add3A_912 : vector<64x256xf32>
    %exp3A_916 = math.exp %neg3A_915 : vector<64x256xf32>
    %add3A_917 = arith.constant 1.000000e+00 : f32
    %add3A_918 = vector.broadcast %add3A_917 : f32 to vector<64x256xf32>
    %add3A_919 = arith.addf %add3A_918, %exp3A_916 : vector<64x256xf32>
    %div3A_920 = arith.constant 1.000000e+00 : f32
    %div3A_921 = vector.broadcast %div3A_920 : f32 to vector<64x256xf32>
    %div3A_922 = arith.divf %div3A_921, %add3A_919 : vector<64x256xf32>
    %slice3A_923 = vector.extract_strided_slice %get3A_887 {offsets = [0, 512], sizes = [64, 256], strides = [1, 1]} : vector<64x768xf32> to vector<64x256xf32>
    %slice3A_924 = vector.extract_strided_slice %add3A_891 {offsets = [0, 512], sizes = [64, 256], strides = [1, 1]} : vector<64x768xf32> to vector<64x256xf32>
    %mul3A_925 = arith.mulf %div3A_922, %slice3A_924 : vector<64x256xf32>
    %add3A_926 = arith.addf %slice3A_923, %mul3A_925 : vector<64x256xf32>
    %tanh3A_927 = math.tanh %add3A_926 : vector<64x256xf32>
    %mul3A_928 = arith.mulf %div3A_909, %add3A_815 : vector<64x256xf32>
    %sub3A_929 = arith.constant 1.000000e+00 : f32
    %sub3A_930 = vector.broadcast %sub3A_929 : f32 to vector<64x256xf32>
    %sub3A_931 = arith.subf %sub3A_930, %div3A_909 : vector<64x256xf32>
    %mul3A_932 = arith.mulf %sub3A_931, %tanh3A_927 : vector<64x256xf32>
    %add3A_933 = arith.addf %mul3A_928, %mul3A_932 : vector<64x256xf32>
    %mul3A_934 = vector.broadcast %get3A_896 : vector<64x1xf32> to vector<64x256xf32>
    %mul3A_935 = arith.mulf %mul3A_934, %add3A_933 : vector<64x256xf32>
    %sub3A_936 = arith.constant 1.000000e+00 : f32
    %sub3A_937 = vector.broadcast %sub3A_936 : f32 to vector<64x1xf32>
    %sub3A_938 = arith.subf %sub3A_937, %get3A_896 : vector<64x1xf32>
    %mul3A_939 = vector.broadcast %sub3A_938 : vector<64x1xf32> to vector<64x256xf32>
    %mul3A_940 = arith.mulf %mul3A_939, %add3A_815 : vector<64x256xf32>
    %add3A_941 = arith.addf %mul3A_935, %mul3A_940 : vector<64x256xf32>
    %swap3A_942 = arith.constant 0 : index
    %swap3A_943 = arith.constant 9 : index
    %swap3A_944 = arith.constant 0 : index
    %swap3A_945 = vector.load %arg20[%swap3A_942, %swap3A_943, %swap3A_944] : memref<64x16x256xf32, #tpu.memory_space<vmem>>, vector<64x1x256xf32>
    %swap3A_946 = vector.shape_cast %swap3A_945 : vector<64x1x256xf32> to vector<64x256xf32>
    %swap3A_947 = vector.shape_cast %add3A_941 : vector<64x256xf32> to vector<64x1x256xf32>
    tpu.vector_store %arg20[%swap3A_942, %swap3A_943, %swap3A_944], %swap3A_947 {strides = array<i32>} : memref<64x16x256xf32, #tpu.memory_space<vmem>>, vector<64x1x256xf32>,
    %get3A_948 = arith.constant 448 : index
    %get3A_949 = arith.constant 0 : index
    %get3A_950 = vector.load %arg25[%get3A_948, %get3A_949] : memref<1024x768xf32, #tpu.memory_space<vmem>>, vector<64x768xf32>
    %dot_general3A_951 = arith.constant dense<0.000000e+00> : vector<64x768xf32>
    %dot_general3A_952 = tpu.matmul %add3A_878, %get3A_63, %dot_general3A_951 {dimension_numbers = #tpu.dot_dimension_numbers<[1], [0], [0], [1], [0, 0, 1, 1], [], []>, transpose_lhs_hint = false} : vector<64x256xf32>, vector<256x768xf32>, vector<64x768xf32> -> vector<64x768xf32>
    %add3A_953 = vector.broadcast %get3A_69 : vector<1x768xf32> to vector<64x768xf32>
    %add3A_954 = arith.addf %dot_general3A_952, %add3A_953 : vector<64x768xf32>
    %get3A_955 = arith.constant 7 : index
    %get3A_956 = arith.constant 0 : index
    %get3A_957 = arith.constant 0 : index
    %get3A_958 = vector.load %arg5[%get3A_955, %get3A_956, %get3A_957] : memref<16x64x1xf32, #tpu.memory_space<vmem>>, vector<1x64x1xf32>
    %get3A_959 = vector.shape_cast %get3A_958 : vector<1x64x1xf32> to vector<64x1xf32>
    %slice3A_960 = vector.extract_strided_slice %get3A_950 {offsets = [0, 0], sizes = [64, 256], strides = [1, 1]} : vector<64x768xf32> to vector<64x256xf32>
    %slice3A_961 = vector.extract_strided_slice %add3A_954 {offsets = [0, 0], sizes = [64, 256], strides = [1, 1]} : vector<64x768xf32> to vector<64x256xf32>
    %add3A_962 = arith.addf %slice3A_960, %slice3A_961 : vector<64x256xf32>
    %neg3A_963 = arith.constant 0.000000e+00 : f32
    %neg3A_964 = vector.broadcast %neg3A_963 : f32 to vector<64x256xf32>
    %neg3A_965 = arith.subf %neg3A_964, %add3A_962 : vector<64x256xf32>
    %exp3A_966 = math.exp %neg3A_965 : vector<64x256xf32>
    %add3A_967 = arith.constant 1.000000e+00 : f32
    %add3A_968 = vector.broadcast %add3A_967 : f32 to vector<64x256xf32>
    %add3A_969 = arith.addf %add3A_968, %exp3A_966 : vector<64x256xf32>
    %div3A_970 = arith.constant 1.000000e+00 : f32
    %div3A_971 = vector.broadcast %div3A_970 : f32 to vector<64x256xf32>
    %div3A_972 = arith.divf %div3A_971, %add3A_969 : vector<64x256xf32>
    %slice3A_973 = vector.extract_strided_slice %get3A_950 {offsets = [0, 256], sizes = [64, 256], strides = [1, 1]} : vector<64x768xf32> to vector<64x256xf32>
    %slice3A_974 = vector.extract_strided_slice %add3A_954 {offsets = [0, 256], sizes = [64, 256], strides = [1, 1]} : vector<64x768xf32> to vector<64x256xf32>
    %add3A_975 = arith.addf %slice3A_973, %slice3A_974 : vector<64x256xf32>
    %neg3A_976 = arith.constant 0.000000e+00 : f32
    %neg3A_977 = vector.broadcast %neg3A_976 : f32 to vector<64x256xf32>
    %neg3A_978 = arith.subf %neg3A_977, %add3A_975 : vector<64x256xf32>
    %exp3A_979 = math.exp %neg3A_978 : vector<64x256xf32>
    %add3A_980 = arith.constant 1.000000e+00 : f32
    %add3A_981 = vector.broadcast %add3A_980 : f32 to vector<64x256xf32>
    %add3A_982 = arith.addf %add3A_981, %exp3A_979 : vector<64x256xf32>
    %div3A_983 = arith.constant 1.000000e+00 : f32
    %div3A_984 = vector.broadcast %div3A_983 : f32 to vector<64x256xf32>
    %div3A_985 = arith.divf %div3A_984, %add3A_982 : vector<64x256xf32>
    %slice3A_986 = vector.extract_strided_slice %get3A_950 {offsets = [0, 512], sizes = [64, 256], strides = [1, 1]} : vector<64x768xf32> to vector<64x256xf32>
    %slice3A_987 = vector.extract_strided_slice %add3A_954 {offsets = [0, 512], sizes = [64, 256], strides = [1, 1]} : vector<64x768xf32> to vector<64x256xf32>
    %mul3A_988 = arith.mulf %div3A_985, %slice3A_987 : vector<64x256xf32>
    %add3A_989 = arith.addf %slice3A_986, %mul3A_988 : vector<64x256xf32>
    %tanh3A_990 = math.tanh %add3A_989 : vector<64x256xf32>
    %mul3A_991 = arith.mulf %div3A_972, %add3A_878 : vector<64x256xf32>
    %sub3A_992 = arith.constant 1.000000e+00 : f32
    %sub3A_993 = vector.broadcast %sub3A_992 : f32 to vector<64x256xf32>
    %sub3A_994 = arith.subf %sub3A_993, %div3A_972 : vector<64x256xf32>
    %mul3A_995 = arith.mulf %sub3A_994, %tanh3A_990 : vector<64x256xf32>
    %add3A_996 = arith.addf %mul3A_991, %mul3A_995 : vector<64x256xf32>
    %mul3A_997 = vector.broadcast %get3A_959 : vector<64x1xf32> to vector<64x256xf32>
    %mul3A_998 = arith.mulf %mul3A_997, %add3A_996 : vector<64x256xf32>
    %sub3A_999 = arith.constant 1.000000e+00 : f32
    %sub3A_1000 = vector.broadcast %sub3A_999 : f32 to vector<64x1xf32>
    %sub3A_1001 = arith.subf %sub3A_1000, %get3A_959 : vector<64x1xf32>
    %mul3A_1002 = vector.broadcast %sub3A_1001 : vector<64x1xf32> to vector<64x256xf32>
    %mul3A_1003 = arith.mulf %mul3A_1002, %add3A_878 : vector<64x256xf32>
    %add3A_1004 = arith.addf %mul3A_998, %mul3A_1003 : vector<64x256xf32>
    %swap3A_1005 = arith.constant 0 : index
    %swap3A_1006 = arith.constant 7 : index
    %swap3A_1007 = arith.constant 0 : index
    %swap3A_1008 = vector.load %arg19[%swap3A_1005, %swap3A_1006, %swap3A_1007] : memref<64x16x256xf32, #tpu.memory_space<vmem>>, vector<64x1x256xf32>
    %swap3A_1009 = vector.shape_cast %swap3A_1008 : vector<64x1x256xf32> to vector<64x256xf32>
    %swap3A_1010 = vector.shape_cast %add3A_1004 : vector<64x256xf32> to vector<64x1x256xf32>
    tpu.vector_store %arg19[%swap3A_1005, %swap3A_1006, %swap3A_1007], %swap3A_1010 {strides = array<i32>} : memref<64x16x256xf32, #tpu.memory_space<vmem>>, vector<64x1x256xf32>,
    %get3A_1011 = arith.constant 512 : index
    %get3A_1012 = arith.constant 0 : index
    %get3A_1013 = vector.load %arg26[%get3A_1011, %get3A_1012] : memref<1024x768xf32, #tpu.memory_space<vmem>>, vector<64x768xf32>
    %dot_general3A_1014 = arith.constant dense<0.000000e+00> : vector<64x768xf32>
    %dot_general3A_1015 = tpu.matmul %add3A_941, %get3A_66, %dot_general3A_1014 {dimension_numbers = #tpu.dot_dimension_numbers<[1], [0], [0], [1], [0, 0, 1, 1], [], []>, transpose_lhs_hint = false} : vector<64x256xf32>, vector<256x768xf32>, vector<64x768xf32> -> vector<64x768xf32>
    %add3A_1016 = vector.broadcast %get3A_72 : vector<1x768xf32> to vector<64x768xf32>
    %add3A_1017 = arith.addf %dot_general3A_1015, %add3A_1016 : vector<64x768xf32>
    %get3A_1018 = arith.constant 8 : index
    %get3A_1019 = arith.constant 0 : index
    %get3A_1020 = arith.constant 0 : index
    %get3A_1021 = vector.load %arg6[%get3A_1018, %get3A_1019, %get3A_1020] : memref<16x64x1xf32, #tpu.memory_space<vmem>>, vector<1x64x1xf32>
    %get3A_1022 = vector.shape_cast %get3A_1021 : vector<1x64x1xf32> to vector<64x1xf32>
    %slice3A_1023 = vector.extract_strided_slice %get3A_1013 {offsets = [0, 0], sizes = [64, 256], strides = [1, 1]} : vector<64x768xf32> to vector<64x256xf32>
    %slice3A_1024 = vector.extract_strided_slice %add3A_1017 {offsets = [0, 0], sizes = [64, 256], strides = [1, 1]} : vector<64x768xf32> to vector<64x256xf32>
    %add3A_1025 = arith.addf %slice3A_1023, %slice3A_1024 : vector<64x256xf32>
    %neg3A_1026 = arith.constant 0.000000e+00 : f32
    %neg3A_1027 = vector.broadcast %neg3A_1026 : f32 to vector<64x256xf32>
    %neg3A_1028 = arith.subf %neg3A_1027, %add3A_1025 : vector<64x256xf32>
    %exp3A_1029 = math.exp %neg3A_1028 : vector<64x256xf32>
    %add3A_1030 = arith.constant 1.000000e+00 : f32
    %add3A_1031 = vector.broadcast %add3A_1030 : f32 to vector<64x256xf32>
    %add3A_1032 = arith.addf %add3A_1031, %exp3A_1029 : vector<64x256xf32>
    %div3A_1033 = arith.constant 1.000000e+00 : f32
    %div3A_1034 = vector.broadcast %div3A_1033 : f32 to vector<64x256xf32>
    %div3A_1035 = arith.divf %div3A_1034, %add3A_1032 : vector<64x256xf32>
    %slice3A_1036 = vector.extract_strided_slice %get3A_1013 {offsets = [0, 256], sizes = [64, 256], strides = [1, 1]} : vector<64x768xf32> to vector<64x256xf32>
    %slice3A_1037 = vector.extract_strided_slice %add3A_1017 {offsets = [0, 256], sizes = [64, 256], strides = [1, 1]} : vector<64x768xf32> to vector<64x256xf32>
    %add3A_1038 = arith.addf %slice3A_1036, %slice3A_1037 : vector<64x256xf32>
    %neg3A_1039 = arith.constant 0.000000e+00 : f32
    %neg3A_1040 = vector.broadcast %neg3A_1039 : f32 to vector<64x256xf32>
    %neg3A_1041 = arith.subf %neg3A_1040, %add3A_1038 : vector<64x256xf32>
    %exp3A_1042 = math.exp %neg3A_1041 : vector<64x256xf32>
    %add3A_1043 = arith.constant 1.000000e+00 : f32
    %add3A_1044 = vector.broadcast %add3A_1043 : f32 to vector<64x256xf32>
    %add3A_1045 = arith.addf %add3A_1044, %exp3A_1042 : vector<64x256xf32>
    %div3A_1046 = arith.constant 1.000000e+00 : f32
    %div3A_1047 = vector.broadcast %div3A_1046 : f32 to vector<64x256xf32>
    %div3A_1048 = arith.divf %div3A_1047, %add3A_1045 : vector<64x256xf32>
    %slice3A_1049 = vector.extract_strided_slice %get3A_1013 {offsets = [0, 512], sizes = [64, 256], strides = [1, 1]} : vector<64x768xf32> to vector<64x256xf32>
    %slice3A_1050 = vector.extract_strided_slice %add3A_1017 {offsets = [0, 512], sizes = [64, 256], strides = [1, 1]} : vector<64x768xf32> to vector<64x256xf32>
    %mul3A_1051 = arith.mulf %div3A_1048, %slice3A_1050 : vector<64x256xf32>
    %add3A_1052 = arith.addf %slice3A_1049, %mul3A_1051 : vector<64x256xf32>
    %tanh3A_1053 = math.tanh %add3A_1052 : vector<64x256xf32>
    %mul3A_1054 = arith.mulf %div3A_1035, %add3A_941 : vector<64x256xf32>
    %sub3A_1055 = arith.constant 1.000000e+00 : f32
    %sub3A_1056 = vector.broadcast %sub3A_1055 : f32 to vector<64x256xf32>
    %sub3A_1057 = arith.subf %sub3A_1056, %div3A_1035 : vector<64x256xf32>
    %mul3A_1058 = arith.mulf %sub3A_1057, %tanh3A_1053 : vector<64x256xf32>
    %add3A_1059 = arith.addf %mul3A_1054, %mul3A_1058 : vector<64x256xf32>
    %mul3A_1060 = vector.broadcast %get3A_1022 : vector<64x1xf32> to vector<64x256xf32>
    %mul3A_1061 = arith.mulf %mul3A_1060, %add3A_1059 : vector<64x256xf32>
    %sub3A_1062 = arith.constant 1.000000e+00 : f32
    %sub3A_1063 = vector.broadcast %sub3A_1062 : f32 to vector<64x1xf32>
    %sub3A_1064 = arith.subf %sub3A_1063, %get3A_1022 : vector<64x1xf32>
    %mul3A_1065 = vector.broadcast %sub3A_1064 : vector<64x1xf32> to vector<64x256xf32>
    %mul3A_1066 = arith.mulf %mul3A_1065, %add3A_941 : vector<64x256xf32>
    %add3A_1067 = arith.addf %mul3A_1061, %mul3A_1066 : vector<64x256xf32>
    %swap3A_1068 = arith.constant 0 : index
    %swap3A_1069 = arith.constant 8 : index
    %swap3A_1070 = arith.constant 0 : index
    %swap3A_1071 = vector.load %arg20[%swap3A_1068, %swap3A_1069, %swap3A_1070] : memref<64x16x256xf32, #tpu.memory_space<vmem>>, vector<64x1x256xf32>
    %swap3A_1072 = vector.shape_cast %swap3A_1071 : vector<64x1x256xf32> to vector<64x256xf32>
    %swap3A_1073 = vector.shape_cast %add3A_1067 : vector<64x256xf32> to vector<64x1x256xf32>
    tpu.vector_store %arg20[%swap3A_1068, %swap3A_1069, %swap3A_1070], %swap3A_1073 {strides = array<i32>} : memref<64x16x256xf32, #tpu.memory_space<vmem>>, vector<64x1x256xf32>,
    %get3A_1074 = arith.constant 512 : index
    %get3A_1075 = arith.constant 0 : index
    %get3A_1076 = vector.load %arg25[%get3A_1074, %get3A_1075] : memref<1024x768xf32, #tpu.memory_space<vmem>>, vector<64x768xf32>
    %dot_general3A_1077 = arith.constant dense<0.000000e+00> : vector<64x768xf32>
    %dot_general3A_1078 = tpu.matmul %add3A_1004, %get3A_63, %dot_general3A_1077 {dimension_numbers = #tpu.dot_dimension_numbers<[1], [0], [0], [1], [0, 0, 1, 1], [], []>, transpose_lhs_hint = false} : vector<64x256xf32>, vector<256x768xf32>, vector<64x768xf32> -> vector<64x768xf32>
    %add3A_1079 = vector.broadcast %get3A_69 : vector<1x768xf32> to vector<64x768xf32>
    %add3A_1080 = arith.addf %dot_general3A_1078, %add3A_1079 : vector<64x768xf32>
    %get3A_1081 = arith.constant 8 : index
    %get3A_1082 = arith.constant 0 : index
    %get3A_1083 = arith.constant 0 : index
    %get3A_1084 = vector.load %arg5[%get3A_1081, %get3A_1082, %get3A_1083] : memref<16x64x1xf32, #tpu.memory_space<vmem>>, vector<1x64x1xf32>
    %get3A_1085 = vector.shape_cast %get3A_1084 : vector<1x64x1xf32> to vector<64x1xf32>
    %slice3A_1086 = vector.extract_strided_slice %get3A_1076 {offsets = [0, 0], sizes = [64, 256], strides = [1, 1]} : vector<64x768xf32> to vector<64x256xf32>
    %slice3A_1087 = vector.extract_strided_slice %add3A_1080 {offsets = [0, 0], sizes = [64, 256], strides = [1, 1]} : vector<64x768xf32> to vector<64x256xf32>
    %add3A_1088 = arith.addf %slice3A_1086, %slice3A_1087 : vector<64x256xf32>
    %neg3A_1089 = arith.constant 0.000000e+00 : f32
    %neg3A_1090 = vector.broadcast %neg3A_1089 : f32 to vector<64x256xf32>
    %neg3A_1091 = arith.subf %neg3A_1090, %add3A_1088 : vector<64x256xf32>
    %exp3A_1092 = math.exp %neg3A_1091 : vector<64x256xf32>
    %add3A_1093 = arith.constant 1.000000e+00 : f32
    %add3A_1094 = vector.broadcast %add3A_1093 : f32 to vector<64x256xf32>
    %add3A_1095 = arith.addf %add3A_1094, %exp3A_1092 : vector<64x256xf32>
    %div3A_1096 = arith.constant 1.000000e+00 : f32
    %div3A_1097 = vector.broadcast %div3A_1096 : f32 to vector<64x256xf32>
    %div3A_1098 = arith.divf %div3A_1097, %add3A_1095 : vector<64x256xf32>
    %slice3A_1099 = vector.extract_strided_slice %get3A_1076 {offsets = [0, 256], sizes = [64, 256], strides = [1, 1]} : vector<64x768xf32> to vector<64x256xf32>
    %slice3A_1100 = vector.extract_strided_slice %add3A_1080 {offsets = [0, 256], sizes = [64, 256], strides = [1, 1]} : vector<64x768xf32> to vector<64x256xf32>
    %add3A_1101 = arith.addf %slice3A_1099, %slice3A_1100 : vector<64x256xf32>
    %neg3A_1102 = arith.constant 0.000000e+00 : f32
    %neg3A_1103 = vector.broadcast %neg3A_1102 : f32 to vector<64x256xf32>
    %neg3A_1104 = arith.subf %neg3A_1103, %add3A_1101 : vector<64x256xf32>
    %exp3A_1105 = math.exp %neg3A_1104 : vector<64x256xf32>
    %add3A_1106 = arith.constant 1.000000e+00 : f32
    %add3A_1107 = vector.broadcast %add3A_1106 : f32 to vector<64x256xf32>
    %add3A_1108 = arith.addf %add3A_1107, %exp3A_1105 : vector<64x256xf32>
    %div3A_1109 = arith.constant 1.000000e+00 : f32
    %div3A_1110 = vector.broadcast %div3A_1109 : f32 to vector<64x256xf32>
    %div3A_1111 = arith.divf %div3A_1110, %add3A_1108 : vector<64x256xf32>
    %slice3A_1112 = vector.extract_strided_slice %get3A_1076 {offsets = [0, 512], sizes = [64, 256], strides = [1, 1]} : vector<64x768xf32> to vector<64x256xf32>
    %slice3A_1113 = vector.extract_strided_slice %add3A_1080 {offsets = [0, 512], sizes = [64, 256], strides = [1, 1]} : vector<64x768xf32> to vector<64x256xf32>
    %mul3A_1114 = arith.mulf %div3A_1111, %slice3A_1113 : vector<64x256xf32>
    %add3A_1115 = arith.addf %slice3A_1112, %mul3A_1114 : vector<64x256xf32>
    %tanh3A_1116 = math.tanh %add3A_1115 : vector<64x256xf32>
    %mul3A_1117 = arith.mulf %div3A_1098, %add3A_1004 : vector<64x256xf32>
    %sub3A_1118 = arith.constant 1.000000e+00 : f32
    %sub3A_1119 = vector.broadcast %sub3A_1118 : f32 to vector<64x256xf32>
    %sub3A_1120 = arith.subf %sub3A_1119, %div3A_1098 : vector<64x256xf32>
    %mul3A_1121 = arith.mulf %sub3A_1120, %tanh3A_1116 : vector<64x256xf32>
    %add3A_1122 = arith.addf %mul3A_1117, %mul3A_1121 : vector<64x256xf32>
    %mul3A_1123 = vector.broadcast %get3A_1085 : vector<64x1xf32> to vector<64x256xf32>
    %mul3A_1124 = arith.mulf %mul3A_1123, %add3A_1122 : vector<64x256xf32>
    %sub3A_1125 = arith.constant 1.000000e+00 : f32
    %sub3A_1126 = vector.broadcast %sub3A_1125 : f32 to vector<64x1xf32>
    %sub3A_1127 = arith.subf %sub3A_1126, %get3A_1085 : vector<64x1xf32>
    %mul3A_1128 = vector.broadcast %sub3A_1127 : vector<64x1xf32> to vector<64x256xf32>
    %mul3A_1129 = arith.mulf %mul3A_1128, %add3A_1004 : vector<64x256xf32>
    %add3A_1130 = arith.addf %mul3A_1124, %mul3A_1129 : vector<64x256xf32>
    %swap3A_1131 = arith.constant 0 : index
    %swap3A_1132 = arith.constant 8 : index
    %swap3A_1133 = arith.constant 0 : index
    %swap3A_1134 = vector.load %arg19[%swap3A_1131, %swap3A_1132, %swap3A_1133] : memref<64x16x256xf32, #tpu.memory_space<vmem>>, vector<64x1x256xf32>
    %swap3A_1135 = vector.shape_cast %swap3A_1134 : vector<64x1x256xf32> to vector<64x256xf32>
    %swap3A_1136 = vector.shape_cast %add3A_1130 : vector<64x256xf32> to vector<64x1x256xf32>
    tpu.vector_store %arg19[%swap3A_1131, %swap3A_1132, %swap3A_1133], %swap3A_1136 {strides = array<i32>} : memref<64x16x256xf32, #tpu.memory_space<vmem>>, vector<64x1x256xf32>,
    %get3A_1137 = arith.constant 448 : index
    %get3A_1138 = arith.constant 0 : index
    %get3A_1139 = vector.load %arg26[%get3A_1137, %get3A_1138] : memref<1024x768xf32, #tpu.memory_space<vmem>>, vector<64x768xf32>
    %dot_general3A_1140 = arith.constant dense<0.000000e+00> : vector<64x768xf32>
    %dot_general3A_1141 = tpu.matmul %add3A_1067, %get3A_66, %dot_general3A_1140 {dimension_numbers = #tpu.dot_dimension_numbers<[1], [0], [0], [1], [0, 0, 1, 1], [], []>, transpose_lhs_hint = false} : vector<64x256xf32>, vector<256x768xf32>, vector<64x768xf32> -> vector<64x768xf32>
    %add3A_1142 = vector.broadcast %get3A_72 : vector<1x768xf32> to vector<64x768xf32>
    %add3A_1143 = arith.addf %dot_general3A_1141, %add3A_1142 : vector<64x768xf32>
    %get3A_1144 = arith.constant 7 : index
    %get3A_1145 = arith.constant 0 : index
    %get3A_1146 = arith.constant 0 : index
    %get3A_1147 = vector.load %arg6[%get3A_1144, %get3A_1145, %get3A_1146] : memref<16x64x1xf32, #tpu.memory_space<vmem>>, vector<1x64x1xf32>
    %get3A_1148 = vector.shape_cast %get3A_1147 : vector<1x64x1xf32> to vector<64x1xf32>
    %slice3A_1149 = vector.extract_strided_slice %get3A_1139 {offsets = [0, 0], sizes = [64, 256], strides = [1, 1]} : vector<64x768xf32> to vector<64x256xf32>
    %slice3A_1150 = vector.extract_strided_slice %add3A_1143 {offsets = [0, 0], sizes = [64, 256], strides = [1, 1]} : vector<64x768xf32> to vector<64x256xf32>
    %add3A_1151 = arith.addf %slice3A_1149, %slice3A_1150 : vector<64x256xf32>
    %neg3A_1152 = arith.constant 0.000000e+00 : f32
    %neg3A_1153 = vector.broadcast %neg3A_1152 : f32 to vector<64x256xf32>
    %neg3A_1154 = arith.subf %neg3A_1153, %add3A_1151 : vector<64x256xf32>
    %exp3A_1155 = math.exp %neg3A_1154 : vector<64x256xf32>
    %add3A_1156 = arith.constant 1.000000e+00 : f32
    %add3A_1157 = vector.broadcast %add3A_1156 : f32 to vector<64x256xf32>
    %add3A_1158 = arith.addf %add3A_1157, %exp3A_1155 : vector<64x256xf32>
    %div3A_1159 = arith.constant 1.000000e+00 : f32
    %div3A_1160 = vector.broadcast %div3A_1159 : f32 to vector<64x256xf32>
    %div3A_1161 = arith.divf %div3A_1160, %add3A_1158 : vector<64x256xf32>
    %slice3A_1162 = vector.extract_strided_slice %get3A_1139 {offsets = [0, 256], sizes = [64, 256], strides = [1, 1]} : vector<64x768xf32> to vector<64x256xf32>
    %slice3A_1163 = vector.extract_strided_slice %add3A_1143 {offsets = [0, 256], sizes = [64, 256], strides = [1, 1]} : vector<64x768xf32> to vector<64x256xf32>
    %add3A_1164 = arith.addf %slice3A_1162, %slice3A_1163 : vector<64x256xf32>
    %neg3A_1165 = arith.constant 0.000000e+00 : f32
    %neg3A_1166 = vector.broadcast %neg3A_1165 : f32 to vector<64x256xf32>
    %neg3A_1167 = arith.subf %neg3A_1166, %add3A_1164 : vector<64x256xf32>
    %exp3A_1168 = math.exp %neg3A_1167 : vector<64x256xf32>
    %add3A_1169 = arith.constant 1.000000e+00 : f32
    %add3A_1170 = vector.broadcast %add3A_1169 : f32 to vector<64x256xf32>
    %add3A_1171 = arith.addf %add3A_1170, %exp3A_1168 : vector<64x256xf32>
    %div3A_1172 = arith.constant 1.000000e+00 : f32
    %div3A_1173 = vector.broadcast %div3A_1172 : f32 to vector<64x256xf32>
    %div3A_1174 = arith.divf %div3A_1173, %add3A_1171 : vector<64x256xf32>
    %slice3A_1175 = vector.extract_strided_slice %get3A_1139 {offsets = [0, 512], sizes = [64, 256], strides = [1, 1]} : vector<64x768xf32> to vector<64x256xf32>
    %slice3A_1176 = vector.extract_strided_slice %add3A_1143 {offsets = [0, 512], sizes = [64, 256], strides = [1, 1]} : vector<64x768xf32> to vector<64x256xf32>
    %mul3A_1177 = arith.mulf %div3A_1174, %slice3A_1176 : vector<64x256xf32>
    %add3A_1178 = arith.addf %slice3A_1175, %mul3A_1177 : vector<64x256xf32>
    %tanh3A_1179 = math.tanh %add3A_1178 : vector<64x256xf32>
    %mul3A_1180 = arith.mulf %div3A_1161, %add3A_1067 : vector<64x256xf32>
    %sub3A_1181 = arith.constant 1.000000e+00 : f32
    %sub3A_1182 = vector.broadcast %sub3A_1181 : f32 to vector<64x256xf32>
    %sub3A_1183 = arith.subf %sub3A_1182, %div3A_1161 : vector<64x256xf32>
    %mul3A_1184 = arith.mulf %sub3A_1183, %tanh3A_1179 : vector<64x256xf32>
    %add3A_1185 = arith.addf %mul3A_1180, %mul3A_1184 : vector<64x256xf32>
    %mul3A_1186 = vector.broadcast %get3A_1148 : vector<64x1xf32> to vector<64x256xf32>
    %mul3A_1187 = arith.mulf %mul3A_1186, %add3A_1185 : vector<64x256xf32>
    %sub3A_1188 = arith.constant 1.000000e+00 : f32
    %sub3A_1189 = vector.broadcast %sub3A_1188 : f32 to vector<64x1xf32>
    %sub3A_1190 = arith.subf %sub3A_1189, %get3A_1148 : vector<64x1xf32>
    %mul3A_1191 = vector.broadcast %sub3A_1190 : vector<64x1xf32> to vector<64x256xf32>
    %mul3A_1192 = arith.mulf %mul3A_1191, %add3A_1067 : vector<64x256xf32>
    %add3A_1193 = arith.addf %mul3A_1187, %mul3A_1192 : vector<64x256xf32>
    %swap3A_1194 = arith.constant 0 : index
    %swap3A_1195 = arith.constant 7 : index
    %swap3A_1196 = arith.constant 0 : index
    %swap3A_1197 = vector.load %arg20[%swap3A_1194, %swap3A_1195, %swap3A_1196] : memref<64x16x256xf32, #tpu.memory_space<vmem>>, vector<64x1x256xf32>
    %swap3A_1198 = vector.shape_cast %swap3A_1197 : vector<64x1x256xf32> to vector<64x256xf32>
    %swap3A_1199 = vector.shape_cast %add3A_1193 : vector<64x256xf32> to vector<64x1x256xf32>
    tpu.vector_store %arg20[%swap3A_1194, %swap3A_1195, %swap3A_1196], %swap3A_1199 {strides = array<i32>} : memref<64x16x256xf32, #tpu.memory_space<vmem>>, vector<64x1x256xf32>,
    %get3A_1200 = arith.constant 576 : index
    %get3A_1201 = arith.constant 0 : index
    %get3A_1202 = vector.load %arg25[%get3A_1200, %get3A_1201] : memref<1024x768xf32, #tpu.memory_space<vmem>>, vector<64x768xf32>
    %dot_general3A_1203 = arith.constant dense<0.000000e+00> : vector<64x768xf32>
    %dot_general3A_1204 = tpu.matmul %add3A_1130, %get3A_63, %dot_general3A_1203 {dimension_numbers = #tpu.dot_dimension_numbers<[1], [0], [0], [1], [0, 0, 1, 1], [], []>, transpose_lhs_hint = false} : vector<64x256xf32>, vector<256x768xf32>, vector<64x768xf32> -> vector<64x768xf32>
    %add3A_1205 = vector.broadcast %get3A_69 : vector<1x768xf32> to vector<64x768xf32>
    %add3A_1206 = arith.addf %dot_general3A_1204, %add3A_1205 : vector<64x768xf32>
    %get3A_1207 = arith.constant 9 : index
    %get3A_1208 = arith.constant 0 : index
    %get3A_1209 = arith.constant 0 : index
    %get3A_1210 = vector.load %arg5[%get3A_1207, %get3A_1208, %get3A_1209] : memref<16x64x1xf32, #tpu.memory_space<vmem>>, vector<1x64x1xf32>
    %get3A_1211 = vector.shape_cast %get3A_1210 : vector<1x64x1xf32> to vector<64x1xf32>
    %slice3A_1212 = vector.extract_strided_slice %get3A_1202 {offsets = [0, 0], sizes = [64, 256], strides = [1, 1]} : vector<64x768xf32> to vector<64x256xf32>
    %slice3A_1213 = vector.extract_strided_slice %add3A_1206 {offsets = [0, 0], sizes = [64, 256], strides = [1, 1]} : vector<64x768xf32> to vector<64x256xf32>
    %add3A_1214 = arith.addf %slice3A_1212, %slice3A_1213 : vector<64x256xf32>
    %neg3A_1215 = arith.constant 0.000000e+00 : f32
    %neg3A_1216 = vector.broadcast %neg3A_1215 : f32 to vector<64x256xf32>
    %neg3A_1217 = arith.subf %neg3A_1216, %add3A_1214 : vector<64x256xf32>
    %exp3A_1218 = math.exp %neg3A_1217 : vector<64x256xf32>
    %add3A_1219 = arith.constant 1.000000e+00 : f32
    %add3A_1220 = vector.broadcast %add3A_1219 : f32 to vector<64x256xf32>
    %add3A_1221 = arith.addf %add3A_1220, %exp3A_1218 : vector<64x256xf32>
    %div3A_1222 = arith.constant 1.000000e+00 : f32
    %div3A_1223 = vector.broadcast %div3A_1222 : f32 to vector<64x256xf32>
    %div3A_1224 = arith.divf %div3A_1223, %add3A_1221 : vector<64x256xf32>
    %slice3A_1225 = vector.extract_strided_slice %get3A_1202 {offsets = [0, 256], sizes = [64, 256], strides = [1, 1]} : vector<64x768xf32> to vector<64x256xf32>
    %slice3A_1226 = vector.extract_strided_slice %add3A_1206 {offsets = [0, 256], sizes = [64, 256], strides = [1, 1]} : vector<64x768xf32> to vector<64x256xf32>
    %add3A_1227 = arith.addf %slice3A_1225, %slice3A_1226 : vector<64x256xf32>
    %neg3A_1228 = arith.constant 0.000000e+00 : f32
    %neg3A_1229 = vector.broadcast %neg3A_1228 : f32 to vector<64x256xf32>
    %neg3A_1230 = arith.subf %neg3A_1229, %add3A_1227 : vector<64x256xf32>
    %exp3A_1231 = math.exp %neg3A_1230 : vector<64x256xf32>
    %add3A_1232 = arith.constant 1.000000e+00 : f32
    %add3A_1233 = vector.broadcast %add3A_1232 : f32 to vector<64x256xf32>
    %add3A_1234 = arith.addf %add3A_1233, %exp3A_1231 : vector<64x256xf32>
    %div3A_1235 = arith.constant 1.000000e+00 : f32
    %div3A_1236 = vector.broadcast %div3A_1235 : f32 to vector<64x256xf32>
    %div3A_1237 = arith.divf %div3A_1236, %add3A_1234 : vector<64x256xf32>
    %slice3A_1238 = vector.extract_strided_slice %get3A_1202 {offsets = [0, 512], sizes = [64, 256], strides = [1, 1]} : vector<64x768xf32> to vector<64x256xf32>
    %slice3A_1239 = vector.extract_strided_slice %add3A_1206 {offsets = [0, 512], sizes = [64, 256], strides = [1, 1]} : vector<64x768xf32> to vector<64x256xf32>
    %mul3A_1240 = arith.mulf %div3A_1237, %slice3A_1239 : vector<64x256xf32>
    %add3A_1241 = arith.addf %slice3A_1238, %mul3A_1240 : vector<64x256xf32>
    %tanh3A_1242 = math.tanh %add3A_1241 : vector<64x256xf32>
    %mul3A_1243 = arith.mulf %div3A_1224, %add3A_1130 : vector<64x256xf32>
    %sub3A_1244 = arith.constant 1.000000e+00 : f32
    %sub3A_1245 = vector.broadcast %sub3A_1244 : f32 to vector<64x256xf32>
    %sub3A_1246 = arith.subf %sub3A_1245, %div3A_1224 : vector<64x256xf32>
    %mul3A_1247 = arith.mulf %sub3A_1246, %tanh3A_1242 : vector<64x256xf32>
    %add3A_1248 = arith.addf %mul3A_1243, %mul3A_1247 : vector<64x256xf32>
    %mul3A_1249 = vector.broadcast %get3A_1211 : vector<64x1xf32> to vector<64x256xf32>
    %mul3A_1250 = arith.mulf %mul3A_1249, %add3A_1248 : vector<64x256xf32>
    %sub3A_1251 = arith.constant 1.000000e+00 : f32
    %sub3A_1252 = vector.broadcast %sub3A_1251 : f32 to vector<64x1xf32>
    %sub3A_1253 = arith.subf %sub3A_1252, %get3A_1211 : vector<64x1xf32>
    %mul3A_1254 = vector.broadcast %sub3A_1253 : vector<64x1xf32> to vector<64x256xf32>
    %mul3A_1255 = arith.mulf %mul3A_1254, %add3A_1130 : vector<64x256xf32>
    %add3A_1256 = arith.addf %mul3A_1250, %mul3A_1255 : vector<64x256xf32>
    %swap3A_1257 = arith.constant 0 : index
    %swap3A_1258 = arith.constant 9 : index
    %swap3A_1259 = arith.constant 0 : index
    %swap3A_1260 = vector.load %arg19[%swap3A_1257, %swap3A_1258, %swap3A_1259] : memref<64x16x256xf32, #tpu.memory_space<vmem>>, vector<64x1x256xf32>
    %swap3A_1261 = vector.shape_cast %swap3A_1260 : vector<64x1x256xf32> to vector<64x256xf32>
    %swap3A_1262 = vector.shape_cast %add3A_1256 : vector<64x256xf32> to vector<64x1x256xf32>
    tpu.vector_store %arg19[%swap3A_1257, %swap3A_1258, %swap3A_1259], %swap3A_1262 {strides = array<i32>} : memref<64x16x256xf32, #tpu.memory_space<vmem>>, vector<64x1x256xf32>,
    %get3A_1263 = arith.constant 384 : index
    %get3A_1264 = arith.constant 0 : index
    %get3A_1265 = vector.load %arg26[%get3A_1263, %get3A_1264] : memref<1024x768xf32, #tpu.memory_space<vmem>>, vector<64x768xf32>
    %dot_general3A_1266 = arith.constant dense<0.000000e+00> : vector<64x768xf32>
    %dot_general3A_1267 = tpu.matmul %add3A_1193, %get3A_66, %dot_general3A_1266 {dimension_numbers = #tpu.dot_dimension_numbers<[1], [0], [0], [1], [0, 0, 1, 1], [], []>, transpose_lhs_hint = false} : vector<64x256xf32>, vector<256x768xf32>, vector<64x768xf32> -> vector<64x768xf32>
    %add3A_1268 = vector.broadcast %get3A_72 : vector<1x768xf32> to vector<64x768xf32>
    %add3A_1269 = arith.addf %dot_general3A_1267, %add3A_1268 : vector<64x768xf32>
    %get3A_1270 = arith.constant 6 : index
    %get3A_1271 = arith.constant 0 : index
    %get3A_1272 = arith.constant 0 : index
    %get3A_1273 = vector.load %arg6[%get3A_1270, %get3A_1271, %get3A_1272] : memref<16x64x1xf32, #tpu.memory_space<vmem>>, vector<1x64x1xf32>
    %get3A_1274 = vector.shape_cast %get3A_1273 : vector<1x64x1xf32> to vector<64x1xf32>
    %slice3A_1275 = vector.extract_strided_slice %get3A_1265 {offsets = [0, 0], sizes = [64, 256], strides = [1, 1]} : vector<64x768xf32> to vector<64x256xf32>
    %slice3A_1276 = vector.extract_strided_slice %add3A_1269 {offsets = [0, 0], sizes = [64, 256], strides = [1, 1]} : vector<64x768xf32> to vector<64x256xf32>
    %add3A_1277 = arith.addf %slice3A_1275, %slice3A_1276 : vector<64x256xf32>
    %neg3A_1278 = arith.constant 0.000000e+00 : f32
    %neg3A_1279 = vector.broadcast %neg3A_1278 : f32 to vector<64x256xf32>
    %neg3A_1280 = arith.subf %neg3A_1279, %add3A_1277 : vector<64x256xf32>
    %exp3A_1281 = math.exp %neg3A_1280 : vector<64x256xf32>
    %add3A_1282 = arith.constant 1.000000e+00 : f32
    %add3A_1283 = vector.broadcast %add3A_1282 : f32 to vector<64x256xf32>
    %add3A_1284 = arith.addf %add3A_1283, %exp3A_1281 : vector<64x256xf32>
    %div3A_1285 = arith.constant 1.000000e+00 : f32
    %div3A_1286 = vector.broadcast %div3A_1285 : f32 to vector<64x256xf32>
    %div3A_1287 = arith.divf %div3A_1286, %add3A_1284 : vector<64x256xf32>
    %slice3A_1288 = vector.extract_strided_slice %get3A_1265 {offsets = [0, 256], sizes = [64, 256], strides = [1, 1]} : vector<64x768xf32> to vector<64x256xf32>
    %slice3A_1289 = vector.extract_strided_slice %add3A_1269 {offsets = [0, 256], sizes = [64, 256], strides = [1, 1]} : vector<64x768xf32> to vector<64x256xf32>
    %add3A_1290 = arith.addf %slice3A_1288, %slice3A_1289 : vector<64x256xf32>
    %neg3A_1291 = arith.constant 0.000000e+00 : f32
    %neg3A_1292 = vector.broadcast %neg3A_1291 : f32 to vector<64x256xf32>
    %neg3A_1293 = arith.subf %neg3A_1292, %add3A_1290 : vector<64x256xf32>
    %exp3A_1294 = math.exp %neg3A_1293 : vector<64x256xf32>
    %add3A_1295 = arith.constant 1.000000e+00 : f32
    %add3A_1296 = vector.broadcast %add3A_1295 : f32 to vector<64x256xf32>
    %add3A_1297 = arith.addf %add3A_1296, %exp3A_1294 : vector<64x256xf32>
    %div3A_1298 = arith.constant 1.000000e+00 : f32
    %div3A_1299 = vector.broadcast %div3A_1298 : f32 to vector<64x256xf32>
    %div3A_1300 = arith.divf %div3A_1299, %add3A_1297 : vector<64x256xf32>
    %slice3A_1301 = vector.extract_strided_slice %get3A_1265 {offsets = [0, 512], sizes = [64, 256], strides = [1, 1]} : vector<64x768xf32> to vector<64x256xf32>
    %slice3A_1302 = vector.extract_strided_slice %add3A_1269 {offsets = [0, 512], sizes = [64, 256], strides = [1, 1]} : vector<64x768xf32> to vector<64x256xf32>
    %mul3A_1303 = arith.mulf %div3A_1300, %slice3A_1302 : vector<64x256xf32>
    %add3A_1304 = arith.addf %slice3A_1301, %mul3A_1303 : vector<64x256xf32>
    %tanh3A_1305 = math.tanh %add3A_1304 : vector<64x256xf32>
    %mul3A_1306 = arith.mulf %div3A_1287, %add3A_1193 : vector<64x256xf32>
    %sub3A_1307 = arith.constant 1.000000e+00 : f32
    %sub3A_1308 = vector.broadcast %sub3A_1307 : f32 to vector<64x256xf32>
    %sub3A_1309 = arith.subf %sub3A_1308, %div3A_1287 : vector<64x256xf32>
    %mul3A_1310 = arith.mulf %sub3A_1309, %tanh3A_1305 : vector<64x256xf32>
    %add3A_1311 = arith.addf %mul3A_1306, %mul3A_1310 : vector<64x256xf32>
    %mul3A_1312 = vector.broadcast %get3A_1274 : vector<64x1xf32> to vector<64x256xf32>
    %mul3A_1313 = arith.mulf %mul3A_1312, %add3A_1311 : vector<64x256xf32>
    %sub3A_1314 = arith.constant 1.000000e+00 : f32
    %sub3A_1315 = vector.broadcast %sub3A_1314 : f32 to vector<64x1xf32>
    %sub3A_1316 = arith.subf %sub3A_1315, %get3A_1274 : vector<64x1xf32>
    %mul3A_1317 = vector.broadcast %sub3A_1316 : vector<64x1xf32> to vector<64x256xf32>
    %mul3A_1318 = arith.mulf %mul3A_1317, %add3A_1193 : vector<64x256xf32>
    %add3A_1319 = arith.addf %mul3A_1313, %mul3A_1318 : vector<64x256xf32>
    %swap3A_1320 = arith.constant 0 : index
    %swap3A_1321 = arith.constant 6 : index
    %swap3A_1322 = arith.constant 0 : index
    %swap3A_1323 = vector.load %arg20[%swap3A_1320, %swap3A_1321, %swap3A_1322] : memref<64x16x256xf32, #tpu.memory_space<vmem>>, vector<64x1x256xf32>
    %swap3A_1324 = vector.shape_cast %swap3A_1323 : vector<64x1x256xf32> to vector<64x256xf32>
    %swap3A_1325 = vector.shape_cast %add3A_1319 : vector<64x256xf32> to vector<64x1x256xf32>
    tpu.vector_store %arg20[%swap3A_1320, %swap3A_1321, %swap3A_1322], %swap3A_1325 {strides = array<i32>} : memref<64x16x256xf32, #tpu.memory_space<vmem>>, vector<64x1x256xf32>,
    %get3A_1326 = arith.constant 640 : index
    %get3A_1327 = arith.constant 0 : index
    %get3A_1328 = vector.load %arg25[%get3A_1326, %get3A_1327] : memref<1024x768xf32, #tpu.memory_space<vmem>>, vector<64x768xf32>
    %dot_general3A_1329 = arith.constant dense<0.000000e+00> : vector<64x768xf32>
    %dot_general3A_1330 = tpu.matmul %add3A_1256, %get3A_63, %dot_general3A_1329 {dimension_numbers = #tpu.dot_dimension_numbers<[1], [0], [0], [1], [0, 0, 1, 1], [], []>, transpose_lhs_hint = false} : vector<64x256xf32>, vector<256x768xf32>, vector<64x768xf32> -> vector<64x768xf32>
    %add3A_1331 = vector.broadcast %get3A_69 : vector<1x768xf32> to vector<64x768xf32>
    %add3A_1332 = arith.addf %dot_general3A_1330, %add3A_1331 : vector<64x768xf32>
    %get3A_1333 = arith.constant 10 : index
    %get3A_1334 = arith.constant 0 : index
    %get3A_1335 = arith.constant 0 : index
    %get3A_1336 = vector.load %arg5[%get3A_1333, %get3A_1334, %get3A_1335] : memref<16x64x1xf32, #tpu.memory_space<vmem>>, vector<1x64x1xf32>
    %get3A_1337 = vector.shape_cast %get3A_1336 : vector<1x64x1xf32> to vector<64x1xf32>
    %slice3A_1338 = vector.extract_strided_slice %get3A_1328 {offsets = [0, 0], sizes = [64, 256], strides = [1, 1]} : vector<64x768xf32> to vector<64x256xf32>
    %slice3A_1339 = vector.extract_strided_slice %add3A_1332 {offsets = [0, 0], sizes = [64, 256], strides = [1, 1]} : vector<64x768xf32> to vector<64x256xf32>
    %add3A_1340 = arith.addf %slice3A_1338, %slice3A_1339 : vector<64x256xf32>
    %neg3A_1341 = arith.constant 0.000000e+00 : f32
    %neg3A_1342 = vector.broadcast %neg3A_1341 : f32 to vector<64x256xf32>
    %neg3A_1343 = arith.subf %neg3A_1342, %add3A_1340 : vector<64x256xf32>
    %exp3A_1344 = math.exp %neg3A_1343 : vector<64x256xf32>
    %add3A_1345 = arith.constant 1.000000e+00 : f32
    %add3A_1346 = vector.broadcast %add3A_1345 : f32 to vector<64x256xf32>
    %add3A_1347 = arith.addf %add3A_1346, %exp3A_1344 : vector<64x256xf32>
    %div3A_1348 = arith.constant 1.000000e+00 : f32
    %div3A_1349 = vector.broadcast %div3A_1348 : f32 to vector<64x256xf32>
    %div3A_1350 = arith.divf %div3A_1349, %add3A_1347 : vector<64x256xf32>
    %slice3A_1351 = vector.extract_strided_slice %get3A_1328 {offsets = [0, 256], sizes = [64, 256], strides = [1, 1]} : vector<64x768xf32> to vector<64x256xf32>
    %slice3A_1352 = vector.extract_strided_slice %add3A_1332 {offsets = [0, 256], sizes = [64, 256], strides = [1, 1]} : vector<64x768xf32> to vector<64x256xf32>
    %add3A_1353 = arith.addf %slice3A_1351, %slice3A_1352 : vector<64x256xf32>
    %neg3A_1354 = arith.constant 0.000000e+00 : f32
    %neg3A_1355 = vector.broadcast %neg3A_1354 : f32 to vector<64x256xf32>
    %neg3A_1356 = arith.subf %neg3A_1355, %add3A_1353 : vector<64x256xf32>
    %exp3A_1357 = math.exp %neg3A_1356 : vector<64x256xf32>
    %add3A_1358 = arith.constant 1.000000e+00 : f32
    %add3A_1359 = vector.broadcast %add3A_1358 : f32 to vector<64x256xf32>
    %add3A_1360 = arith.addf %add3A_1359, %exp3A_1357 : vector<64x256xf32>
    %div3A_1361 = arith.constant 1.000000e+00 : f32
    %div3A_1362 = vector.broadcast %div3A_1361 : f32 to vector<64x256xf32>
    %div3A_1363 = arith.divf %div3A_1362, %add3A_1360 : vector<64x256xf32>
    %slice3A_1364 = vector.extract_strided_slice %get3A_1328 {offsets = [0, 512], sizes = [64, 256], strides = [1, 1]} : vector<64x768xf32> to vector<64x256xf32>
    %slice3A_1365 = vector.extract_strided_slice %add3A_1332 {offsets = [0, 512], sizes = [64, 256], strides = [1, 1]} : vector<64x768xf32> to vector<64x256xf32>
    %mul3A_1366 = arith.mulf %div3A_1363, %slice3A_1365 : vector<64x256xf32>
    %add3A_1367 = arith.addf %slice3A_1364, %mul3A_1366 : vector<64x256xf32>
    %tanh3A_1368 = math.tanh %add3A_1367 : vector<64x256xf32>
    %mul3A_1369 = arith.mulf %div3A_1350, %add3A_1256 : vector<64x256xf32>
    %sub3A_1370 = arith.constant 1.000000e+00 : f32
    %sub3A_1371 = vector.broadcast %sub3A_1370 : f32 to vector<64x256xf32>
    %sub3A_1372 = arith.subf %sub3A_1371, %div3A_1350 : vector<64x256xf32>
    %mul3A_1373 = arith.mulf %sub3A_1372, %tanh3A_1368 : vector<64x256xf32>
    %add3A_1374 = arith.addf %mul3A_1369, %mul3A_1373 : vector<64x256xf32>
    %mul3A_1375 = vector.broadcast %get3A_1337 : vector<64x1xf32> to vector<64x256xf32>
    %mul3A_1376 = arith.mulf %mul3A_1375, %add3A_1374 : vector<64x256xf32>
    %sub3A_1377 = arith.constant 1.000000e+00 : f32
    %sub3A_1378 = vector.broadcast %sub3A_1377 : f32 to vector<64x1xf32>
    %sub3A_1379 = arith.subf %sub3A_1378, %get3A_1337 : vector<64x1xf32>
    %mul3A_1380 = vector.broadcast %sub3A_1379 : vector<64x1xf32> to vector<64x256xf32>
    %mul3A_1381 = arith.mulf %mul3A_1380, %add3A_1256 : vector<64x256xf32>
    %add3A_1382 = arith.addf %mul3A_1376, %mul3A_1381 : vector<64x256xf32>
    %swap3A_1383 = arith.constant 0 : index
    %swap3A_1384 = arith.constant 10 : index
    %swap3A_1385 = arith.constant 0 : index
    %swap3A_1386 = vector.load %arg19[%swap3A_1383, %swap3A_1384, %swap3A_1385] : memref<64x16x256xf32, #tpu.memory_space<vmem>>, vector<64x1x256xf32>
    %swap3A_1387 = vector.shape_cast %swap3A_1386 : vector<64x1x256xf32> to vector<64x256xf32>
    %swap3A_1388 = vector.shape_cast %add3A_1382 : vector<64x256xf32> to vector<64x1x256xf32>
    tpu.vector_store %arg19[%swap3A_1383, %swap3A_1384, %swap3A_1385], %swap3A_1388 {strides = array<i32>} : memref<64x16x256xf32, #tpu.memory_space<vmem>>, vector<64x1x256xf32>,
    %get3A_1389 = arith.constant 320 : index
    %get3A_1390 = arith.constant 0 : index
    %get3A_1391 = vector.load %arg26[%get3A_1389, %get3A_1390] : memref<1024x768xf32, #tpu.memory_space<vmem>>, vector<64x768xf32>
    %dot_general3A_1392 = arith.constant dense<0.000000e+00> : vector<64x768xf32>
    %dot_general3A_1393 = tpu.matmul %add3A_1319, %get3A_66, %dot_general3A_1392 {dimension_numbers = #tpu.dot_dimension_numbers<[1], [0], [0], [1], [0, 0, 1, 1], [], []>, transpose_lhs_hint = false} : vector<64x256xf32>, vector<256x768xf32>, vector<64x768xf32> -> vector<64x768xf32>
    %add3A_1394 = vector.broadcast %get3A_72 : vector<1x768xf32> to vector<64x768xf32>
    %add3A_1395 = arith.addf %dot_general3A_1393, %add3A_1394 : vector<64x768xf32>
    %get3A_1396 = arith.constant 5 : index
    %get3A_1397 = arith.constant 0 : index
    %get3A_1398 = arith.constant 0 : index
    %get3A_1399 = vector.load %arg6[%get3A_1396, %get3A_1397, %get3A_1398] : memref<16x64x1xf32, #tpu.memory_space<vmem>>, vector<1x64x1xf32>
    %get3A_1400 = vector.shape_cast %get3A_1399 : vector<1x64x1xf32> to vector<64x1xf32>
    %slice3A_1401 = vector.extract_strided_slice %get3A_1391 {offsets = [0, 0], sizes = [64, 256], strides = [1, 1]} : vector<64x768xf32> to vector<64x256xf32>
    %slice3A_1402 = vector.extract_strided_slice %add3A_1395 {offsets = [0, 0], sizes = [64, 256], strides = [1, 1]} : vector<64x768xf32> to vector<64x256xf32>
    %add3A_1403 = arith.addf %slice3A_1401, %slice3A_1402 : vector<64x256xf32>
    %neg3A_1404 = arith.constant 0.000000e+00 : f32
    %neg3A_1405 = vector.broadcast %neg3A_1404 : f32 to vector<64x256xf32>
    %neg3A_1406 = arith.subf %neg3A_1405, %add3A_1403 : vector<64x256xf32>
    %exp3A_1407 = math.exp %neg3A_1406 : vector<64x256xf32>
    %add3A_1408 = arith.constant 1.000000e+00 : f32
    %add3A_1409 = vector.broadcast %add3A_1408 : f32 to vector<64x256xf32>
    %add3A_1410 = arith.addf %add3A_1409, %exp3A_1407 : vector<64x256xf32>
    %div3A_1411 = arith.constant 1.000000e+00 : f32
    %div3A_1412 = vector.broadcast %div3A_1411 : f32 to vector<64x256xf32>
    %div3A_1413 = arith.divf %div3A_1412, %add3A_1410 : vector<64x256xf32>
    %slice3A_1414 = vector.extract_strided_slice %get3A_1391 {offsets = [0, 256], sizes = [64, 256], strides = [1, 1]} : vector<64x768xf32> to vector<64x256xf32>
    %slice3A_1415 = vector.extract_strided_slice %add3A_1395 {offsets = [0, 256], sizes = [64, 256], strides = [1, 1]} : vector<64x768xf32> to vector<64x256xf32>
    %add3A_1416 = arith.addf %slice3A_1414, %slice3A_1415 : vector<64x256xf32>
    %neg3A_1417 = arith.constant 0.000000e+00 : f32
    %neg3A_1418 = vector.broadcast %neg3A_1417 : f32 to vector<64x256xf32>
    %neg3A_1419 = arith.subf %neg3A_1418, %add3A_1416 : vector<64x256xf32>
    %exp3A_1420 = math.exp %neg3A_1419 : vector<64x256xf32>
    %add3A_1421 = arith.constant 1.000000e+00 : f32
    %add3A_1422 = vector.broadcast %add3A_1421 : f32 to vector<64x256xf32>
    %add3A_1423 = arith.addf %add3A_1422, %exp3A_1420 : vector<64x256xf32>
    %div3A_1424 = arith.constant 1.000000e+00 : f32
    %div3A_1425 = vector.broadcast %div3A_1424 : f32 to vector<64x256xf32>
    %div3A_1426 = arith.divf %div3A_1425, %add3A_1423 : vector<64x256xf32>
    %slice3A_1427 = vector.extract_strided_slice %get3A_1391 {offsets = [0, 512], sizes = [64, 256], strides = [1, 1]} : vector<64x768xf32> to vector<64x256xf32>
    %slice3A_1428 = vector.extract_strided_slice %add3A_1395 {offsets = [0, 512], sizes = [64, 256], strides = [1, 1]} : vector<64x768xf32> to vector<64x256xf32>
    %mul3A_1429 = arith.mulf %div3A_1426, %slice3A_1428 : vector<64x256xf32>
    %add3A_1430 = arith.addf %slice3A_1427, %mul3A_1429 : vector<64x256xf32>
    %tanh3A_1431 = math.tanh %add3A_1430 : vector<64x256xf32>
    %mul3A_1432 = arith.mulf %div3A_1413, %add3A_1319 : vector<64x256xf32>
    %sub3A_1433 = arith.constant 1.000000e+00 : f32
    %sub3A_1434 = vector.broadcast %sub3A_1433 : f32 to vector<64x256xf32>
    %sub3A_1435 = arith.subf %sub3A_1434, %div3A_1413 : vector<64x256xf32>
    %mul3A_1436 = arith.mulf %sub3A_1435, %tanh3A_1431 : vector<64x256xf32>
    %add3A_1437 = arith.addf %mul3A_1432, %mul3A_1436 : vector<64x256xf32>
    %mul3A_1438 = vector.broadcast %get3A_1400 : vector<64x1xf32> to vector<64x256xf32>
    %mul3A_1439 = arith.mulf %mul3A_1438, %add3A_1437 : vector<64x256xf32>
    %sub3A_1440 = arith.constant 1.000000e+00 : f32
    %sub3A_1441 = vector.broadcast %sub3A_1440 : f32 to vector<64x1xf32>
    %sub3A_1442 = arith.subf %sub3A_1441, %get3A_1400 : vector<64x1xf32>
    %mul3A_1443 = vector.broadcast %sub3A_1442 : vector<64x1xf32> to vector<64x256xf32>
    %mul3A_1444 = arith.mulf %mul3A_1443, %add3A_1319 : vector<64x256xf32>
    %add3A_1445 = arith.addf %mul3A_1439, %mul3A_1444 : vector<64x256xf32>
    %swap3A_1446 = arith.constant 0 : index
    %swap3A_1447 = arith.constant 5 : index
    %swap3A_1448 = arith.constant 0 : index
    %swap3A_1449 = vector.load %arg20[%swap3A_1446, %swap3A_1447, %swap3A_1448] : memref<64x16x256xf32, #tpu.memory_space<vmem>>, vector<64x1x256xf32>
    %swap3A_1450 = vector.shape_cast %swap3A_1449 : vector<64x1x256xf32> to vector<64x256xf32>
    %swap3A_1451 = vector.shape_cast %add3A_1445 : vector<64x256xf32> to vector<64x1x256xf32>
    tpu.vector_store %arg20[%swap3A_1446, %swap3A_1447, %swap3A_1448], %swap3A_1451 {strides = array<i32>} : memref<64x16x256xf32, #tpu.memory_space<vmem>>, vector<64x1x256xf32>,
    %get3A_1452 = arith.constant 704 : index
    %get3A_1453 = arith.constant 0 : index
    %get3A_1454 = vector.load %arg25[%get3A_1452, %get3A_1453] : memref<1024x768xf32, #tpu.memory_space<vmem>>, vector<64x768xf32>
    %dot_general3A_1455 = arith.constant dense<0.000000e+00> : vector<64x768xf32>
    %dot_general3A_1456 = tpu.matmul %add3A_1382, %get3A_63, %dot_general3A_1455 {dimension_numbers = #tpu.dot_dimension_numbers<[1], [0], [0], [1], [0, 0, 1, 1], [], []>, transpose_lhs_hint = false} : vector<64x256xf32>, vector<256x768xf32>, vector<64x768xf32> -> vector<64x768xf32>
    %add3A_1457 = vector.broadcast %get3A_69 : vector<1x768xf32> to vector<64x768xf32>
    %add3A_1458 = arith.addf %dot_general3A_1456, %add3A_1457 : vector<64x768xf32>
    %get3A_1459 = arith.constant 11 : index
    %get3A_1460 = arith.constant 0 : index
    %get3A_1461 = arith.constant 0 : index
    %get3A_1462 = vector.load %arg5[%get3A_1459, %get3A_1460, %get3A_1461] : memref<16x64x1xf32, #tpu.memory_space<vmem>>, vector<1x64x1xf32>
    %get3A_1463 = vector.shape_cast %get3A_1462 : vector<1x64x1xf32> to vector<64x1xf32>
    %slice3A_1464 = vector.extract_strided_slice %get3A_1454 {offsets = [0, 0], sizes = [64, 256], strides = [1, 1]} : vector<64x768xf32> to vector<64x256xf32>
    %slice3A_1465 = vector.extract_strided_slice %add3A_1458 {offsets = [0, 0], sizes = [64, 256], strides = [1, 1]} : vector<64x768xf32> to vector<64x256xf32>
    %add3A_1466 = arith.addf %slice3A_1464, %slice3A_1465 : vector<64x256xf32>
    %neg3A_1467 = arith.constant 0.000000e+00 : f32
    %neg3A_1468 = vector.broadcast %neg3A_1467 : f32 to vector<64x256xf32>
    %neg3A_1469 = arith.subf %neg3A_1468, %add3A_1466 : vector<64x256xf32>
    %exp3A_1470 = math.exp %neg3A_1469 : vector<64x256xf32>
    %add3A_1471 = arith.constant 1.000000e+00 : f32
    %add3A_1472 = vector.broadcast %add3A_1471 : f32 to vector<64x256xf32>
    %add3A_1473 = arith.addf %add3A_1472, %exp3A_1470 : vector<64x256xf32>
    %div3A_1474 = arith.constant 1.000000e+00 : f32
    %div3A_1475 = vector.broadcast %div3A_1474 : f32 to vector<64x256xf32>
    %div3A_1476 = arith.divf %div3A_1475, %add3A_1473 : vector<64x256xf32>
    %slice3A_1477 = vector.extract_strided_slice %get3A_1454 {offsets = [0, 256], sizes = [64, 256], strides = [1, 1]} : vector<64x768xf32> to vector<64x256xf32>
    %slice3A_1478 = vector.extract_strided_slice %add3A_1458 {offsets = [0, 256], sizes = [64, 256], strides = [1, 1]} : vector<64x768xf32> to vector<64x256xf32>
    %add3A_1479 = arith.addf %slice3A_1477, %slice3A_1478 : vector<64x256xf32>
    %neg3A_1480 = arith.constant 0.000000e+00 : f32
    %neg3A_1481 = vector.broadcast %neg3A_1480 : f32 to vector<64x256xf32>
    %neg3A_1482 = arith.subf %neg3A_1481, %add3A_1479 : vector<64x256xf32>
    %exp3A_1483 = math.exp %neg3A_1482 : vector<64x256xf32>
    %add3A_1484 = arith.constant 1.000000e+00 : f32
    %add3A_1485 = vector.broadcast %add3A_1484 : f32 to vector<64x256xf32>
    %add3A_1486 = arith.addf %add3A_1485, %exp3A_1483 : vector<64x256xf32>
    %div3A_1487 = arith.constant 1.000000e+00 : f32
    %div3A_1488 = vector.broadcast %div3A_1487 : f32 to vector<64x256xf32>
    %div3A_1489 = arith.divf %div3A_1488, %add3A_1486 : vector<64x256xf32>
    %slice3A_1490 = vector.extract_strided_slice %get3A_1454 {offsets = [0, 512], sizes = [64, 256], strides = [1, 1]} : vector<64x768xf32> to vector<64x256xf32>
    %slice3A_1491 = vector.extract_strided_slice %add3A_1458 {offsets = [0, 512], sizes = [64, 256], strides = [1, 1]} : vector<64x768xf32> to vector<64x256xf32>
    %mul3A_1492 = arith.mulf %div3A_1489, %slice3A_1491 : vector<64x256xf32>
    %add3A_1493 = arith.addf %slice3A_1490, %mul3A_1492 : vector<64x256xf32>
    %tanh3A_1494 = math.tanh %add3A_1493 : vector<64x256xf32>
    %mul3A_1495 = arith.mulf %div3A_1476, %add3A_1382 : vector<64x256xf32>
    %sub3A_1496 = arith.constant 1.000000e+00 : f32
    %sub3A_1497 = vector.broadcast %sub3A_1496 : f32 to vector<64x256xf32>
    %sub3A_1498 = arith.subf %sub3A_1497, %div3A_1476 : vector<64x256xf32>
    %mul3A_1499 = arith.mulf %sub3A_1498, %tanh3A_1494 : vector<64x256xf32>
    %add3A_1500 = arith.addf %mul3A_1495, %mul3A_1499 : vector<64x256xf32>
    %mul3A_1501 = vector.broadcast %get3A_1463 : vector<64x1xf32> to vector<64x256xf32>
    %mul3A_1502 = arith.mulf %mul3A_1501, %add3A_1500 : vector<64x256xf32>
    %sub3A_1503 = arith.constant 1.000000e+00 : f32
    %sub3A_1504 = vector.broadcast %sub3A_1503 : f32 to vector<64x1xf32>
    %sub3A_1505 = arith.subf %sub3A_1504, %get3A_1463 : vector<64x1xf32>
    %mul3A_1506 = vector.broadcast %sub3A_1505 : vector<64x1xf32> to vector<64x256xf32>
    %mul3A_1507 = arith.mulf %mul3A_1506, %add3A_1382 : vector<64x256xf32>
    %add3A_1508 = arith.addf %mul3A_1502, %mul3A_1507 : vector<64x256xf32>
    %swap3A_1509 = arith.constant 0 : index
    %swap3A_1510 = arith.constant 11 : index
    %swap3A_1511 = arith.constant 0 : index
    %swap3A_1512 = vector.load %arg19[%swap3A_1509, %swap3A_1510, %swap3A_1511] : memref<64x16x256xf32, #tpu.memory_space<vmem>>, vector<64x1x256xf32>
    %swap3A_1513 = vector.shape_cast %swap3A_1512 : vector<64x1x256xf32> to vector<64x256xf32>
    %swap3A_1514 = vector.shape_cast %add3A_1508 : vector<64x256xf32> to vector<64x1x256xf32>
    tpu.vector_store %arg19[%swap3A_1509, %swap3A_1510, %swap3A_1511], %swap3A_1514 {strides = array<i32>} : memref<64x16x256xf32, #tpu.memory_space<vmem>>, vector<64x1x256xf32>,
    %get3A_1515 = arith.constant 256 : index
    %get3A_1516 = arith.constant 0 : index
    %get3A_1517 = vector.load %arg26[%get3A_1515, %get3A_1516] : memref<1024x768xf32, #tpu.memory_space<vmem>>, vector<64x768xf32>
    %dot_general3A_1518 = arith.constant dense<0.000000e+00> : vector<64x768xf32>
    %dot_general3A_1519 = tpu.matmul %add3A_1445, %get3A_66, %dot_general3A_1518 {dimension_numbers = #tpu.dot_dimension_numbers<[1], [0], [0], [1], [0, 0, 1, 1], [], []>, transpose_lhs_hint = false} : vector<64x256xf32>, vector<256x768xf32>, vector<64x768xf32> -> vector<64x768xf32>
    %add3A_1520 = vector.broadcast %get3A_72 : vector<1x768xf32> to vector<64x768xf32>
    %add3A_1521 = arith.addf %dot_general3A_1519, %add3A_1520 : vector<64x768xf32>
    %get3A_1522 = arith.constant 4 : index
    %get3A_1523 = arith.constant 0 : index
    %get3A_1524 = arith.constant 0 : index
    %get3A_1525 = vector.load %arg6[%get3A_1522, %get3A_1523, %get3A_1524] : memref<16x64x1xf32, #tpu.memory_space<vmem>>, vector<1x64x1xf32>
    %get3A_1526 = vector.shape_cast %get3A_1525 : vector<1x64x1xf32> to vector<64x1xf32>
    %slice3A_1527 = vector.extract_strided_slice %get3A_1517 {offsets = [0, 0], sizes = [64, 256], strides = [1, 1]} : vector<64x768xf32> to vector<64x256xf32>
    %slice3A_1528 = vector.extract_strided_slice %add3A_1521 {offsets = [0, 0], sizes = [64, 256], strides = [1, 1]} : vector<64x768xf32> to vector<64x256xf32>
    %add3A_1529 = arith.addf %slice3A_1527, %slice3A_1528 : vector<64x256xf32>
    %neg3A_1530 = arith.constant 0.000000e+00 : f32
    %neg3A_1531 = vector.broadcast %neg3A_1530 : f32 to vector<64x256xf32>
    %neg3A_1532 = arith.subf %neg3A_1531, %add3A_1529 : vector<64x256xf32>
    %exp3A_1533 = math.exp %neg3A_1532 : vector<64x256xf32>
    %add3A_1534 = arith.constant 1.000000e+00 : f32
    %add3A_1535 = vector.broadcast %add3A_1534 : f32 to vector<64x256xf32>
    %add3A_1536 = arith.addf %add3A_1535, %exp3A_1533 : vector<64x256xf32>
    %div3A_1537 = arith.constant 1.000000e+00 : f32
    %div3A_1538 = vector.broadcast %div3A_1537 : f32 to vector<64x256xf32>
    %div3A_1539 = arith.divf %div3A_1538, %add3A_1536 : vector<64x256xf32>
    %slice3A_1540 = vector.extract_strided_slice %get3A_1517 {offsets = [0, 256], sizes = [64, 256], strides = [1, 1]} : vector<64x768xf32> to vector<64x256xf32>
    %slice3A_1541 = vector.extract_strided_slice %add3A_1521 {offsets = [0, 256], sizes = [64, 256], strides = [1, 1]} : vector<64x768xf32> to vector<64x256xf32>
    %add3A_1542 = arith.addf %slice3A_1540, %slice3A_1541 : vector<64x256xf32>
    %neg3A_1543 = arith.constant 0.000000e+00 : f32
    %neg3A_1544 = vector.broadcast %neg3A_1543 : f32 to vector<64x256xf32>
    %neg3A_1545 = arith.subf %neg3A_1544, %add3A_1542 : vector<64x256xf32>
    %exp3A_1546 = math.exp %neg3A_1545 : vector<64x256xf32>
    %add3A_1547 = arith.constant 1.000000e+00 : f32
    %add3A_1548 = vector.broadcast %add3A_1547 : f32 to vector<64x256xf32>
    %add3A_1549 = arith.addf %add3A_1548, %exp3A_1546 : vector<64x256xf32>
    %div3A_1550 = arith.constant 1.000000e+00 : f32
    %div3A_1551 = vector.broadcast %div3A_1550 : f32 to vector<64x256xf32>
    %div3A_1552 = arith.divf %div3A_1551, %add3A_1549 : vector<64x256xf32>
    %slice3A_1553 = vector.extract_strided_slice %get3A_1517 {offsets = [0, 512], sizes = [64, 256], strides = [1, 1]} : vector<64x768xf32> to vector<64x256xf32>
    %slice3A_1554 = vector.extract_strided_slice %add3A_1521 {offsets = [0, 512], sizes = [64, 256], strides = [1, 1]} : vector<64x768xf32> to vector<64x256xf32>
    %mul3A_1555 = arith.mulf %div3A_1552, %slice3A_1554 : vector<64x256xf32>
    %add3A_1556 = arith.addf %slice3A_1553, %mul3A_1555 : vector<64x256xf32>
    %tanh3A_1557 = math.tanh %add3A_1556 : vector<64x256xf32>
    %mul3A_1558 = arith.mulf %div3A_1539, %add3A_1445 : vector<64x256xf32>
    %sub3A_1559 = arith.constant 1.000000e+00 : f32
    %sub3A_1560 = vector.broadcast %sub3A_1559 : f32 to vector<64x256xf32>
    %sub3A_1561 = arith.subf %sub3A_1560, %div3A_1539 : vector<64x256xf32>
    %mul3A_1562 = arith.mulf %sub3A_1561, %tanh3A_1557 : vector<64x256xf32>
    %add3A_1563 = arith.addf %mul3A_1558, %mul3A_1562 : vector<64x256xf32>
    %mul3A_1564 = vector.broadcast %get3A_1526 : vector<64x1xf32> to vector<64x256xf32>
    %mul3A_1565 = arith.mulf %mul3A_1564, %add3A_1563 : vector<64x256xf32>
    %sub3A_1566 = arith.constant 1.000000e+00 : f32
    %sub3A_1567 = vector.broadcast %sub3A_1566 : f32 to vector<64x1xf32>
    %sub3A_1568 = arith.subf %sub3A_1567, %get3A_1526 : vector<64x1xf32>
    %mul3A_1569 = vector.broadcast %sub3A_1568 : vector<64x1xf32> to vector<64x256xf32>
    %mul3A_1570 = arith.mulf %mul3A_1569, %add3A_1445 : vector<64x256xf32>
    %add3A_1571 = arith.addf %mul3A_1565, %mul3A_1570 : vector<64x256xf32>
    %swap3A_1572 = arith.constant 0 : index
    %swap3A_1573 = arith.constant 4 : index
    %swap3A_1574 = arith.constant 0 : index
    %swap3A_1575 = vector.load %arg20[%swap3A_1572, %swap3A_1573, %swap3A_1574] : memref<64x16x256xf32, #tpu.memory_space<vmem>>, vector<64x1x256xf32>
    %swap3A_1576 = vector.shape_cast %swap3A_1575 : vector<64x1x256xf32> to vector<64x256xf32>
    %swap3A_1577 = vector.shape_cast %add3A_1571 : vector<64x256xf32> to vector<64x1x256xf32>
    tpu.vector_store %arg20[%swap3A_1572, %swap3A_1573, %swap3A_1574], %swap3A_1577 {strides = array<i32>} : memref<64x16x256xf32, #tpu.memory_space<vmem>>, vector<64x1x256xf32>,
    %get3A_1578 = arith.constant 768 : index
    %get3A_1579 = arith.constant 0 : index
    %get3A_1580 = vector.load %arg25[%get3A_1578, %get3A_1579] : memref<1024x768xf32, #tpu.memory_space<vmem>>, vector<64x768xf32>
    %dot_general3A_1581 = arith.constant dense<0.000000e+00> : vector<64x768xf32>
    %dot_general3A_1582 = tpu.matmul %add3A_1508, %get3A_63, %dot_general3A_1581 {dimension_numbers = #tpu.dot_dimension_numbers<[1], [0], [0], [1], [0, 0, 1, 1], [], []>, transpose_lhs_hint = false} : vector<64x256xf32>, vector<256x768xf32>, vector<64x768xf32> -> vector<64x768xf32>
    %add3A_1583 = vector.broadcast %get3A_69 : vector<1x768xf32> to vector<64x768xf32>
    %add3A_1584 = arith.addf %dot_general3A_1582, %add3A_1583 : vector<64x768xf32>
    %get3A_1585 = arith.constant 12 : index
    %get3A_1586 = arith.constant 0 : index
    %get3A_1587 = arith.constant 0 : index
    %get3A_1588 = vector.load %arg5[%get3A_1585, %get3A_1586, %get3A_1587] : memref<16x64x1xf32, #tpu.memory_space<vmem>>, vector<1x64x1xf32>
    %get3A_1589 = vector.shape_cast %get3A_1588 : vector<1x64x1xf32> to vector<64x1xf32>
    %slice3A_1590 = vector.extract_strided_slice %get3A_1580 {offsets = [0, 0], sizes = [64, 256], strides = [1, 1]} : vector<64x768xf32> to vector<64x256xf32>
    %slice3A_1591 = vector.extract_strided_slice %add3A_1584 {offsets = [0, 0], sizes = [64, 256], strides = [1, 1]} : vector<64x768xf32> to vector<64x256xf32>
    %add3A_1592 = arith.addf %slice3A_1590, %slice3A_1591 : vector<64x256xf32>
    %neg3A_1593 = arith.constant 0.000000e+00 : f32
    %neg3A_1594 = vector.broadcast %neg3A_1593 : f32 to vector<64x256xf32>
    %neg3A_1595 = arith.subf %neg3A_1594, %add3A_1592 : vector<64x256xf32>
    %exp3A_1596 = math.exp %neg3A_1595 : vector<64x256xf32>
    %add3A_1597 = arith.constant 1.000000e+00 : f32
    %add3A_1598 = vector.broadcast %add3A_1597 : f32 to vector<64x256xf32>
    %add3A_1599 = arith.addf %add3A_1598, %exp3A_1596 : vector<64x256xf32>
    %div3A_1600 = arith.constant 1.000000e+00 : f32
    %div3A_1601 = vector.broadcast %div3A_1600 : f32 to vector<64x256xf32>
    %div3A_1602 = arith.divf %div3A_1601, %add3A_1599 : vector<64x256xf32>
    %slice3A_1603 = vector.extract_strided_slice %get3A_1580 {offsets = [0, 256], sizes = [64, 256], strides = [1, 1]} : vector<64x768xf32> to vector<64x256xf32>
    %slice3A_1604 = vector.extract_strided_slice %add3A_1584 {offsets = [0, 256], sizes = [64, 256], strides = [1, 1]} : vector<64x768xf32> to vector<64x256xf32>
    %add3A_1605 = arith.addf %slice3A_1603, %slice3A_1604 : vector<64x256xf32>
    %neg3A_1606 = arith.constant 0.000000e+00 : f32
    %neg3A_1607 = vector.broadcast %neg3A_1606 : f32 to vector<64x256xf32>
    %neg3A_1608 = arith.subf %neg3A_1607, %add3A_1605 : vector<64x256xf32>
    %exp3A_1609 = math.exp %neg3A_1608 : vector<64x256xf32>
    %add3A_1610 = arith.constant 1.000000e+00 : f32
    %add3A_1611 = vector.broadcast %add3A_1610 : f32 to vector<64x256xf32>
    %add3A_1612 = arith.addf %add3A_1611, %exp3A_1609 : vector<64x256xf32>
    %div3A_1613 = arith.constant 1.000000e+00 : f32
    %div3A_1614 = vector.broadcast %div3A_1613 : f32 to vector<64x256xf32>
    %div3A_1615 = arith.divf %div3A_1614, %add3A_1612 : vector<64x256xf32>
    %slice3A_1616 = vector.extract_strided_slice %get3A_1580 {offsets = [0, 512], sizes = [64, 256], strides = [1, 1]} : vector<64x768xf32> to vector<64x256xf32>
    %slice3A_1617 = vector.extract_strided_slice %add3A_1584 {offsets = [0, 512], sizes = [64, 256], strides = [1, 1]} : vector<64x768xf32> to vector<64x256xf32>
    %mul3A_1618 = arith.mulf %div3A_1615, %slice3A_1617 : vector<64x256xf32>
    %add3A_1619 = arith.addf %slice3A_1616, %mul3A_1618 : vector<64x256xf32>
    %tanh3A_1620 = math.tanh %add3A_1619 : vector<64x256xf32>
    %mul3A_1621 = arith.mulf %div3A_1602, %add3A_1508 : vector<64x256xf32>
    %sub3A_1622 = arith.constant 1.000000e+00 : f32
    %sub3A_1623 = vector.broadcast %sub3A_1622 : f32 to vector<64x256xf32>
    %sub3A_1624 = arith.subf %sub3A_1623, %div3A_1602 : vector<64x256xf32>
    %mul3A_1625 = arith.mulf %sub3A_1624, %tanh3A_1620 : vector<64x256xf32>
    %add3A_1626 = arith.addf %mul3A_1621, %mul3A_1625 : vector<64x256xf32>
    %mul3A_1627 = vector.broadcast %get3A_1589 : vector<64x1xf32> to vector<64x256xf32>
    %mul3A_1628 = arith.mulf %mul3A_1627, %add3A_1626 : vector<64x256xf32>
    %sub3A_1629 = arith.constant 1.000000e+00 : f32
    %sub3A_1630 = vector.broadcast %sub3A_1629 : f32 to vector<64x1xf32>
    %sub3A_1631 = arith.subf %sub3A_1630, %get3A_1589 : vector<64x1xf32>
    %mul3A_1632 = vector.broadcast %sub3A_1631 : vector<64x1xf32> to vector<64x256xf32>
    %mul3A_1633 = arith.mulf %mul3A_1632, %add3A_1508 : vector<64x256xf32>
    %add3A_1634 = arith.addf %mul3A_1628, %mul3A_1633 : vector<64x256xf32>
    %swap3A_1635 = arith.constant 0 : index
    %swap3A_1636 = arith.constant 12 : index
    %swap3A_1637 = arith.constant 0 : index
    %swap3A_1638 = vector.load %arg19[%swap3A_1635, %swap3A_1636, %swap3A_1637] : memref<64x16x256xf32, #tpu.memory_space<vmem>>, vector<64x1x256xf32>
    %swap3A_1639 = vector.shape_cast %swap3A_1638 : vector<64x1x256xf32> to vector<64x256xf32>
    %swap3A_1640 = vector.shape_cast %add3A_1634 : vector<64x256xf32> to vector<64x1x256xf32>
    tpu.vector_store %arg19[%swap3A_1635, %swap3A_1636, %swap3A_1637], %swap3A_1640 {strides = array<i32>} : memref<64x16x256xf32, #tpu.memory_space<vmem>>, vector<64x1x256xf32>,
    %get3A_1641 = arith.constant 192 : index
    %get3A_1642 = arith.constant 0 : index
    %get3A_1643 = vector.load %arg26[%get3A_1641, %get3A_1642] : memref<1024x768xf32, #tpu.memory_space<vmem>>, vector<64x768xf32>
    %dot_general3A_1644 = arith.constant dense<0.000000e+00> : vector<64x768xf32>
    %dot_general3A_1645 = tpu.matmul %add3A_1571, %get3A_66, %dot_general3A_1644 {dimension_numbers = #tpu.dot_dimension_numbers<[1], [0], [0], [1], [0, 0, 1, 1], [], []>, transpose_lhs_hint = false} : vector<64x256xf32>, vector<256x768xf32>, vector<64x768xf32> -> vector<64x768xf32>
    %add3A_1646 = vector.broadcast %get3A_72 : vector<1x768xf32> to vector<64x768xf32>
    %add3A_1647 = arith.addf %dot_general3A_1645, %add3A_1646 : vector<64x768xf32>
    %get3A_1648 = arith.constant 3 : index
    %get3A_1649 = arith.constant 0 : index
    %get3A_1650 = arith.constant 0 : index
    %get3A_1651 = vector.load %arg6[%get3A_1648, %get3A_1649, %get3A_1650] : memref<16x64x1xf32, #tpu.memory_space<vmem>>, vector<1x64x1xf32>
    %get3A_1652 = vector.shape_cast %get3A_1651 : vector<1x64x1xf32> to vector<64x1xf32>
    %slice3A_1653 = vector.extract_strided_slice %get3A_1643 {offsets = [0, 0], sizes = [64, 256], strides = [1, 1]} : vector<64x768xf32> to vector<64x256xf32>
    %slice3A_1654 = vector.extract_strided_slice %add3A_1647 {offsets = [0, 0], sizes = [64, 256], strides = [1, 1]} : vector<64x768xf32> to vector<64x256xf32>
    %add3A_1655 = arith.addf %slice3A_1653, %slice3A_1654 : vector<64x256xf32>
    %neg3A_1656 = arith.constant 0.000000e+00 : f32
    %neg3A_1657 = vector.broadcast %neg3A_1656 : f32 to vector<64x256xf32>
    %neg3A_1658 = arith.subf %neg3A_1657, %add3A_1655 : vector<64x256xf32>
    %exp3A_1659 = math.exp %neg3A_1658 : vector<64x256xf32>
    %add3A_1660 = arith.constant 1.000000e+00 : f32
    %add3A_1661 = vector.broadcast %add3A_1660 : f32 to vector<64x256xf32>
    %add3A_1662 = arith.addf %add3A_1661, %exp3A_1659 : vector<64x256xf32>
    %div3A_1663 = arith.constant 1.000000e+00 : f32
    %div3A_1664 = vector.broadcast %div3A_1663 : f32 to vector<64x256xf32>
    %div3A_1665 = arith.divf %div3A_1664, %add3A_1662 : vector<64x256xf32>
    %slice3A_1666 = vector.extract_strided_slice %get3A_1643 {offsets = [0, 256], sizes = [64, 256], strides = [1, 1]} : vector<64x768xf32> to vector<64x256xf32>
    %slice3A_1667 = vector.extract_strided_slice %add3A_1647 {offsets = [0, 256], sizes = [64, 256], strides = [1, 1]} : vector<64x768xf32> to vector<64x256xf32>
    %add3A_1668 = arith.addf %slice3A_1666, %slice3A_1667 : vector<64x256xf32>
    %neg3A_1669 = arith.constant 0.000000e+00 : f32
    %neg3A_1670 = vector.broadcast %neg3A_1669 : f32 to vector<64x256xf32>
    %neg3A_1671 = arith.subf %neg3A_1670, %add3A_1668 : vector<64x256xf32>
    %exp3A_1672 = math.exp %neg3A_1671 : vector<64x256xf32>
    %add3A_1673 = arith.constant 1.000000e+00 : f32
    %add3A_1674 = vector.broadcast %add3A_1673 : f32 to vector<64x256xf32>
    %add3A_1675 = arith.addf %add3A_1674, %exp3A_1672 : vector<64x256xf32>
    %div3A_1676 = arith.constant 1.000000e+00 : f32
    %div3A_1677 = vector.broadcast %div3A_1676 : f32 to vector<64x256xf32>
    %div3A_1678 = arith.divf %div3A_1677, %add3A_1675 : vector<64x256xf32>
    %slice3A_1679 = vector.extract_strided_slice %get3A_1643 {offsets = [0, 512], sizes = [64, 256], strides = [1, 1]} : vector<64x768xf32> to vector<64x256xf32>
    %slice3A_1680 = vector.extract_strided_slice %add3A_1647 {offsets = [0, 512], sizes = [64, 256], strides = [1, 1]} : vector<64x768xf32> to vector<64x256xf32>
    %mul3A_1681 = arith.mulf %div3A_1678, %slice3A_1680 : vector<64x256xf32>
    %add3A_1682 = arith.addf %slice3A_1679, %mul3A_1681 : vector<64x256xf32>
    %tanh3A_1683 = math.tanh %add3A_1682 : vector<64x256xf32>
    %mul3A_1684 = arith.mulf %div3A_1665, %add3A_1571 : vector<64x256xf32>
    %sub3A_1685 = arith.constant 1.000000e+00 : f32
    %sub3A_1686 = vector.broadcast %sub3A_1685 : f32 to vector<64x256xf32>
    %sub3A_1687 = arith.subf %sub3A_1686, %div3A_1665 : vector<64x256xf32>
    %mul3A_1688 = arith.mulf %sub3A_1687, %tanh3A_1683 : vector<64x256xf32>
    %add3A_1689 = arith.addf %mul3A_1684, %mul3A_1688 : vector<64x256xf32>
    %mul3A_1690 = vector.broadcast %get3A_1652 : vector<64x1xf32> to vector<64x256xf32>
    %mul3A_1691 = arith.mulf %mul3A_1690, %add3A_1689 : vector<64x256xf32>
    %sub3A_1692 = arith.constant 1.000000e+00 : f32
    %sub3A_1693 = vector.broadcast %sub3A_1692 : f32 to vector<64x1xf32>
    %sub3A_1694 = arith.subf %sub3A_1693, %get3A_1652 : vector<64x1xf32>
    %mul3A_1695 = vector.broadcast %sub3A_1694 : vector<64x1xf32> to vector<64x256xf32>
    %mul3A_1696 = arith.mulf %mul3A_1695, %add3A_1571 : vector<64x256xf32>
    %add3A_1697 = arith.addf %mul3A_1691, %mul3A_1696 : vector<64x256xf32>
    %swap3A_1698 = arith.constant 0 : index
    %swap3A_1699 = arith.constant 3 : index
    %swap3A_1700 = arith.constant 0 : index
    %swap3A_1701 = vector.load %arg20[%swap3A_1698, %swap3A_1699, %swap3A_1700] : memref<64x16x256xf32, #tpu.memory_space<vmem>>, vector<64x1x256xf32>
    %swap3A_1702 = vector.shape_cast %swap3A_1701 : vector<64x1x256xf32> to vector<64x256xf32>
    %swap3A_1703 = vector.shape_cast %add3A_1697 : vector<64x256xf32> to vector<64x1x256xf32>
    tpu.vector_store %arg20[%swap3A_1698, %swap3A_1699, %swap3A_1700], %swap3A_1703 {strides = array<i32>} : memref<64x16x256xf32, #tpu.memory_space<vmem>>, vector<64x1x256xf32>,
    %get3A_1704 = arith.constant 832 : index
    %get3A_1705 = arith.constant 0 : index
    %get3A_1706 = vector.load %arg25[%get3A_1704, %get3A_1705] : memref<1024x768xf32, #tpu.memory_space<vmem>>, vector<64x768xf32>
    %dot_general3A_1707 = arith.constant dense<0.000000e+00> : vector<64x768xf32>
    %dot_general3A_1708 = tpu.matmul %add3A_1634, %get3A_63, %dot_general3A_1707 {dimension_numbers = #tpu.dot_dimension_numbers<[1], [0], [0], [1], [0, 0, 1, 1], [], []>, transpose_lhs_hint = false} : vector<64x256xf32>, vector<256x768xf32>, vector<64x768xf32> -> vector<64x768xf32>
    %add3A_1709 = vector.broadcast %get3A_69 : vector<1x768xf32> to vector<64x768xf32>
    %add3A_1710 = arith.addf %dot_general3A_1708, %add3A_1709 : vector<64x768xf32>
    %get3A_1711 = arith.constant 13 : index
    %get3A_1712 = arith.constant 0 : index
    %get3A_1713 = arith.constant 0 : index
    %get3A_1714 = vector.load %arg5[%get3A_1711, %get3A_1712, %get3A_1713] : memref<16x64x1xf32, #tpu.memory_space<vmem>>, vector<1x64x1xf32>
    %get3A_1715 = vector.shape_cast %get3A_1714 : vector<1x64x1xf32> to vector<64x1xf32>
    %slice3A_1716 = vector.extract_strided_slice %get3A_1706 {offsets = [0, 0], sizes = [64, 256], strides = [1, 1]} : vector<64x768xf32> to vector<64x256xf32>
    %slice3A_1717 = vector.extract_strided_slice %add3A_1710 {offsets = [0, 0], sizes = [64, 256], strides = [1, 1]} : vector<64x768xf32> to vector<64x256xf32>
    %add3A_1718 = arith.addf %slice3A_1716, %slice3A_1717 : vector<64x256xf32>
    %neg3A_1719 = arith.constant 0.000000e+00 : f32
    %neg3A_1720 = vector.broadcast %neg3A_1719 : f32 to vector<64x256xf32>
    %neg3A_1721 = arith.subf %neg3A_1720, %add3A_1718 : vector<64x256xf32>
    %exp3A_1722 = math.exp %neg3A_1721 : vector<64x256xf32>
    %add3A_1723 = arith.constant 1.000000e+00 : f32
    %add3A_1724 = vector.broadcast %add3A_1723 : f32 to vector<64x256xf32>
    %add3A_1725 = arith.addf %add3A_1724, %exp3A_1722 : vector<64x256xf32>
    %div3A_1726 = arith.constant 1.000000e+00 : f32
    %div3A_1727 = vector.broadcast %div3A_1726 : f32 to vector<64x256xf32>
    %div3A_1728 = arith.divf %div3A_1727, %add3A_1725 : vector<64x256xf32>
    %slice3A_1729 = vector.extract_strided_slice %get3A_1706 {offsets = [0, 256], sizes = [64, 256], strides = [1, 1]} : vector<64x768xf32> to vector<64x256xf32>
    %slice3A_1730 = vector.extract_strided_slice %add3A_1710 {offsets = [0, 256], sizes = [64, 256], strides = [1, 1]} : vector<64x768xf32> to vector<64x256xf32>
    %add3A_1731 = arith.addf %slice3A_1729, %slice3A_1730 : vector<64x256xf32>
    %neg3A_1732 = arith.constant 0.000000e+00 : f32
    %neg3A_1733 = vector.broadcast %neg3A_1732 : f32 to vector<64x256xf32>
    %neg3A_1734 = arith.subf %neg3A_1733, %add3A_1731 : vector<64x256xf32>
    %exp3A_1735 = math.exp %neg3A_1734 : vector<64x256xf32>
    %add3A_1736 = arith.constant 1.000000e+00 : f32
    %add3A_1737 = vector.broadcast %add3A_1736 : f32 to vector<64x256xf32>
    %add3A_1738 = arith.addf %add3A_1737, %exp3A_1735 : vector<64x256xf32>
    %div3A_1739 = arith.constant 1.000000e+00 : f32
    %div3A_1740 = vector.broadcast %div3A_1739 : f32 to vector<64x256xf32>
    %div3A_1741 = arith.divf %div3A_1740, %add3A_1738 : vector<64x256xf32>
    %slice3A_1742 = vector.extract_strided_slice %get3A_1706 {offsets = [0, 512], sizes = [64, 256], strides = [1, 1]} : vector<64x768xf32> to vector<64x256xf32>
    %slice3A_1743 = vector.extract_strided_slice %add3A_1710 {offsets = [0, 512], sizes = [64, 256], strides = [1, 1]} : vector<64x768xf32> to vector<64x256xf32>
    %mul3A_1744 = arith.mulf %div3A_1741, %slice3A_1743 : vector<64x256xf32>
    %add3A_1745 = arith.addf %slice3A_1742, %mul3A_1744 : vector<64x256xf32>
    %tanh3A_1746 = math.tanh %add3A_1745 : vector<64x256xf32>
    %mul3A_1747 = arith.mulf %div3A_1728, %add3A_1634 : vector<64x256xf32>
    %sub3A_1748 = arith.constant 1.000000e+00 : f32
    %sub3A_1749 = vector.broadcast %sub3A_1748 : f32 to vector<64x256xf32>
    %sub3A_1750 = arith.subf %sub3A_1749, %div3A_1728 : vector<64x256xf32>
    %mul3A_1751 = arith.mulf %sub3A_1750, %tanh3A_1746 : vector<64x256xf32>
    %add3A_1752 = arith.addf %mul3A_1747, %mul3A_1751 : vector<64x256xf32>
    %mul3A_1753 = vector.broadcast %get3A_1715 : vector<64x1xf32> to vector<64x256xf32>
    %mul3A_1754 = arith.mulf %mul3A_1753, %add3A_1752 : vector<64x256xf32>
    %sub3A_1755 = arith.constant 1.000000e+00 : f32
    %sub3A_1756 = vector.broadcast %sub3A_1755 : f32 to vector<64x1xf32>
    %sub3A_1757 = arith.subf %sub3A_1756, %get3A_1715 : vector<64x1xf32>
    %mul3A_1758 = vector.broadcast %sub3A_1757 : vector<64x1xf32> to vector<64x256xf32>
    %mul3A_1759 = arith.mulf %mul3A_1758, %add3A_1634 : vector<64x256xf32>
    %add3A_1760 = arith.addf %mul3A_1754, %mul3A_1759 : vector<64x256xf32>
    %swap3A_1761 = arith.constant 0 : index
    %swap3A_1762 = arith.constant 13 : index
    %swap3A_1763 = arith.constant 0 : index
    %swap3A_1764 = vector.load %arg19[%swap3A_1761, %swap3A_1762, %swap3A_1763] : memref<64x16x256xf32, #tpu.memory_space<vmem>>, vector<64x1x256xf32>
    %swap3A_1765 = vector.shape_cast %swap3A_1764 : vector<64x1x256xf32> to vector<64x256xf32>
    %swap3A_1766 = vector.shape_cast %add3A_1760 : vector<64x256xf32> to vector<64x1x256xf32>
    tpu.vector_store %arg19[%swap3A_1761, %swap3A_1762, %swap3A_1763], %swap3A_1766 {strides = array<i32>} : memref<64x16x256xf32, #tpu.memory_space<vmem>>, vector<64x1x256xf32>,
    %get3A_1767 = arith.constant 128 : index
    %get3A_1768 = arith.constant 0 : index
    %get3A_1769 = vector.load %arg26[%get3A_1767, %get3A_1768] : memref<1024x768xf32, #tpu.memory_space<vmem>>, vector<64x768xf32>
    %dot_general3A_1770 = arith.constant dense<0.000000e+00> : vector<64x768xf32>
    %dot_general3A_1771 = tpu.matmul %add3A_1697, %get3A_66, %dot_general3A_1770 {dimension_numbers = #tpu.dot_dimension_numbers<[1], [0], [0], [1], [0, 0, 1, 1], [], []>, transpose_lhs_hint = false} : vector<64x256xf32>, vector<256x768xf32>, vector<64x768xf32> -> vector<64x768xf32>
    %add3A_1772 = vector.broadcast %get3A_72 : vector<1x768xf32> to vector<64x768xf32>
    %add3A_1773 = arith.addf %dot_general3A_1771, %add3A_1772 : vector<64x768xf32>
    %get3A_1774 = arith.constant 2 : index
    %get3A_1775 = arith.constant 0 : index
    %get3A_1776 = arith.constant 0 : index
    %get3A_1777 = vector.load %arg6[%get3A_1774, %get3A_1775, %get3A_1776] : memref<16x64x1xf32, #tpu.memory_space<vmem>>, vector<1x64x1xf32>
    %get3A_1778 = vector.shape_cast %get3A_1777 : vector<1x64x1xf32> to vector<64x1xf32>
    %slice3A_1779 = vector.extract_strided_slice %get3A_1769 {offsets = [0, 0], sizes = [64, 256], strides = [1, 1]} : vector<64x768xf32> to vector<64x256xf32>
    %slice3A_1780 = vector.extract_strided_slice %add3A_1773 {offsets = [0, 0], sizes = [64, 256], strides = [1, 1]} : vector<64x768xf32> to vector<64x256xf32>
    %add3A_1781 = arith.addf %slice3A_1779, %slice3A_1780 : vector<64x256xf32>
    %neg3A_1782 = arith.constant 0.000000e+00 : f32
    %neg3A_1783 = vector.broadcast %neg3A_1782 : f32 to vector<64x256xf32>
    %neg3A_1784 = arith.subf %neg3A_1783, %add3A_1781 : vector<64x256xf32>
    %exp3A_1785 = math.exp %neg3A_1784 : vector<64x256xf32>
    %add3A_1786 = arith.constant 1.000000e+00 : f32
    %add3A_1787 = vector.broadcast %add3A_1786 : f32 to vector<64x256xf32>
    %add3A_1788 = arith.addf %add3A_1787, %exp3A_1785 : vector<64x256xf32>
    %div3A_1789 = arith.constant 1.000000e+00 : f32
    %div3A_1790 = vector.broadcast %div3A_1789 : f32 to vector<64x256xf32>
    %div3A_1791 = arith.divf %div3A_1790, %add3A_1788 : vector<64x256xf32>
    %slice3A_1792 = vector.extract_strided_slice %get3A_1769 {offsets = [0, 256], sizes = [64, 256], strides = [1, 1]} : vector<64x768xf32> to vector<64x256xf32>
    %slice3A_1793 = vector.extract_strided_slice %add3A_1773 {offsets = [0, 256], sizes = [64, 256], strides = [1, 1]} : vector<64x768xf32> to vector<64x256xf32>
    %add3A_1794 = arith.addf %slice3A_1792, %slice3A_1793 : vector<64x256xf32>
    %neg3A_1795 = arith.constant 0.000000e+00 : f32
    %neg3A_1796 = vector.broadcast %neg3A_1795 : f32 to vector<64x256xf32>
    %neg3A_1797 = arith.subf %neg3A_1796, %add3A_1794 : vector<64x256xf32>
    %exp3A_1798 = math.exp %neg3A_1797 : vector<64x256xf32>
    %add3A_1799 = arith.constant 1.000000e+00 : f32
    %add3A_1800 = vector.broadcast %add3A_1799 : f32 to vector<64x256xf32>
    %add3A_1801 = arith.addf %add3A_1800, %exp3A_1798 : vector<64x256xf32>
    %div3A_1802 = arith.constant 1.000000e+00 : f32
    %div3A_1803 = vector.broadcast %div3A_1802 : f32 to vector<64x256xf32>
    %div3A_1804 = arith.divf %div3A_1803, %add3A_1801 : vector<64x256xf32>
    %slice3A_1805 = vector.extract_strided_slice %get3A_1769 {offsets = [0, 512], sizes = [64, 256], strides = [1, 1]} : vector<64x768xf32> to vector<64x256xf32>
    %slice3A_1806 = vector.extract_strided_slice %add3A_1773 {offsets = [0, 512], sizes = [64, 256], strides = [1, 1]} : vector<64x768xf32> to vector<64x256xf32>
    %mul3A_1807 = arith.mulf %div3A_1804, %slice3A_1806 : vector<64x256xf32>
    %add3A_1808 = arith.addf %slice3A_1805, %mul3A_1807 : vector<64x256xf32>
    %tanh3A_1809 = math.tanh %add3A_1808 : vector<64x256xf32>
    %mul3A_1810 = arith.mulf %div3A_1791, %add3A_1697 : vector<64x256xf32>
    %sub3A_1811 = arith.constant 1.000000e+00 : f32
    %sub3A_1812 = vector.broadcast %sub3A_1811 : f32 to vector<64x256xf32>
    %sub3A_1813 = arith.subf %sub3A_1812, %div3A_1791 : vector<64x256xf32>
    %mul3A_1814 = arith.mulf %sub3A_1813, %tanh3A_1809 : vector<64x256xf32>
    %add3A_1815 = arith.addf %mul3A_1810, %mul3A_1814 : vector<64x256xf32>
    %mul3A_1816 = vector.broadcast %get3A_1778 : vector<64x1xf32> to vector<64x256xf32>
    %mul3A_1817 = arith.mulf %mul3A_1816, %add3A_1815 : vector<64x256xf32>
    %sub3A_1818 = arith.constant 1.000000e+00 : f32
    %sub3A_1819 = vector.broadcast %sub3A_1818 : f32 to vector<64x1xf32>
    %sub3A_1820 = arith.subf %sub3A_1819, %get3A_1778 : vector<64x1xf32>
    %mul3A_1821 = vector.broadcast %sub3A_1820 : vector<64x1xf32> to vector<64x256xf32>
    %mul3A_1822 = arith.mulf %mul3A_1821, %add3A_1697 : vector<64x256xf32>
    %add3A_1823 = arith.addf %mul3A_1817, %mul3A_1822 : vector<64x256xf32>
    %swap3A_1824 = arith.constant 0 : index
    %swap3A_1825 = arith.constant 2 : index
    %swap3A_1826 = arith.constant 0 : index
    %swap3A_1827 = vector.load %arg20[%swap3A_1824, %swap3A_1825, %swap3A_1826] : memref<64x16x256xf32, #tpu.memory_space<vmem>>, vector<64x1x256xf32>
    %swap3A_1828 = vector.shape_cast %swap3A_1827 : vector<64x1x256xf32> to vector<64x256xf32>
    %swap3A_1829 = vector.shape_cast %add3A_1823 : vector<64x256xf32> to vector<64x1x256xf32>
    tpu.vector_store %arg20[%swap3A_1824, %swap3A_1825, %swap3A_1826], %swap3A_1829 {strides = array<i32>} : memref<64x16x256xf32, #tpu.memory_space<vmem>>, vector<64x1x256xf32>,
    %get3A_1830 = arith.constant 896 : index
    %get3A_1831 = arith.constant 0 : index
    %get3A_1832 = vector.load %arg25[%get3A_1830, %get3A_1831] : memref<1024x768xf32, #tpu.memory_space<vmem>>, vector<64x768xf32>
    %dot_general3A_1833 = arith.constant dense<0.000000e+00> : vector<64x768xf32>
    %dot_general3A_1834 = tpu.matmul %add3A_1760, %get3A_63, %dot_general3A_1833 {dimension_numbers = #tpu.dot_dimension_numbers<[1], [0], [0], [1], [0, 0, 1, 1], [], []>, transpose_lhs_hint = false} : vector<64x256xf32>, vector<256x768xf32>, vector<64x768xf32> -> vector<64x768xf32>
    %add3A_1835 = vector.broadcast %get3A_69 : vector<1x768xf32> to vector<64x768xf32>
    %add3A_1836 = arith.addf %dot_general3A_1834, %add3A_1835 : vector<64x768xf32>
    %get3A_1837 = arith.constant 14 : index
    %get3A_1838 = arith.constant 0 : index
    %get3A_1839 = arith.constant 0 : index
    %get3A_1840 = vector.load %arg5[%get3A_1837, %get3A_1838, %get3A_1839] : memref<16x64x1xf32, #tpu.memory_space<vmem>>, vector<1x64x1xf32>
    %get3A_1841 = vector.shape_cast %get3A_1840 : vector<1x64x1xf32> to vector<64x1xf32>
    %slice3A_1842 = vector.extract_strided_slice %get3A_1832 {offsets = [0, 0], sizes = [64, 256], strides = [1, 1]} : vector<64x768xf32> to vector<64x256xf32>
    %slice3A_1843 = vector.extract_strided_slice %add3A_1836 {offsets = [0, 0], sizes = [64, 256], strides = [1, 1]} : vector<64x768xf32> to vector<64x256xf32>
    %add3A_1844 = arith.addf %slice3A_1842, %slice3A_1843 : vector<64x256xf32>
    %neg3A_1845 = arith.constant 0.000000e+00 : f32
    %neg3A_1846 = vector.broadcast %neg3A_1845 : f32 to vector<64x256xf32>
    %neg3A_1847 = arith.subf %neg3A_1846, %add3A_1844 : vector<64x256xf32>
    %exp3A_1848 = math.exp %neg3A_1847 : vector<64x256xf32>
    %add3A_1849 = arith.constant 1.000000e+00 : f32
    %add3A_1850 = vector.broadcast %add3A_1849 : f32 to vector<64x256xf32>
    %add3A_1851 = arith.addf %add3A_1850, %exp3A_1848 : vector<64x256xf32>
    %div3A_1852 = arith.constant 1.000000e+00 : f32
    %div3A_1853 = vector.broadcast %div3A_1852 : f32 to vector<64x256xf32>
    %div3A_1854 = arith.divf %div3A_1853, %add3A_1851 : vector<64x256xf32>
    %slice3A_1855 = vector.extract_strided_slice %get3A_1832 {offsets = [0, 256], sizes = [64, 256], strides = [1, 1]} : vector<64x768xf32> to vector<64x256xf32>
    %slice3A_1856 = vector.extract_strided_slice %add3A_1836 {offsets = [0, 256], sizes = [64, 256], strides = [1, 1]} : vector<64x768xf32> to vector<64x256xf32>
    %add3A_1857 = arith.addf %slice3A_1855, %slice3A_1856 : vector<64x256xf32>
    %neg3A_1858 = arith.constant 0.000000e+00 : f32
    %neg3A_1859 = vector.broadcast %neg3A_1858 : f32 to vector<64x256xf32>
    %neg3A_1860 = arith.subf %neg3A_1859, %add3A_1857 : vector<64x256xf32>
    %exp3A_1861 = math.exp %neg3A_1860 : vector<64x256xf32>
    %add3A_1862 = arith.constant 1.000000e+00 : f32
    %add3A_1863 = vector.broadcast %add3A_1862 : f32 to vector<64x256xf32>
    %add3A_1864 = arith.addf %add3A_1863, %exp3A_1861 : vector<64x256xf32>
    %div3A_1865 = arith.constant 1.000000e+00 : f32
    %div3A_1866 = vector.broadcast %div3A_1865 : f32 to vector<64x256xf32>
    %div3A_1867 = arith.divf %div3A_1866, %add3A_1864 : vector<64x256xf32>
    %slice3A_1868 = vector.extract_strided_slice %get3A_1832 {offsets = [0, 512], sizes = [64, 256], strides = [1, 1]} : vector<64x768xf32> to vector<64x256xf32>
    %slice3A_1869 = vector.extract_strided_slice %add3A_1836 {offsets = [0, 512], sizes = [64, 256], strides = [1, 1]} : vector<64x768xf32> to vector<64x256xf32>
    %mul3A_1870 = arith.mulf %div3A_1867, %slice3A_1869 : vector<64x256xf32>
    %add3A_1871 = arith.addf %slice3A_1868, %mul3A_1870 : vector<64x256xf32>
    %tanh3A_1872 = math.tanh %add3A_1871 : vector<64x256xf32>
    %mul3A_1873 = arith.mulf %div3A_1854, %add3A_1760 : vector<64x256xf32>
    %sub3A_1874 = arith.constant 1.000000e+00 : f32
    %sub3A_1875 = vector.broadcast %sub3A_1874 : f32 to vector<64x256xf32>
    %sub3A_1876 = arith.subf %sub3A_1875, %div3A_1854 : vector<64x256xf32>
    %mul3A_1877 = arith.mulf %sub3A_1876, %tanh3A_1872 : vector<64x256xf32>
    %add3A_1878 = arith.addf %mul3A_1873, %mul3A_1877 : vector<64x256xf32>
    %mul3A_1879 = vector.broadcast %get3A_1841 : vector<64x1xf32> to vector<64x256xf32>
    %mul3A_1880 = arith.mulf %mul3A_1879, %add3A_1878 : vector<64x256xf32>
    %sub3A_1881 = arith.constant 1.000000e+00 : f32
    %sub3A_1882 = vector.broadcast %sub3A_1881 : f32 to vector<64x1xf32>
    %sub3A_1883 = arith.subf %sub3A_1882, %get3A_1841 : vector<64x1xf32>
    %mul3A_1884 = vector.broadcast %sub3A_1883 : vector<64x1xf32> to vector<64x256xf32>
    %mul3A_1885 = arith.mulf %mul3A_1884, %add3A_1760 : vector<64x256xf32>
    %add3A_1886 = arith.addf %mul3A_1880, %mul3A_1885 : vector<64x256xf32>
    %swap3A_1887 = arith.constant 0 : index
    %swap3A_1888 = arith.constant 14 : index
    %swap3A_1889 = arith.constant 0 : index
    %swap3A_1890 = vector.load %arg19[%swap3A_1887, %swap3A_1888, %swap3A_1889] : memref<64x16x256xf32, #tpu.memory_space<vmem>>, vector<64x1x256xf32>
    %swap3A_1891 = vector.shape_cast %swap3A_1890 : vector<64x1x256xf32> to vector<64x256xf32>
    %swap3A_1892 = vector.shape_cast %add3A_1886 : vector<64x256xf32> to vector<64x1x256xf32>
    tpu.vector_store %arg19[%swap3A_1887, %swap3A_1888, %swap3A_1889], %swap3A_1892 {strides = array<i32>} : memref<64x16x256xf32, #tpu.memory_space<vmem>>, vector<64x1x256xf32>,
    %get3A_1893 = arith.constant 64 : index
    %get3A_1894 = arith.constant 0 : index
    %get3A_1895 = vector.load %arg26[%get3A_1893, %get3A_1894] : memref<1024x768xf32, #tpu.memory_space<vmem>>, vector<64x768xf32>
    %dot_general3A_1896 = arith.constant dense<0.000000e+00> : vector<64x768xf32>
    %dot_general3A_1897 = tpu.matmul %add3A_1823, %get3A_66, %dot_general3A_1896 {dimension_numbers = #tpu.dot_dimension_numbers<[1], [0], [0], [1], [0, 0, 1, 1], [], []>, transpose_lhs_hint = false} : vector<64x256xf32>, vector<256x768xf32>, vector<64x768xf32> -> vector<64x768xf32>
    %add3A_1898 = vector.broadcast %get3A_72 : vector<1x768xf32> to vector<64x768xf32>
    %add3A_1899 = arith.addf %dot_general3A_1897, %add3A_1898 : vector<64x768xf32>
    %get3A_1900 = arith.constant 1 : index
    %get3A_1901 = arith.constant 0 : index
    %get3A_1902 = arith.constant 0 : index
    %get3A_1903 = vector.load %arg6[%get3A_1900, %get3A_1901, %get3A_1902] : memref<16x64x1xf32, #tpu.memory_space<vmem>>, vector<1x64x1xf32>
    %get3A_1904 = vector.shape_cast %get3A_1903 : vector<1x64x1xf32> to vector<64x1xf32>
    %slice3A_1905 = vector.extract_strided_slice %get3A_1895 {offsets = [0, 0], sizes = [64, 256], strides = [1, 1]} : vector<64x768xf32> to vector<64x256xf32>
    %slice3A_1906 = vector.extract_strided_slice %add3A_1899 {offsets = [0, 0], sizes = [64, 256], strides = [1, 1]} : vector<64x768xf32> to vector<64x256xf32>
    %add3A_1907 = arith.addf %slice3A_1905, %slice3A_1906 : vector<64x256xf32>
    %neg3A_1908 = arith.constant 0.000000e+00 : f32
    %neg3A_1909 = vector.broadcast %neg3A_1908 : f32 to vector<64x256xf32>
    %neg3A_1910 = arith.subf %neg3A_1909, %add3A_1907 : vector<64x256xf32>
    %exp3A_1911 = math.exp %neg3A_1910 : vector<64x256xf32>
    %add3A_1912 = arith.constant 1.000000e+00 : f32
    %add3A_1913 = vector.broadcast %add3A_1912 : f32 to vector<64x256xf32>
    %add3A_1914 = arith.addf %add3A_1913, %exp3A_1911 : vector<64x256xf32>
    %div3A_1915 = arith.constant 1.000000e+00 : f32
    %div3A_1916 = vector.broadcast %div3A_1915 : f32 to vector<64x256xf32>
    %div3A_1917 = arith.divf %div3A_1916, %add3A_1914 : vector<64x256xf32>
    %slice3A_1918 = vector.extract_strided_slice %get3A_1895 {offsets = [0, 256], sizes = [64, 256], strides = [1, 1]} : vector<64x768xf32> to vector<64x256xf32>
    %slice3A_1919 = vector.extract_strided_slice %add3A_1899 {offsets = [0, 256], sizes = [64, 256], strides = [1, 1]} : vector<64x768xf32> to vector<64x256xf32>
    %add3A_1920 = arith.addf %slice3A_1918, %slice3A_1919 : vector<64x256xf32>
    %neg3A_1921 = arith.constant 0.000000e+00 : f32
    %neg3A_1922 = vector.broadcast %neg3A_1921 : f32 to vector<64x256xf32>
    %neg3A_1923 = arith.subf %neg3A_1922, %add3A_1920 : vector<64x256xf32>
    %exp3A_1924 = math.exp %neg3A_1923 : vector<64x256xf32>
    %add3A_1925 = arith.constant 1.000000e+00 : f32
    %add3A_1926 = vector.broadcast %add3A_1925 : f32 to vector<64x256xf32>
    %add3A_1927 = arith.addf %add3A_1926, %exp3A_1924 : vector<64x256xf32>
    %div3A_1928 = arith.constant 1.000000e+00 : f32
    %div3A_1929 = vector.broadcast %div3A_1928 : f32 to vector<64x256xf32>
    %div3A_1930 = arith.divf %div3A_1929, %add3A_1927 : vector<64x256xf32>
    %slice3A_1931 = vector.extract_strided_slice %get3A_1895 {offsets = [0, 512], sizes = [64, 256], strides = [1, 1]} : vector<64x768xf32> to vector<64x256xf32>
    %slice3A_1932 = vector.extract_strided_slice %add3A_1899 {offsets = [0, 512], sizes = [64, 256], strides = [1, 1]} : vector<64x768xf32> to vector<64x256xf32>
    %mul3A_1933 = arith.mulf %div3A_1930, %slice3A_1932 : vector<64x256xf32>
    %add3A_1934 = arith.addf %slice3A_1931, %mul3A_1933 : vector<64x256xf32>
    %tanh3A_1935 = math.tanh %add3A_1934 : vector<64x256xf32>
    %mul3A_1936 = arith.mulf %div3A_1917, %add3A_1823 : vector<64x256xf32>
    %sub3A_1937 = arith.constant 1.000000e+00 : f32
    %sub3A_1938 = vector.broadcast %sub3A_1937 : f32 to vector<64x256xf32>
    %sub3A_1939 = arith.subf %sub3A_1938, %div3A_1917 : vector<64x256xf32>
    %mul3A_1940 = arith.mulf %sub3A_1939, %tanh3A_1935 : vector<64x256xf32>
    %add3A_1941 = arith.addf %mul3A_1936, %mul3A_1940 : vector<64x256xf32>
    %mul3A_1942 = vector.broadcast %get3A_1904 : vector<64x1xf32> to vector<64x256xf32>
    %mul3A_1943 = arith.mulf %mul3A_1942, %add3A_1941 : vector<64x256xf32>
    %sub3A_1944 = arith.constant 1.000000e+00 : f32
    %sub3A_1945 = vector.broadcast %sub3A_1944 : f32 to vector<64x1xf32>
    %sub3A_1946 = arith.subf %sub3A_1945, %get3A_1904 : vector<64x1xf32>
    %mul3A_1947 = vector.broadcast %sub3A_1946 : vector<64x1xf32> to vector<64x256xf32>
    %mul3A_1948 = arith.mulf %mul3A_1947, %add3A_1823 : vector<64x256xf32>
    %add3A_1949 = arith.addf %mul3A_1943, %mul3A_1948 : vector<64x256xf32>
    %swap3A_1950 = arith.constant 0 : index
    %swap3A_1951 = arith.constant 1 : index
    %swap3A_1952 = arith.constant 0 : index
    %swap3A_1953 = vector.load %arg20[%swap3A_1950, %swap3A_1951, %swap3A_1952] : memref<64x16x256xf32, #tpu.memory_space<vmem>>, vector<64x1x256xf32>
    %swap3A_1954 = vector.shape_cast %swap3A_1953 : vector<64x1x256xf32> to vector<64x256xf32>
    %swap3A_1955 = vector.shape_cast %add3A_1949 : vector<64x256xf32> to vector<64x1x256xf32>
    tpu.vector_store %arg20[%swap3A_1950, %swap3A_1951, %swap3A_1952], %swap3A_1955 {strides = array<i32>} : memref<64x16x256xf32, #tpu.memory_space<vmem>>, vector<64x1x256xf32>,
    %get3A_1956 = arith.constant 960 : index
    %get3A_1957 = arith.constant 0 : index
    %get3A_1958 = vector.load %arg25[%get3A_1956, %get3A_1957] : memref<1024x768xf32, #tpu.memory_space<vmem>>, vector<64x768xf32>
    %dot_general3A_1959 = arith.constant dense<0.000000e+00> : vector<64x768xf32>
    %dot_general3A_1960 = tpu.matmul %add3A_1886, %get3A_63, %dot_general3A_1959 {dimension_numbers = #tpu.dot_dimension_numbers<[1], [0], [0], [1], [0, 0, 1, 1], [], []>, transpose_lhs_hint = false} : vector<64x256xf32>, vector<256x768xf32>, vector<64x768xf32> -> vector<64x768xf32>
    %add3A_1961 = vector.broadcast %get3A_69 : vector<1x768xf32> to vector<64x768xf32>
    %add3A_1962 = arith.addf %dot_general3A_1960, %add3A_1961 : vector<64x768xf32>
    %get3A_1963 = arith.constant 15 : index
    %get3A_1964 = arith.constant 0 : index
    %get3A_1965 = arith.constant 0 : index
    %get3A_1966 = vector.load %arg5[%get3A_1963, %get3A_1964, %get3A_1965] : memref<16x64x1xf32, #tpu.memory_space<vmem>>, vector<1x64x1xf32>
    %get3A_1967 = vector.shape_cast %get3A_1966 : vector<1x64x1xf32> to vector<64x1xf32>
    %slice3A_1968 = vector.extract_strided_slice %get3A_1958 {offsets = [0, 0], sizes = [64, 256], strides = [1, 1]} : vector<64x768xf32> to vector<64x256xf32>
    %slice3A_1969 = vector.extract_strided_slice %add3A_1962 {offsets = [0, 0], sizes = [64, 256], strides = [1, 1]} : vector<64x768xf32> to vector<64x256xf32>
    %add3A_1970 = arith.addf %slice3A_1968, %slice3A_1969 : vector<64x256xf32>
    %neg3A_1971 = arith.constant 0.000000e+00 : f32
    %neg3A_1972 = vector.broadcast %neg3A_1971 : f32 to vector<64x256xf32>
    %neg3A_1973 = arith.subf %neg3A_1972, %add3A_1970 : vector<64x256xf32>
    %exp3A_1974 = math.exp %neg3A_1973 : vector<64x256xf32>
    %add3A_1975 = arith.constant 1.000000e+00 : f32
    %add3A_1976 = vector.broadcast %add3A_1975 : f32 to vector<64x256xf32>
    %add3A_1977 = arith.addf %add3A_1976, %exp3A_1974 : vector<64x256xf32>
    %div3A_1978 = arith.constant 1.000000e+00 : f32
    %div3A_1979 = vector.broadcast %div3A_1978 : f32 to vector<64x256xf32>
    %div3A_1980 = arith.divf %div3A_1979, %add3A_1977 : vector<64x256xf32>
    %slice3A_1981 = vector.extract_strided_slice %get3A_1958 {offsets = [0, 256], sizes = [64, 256], strides = [1, 1]} : vector<64x768xf32> to vector<64x256xf32>
    %slice3A_1982 = vector.extract_strided_slice %add3A_1962 {offsets = [0, 256], sizes = [64, 256], strides = [1, 1]} : vector<64x768xf32> to vector<64x256xf32>
    %add3A_1983 = arith.addf %slice3A_1981, %slice3A_1982 : vector<64x256xf32>
    %neg3A_1984 = arith.constant 0.000000e+00 : f32
    %neg3A_1985 = vector.broadcast %neg3A_1984 : f32 to vector<64x256xf32>
    %neg3A_1986 = arith.subf %neg3A_1985, %add3A_1983 : vector<64x256xf32>
    %exp3A_1987 = math.exp %neg3A_1986 : vector<64x256xf32>
    %add3A_1988 = arith.constant 1.000000e+00 : f32
    %add3A_1989 = vector.broadcast %add3A_1988 : f32 to vector<64x256xf32>
    %add3A_1990 = arith.addf %add3A_1989, %exp3A_1987 : vector<64x256xf32>
    %div3A_1991 = arith.constant 1.000000e+00 : f32
    %div3A_1992 = vector.broadcast %div3A_1991 : f32 to vector<64x256xf32>
    %div3A_1993 = arith.divf %div3A_1992, %add3A_1990 : vector<64x256xf32>
    %slice3A_1994 = vector.extract_strided_slice %get3A_1958 {offsets = [0, 512], sizes = [64, 256], strides = [1, 1]} : vector<64x768xf32> to vector<64x256xf32>
    %slice3A_1995 = vector.extract_strided_slice %add3A_1962 {offsets = [0, 512], sizes = [64, 256], strides = [1, 1]} : vector<64x768xf32> to vector<64x256xf32>
    %mul3A_1996 = arith.mulf %div3A_1993, %slice3A_1995 : vector<64x256xf32>
    %add3A_1997 = arith.addf %slice3A_1994, %mul3A_1996 : vector<64x256xf32>
    %tanh3A_1998 = math.tanh %add3A_1997 : vector<64x256xf32>
    %mul3A_1999 = arith.mulf %div3A_1980, %add3A_1886 : vector<64x256xf32>
    %sub3A_2000 = arith.constant 1.000000e+00 : f32
    %sub3A_2001 = vector.broadcast %sub3A_2000 : f32 to vector<64x256xf32>
    %sub3A_2002 = arith.subf %sub3A_2001, %div3A_1980 : vector<64x256xf32>
    %mul3A_2003 = arith.mulf %sub3A_2002, %tanh3A_1998 : vector<64x256xf32>
    %add3A_2004 = arith.addf %mul3A_1999, %mul3A_2003 : vector<64x256xf32>
    %mul3A_2005 = vector.broadcast %get3A_1967 : vector<64x1xf32> to vector<64x256xf32>
    %mul3A_2006 = arith.mulf %mul3A_2005, %add3A_2004 : vector<64x256xf32>
    %sub3A_2007 = arith.constant 1.000000e+00 : f32
    %sub3A_2008 = vector.broadcast %sub3A_2007 : f32 to vector<64x1xf32>
    %sub3A_2009 = arith.subf %sub3A_2008, %get3A_1967 : vector<64x1xf32>
    %mul3A_2010 = vector.broadcast %sub3A_2009 : vector<64x1xf32> to vector<64x256xf32>
    %mul3A_2011 = arith.mulf %mul3A_2010, %add3A_1886 : vector<64x256xf32>
    %add3A_2012 = arith.addf %mul3A_2006, %mul3A_2011 : vector<64x256xf32>
    %swap3A_2013 = arith.constant 0 : index
    %swap3A_2014 = arith.constant 15 : index
    %swap3A_2015 = arith.constant 0 : index
    %swap3A_2016 = vector.load %arg19[%swap3A_2013, %swap3A_2014, %swap3A_2015] : memref<64x16x256xf32, #tpu.memory_space<vmem>>, vector<64x1x256xf32>
    %swap3A_2017 = vector.shape_cast %swap3A_2016 : vector<64x1x256xf32> to vector<64x256xf32>
    %swap3A_2018 = vector.shape_cast %add3A_2012 : vector<64x256xf32> to vector<64x1x256xf32>
    tpu.vector_store %arg19[%swap3A_2013, %swap3A_2014, %swap3A_2015], %swap3A_2018 {strides = array<i32>} : memref<64x16x256xf32, #tpu.memory_space<vmem>>, vector<64x1x256xf32>,
    %get3A_2019 = arith.constant 0 : index
    %get3A_2020 = arith.constant 0 : index
    %get3A_2021 = vector.load %arg26[%get3A_2019, %get3A_2020] : memref<1024x768xf32, #tpu.memory_space<vmem>>, vector<64x768xf32>
    %dot_general3A_2022 = arith.constant dense<0.000000e+00> : vector<64x768xf32>
    %dot_general3A_2023 = tpu.matmul %add3A_1949, %get3A_66, %dot_general3A_2022 {dimension_numbers = #tpu.dot_dimension_numbers<[1], [0], [0], [1], [0, 0, 1, 1], [], []>, transpose_lhs_hint = false} : vector<64x256xf32>, vector<256x768xf32>, vector<64x768xf32> -> vector<64x768xf32>
    %add3A_2024 = vector.broadcast %get3A_72 : vector<1x768xf32> to vector<64x768xf32>
    %add3A_2025 = arith.addf %dot_general3A_2023, %add3A_2024 : vector<64x768xf32>
    %get3A_2026 = arith.constant 0 : index
    %get3A_2027 = arith.constant 0 : index
    %get3A_2028 = arith.constant 0 : index
    %get3A_2029 = vector.load %arg6[%get3A_2026, %get3A_2027, %get3A_2028] : memref<16x64x1xf32, #tpu.memory_space<vmem>>, vector<1x64x1xf32>
    %get3A_2030 = vector.shape_cast %get3A_2029 : vector<1x64x1xf32> to vector<64x1xf32>
    %slice3A_2031 = vector.extract_strided_slice %get3A_2021 {offsets = [0, 0], sizes = [64, 256], strides = [1, 1]} : vector<64x768xf32> to vector<64x256xf32>
    %slice3A_2032 = vector.extract_strided_slice %add3A_2025 {offsets = [0, 0], sizes = [64, 256], strides = [1, 1]} : vector<64x768xf32> to vector<64x256xf32>
    %add3A_2033 = arith.addf %slice3A_2031, %slice3A_2032 : vector<64x256xf32>
    %neg3A_2034 = arith.constant 0.000000e+00 : f32
    %neg3A_2035 = vector.broadcast %neg3A_2034 : f32 to vector<64x256xf32>
    %neg3A_2036 = arith.subf %neg3A_2035, %add3A_2033 : vector<64x256xf32>
    %exp3A_2037 = math.exp %neg3A_2036 : vector<64x256xf32>
    %add3A_2038 = arith.constant 1.000000e+00 : f32
    %add3A_2039 = vector.broadcast %add3A_2038 : f32 to vector<64x256xf32>
    %add3A_2040 = arith.addf %add3A_2039, %exp3A_2037 : vector<64x256xf32>
    %div3A_2041 = arith.constant 1.000000e+00 : f32
    %div3A_2042 = vector.broadcast %div3A_2041 : f32 to vector<64x256xf32>
    %div3A_2043 = arith.divf %div3A_2042, %add3A_2040 : vector<64x256xf32>
    %slice3A_2044 = vector.extract_strided_slice %get3A_2021 {offsets = [0, 256], sizes = [64, 256], strides = [1, 1]} : vector<64x768xf32> to vector<64x256xf32>
    %slice3A_2045 = vector.extract_strided_slice %add3A_2025 {offsets = [0, 256], sizes = [64, 256], strides = [1, 1]} : vector<64x768xf32> to vector<64x256xf32>
    %add3A_2046 = arith.addf %slice3A_2044, %slice3A_2045 : vector<64x256xf32>
    %neg3A_2047 = arith.constant 0.000000e+00 : f32
    %neg3A_2048 = vector.broadcast %neg3A_2047 : f32 to vector<64x256xf32>
    %neg3A_2049 = arith.subf %neg3A_2048, %add3A_2046 : vector<64x256xf32>
    %exp3A_2050 = math.exp %neg3A_2049 : vector<64x256xf32>
    %add3A_2051 = arith.constant 1.000000e+00 : f32
    %add3A_2052 = vector.broadcast %add3A_2051 : f32 to vector<64x256xf32>
    %add3A_2053 = arith.addf %add3A_2052, %exp3A_2050 : vector<64x256xf32>
    %div3A_2054 = arith.constant 1.000000e+00 : f32
    %div3A_2055 = vector.broadcast %div3A_2054 : f32 to vector<64x256xf32>
    %div3A_2056 = arith.divf %div3A_2055, %add3A_2053 : vector<64x256xf32>
    %slice3A_2057 = vector.extract_strided_slice %get3A_2021 {offsets = [0, 512], sizes = [64, 256], strides = [1, 1]} : vector<64x768xf32> to vector<64x256xf32>
    %slice3A_2058 = vector.extract_strided_slice %add3A_2025 {offsets = [0, 512], sizes = [64, 256], strides = [1, 1]} : vector<64x768xf32> to vector<64x256xf32>
    %mul3A_2059 = arith.mulf %div3A_2056, %slice3A_2058 : vector<64x256xf32>
    %add3A_2060 = arith.addf %slice3A_2057, %mul3A_2059 : vector<64x256xf32>
    %tanh3A_2061 = math.tanh %add3A_2060 : vector<64x256xf32>
    %mul3A_2062 = arith.mulf %div3A_2043, %add3A_1949 : vector<64x256xf32>
    %sub3A_2063 = arith.constant 1.000000e+00 : f32
    %sub3A_2064 = vector.broadcast %sub3A_2063 : f32 to vector<64x256xf32>
    %sub3A_2065 = arith.subf %sub3A_2064, %div3A_2043 : vector<64x256xf32>
    %mul3A_2066 = arith.mulf %sub3A_2065, %tanh3A_2061 : vector<64x256xf32>
    %add3A_2067 = arith.addf %mul3A_2062, %mul3A_2066 : vector<64x256xf32>
    %mul3A_2068 = vector.broadcast %get3A_2030 : vector<64x1xf32> to vector<64x256xf32>
    %mul3A_2069 = arith.mulf %mul3A_2068, %add3A_2067 : vector<64x256xf32>
    %sub3A_2070 = arith.constant 1.000000e+00 : f32
    %sub3A_2071 = vector.broadcast %sub3A_2070 : f32 to vector<64x1xf32>
    %sub3A_2072 = arith.subf %sub3A_2071, %get3A_2030 : vector<64x1xf32>
    %mul3A_2073 = vector.broadcast %sub3A_2072 : vector<64x1xf32> to vector<64x256xf32>
    %mul3A_2074 = arith.mulf %mul3A_2073, %add3A_1949 : vector<64x256xf32>
    %add3A_2075 = arith.addf %mul3A_2069, %mul3A_2074 : vector<64x256xf32>
    %swap3A_2076 = arith.constant 0 : index
    %swap3A_2077 = arith.constant 0 : index
    %swap3A_2078 = arith.constant 0 : index
    %swap3A_2079 = vector.load %arg20[%swap3A_2076, %swap3A_2077, %swap3A_2078] : memref<64x16x256xf32, #tpu.memory_space<vmem>>, vector<64x1x256xf32>
    %swap3A_2080 = vector.shape_cast %swap3A_2079 : vector<64x1x256xf32> to vector<64x256xf32>
    %swap3A_2081 = vector.shape_cast %add3A_2075 : vector<64x256xf32> to vector<64x1x256xf32>
    tpu.vector_store %arg20[%swap3A_2076, %swap3A_2077, %swap3A_2078], %swap3A_2081 {strides = array<i32>} : memref<64x16x256xf32, #tpu.memory_space<vmem>>, vector<64x1x256xf32>,
    %swap3A_2082 = arith.constant 0 : index
    %swap3A_2083 = arith.constant 0 : index
    %swap3A_2084 = vector.load %arg23[%swap3A_2082, %swap3A_2083] : memref<64x256xf32, #tpu.memory_space<vmem>>, vector<64x256xf32>
    tpu.vector_store %arg23[%swap3A_2082, %swap3A_2083], %add3A_2012 {strides = array<i32>} : memref<64x256xf32, #tpu.memory_space<vmem>>, vector<64x256xf32>,
    %swap3A_2085 = arith.constant 0 : index
    %swap3A_2086 = arith.constant 0 : index
    %swap3A_2087 = vector.load %arg24[%swap3A_2085, %swap3A_2086] : memref<64x256xf32, #tpu.memory_space<vmem>>, vector<64x256xf32>
    tpu.vector_store %arg24[%swap3A_2085, %swap3A_2086], %add3A_2075 {strides = array<i32>} : memref<64x256xf32, #tpu.memory_space<vmem>>, vector<64x256xf32>,
    %swap3A_2088 = arith.constant 0 : index
    %swap3A_2089 = arith.constant 0 : index
    %swap3A_2090 = vector.load %arg21[%swap3A_2088, %swap3A_2089] : memref<64x256xf32, #tpu.memory_space<vmem>>, vector<64x256xf32>
    tpu.vector_store %arg21[%swap3A_2088, %swap3A_2089], %add3A_2012 {strides = array<i32>} : memref<64x256xf32, #tpu.memory_space<vmem>>, vector<64x256xf32>,
    %swap3A_2091 = arith.constant 0 : index
    %swap3A_2092 = arith.constant 0 : index
    %swap3A_2093 = vector.load %arg22[%swap3A_2091, %swap3A_2092] : memref<64x256xf32, #tpu.memory_space<vmem>>, vector<64x256xf32>
    tpu.vector_store %arg22[%swap3A_2091, %swap3A_2092], %add3A_2075 {strides = array<i32>} : memref<64x256xf32, #tpu.memory_space<vmem>>, vector<64x256xf32>,
    return
  }
  func.func @transform_0(%arg0: i32) -> (i32, i32, i32) {
    %c0_i32 = arith.constant 0 : i32
    %c0_i32_0 = arith.constant 0 : i32
    %c0_i32_1 = arith.constant 0 : i32
    return %arg0, %c0_i32, %c0_i32_0 : i32, i32, i32
  }
  func.func @transform_1(%arg0: i32) -> (i32, i32, i32) {
    %sub3A = arith.constant 15 : i32
    %sub3A_0 = arith.subi %sub3A, %arg0 : i32
    %c0_i32 = arith.constant 0 : i32
    %c0_i32_1 = arith.constant 0 : i32
    %c0_i32_2 = arith.constant 0 : i32
    return %sub3A_0, %c0_i32, %c0_i32_1 : i32, i32, i32
  }
  func.func @transform_2(%arg0: i32) -> (i32, i32, i32) {
    %c0_i32 = arith.constant 0 : i32
    %c0_i32_0 = arith.constant 0 : i32
    %c0_i32_1 = arith.constant 0 : i32
    return %arg0, %c0_i32, %c0_i32_0 : i32, i32, i32
  }
  func.func @transform_3(%arg0: i32) -> (i32, i32, i32) {
    %sub3A = arith.constant 15 : i32
    %sub3A_0 = arith.subi %sub3A, %arg0 : i32
    %c0_i32 = arith.constant 0 : i32
    %c0_i32_1 = arith.constant 0 : i32
    %c0_i32_2 = arith.constant 0 : i32
    return %sub3A_0, %c0_i32, %c0_i32_1 : i32, i32, i32
  }
  func.func @transform_4(%arg0: i32) -> (i32, i32, i32) {
    %c0_i32 = arith.constant 0 : i32
    %c0_i32_0 = arith.constant 0 : i32
    %c0_i32_1 = arith.constant 0 : i32
    return %arg0, %c0_i32, %c0_i32_0 : i32, i32, i32
  }
  func.func @transform_5(%arg0: i32) -> (i32, i32, i32) {
    %sub3A = arith.constant 15 : i32
    %sub3A_0 = arith.subi %sub3A, %arg0 : i32
    %c0_i32 = arith.constant 0 : i32
    %c0_i32_1 = arith.constant 0 : i32
    %c0_i32_2 = arith.constant 0 : i32
    return %sub3A_0, %c0_i32, %c0_i32_1 : i32, i32, i32
  }
  func.func @transform_6(%arg0: i32) -> (i32, i32) {
    %c0_i32 = arith.constant 0 : i32
    %c0_i32_0 = arith.constant 0 : i32
    %c0_i32_1 = arith.constant 0 : i32
    return %c0_i32, %c0_i32_0 : i32, i32
  }
  func.func @transform_7(%arg0: i32) -> (i32, i32) {
    %c0_i32 = arith.constant 0 : i32
    %c0_i32_0 = arith.constant 0 : i32
    %c0_i32_1 = arith.constant 0 : i32
    return %c0_i32, %c0_i32_0 : i32, i32
  }
  func.func @transform_8(%arg0: i32) -> (i32, i32) {
    %c0_i32 = arith.constant 0 : i32
    %c0_i32_0 = arith.constant 0 : i32
    %c0_i32_1 = arith.constant 0 : i32
    return %c0_i32, %c0_i32_0 : i32, i32
  }
  func.func @transform_9(%arg0: i32) -> (i32, i32) {
    %c0_i32 = arith.constant 0 : i32
    %c0_i32_0 = arith.constant 0 : i32
    %c0_i32_1 = arith.constant 0 : i32
    return %c0_i32, %c0_i32_0 : i32, i32
  }
  func.func @transform_10(%arg0: i32) -> (i32, i32) {
    %c0_i32 = arith.constant 0 : i32
    %c0_i32_0 = arith.constant 0 : i32
    %c0_i32_1 = arith.constant 0 : i32
    return %c0_i32, %c0_i32_0 : i32, i32
  }
  func.func @transform_11(%arg0: i32) -> (i32, i32) {
    %c0_i32 = arith.constant 0 : i32
    %c0_i32_0 = arith.constant 0 : i32
    %c0_i32_1 = arith.constant 0 : i32
    return %c0_i32, %c0_i32_0 : i32, i32
  }
  func.func @transform_12(%arg0: i32) -> (i32, i32) {
    %c0_i32 = arith.constant 0 : i32
    %c0_i32_0 = arith.constant 0 : i32
    %c0_i32_1 = arith.constant 0 : i32
    return %c0_i32, %c0_i32_0 : i32, i32
  }
  func.func @transform_13(%arg0: i32) -> (i32, i32) {
    %c0_i32 = arith.constant 0 : i32
    %c0_i32_0 = arith.constant 0 : i32
    %c0_i32_1 = arith.constant 0 : i32
    return %c0_i32, %c0_i32_0 : i32, i32
  }
  func.func @transform_14(%arg0: i32) -> (i32, i32) {
    %c0_i32 = arith.constant 0 : i32
    %c0_i32_0 = arith.constant 0 : i32
    %c0_i32_1 = arith.constant 0 : i32
    return %c0_i32, %c0_i32_0 : i32, i32
  }
  func.func @transform_15(%arg0: i32) -> (i32, i32) {
    %c0_i32 = arith.constant 0 : i32
    %c0_i32_0 = arith.constant 0 : i32
    %c0_i32_1 = arith.constant 0 : i32
    return %c0_i32, %c0_i32_0 : i32, i32
  }
  func.func @transform_16(%arg0: i32) -> (i32, i32) {
    %c0_i32 = arith.constant 0 : i32
    %c0_i32_0 = arith.constant 0 : i32
    %c0_i32_1 = arith.constant 0 : i32
    return %c0_i32, %c0_i32_0 : i32, i32
  }
  func.func @transform_17(%arg0: i32) -> (i32, i32) {
    %c0_i32 = arith.constant 0 : i32
    %c0_i32_0 = arith.constant 0 : i32
    %c0_i32_1 = arith.constant 0 : i32
    return %c0_i32, %c0_i32_0 : i32, i32
  }
  func.func @transform_18(%arg0: i32) -> (i32, i32, i32) {
    %c0_i32 = arith.constant 0 : i32
    %c0_i32_0 = arith.constant 0 : i32
    %c0_i32_1 = arith.constant 0 : i32
    return %c0_i32, %arg0, %c0_i32_0 : i32, i32, i32
  }
  func.func @transform_19(%arg0: i32) -> (i32, i32, i32) {
    %sub3A = arith.constant 15 : i32
    %sub3A_0 = arith.subi %sub3A, %arg0 : i32
    %c0_i32 = arith.constant 0 : i32
    %c0_i32_1 = arith.constant 0 : i32
    %c0_i32_2 = arith.constant 0 : i32
    return %c0_i32, %sub3A_0, %c0_i32_1 : i32, i32, i32
  }
  func.func @transform_20(%arg0: i32) -> (i32, i32) {
    %c0_i32 = arith.constant 0 : i32
    %c0_i32_0 = arith.constant 0 : i32
    %c0_i32_1 = arith.constant 0 : i32
    return %c0_i32, %c0_i32_0 : i32, i32
  }
  func.func @transform_21(%arg0: i32) -> (i32, i32) {
    %c0_i32 = arith.constant 0 : i32
    %c0_i32_0 = arith.constant 0 : i32
    %c0_i32_1 = arith.constant 0 : i32
    return %c0_i32, %c0_i32_0 : i32, i32
  }
}

module attributes {stable_mosaic.version = 14 : i64} {
  func.func @_zip_body(%arg0: i32, %arg1: memref<64x16x256xf32, #tpu.memory_space<vmem>>, %arg2: memref<64x16x256xf32, #tpu.memory_space<vmem>>, %arg3: memref<64x16x384xf32, #tpu.memory_space<vmem>>, %arg4: memref<64x16x512xf32, #tpu.memory_space<vmem>>, %arg5: memref<64x16x300xf32, #tpu.memory_space<vmem>>) attributes {dimension_semantics = [#tpu.dimension_semantics<arbitrary>], iteration_bounds = array<i64: 16>, scalar_prefetch = 0 : i64, scratch_operands = 0 : i64, tpu.core_type = #tpu.core_type<tc>, window_params = [{transform_indices = @transform_0, window_bounds = array<i64: 64, 16, 256>}, {transform_indices = @transform_1, window_bounds = array<i64: 64, 16, 256>}, {transform_indices = @transform_2, window_bounds = array<i64: 64, 16, 384>}, {transform_indices = @transform_3, window_bounds = array<i64: 64, 16, 512>}, {transform_indices = @transform_4, window_bounds = array<i64: 64, 16, 300>}]} {
    %get3A = arith.constant 0 : index
    %get3A_0 = arith.constant 0 : index
    %get3A_1 = arith.constant 0 : index
    %get3A_2 = vector.load %arg1[%get3A, %get3A_0, %get3A_1] : memref<64x16x256xf32, #tpu.memory_space<vmem>>, vector<64x16x256xf32>
    %swap3A = arith.constant 0 : index
    %swap3A_3 = arith.constant 0 : index
    %swap3A_4 = arith.constant 0 : index
    %swap3A_5 = vector.load %arg4[%swap3A, %swap3A_3, %swap3A_4] : memref<64x16x512xf32, #tpu.memory_space<vmem>>, vector<64x16x256xf32>
    tpu.vector_store %arg4[%swap3A, %swap3A_3, %swap3A_4], %get3A_2 {strides = array<i32>} : memref<64x16x512xf32, #tpu.memory_space<vmem>>, vector<64x16x256xf32>,
    %get3A_6 = arith.constant 0 : index
    %get3A_7 = arith.constant 0 : index
    %get3A_8 = arith.constant 0 : index
    %get3A_9 = vector.load %arg2[%get3A_6, %get3A_7, %get3A_8] : memref<64x16x256xf32, #tpu.memory_space<vmem>>, vector<64x16x256xf32>
    %swap3A_10 = arith.constant 0 : index
    %swap3A_11 = arith.constant 0 : index
    %swap3A_12 = arith.constant 256 : index
    %swap3A_13 = vector.load %arg4[%swap3A_10, %swap3A_11, %swap3A_12] : memref<64x16x512xf32, #tpu.memory_space<vmem>>, vector<64x16x256xf32>
    tpu.vector_store %arg4[%swap3A_10, %swap3A_11, %swap3A_12], %get3A_9 {strides = array<i32>} : memref<64x16x512xf32, #tpu.memory_space<vmem>>, vector<64x16x256xf32>,
    %get3A_14 = arith.constant 0 : index
    %get3A_15 = arith.constant 0 : index
    %get3A_16 = arith.constant 0 : index
    %get3A_17 = vector.load %arg3[%get3A_14, %get3A_15, %get3A_16] : memref<64x16x384xf32, #tpu.memory_space<vmem>>, vector<64x16x300xf32>
    %swap3A_18 = arith.constant 0 : index
    %swap3A_19 = arith.constant 0 : index
    %swap3A_20 = arith.constant 0 : index
    %swap3A_21 = vector.load %arg5[%swap3A_18, %swap3A_19, %swap3A_20] : memref<64x16x300xf32, #tpu.memory_space<vmem>>, vector<64x16x300xf32>
    tpu.vector_store %arg5[%swap3A_18, %swap3A_19, %swap3A_20], %get3A_17 {strides = array<i32>} : memref<64x16x300xf32, #tpu.memory_space<vmem>>, vector<64x16x300xf32>,
    return
  }
  func.func @transform_0(%arg0: i32) -> (i32, i32, i32) {
    %c0_i32 = arith.constant 0 : i32
    %c0_i32_0 = arith.constant 0 : i32
    %c0_i32_1 = arith.constant 0 : i32
    return %c0_i32, %arg0, %c0_i32_0 : i32, i32, i32
  }
  func.func @transform_1(%arg0: i32) -> (i32, i32, i32) {
    %c0_i32 = arith.constant 0 : i32
    %c0_i32_0 = arith.constant 0 : i32
    %c0_i32_1 = arith.constant 0 : i32
    return %c0_i32, %arg0, %c0_i32_0 : i32, i32, i32
  }
  func.func @transform_2(%arg0: i32) -> (i32, i32, i32) {
    %c0_i32 = arith.constant 0 : i32
    %c0_i32_0 = arith.constant 0 : i32
    %c0_i32_1 = arith.constant 0 : i32
    return %c0_i32, %arg0, %c0_i32_0 : i32, i32, i32
  }
  func.func @transform_3(%arg0: i32) -> (i32, i32, i32) {
    %c0_i32 = arith.constant 0 : i32
    %c0_i32_0 = arith.constant 0 : i32
    %c0_i32_1 = arith.constant 0 : i32
    return %c0_i32, %arg0, %c0_i32_0 : i32, i32, i32
  }
  func.func @transform_4(%arg0: i32) -> (i32, i32, i32) {
    %c0_i32 = arith.constant 0 : i32
    %c0_i32_0 = arith.constant 0 : i32
    %c0_i32_1 = arith.constant 0 : i32
    return %c0_i32, %arg0, %c0_i32_0 : i32, i32, i32
  }
}

module attributes {stable_mosaic.version = 14 : i64} {
  func.func @_qgru_final_body(%arg0: memref<48x64x384xf32, #tpu.memory_space<vmem>>, %arg1: memref<48x64x1xf32, #tpu.memory_space<vmem>>, %arg2: memref<384x768xf32, #tpu.memory_space<vmem>>, %arg3: memref<256x768xf32, #tpu.memory_space<vmem>>, %arg4: memref<1x768xf32, #tpu.memory_space<vmem>>, %arg5: memref<1x768xf32, #tpu.memory_space<vmem>>, %arg6: memref<384x768xf32, #tpu.memory_space<vmem>>, %arg7: memref<256x768xf32, #tpu.memory_space<vmem>>, %arg8: memref<1x768xf32, #tpu.memory_space<vmem>>, %arg9: memref<1x768xf32, #tpu.memory_space<vmem>>, %arg10: memref<64x256xf32, #tpu.memory_space<vmem>>, %arg11: memref<64x256xf32, #tpu.memory_space<vmem>>, %arg12: memref<4x256x512xf32, #tpu.memory_space<vmem>>, %arg13: memref<1x512xf32, #tpu.memory_space<vmem>>, %arg14: memref<64x512xf32, #tpu.memory_space<vmem>>, %arg15: memref<3072x768xf32, #tpu.memory_space<vmem>>, %arg16: memref<3072x768xf32, #tpu.memory_space<vmem>>) attributes {dimension_semantics = [], scalar_prefetch = 0 : i64, scratch_operands = 2 : i64, tpu.core_type = #tpu.core_type<tc>} {
    %get3A = arith.constant 0 : index
    %get3A_0 = arith.constant 0 : index
    %get3A_1 = arith.constant 0 : index
    %get3A_2 = vector.load %arg0[%get3A, %get3A_0, %get3A_1] : memref<48x64x384xf32, #tpu.memory_space<vmem>>, vector<48x64x384xf32>
    %reshape3A = vector.shape_cast %get3A_2 : vector<48x64x384xf32> to vector<3072x384xf32>
    %get3A_3 = arith.constant 0 : index
    %get3A_4 = arith.constant 0 : index
    %get3A_5 = vector.load %arg2[%get3A_3, %get3A_4] : memref<384x768xf32, #tpu.memory_space<vmem>>, vector<384x768xf32>
    %dot_general3A = arith.constant dense<0.000000e+00> : vector<3072x768xf32>
    %dot_general3A_6 = tpu.matmul %reshape3A, %get3A_5, %dot_general3A {dimension_numbers = #tpu.dot_dimension_numbers<[1], [0], [0], [1], [0, 0, 1, 1], [], []>, transpose_lhs_hint = false} : vector<3072x384xf32>, vector<384x768xf32>, vector<3072x768xf32> -> vector<3072x768xf32>
    %get3A_7 = arith.constant 0 : index
    %get3A_8 = arith.constant 0 : index
    %get3A_9 = vector.load %arg4[%get3A_7, %get3A_8] : memref<1x768xf32, #tpu.memory_space<vmem>>, vector<1x768xf32>
    %add3A = vector.broadcast %get3A_9 : vector<1x768xf32> to vector<3072x768xf32>
    %add3A_10 = arith.addf %dot_general3A_6, %add3A : vector<3072x768xf32>
    %swap3A = arith.constant 0 : index
    %swap3A_11 = arith.constant 0 : index
    %swap3A_12 = vector.load %arg15[%swap3A, %swap3A_11] : memref<3072x768xf32, #tpu.memory_space<vmem>>, vector<3072x768xf32>
    tpu.vector_store %arg15[%swap3A, %swap3A_11], %add3A_10 {strides = array<i32>} : memref<3072x768xf32, #tpu.memory_space<vmem>>, vector<3072x768xf32>,
    %get3A_13 = arith.constant 0 : index
    %get3A_14 = arith.constant 0 : index
    %get3A_15 = arith.constant 0 : index
    %get3A_16 = vector.load %arg0[%get3A_13, %get3A_14, %get3A_15] : memref<48x64x384xf32, #tpu.memory_space<vmem>>, vector<48x64x384xf32>
    %reshape3A_17 = vector.shape_cast %get3A_16 : vector<48x64x384xf32> to vector<3072x384xf32>
    %get3A_18 = arith.constant 0 : index
    %get3A_19 = arith.constant 0 : index
    %get3A_20 = vector.load %arg6[%get3A_18, %get3A_19] : memref<384x768xf32, #tpu.memory_space<vmem>>, vector<384x768xf32>
    %dot_general3A_21 = arith.constant dense<0.000000e+00> : vector<3072x768xf32>
    %dot_general3A_22 = tpu.matmul %reshape3A_17, %get3A_20, %dot_general3A_21 {dimension_numbers = #tpu.dot_dimension_numbers<[1], [0], [0], [1], [0, 0, 1, 1], [], []>, transpose_lhs_hint = false} : vector<3072x384xf32>, vector<384x768xf32>, vector<3072x768xf32> -> vector<3072x768xf32>
    %get3A_23 = arith.constant 0 : index
    %get3A_24 = arith.constant 0 : index
    %get3A_25 = vector.load %arg8[%get3A_23, %get3A_24] : memref<1x768xf32, #tpu.memory_space<vmem>>, vector<1x768xf32>
    %add3A_26 = vector.broadcast %get3A_25 : vector<1x768xf32> to vector<3072x768xf32>
    %add3A_27 = arith.addf %dot_general3A_22, %add3A_26 : vector<3072x768xf32>
    %swap3A_28 = arith.constant 0 : index
    %swap3A_29 = arith.constant 0 : index
    %swap3A_30 = vector.load %arg16[%swap3A_28, %swap3A_29] : memref<3072x768xf32, #tpu.memory_space<vmem>>, vector<3072x768xf32>
    tpu.vector_store %arg16[%swap3A_28, %swap3A_29], %add3A_27 {strides = array<i32>} : memref<3072x768xf32, #tpu.memory_space<vmem>>, vector<3072x768xf32>,
    %get3A_31 = arith.constant 0 : index
    %get3A_32 = arith.constant 0 : index
    %get3A_33 = vector.load %arg3[%get3A_31, %get3A_32] : memref<256x768xf32, #tpu.memory_space<vmem>>, vector<256x768xf32>
    %get3A_34 = arith.constant 0 : index
    %get3A_35 = arith.constant 0 : index
    %get3A_36 = vector.load %arg7[%get3A_34, %get3A_35] : memref<256x768xf32, #tpu.memory_space<vmem>>, vector<256x768xf32>
    %get3A_37 = arith.constant 0 : index
    %get3A_38 = arith.constant 0 : index
    %get3A_39 = vector.load %arg5[%get3A_37, %get3A_38] : memref<1x768xf32, #tpu.memory_space<vmem>>, vector<1x768xf32>
    %get3A_40 = arith.constant 0 : index
    %get3A_41 = arith.constant 0 : index
    %get3A_42 = vector.load %arg9[%get3A_40, %get3A_41] : memref<1x768xf32, #tpu.memory_space<vmem>>, vector<1x768xf32>
    %broadcast_in_dim3A = arith.constant 0.000000e+00 : f32
    %broadcast_in_dim3A_43 = vector.broadcast %broadcast_in_dim3A : f32 to vector<64x256xf32>
    %scan3A = arith.constant 0 : i32
    %scan3A_44 = arith.constant 48 : i32
    %scan3A_45 = arith.addi %scan3A, %scan3A_44 : i32
    %scan3A_46 = arith.constant 1 : i32
    %scan3A_47:2 = scf.for %scan3A_84 = %scan3A to %scan3A_45 step %scan3A_46 iter_args(%scan3A_85 = %broadcast_in_dim3A_43, %scan3A_86 = %broadcast_in_dim3A_43) -> (vector<64x256xf32>, vector<64x256xf32>)  : i32 {
      %mul3A = arith.constant 64 : i32
      %mul3A_87 = arith.muli %scan3A_84, %mul3A : i32
      %get3A_88 = arith.index_cast %mul3A_87 : i32 to index
      %get3A_89 = arith.constant 0 : index
      %get3A_90 = vector.load %arg15[%get3A_88, %get3A_89] : memref<3072x768xf32, #tpu.memory_space<vmem>>, vector<64x768xf32>
      %get3A_91 = arith.index_cast %scan3A_84 : i32 to index
      %get3A_92 = arith.constant 0 : index
      %get3A_93 = arith.constant 0 : index
      %get3A_94 = vector.load %arg1[%get3A_91, %get3A_92, %get3A_93] : memref<48x64x1xf32, #tpu.memory_space<vmem>>, vector<1x64x1xf32>
      %reshape3A_95 = vector.shape_cast %get3A_94 : vector<1x64x1xf32> to vector<64x1xf32>
      %dot_general3A_96 = arith.constant dense<0.000000e+00> : vector<64x768xf32>
      %dot_general3A_97 = tpu.matmul %scan3A_85, %get3A_33, %dot_general3A_96 {dimension_numbers = #tpu.dot_dimension_numbers<[1], [0], [0], [1], [0, 0, 1, 1], [], []>, transpose_lhs_hint = false} : vector<64x256xf32>, vector<256x768xf32>, vector<64x768xf32> -> vector<64x768xf32>
      %add3A_98 = vector.broadcast %get3A_39 : vector<1x768xf32> to vector<64x768xf32>
      %add3A_99 = arith.addf %dot_general3A_97, %add3A_98 : vector<64x768xf32>
      %slice3A_100 = vector.extract_strided_slice %get3A_90 {offsets = [0, 0], sizes = [64, 256], strides = [1, 1]} : vector<64x768xf32> to vector<64x256xf32>
      %slice3A_101 = vector.extract_strided_slice %add3A_99 {offsets = [0, 0], sizes = [64, 256], strides = [1, 1]} : vector<64x768xf32> to vector<64x256xf32>
      %add3A_102 = arith.addf %slice3A_100, %slice3A_101 : vector<64x256xf32>
      %neg3A = arith.constant 0.000000e+00 : f32
      %neg3A_103 = vector.broadcast %neg3A : f32 to vector<64x256xf32>
      %neg3A_104 = arith.subf %neg3A_103, %add3A_102 : vector<64x256xf32>
      %exp3A = math.exp %neg3A_104 : vector<64x256xf32>
      %add3A_105 = arith.constant 1.000000e+00 : f32
      %add3A_106 = vector.broadcast %add3A_105 : f32 to vector<64x256xf32>
      %add3A_107 = arith.addf %add3A_106, %exp3A : vector<64x256xf32>
      %div3A = arith.constant 1.000000e+00 : f32
      %div3A_108 = vector.broadcast %div3A : f32 to vector<64x256xf32>
      %div3A_109 = arith.divf %div3A_108, %add3A_107 : vector<64x256xf32>
      %slice3A_110 = vector.extract_strided_slice %get3A_90 {offsets = [0, 256], sizes = [64, 256], strides = [1, 1]} : vector<64x768xf32> to vector<64x256xf32>
      %slice3A_111 = vector.extract_strided_slice %add3A_99 {offsets = [0, 256], sizes = [64, 256], strides = [1, 1]} : vector<64x768xf32> to vector<64x256xf32>
      %add3A_112 = arith.addf %slice3A_110, %slice3A_111 : vector<64x256xf32>
      %neg3A_113 = arith.constant 0.000000e+00 : f32
      %neg3A_114 = vector.broadcast %neg3A_113 : f32 to vector<64x256xf32>
      %neg3A_115 = arith.subf %neg3A_114, %add3A_112 : vector<64x256xf32>
      %exp3A_116 = math.exp %neg3A_115 : vector<64x256xf32>
      %add3A_117 = arith.constant 1.000000e+00 : f32
      %add3A_118 = vector.broadcast %add3A_117 : f32 to vector<64x256xf32>
      %add3A_119 = arith.addf %add3A_118, %exp3A_116 : vector<64x256xf32>
      %div3A_120 = arith.constant 1.000000e+00 : f32
      %div3A_121 = vector.broadcast %div3A_120 : f32 to vector<64x256xf32>
      %div3A_122 = arith.divf %div3A_121, %add3A_119 : vector<64x256xf32>
      %slice3A_123 = vector.extract_strided_slice %get3A_90 {offsets = [0, 512], sizes = [64, 256], strides = [1, 1]} : vector<64x768xf32> to vector<64x256xf32>
      %slice3A_124 = vector.extract_strided_slice %add3A_99 {offsets = [0, 512], sizes = [64, 256], strides = [1, 1]} : vector<64x768xf32> to vector<64x256xf32>
      %mul3A_125 = arith.mulf %div3A_122, %slice3A_124 : vector<64x256xf32>
      %add3A_126 = arith.addf %slice3A_123, %mul3A_125 : vector<64x256xf32>
      %tanh3A_127 = math.tanh %add3A_126 : vector<64x256xf32>
      %mul3A_128 = arith.mulf %div3A_109, %scan3A_85 : vector<64x256xf32>
      %sub3A = arith.constant 1.000000e+00 : f32
      %sub3A_129 = vector.broadcast %sub3A : f32 to vector<64x256xf32>
      %sub3A_130 = arith.subf %sub3A_129, %div3A_109 : vector<64x256xf32>
      %mul3A_131 = arith.mulf %sub3A_130, %tanh3A_127 : vector<64x256xf32>
      %add3A_132 = arith.addf %mul3A_128, %mul3A_131 : vector<64x256xf32>
      %mul3A_133 = vector.broadcast %reshape3A_95 : vector<64x1xf32> to vector<64x256xf32>
      %mul3A_134 = arith.mulf %mul3A_133, %add3A_132 : vector<64x256xf32>
      %sub3A_135 = arith.constant 1.000000e+00 : f32
      %sub3A_136 = vector.broadcast %sub3A_135 : f32 to vector<64x1xf32>
      %sub3A_137 = arith.subf %sub3A_136, %reshape3A_95 : vector<64x1xf32>
      %mul3A_138 = vector.broadcast %sub3A_137 : vector<64x1xf32> to vector<64x256xf32>
      %mul3A_139 = arith.mulf %mul3A_138, %scan3A_85 : vector<64x256xf32>
      %add3A_140 = arith.addf %mul3A_134, %mul3A_139 : vector<64x256xf32>
      %sub3A_141 = arith.constant 47 : i32
      %sub3A_142 = arith.subi %sub3A_141, %scan3A_84 : i32
      %mul3A_143 = arith.constant 64 : i32
      %mul3A_144 = arith.muli %sub3A_142, %mul3A_143 : i32
      %get3A_145 = arith.index_cast %mul3A_144 : i32 to index
      %get3A_146 = arith.constant 0 : index
      %get3A_147 = vector.load %arg16[%get3A_145, %get3A_146] : memref<3072x768xf32, #tpu.memory_space<vmem>>, vector<64x768xf32>
      %get3A_148 = arith.index_cast %sub3A_142 : i32 to index
      %get3A_149 = arith.constant 0 : index
      %get3A_150 = arith.constant 0 : index
      %get3A_151 = vector.load %arg1[%get3A_148, %get3A_149, %get3A_150] : memref<48x64x1xf32, #tpu.memory_space<vmem>>, vector<1x64x1xf32>
      %reshape3A_152 = vector.shape_cast %get3A_151 : vector<1x64x1xf32> to vector<64x1xf32>
      %dot_general3A_153 = arith.constant dense<0.000000e+00> : vector<64x768xf32>
      %dot_general3A_154 = tpu.matmul %scan3A_86, %get3A_36, %dot_general3A_153 {dimension_numbers = #tpu.dot_dimension_numbers<[1], [0], [0], [1], [0, 0, 1, 1], [], []>, transpose_lhs_hint = false} : vector<64x256xf32>, vector<256x768xf32>, vector<64x768xf32> -> vector<64x768xf32>
      %add3A_155 = vector.broadcast %get3A_42 : vector<1x768xf32> to vector<64x768xf32>
      %add3A_156 = arith.addf %dot_general3A_154, %add3A_155 : vector<64x768xf32>
      %slice3A_157 = vector.extract_strided_slice %get3A_147 {offsets = [0, 0], sizes = [64, 256], strides = [1, 1]} : vector<64x768xf32> to vector<64x256xf32>
      %slice3A_158 = vector.extract_strided_slice %add3A_156 {offsets = [0, 0], sizes = [64, 256], strides = [1, 1]} : vector<64x768xf32> to vector<64x256xf32>
      %add3A_159 = arith.addf %slice3A_157, %slice3A_158 : vector<64x256xf32>
      %neg3A_160 = arith.constant 0.000000e+00 : f32
      %neg3A_161 = vector.broadcast %neg3A_160 : f32 to vector<64x256xf32>
      %neg3A_162 = arith.subf %neg3A_161, %add3A_159 : vector<64x256xf32>
      %exp3A_163 = math.exp %neg3A_162 : vector<64x256xf32>
      %add3A_164 = arith.constant 1.000000e+00 : f32
      %add3A_165 = vector.broadcast %add3A_164 : f32 to vector<64x256xf32>
      %add3A_166 = arith.addf %add3A_165, %exp3A_163 : vector<64x256xf32>
      %div3A_167 = arith.constant 1.000000e+00 : f32
      %div3A_168 = vector.broadcast %div3A_167 : f32 to vector<64x256xf32>
      %div3A_169 = arith.divf %div3A_168, %add3A_166 : vector<64x256xf32>
      %slice3A_170 = vector.extract_strided_slice %get3A_147 {offsets = [0, 256], sizes = [64, 256], strides = [1, 1]} : vector<64x768xf32> to vector<64x256xf32>
      %slice3A_171 = vector.extract_strided_slice %add3A_156 {offsets = [0, 256], sizes = [64, 256], strides = [1, 1]} : vector<64x768xf32> to vector<64x256xf32>
      %add3A_172 = arith.addf %slice3A_170, %slice3A_171 : vector<64x256xf32>
      %neg3A_173 = arith.constant 0.000000e+00 : f32
      %neg3A_174 = vector.broadcast %neg3A_173 : f32 to vector<64x256xf32>
      %neg3A_175 = arith.subf %neg3A_174, %add3A_172 : vector<64x256xf32>
      %exp3A_176 = math.exp %neg3A_175 : vector<64x256xf32>
      %add3A_177 = arith.constant 1.000000e+00 : f32
      %add3A_178 = vector.broadcast %add3A_177 : f32 to vector<64x256xf32>
      %add3A_179 = arith.addf %add3A_178, %exp3A_176 : vector<64x256xf32>
      %div3A_180 = arith.constant 1.000000e+00 : f32
      %div3A_181 = vector.broadcast %div3A_180 : f32 to vector<64x256xf32>
      %div3A_182 = arith.divf %div3A_181, %add3A_179 : vector<64x256xf32>
      %slice3A_183 = vector.extract_strided_slice %get3A_147 {offsets = [0, 512], sizes = [64, 256], strides = [1, 1]} : vector<64x768xf32> to vector<64x256xf32>
      %slice3A_184 = vector.extract_strided_slice %add3A_156 {offsets = [0, 512], sizes = [64, 256], strides = [1, 1]} : vector<64x768xf32> to vector<64x256xf32>
      %mul3A_185 = arith.mulf %div3A_182, %slice3A_184 : vector<64x256xf32>
      %add3A_186 = arith.addf %slice3A_183, %mul3A_185 : vector<64x256xf32>
      %tanh3A_187 = math.tanh %add3A_186 : vector<64x256xf32>
      %mul3A_188 = arith.mulf %div3A_169, %scan3A_86 : vector<64x256xf32>
      %sub3A_189 = arith.constant 1.000000e+00 : f32
      %sub3A_190 = vector.broadcast %sub3A_189 : f32 to vector<64x256xf32>
      %sub3A_191 = arith.subf %sub3A_190, %div3A_169 : vector<64x256xf32>
      %mul3A_192 = arith.mulf %sub3A_191, %tanh3A_187 : vector<64x256xf32>
      %add3A_193 = arith.addf %mul3A_188, %mul3A_192 : vector<64x256xf32>
      %mul3A_194 = vector.broadcast %reshape3A_152 : vector<64x1xf32> to vector<64x256xf32>
      %mul3A_195 = arith.mulf %mul3A_194, %add3A_193 : vector<64x256xf32>
      %sub3A_196 = arith.constant 1.000000e+00 : f32
      %sub3A_197 = vector.broadcast %sub3A_196 : f32 to vector<64x1xf32>
      %sub3A_198 = arith.subf %sub3A_197, %reshape3A_152 : vector<64x1xf32>
      %mul3A_199 = vector.broadcast %sub3A_198 : vector<64x1xf32> to vector<64x256xf32>
      %mul3A_200 = arith.mulf %mul3A_199, %scan3A_86 : vector<64x256xf32>
      %add3A_201 = arith.addf %mul3A_195, %mul3A_200 : vector<64x256xf32>
      scf.yield %add3A_140, %add3A_201 : vector<64x256xf32>, vector<64x256xf32>
    }
    %scan3A_48 = arith.constant 48 : i32
    %get3A_49 = arith.constant 0 : index
    %get3A_50 = arith.constant 0 : index
    %get3A_51 = arith.constant 0 : index
    %get3A_52 = vector.load %arg12[%get3A_49, %get3A_50, %get3A_51] : memref<4x256x512xf32, #tpu.memory_space<vmem>>, vector<4x256x512xf32>
    %get3A_53 = arith.constant 0 : index
    %get3A_54 = arith.constant 0 : index
    %get3A_55 = vector.load %arg10[%get3A_53, %get3A_54] : memref<64x256xf32, #tpu.memory_space<vmem>>, vector<64x256xf32>
    %slice3A = vector.extract_strided_slice %get3A_52 {offsets = [0, 0, 0], sizes = [1, 256, 512], strides = [1, 1, 1]} : vector<4x256x512xf32> to vector<1x256x512xf32>
    %squeeze3A = vector.shape_cast %slice3A : vector<1x256x512xf32> to vector<256x512xf32>
    %dot_general3A_56 = arith.constant dense<0.000000e+00> : vector<64x512xf32>
    %dot_general3A_57 = tpu.matmul %get3A_55, %squeeze3A, %dot_general3A_56 {dimension_numbers = #tpu.dot_dimension_numbers<[1], [0], [0], [1], [0, 0, 1, 1], [], []>, transpose_lhs_hint = false} : vector<64x256xf32>, vector<256x512xf32>, vector<64x512xf32> -> vector<64x512xf32>
    %get3A_58 = arith.constant 0 : index
    %get3A_59 = arith.constant 0 : index
    %get3A_60 = vector.load %arg11[%get3A_58, %get3A_59] : memref<64x256xf32, #tpu.memory_space<vmem>>, vector<64x256xf32>
    %slice3A_61 = vector.extract_strided_slice %get3A_52 {offsets = [1, 0, 0], sizes = [1, 256, 512], strides = [1, 1, 1]} : vector<4x256x512xf32> to vector<1x256x512xf32>
    %squeeze3A_62 = vector.shape_cast %slice3A_61 : vector<1x256x512xf32> to vector<256x512xf32>
    %dot_general3A_63 = arith.constant dense<0.000000e+00> : vector<64x512xf32>
    %dot_general3A_64 = tpu.matmul %get3A_60, %squeeze3A_62, %dot_general3A_63 {dimension_numbers = #tpu.dot_dimension_numbers<[1], [0], [0], [1], [0, 0, 1, 1], [], []>, transpose_lhs_hint = false} : vector<64x256xf32>, vector<256x512xf32>, vector<64x512xf32> -> vector<64x512xf32>
    %add3A_65 = arith.addf %dot_general3A_57, %dot_general3A_64 : vector<64x512xf32>
    %slice3A_66 = vector.extract_strided_slice %get3A_52 {offsets = [2, 0, 0], sizes = [1, 256, 512], strides = [1, 1, 1]} : vector<4x256x512xf32> to vector<1x256x512xf32>
    %squeeze3A_67 = vector.shape_cast %slice3A_66 : vector<1x256x512xf32> to vector<256x512xf32>
    %dot_general3A_68 = arith.constant dense<0.000000e+00> : vector<64x512xf32>
    %dot_general3A_69 = tpu.matmul %scan3A_47#0, %squeeze3A_67, %dot_general3A_68 {dimension_numbers = #tpu.dot_dimension_numbers<[1], [0], [0], [1], [0, 0, 1, 1], [], []>, transpose_lhs_hint = false} : vector<64x256xf32>, vector<256x512xf32>, vector<64x512xf32> -> vector<64x512xf32>
    %add3A_70 = arith.addf %add3A_65, %dot_general3A_69 : vector<64x512xf32>
    %slice3A_71 = vector.extract_strided_slice %get3A_52 {offsets = [3, 0, 0], sizes = [1, 256, 512], strides = [1, 1, 1]} : vector<4x256x512xf32> to vector<1x256x512xf32>
    %squeeze3A_72 = vector.shape_cast %slice3A_71 : vector<1x256x512xf32> to vector<256x512xf32>
    %dot_general3A_73 = arith.constant dense<0.000000e+00> : vector<64x512xf32>
    %dot_general3A_74 = tpu.matmul %scan3A_47#1, %squeeze3A_72, %dot_general3A_73 {dimension_numbers = #tpu.dot_dimension_numbers<[1], [0], [0], [1], [0, 0, 1, 1], [], []>, transpose_lhs_hint = false} : vector<64x256xf32>, vector<256x512xf32>, vector<64x512xf32> -> vector<64x512xf32>
    %add3A_75 = arith.addf %add3A_70, %dot_general3A_74 : vector<64x512xf32>
    %get3A_76 = arith.constant 0 : index
    %get3A_77 = arith.constant 0 : index
    %get3A_78 = vector.load %arg13[%get3A_76, %get3A_77] : memref<1x512xf32, #tpu.memory_space<vmem>>, vector<1x512xf32>
    %add3A_79 = vector.broadcast %get3A_78 : vector<1x512xf32> to vector<64x512xf32>
    %add3A_80 = arith.addf %add3A_75, %add3A_79 : vector<64x512xf32>
    %tanh3A = math.tanh %add3A_80 : vector<64x512xf32>
    %swap3A_81 = arith.constant 0 : index
    %swap3A_82 = arith.constant 0 : index
    %swap3A_83 = vector.load %arg14[%swap3A_81, %swap3A_82] : memref<64x512xf32, #tpu.memory_space<vmem>>, vector<64x512xf32>
    tpu.vector_store %arg14[%swap3A_81, %swap3A_82], %tanh3A {strides = array<i32>} : memref<64x512xf32, #tpu.memory_space<vmem>>, vector<64x512xf32>,
    return
  }
}

</mosaic_0001>

<sc_bundles>
// kernel: kernel.12.cloned.1.call-start
scs
__scs_entry_jumppad:
0x0: {  	(pc) =	sbr.rel $0x88, $3  }
0x1: {  	(tag) =	ssettag $0x0;
	lr =	simm.s32 $0x1  }
0x2: {  	[smem:$0x3F84] =	sst lr;
	_ =	strace $0xD0000000  }
0x3: {  	_ = 	snop  }
0x4: {  	_ = 	snop  }
0x5: {  	_ = 	snop  }
0x6: {  	_ = 	snop  }
0x7: {  	_ = 	snop  }
__scs_overlays_trampoline_lowered:
0x8: {  	[smem:$0x3F93] =	sst s0  }
0x9: {  	[smem:$0x3F94] =	sst s1  }
0xa: {  	[smem:$0x3F95] =	sst s2  }
0xb: {  	[smem:$0x3F96] =	sst s3  }
0xc: {  	[smem:$0x3F97] =	sst s4  }
0xd: {  	[smem:$0x3F98] =	sst s5  }
0xe: {  	[smem:$0x3F99] =	sst s6  }
0xf: {  	[smem:$0x3F9A] =	sst s7  }
0x10: {  	[smem:$0x3F9B] =	sst s8  }
0x11: {  	[smem:$0x3F9C] =	sst s9;
	s0 =	simm.s32 @!p0 $0x0  }
0x12: {  	s1 =	sld [smem:$0x3F82];
	s0 =	simm.s32 @p0 $0x1  }
0x13: {  	[smem:$0x3F9D] =	sst s0;
	s0 =	simm.s32 @!p1 $0x0  }
0x14: {  	s2 =	sld [smem:$0x3F81];
	s0 =	simm.s32 @p1 $0x1  }
0x15: {  	[smem:$0x3F9E] =	sst s0;
	s0 =	simm.s32 @!p2 $0x0  }
0x16: {  	s3 =	sld [smem:$0x3FDB];
	s0 =	simm.s32 @p2 $0x1  }
0x17: {  	s4 =	simm.s32 $0x1BF5;
	[smem:$0x3FA0] =	sst s0  }
0x18: {  	s0 =	sld [smem:$0x3F83];
	_ =	swait.ge [sflag:s4], $0x0  }
0x19: {  	s7 =	sld [smem:$0x3F84]  }
0x1a: {  	s8 =	sadd.s32 $0xFFFFE003, lr  }
0x1b: {  	s9 =	sadd.s32 $0xFFFFFEF7, lr;
	s5 =	simm.s32 $0xFFFFFFFF;
	p2 =	slt.u32 s8, $0xFFFFF086  }
0x1c: {  	p1 =	slt.u32 s9, $0xF7A;
	s5 =	simm.s32 @!p2 $0x0  }
0x1d: {  	s5 =	simm.s32 @p1 $0x1;
	p0 =	seq.s32 s7, s2  }
0x1e: {  	s7 =	smul.u32 @!p0 $0xF7A, s2;
	p2 =	seq.s32 @!p0 s5, $0x0  }
0x1f: {  	s9 =	smul.u32 $0xF7A, s1;
	s8 =	simm.s32 @!p0 $0x1BF5;
	p2 =	por !p2, p0  }
0x20: {  	[sflag:s8] =	ssyncset.s32 @!p0 $0xFFFFF086;
	s6 =	sadd.s32 @!p0 s3, s7;
	s7 =	simm.s32 @!p0 $0x108  }
0x21: {  	s3 =	sadd.s32 s3, s9;
	s6 =	sadd.s32 @!p0 $0x88, s6;
	s7 =	simm.s32 @p2 $0x1082  }
0x22: {  	[simem:s7], [sflag:s8] =	dma.local @!p0 [hbm:s6], $0xF7A  }
0x23: {  	s9 =	sor.u32 $0xD0000000, s2;
	s6 =	simm.s32 $0x108;
	_ =	swait.ge @!p0 [sflag:s8], $0x0  }
0x24: {  	s3 =	sadd.s32 $0x88, s3;
	s6 =	simm.s32 @!p1 $0x1082;
	[sflag:s4] =	ssyncset.s32 $0xFFFFF086  }
0x25: {  	[simem:s6], [sflag:s4] =	dma.local [hbm:s3], $0xF7A  }
0x26: {  	[smem:$0x3F84] =	sst s1;
	(tag) =	ssettag s2;
	_ =	strace s9  }
0x27: {  	s1 =	sld [smem:$0x3F94]  }
0x28: {  	s2 =	sld [smem:$0x3F95]  }
0x29: {  	s4 =	sld [smem:$0x3F97]  }
0x2a: {  	p0 =	seq.s32 s5, $0x0;
	s5 =	sld [smem:$0x3F98]  }
0x2b: {  	s6 =	sld [smem:$0x3F99]  }
0x2c: {  	s7 =	sld [smem:$0x3F9A]  }
0x2d: {  	s3 =	simm.s32 $0x108;
	s8 =	sld [smem:$0x3F9B]  }
0x2e: {  	s3 =	simm.s32 @!p0 $0x1082;
	s9 =	sld [smem:$0x3F9C]  }
0x2f: {  	lr =	sadd.s32 s0, s3;
	s0 =	sld [smem:$0x3F93]  }
0x30: {  	s3 =	sld [smem:$0x3F96]  }
0x31: {  	[smem:$0x3F9F] =	sst s10  }
0x32: {  	s10 =	sld [smem:$0x3F9D];
	_ =	sdelay $0x3  }
0x33: {  	p0 =	seq.s32 s10, $0x1;
	s10 =	sld [smem:$0x3F9F];
	_ =	sdelay $0x3  }
0x34: {  	[smem:$0x3F9F] =	sst s10  }
0x35: {  	s10 =	sld [smem:$0x3F9E];
	_ =	sdelay $0x3  }
0x36: {  	p1 =	seq.s32 s10, $0x1;
	s10 =	sld [smem:$0x3F9F];
	_ =	sdelay $0x3  }
0x37: {  	[smem:$0x3F9F] =	sst s10  }
0x38: {  	s10 =	sld [smem:$0x3FA0]  }
0x39: {  	_ = 	snop;
	(pc) =	sbr.ind lr, $3  }
0x3a: {  	_ = 	snop  }
0x3b: {  	_ = 	snop  }
0x3c: {  	p2 =	seq.s32 s10, $0x1;
	s10 =	sld [smem:$0x3F9F]  }
0x3d: {  	_ =	shalt  }
0x3e: {  	_ =	shalt  }
0x3f: {  	_ =	shalt  }
0x40: {  	_ =	shalt  }
0x41: {  	_ =	shalt  }
0x42: {  	_ =	shalt  }
0x43: {  	_ =	shalt  }
0x44: {  	_ =	shalt  }
0x45: {  	_ =	shalt  }
0x46: {  	_ =	shalt  }
0x47: {  	_ =	shalt  }
0x48: {  	_ =	shalt  }
0x49: {  	_ =	shalt  }
0x4a: {  	_ =	shalt  }
0x4b: {  	_ =	shalt  }
0x4c: {  	_ =	shalt  }
0x4d: {  	_ =	shalt  }
0x4e: {  	_ =	shalt  }
0x4f: {  	_ =	shalt  }
0x50: {  	_ =	shalt  }
0x51: {  	_ =	shalt  }
0x52: {  	_ =	shalt  }
0x53: {  	_ =	shalt  }
0x54: {  	_ =	shalt  }
0x55: {  	_ =	shalt  }
0x56: {  	_ =	shalt  }
0x57: {  	_ =	shalt  }
0x58: {  	_ =	shalt  }
0x59: {  	_ =	shalt  }
0x5a: {  	_ =	shalt  }
0x5b: {  	_ =	shalt  }
0x5c: {  	_ =	shalt  }
0x5d: {  	_ =	shalt  }
0x5e: {  	_ =	shalt  }
0x5f: {  	_ =	shalt  }
0x60: {  	_ =	shalt  }
0x61: {  	_ =	shalt  }
0x62: {  	_ =	shalt  }
0x63: {  	_ =	shalt  }
0x64: {  	_ =	shalt  }
0x65: {  	_ =	shalt  }
0x66: {  	_ =	shalt  }
0x67: {  	_ =	shalt  }
0x68: {  	_ =	shalt  }
0x69: {  	_ =	shalt  }
0x6a: {  	_ =	shalt  }
0x6b: {  	_ =	shalt  }
0x6c: {  	_ =	shalt  }
0x6d: {  	_ =	shalt  }
0x6e: {  	_ =	shalt  }
0x6f: {  	_ =	shalt  }
0x70: {  	_ =	shalt  }
0x71: {  	_ =	shalt  }
0x72: {  	_ =	shalt  }
0x73: {  	_ =	shalt  }
0x74: {  	_ =	shalt  }
0x75: {  	_ =	shalt  }
0x76: {  	_ =	shalt  }
0x77: {  	_ =	shalt  }
0x78: {  	_ =	shalt  }
0x79: {  	_ =	shalt  }
0x7a: {  	_ =	shalt  }
0x7b: {  	_ =	shalt  }
0x7c: {  	_ =	shalt  }
0x7d: {  	_ =	shalt  }
0x7e: {  	_ =	shalt  }
0x7f: {  	_ =	shalt  }
0x80: {  	_ =	shalt  }
0x81: {  	_ =	shalt  }
0x82: {  	_ =	shalt  }
0x83: {  	_ =	shalt  }
0x84: {  	_ =	shalt  }
0x85: {  	_ =	shalt  }
0x86: {  	_ =	shalt  }
0x87: {  	_ =	shalt  }
.Lfunc_end0:
.L_simem_size_0:
called_computation.1_lowered:
.L_overlay_start_0:
0x88: {  	s2 =	sld [smem:$0x3FD9]  }
0x89: {  	s3 =	sld [smem:$0x3FFE];
	_ =	sdelay $0x1  }
0x8a: {  	s1 =	srdreg.scid  }
0x8b: {  	s0 =	sand.u32 $0x1, s1  }
0x8c: {  	s17 =	sshll.u32 s0, $0xA;
	s2 =	sadd.s32 s3, s2  }
0x8d: {  	s2 =	sadd.s32 s2, s17  }
0x8e: {  	[smem:$0x3FAB] =	sst s2  }
0x8f: {  	_ = 	snop  }
0x90: {  	(tm) =	ssettm $0x1  }
0x91: {  	s18 =	sld [smem:$0x3FFB];
	_ =	sdelay $0x3  }
0x92: {  	_ =	strace s18  }
0x93: {  	s2 =	sld [smem:$0x3FFC];
	_ =	sdelay $0x3  }
0x94: {  	_ =	strace s2  }
0x95: {  	s2 =	sld [smem:$0x3FFD];
	_ =	sdelay $0x3  }
0x96: {  	_ =	strace s2  }
0x97: {  	_ =	strace $0x8FFFFFFF  }
0x98: {  	s19 =	sld [smem:$0x3FDB];
	_ =	sdelay $0x1  }
0x99: {  	s20 =	simm.s32 $_scs_section_size  }
0x9a: {  	s4 =	simm.s32 $_size__tile_overlayer_lowered;
	s5 =	simm.s32 $_tile_overlayer_lowered  }
0x9b: {  	s6 =	simm.s32 $0x1BFF;
	s21 =	sshll.u32 s5, $0x1;
	s3 =	sadd.s32 s20, s19  }
0x9c: {  	s22 =	simm.s32 $0x0;
	s4 =	sshll.u32 s4, $0x1;
	s5 =	sadd.s32 s21, s3  }
0x9d: {  	[timem:s22], [sflag:s6] =	dma.local [hbm:s5], s4  }
0x9e: {  	_ =	swait.ge [sflag:s6], s4  }
0x9f: {  	s4 =	ssub.s32 $0x0, s4;
	[sflag:s6] =	ssyncset.done $0x0  }
0xa0: {  	[sflag:s6] =	ssyncadd.s32 s4;
	_ =	sdelay $0x1  }
0xa1: {  	s23 =	simm.s32 $0x1B8B  }
0xa2: {  	_ =	swait.ge [sflag:s23], $0x1  }
0xa3: {  	[sflag:s23] =	ssyncset.done $0x0  }
0xa4: {  	[sflag:s23] =	ssyncadd.s32 $0xFFFFFFFF  }
0xa5: {  	s4 =	sld [smem:$0x0]  }
0xa6: {  	s5 =	sand.u32 $0xFFFFFFFE, s1  }
0xa7: {  	p0 =	sne.s32 s1, s5  }
0xa8: {  	s5 =	sshll.u32 @p0 s5, $0xE  }
0xa9: {  	s5 =	sadd.s32 @p0 $0x11B8D, s5;
	s6 =	sshll.u32 @p0 s4, $0x11  }
0xaa: {  	s5 =	sor.u32 @p0 s6, s5  }
0xab: {  	[sflag:s5] =	ssyncadd.remote.s32 @p0 $0x1;
	_ =	sdelay $0x1  }
0xac: {  	s5 =	simm.s32 @p0 $0x1B8D  }
0xad: {  	_ =	swait.eq @p0 [sflag:s5], $0x1  }
0xae: {  	[sflag:s5] =	ssyncadd.s32 @p0 $0xFFFFFFFF  }
0xaf: {  	s6 =	sshll.u32 @!p0 s1, $0xE  }
0xb0: {  	s6 =	sor.u32 @!p0 $0x4000, s6;
	s5 =	simm.s32 @!p0 $0x1B8D  }
0xb1: {  	s4 =	sshll.u32 @!p0 s4, $0x11;
	s6 =	sadd.s32 @!p0 $0x11B8D, s6;
	_ =	swait.eq @!p0 [sflag:s5], $0x1  }
0xb2: {  	s4 =	sor.u32 @!p0 s4, s6;
	[sflag:s5] =	ssyncadd.s32 @!p0 $0xFFFFFFFF  }
0xb3: {  	s25 =	simm.s32 $0x1B8E;
	s24 =	sld [smem:$0x3FFE];
	[sflag:s4] =	ssyncadd.remote.s32 @!p0 $0x1  }
0xb4: {  	s26 =	simm.s32 $execute0_lowered;
	[smem:$0x3FD2] =	sst s25  }
0xb5: {  	s5 =	sshll.u32 s26, $0x1;
	_ =	strace $0x80000049;
	[dreg:$0x1] =	wrdreg $0xFFFFFFFF  }
0xb6: {  	s28 =	simm.s32 $_size_execute0_lowered;
	s3 =	sadd.s32 s3, s5;
	[dreg:$0x0] =	wrdreg $0x0  }
0xb7: {  	s5 =	sshll.u32 s28, $0x1;
	[dreg:$0x2] =	wrdreg s3  }
0xb8: {  	[dreg:$0x3] =	wrdreg s5  }
0xb9: {  	[dreg:$0x4] =	wrdreg $0xC0  }
0xba: {  	_ =	task [dreg:s22], $0x5FFFF  }
0xbb: {  	[dreg:$0x1] =	wrdreg $0xFFFFFFFF  }
0xbc: {  	[dreg:$0x0] =	wrdreg $0x60  }
0xbd: {  	[dreg:$0x2] =	wrdreg s24  }
0xbe: {  	[dreg:$0x3] =	wrdreg $0xA  }
0xbf: {  	_ =	task.clear_ibuf [dreg:s22], $0x4FFFF;
	_ =	strace $0x90000049  }
0xc0: {  	s29 =	simm.s32 $0xA;
	_ =	strace $0x8000004B  }
0xc1: {  	_ =	swait.ge [sflag:s29], $0x1  }
0xc2: {  	[sflag:s29] =	ssyncadd.s32 $0xFFFFFFFF  }
0xc3: {  	_ =	strace $0x9000004B  }
0xc4: {  	_ =	sfence  }
0xc5: {  	s30 =	sld [smem:$0x0];
	_ =	sdelay $0x2  }
0xc6: {  	s31 =	sshll.u32 s1, $0xD;
	s1 =	sshrl.u32 s1, $0x2  }
0xc7: {  	s4 =	sand.u32 $0x4000, s31;
	s1 =	sadd.s32 s1, s30  }
0xc8: {  	s0 =	sor.u32 s4, s0;
	s1 =	sshll.u32 s1, $0x11  }
0xc9: {  	s0 =	sor.u32 s1, s0  }
0xca: {  	s0 =	sadd.s32 $0x8F2B, s0  }
0xcb: {  	[sflag:s0] =	ssyncadd.remote.s32 $0x1  }
0xcc: {  	_ =	sfence.sel $0xFFFF  }
0xcd: {  	[dreg:$0x0] =	wrdreg $0xFFFFFFFF;
	(pc) =	sbr.abs _section_cstart, $3  }
0xce: {  	[dreg:$0x1] =	wrdreg $0xFFFFFFFF  }
0xcf: {  	_ =	task.clear_ibuf [dreg:s22], $0x2FFFF;
	_ =	strace $0x9FFFFFFF  }
0xd0: {  	(tm) =	ssettm $0x7FFFFFFF  }
0xd1: {  	_ =	shalt  }
tec
execute0_lowered:
.L_overlay_start_1:
0x0: {  	(tag) =	ssettag $0x1  }
0x1: {  	s1 =	srdreg.scid  }
0x2: {  	s0 =	stileid.u32;
	s5 =	rddreg [dreg:$0x0]  }
0x3: {  	s2 =	simm.s32 $0x0;
	s11 =	simm.s32 $0x80;
	s12 =	simm.s32 $0x880  }
0x4: {  	s13 =	simm.s32 $0xC80;
	s14 =	simm.s32 $0x1480;
	s15 =	simm.s32 $0x1880  }
0x5: {  	s16 =	simm.s32 $0x2080;
	s4 =	sand.u32 $0x1, s1;
	s30 =	sshll.u32 s0, $0x1  }
0x6: {  	s17 =	simm.s32 $0x2480;
	s18 =	simm.s32 $0x2C80;
	s1 =	sor.u32 s4, s30  }
0x7: {  	s19 =	simm.s32 $0x3080;
	s20 =	simm.s32 $0x3880;
	s3 =	smul.u32 $0x60, s1  }
0x8: {  	s21 =	simm.s32 $0x3C80;
	s22 =	simm.s32 $0x4480;
	s23 =	simm.s32 $0x1  }
0x9: {  	[smem:$0x7FF] =	sst s2;
	s4 =	ssub.s32 $0x2, s4;
	s6 =	sshrl.u32 s3, $0x3  }
0xa: {  	s1 =	rddreg [dreg:$0x1];
	s31 =	sshrl.u32 s4, $0x1;
	s7 =	smul.u32 $0x180, s6  }
0xb: {  	_ =	strace $0x8000004A;
	s10 =	ssub.s32 s4, s31;
	s8 =	sadd.s32 s6, s5  }
0xc: {  	v2 =	vlaneseq.u32;
	s3 =	sadd.s32 $0xDC1400, s5;
	s4 =	sadd.s32 $0xC5A00, s8;
	s9 =	sadd.s32 s7, s5  }
0xd: {  	vm0 =	vmmov $0xffff;
	vm1 =	vmmov $0xff;
	v1 =	vshrl.u32 v2, $0x3;
	s5 =	sadd.s32 $0xDC1500, s5;
	s7 =	sadd.s32 $0xC5A06, s8;
	s6 =	sadd.s32 $0xC5C00, s9  }
0xe: {  	v0 =	vand.u32 $0x7, v2;
	v2 =	vor.u32 $0x8, v2;
	v1 =	vmul.u32 $0x8, v1;
	s8 =	sadd.s32 $0xC6500, s9;
	s9 =	smax.u32 s10, $0x1;
	s10 =	simm.s32 $0x2  }
.LBB2_1:
0xf: {  	[tilespmem:s2], [sflag:$0x2] =	stream.linear.gather [hbm4b:s4+s2], $0x30, $0x38;
	[tilespmem:$0x4880] =	vst v63  }
0x10: {  	_ =	swait.ge [sflag:s10], $0x30  }
0x11: {  	[sflag:s10] =	ssyncset.done $0x0  }
0x12: {  	[sflag:s10] =	ssyncadd.s32 $0xFFFFFFD0  }
0x13: {  	v3 =	vld [tilespmem:$0x0];
	_ =	sdelay $0x4  }
0x14: {  	v4 =	vshrl.u32 v3, $0x3  }
0x15: {  	v4 =	vmul.u32 $0x18, v4  }
0x16: {  	v3 =	vand.u32 $0x7, v3  }
0x17: {  	v3 =	vor.u32 v3, v4  }
0x18: {  	v4 =	vperm.xlane v3, v0;
	_ =	sdelay $0x1  }
0x19: {  	v4 =	vadd.s32 v1, v4;
	_ =	sdelay $0x1  }
0x1a: {  	v3 =	vperm.xlane v3, v2;
	_ =	sdelay $0x1  }
0x1b: {  	v3 =	vadd.s32 v1, v3  }
0x1c: {  	[tilespmem:s11], [sflag:$0x1] =	stream.indirect_vreg.gather [hbm4b:s3+s2], $0x80, v4, vm0, $0xb8;
	[tilespmem:$0x4880] =	vst v63  }
0x1d: {  	_ = 	snop  }
0x1e: {  	[tilespmem:s12], [sflag:$0x1] =	stream.indirect_vreg.gather [hbm4b:s5+s2], $0x80, v4, vm1, $0xb8;
	[tilespmem:$0x4880] =	vst v63  }
0x1f: {  	_ = 	snop  }
0x20: {  	[tilespmem:s13], [sflag:$0x1] =	stream.indirect_vreg.gather [hbm4b:s3+s2], $0x80, v3, vm0, $0xb8;
	[tilespmem:$0x4880] =	vst v63  }
0x21: {  	_ = 	snop  }
0x22: {  	[tilespmem:s14], [sflag:$0x1] =	stream.indirect_vreg.gather [hbm4b:s5+s2], $0x80, v3, vm1, $0xb8;
	[tilespmem:$0x4880] =	vst v63  }
0x23: {  	v3 =	vld [tilespmem:$0x10];
	_ =	sdelay $0x4  }
0x24: {  	v59 =	vshrl.u32 v3, $0x3  }
0x25: {  	v4 =	vmul.u32 $0x18, v59  }
0x26: {  	v3 =	vand.u32 $0x7, v3  }
0x27: {  	v3 =	vor.u32 v3, v4  }
0x28: {  	v4 =	vperm.xlane v3, v0;
	_ =	sdelay $0x1  }
0x29: {  	v4 =	vadd.s32 v1, v4;
	_ =	sdelay $0x1  }
0x2a: {  	v3 =	vperm.xlane v3, v2;
	_ =	sdelay $0x1  }
0x2b: {  	v3 =	vadd.s32 v1, v3  }
0x2c: {  	[tilespmem:s15], [sflag:$0x1] =	stream.indirect_vreg.gather [hbm4b:s3+s2], $0x80, v4, vm0, $0xb8;
	[tilespmem:$0x4880] =	vst v63  }
0x2d: {  	_ = 	snop  }
0x2e: {  	[tilespmem:s16], [sflag:$0x1] =	stream.indirect_vreg.gather [hbm4b:s5+s2], $0x80, v4, vm1, $0xb8;
	[tilespmem:$0x4880] =	vst v63  }
0x2f: {  	_ = 	snop  }
0x30: {  	[tilespmem:s17], [sflag:$0x1] =	stream.indirect_vreg.gather [hbm4b:s3+s2], $0x80, v3, vm0, $0xb8;
	[tilespmem:$0x4880] =	vst v63  }
0x31: {  	_ = 	snop  }
0x32: {  	[tilespmem:s18], [sflag:$0x1] =	stream.indirect_vreg.gather [hbm4b:s5+s2], $0x80, v3, vm1, $0xb8;
	[tilespmem:$0x4880] =	vst v63  }
0x33: {  	v3 =	vld [tilespmem:$0x20];
	_ =	sdelay $0x4  }
0x34: {  	v60 =	vshrl.u32 v3, $0x3  }
0x35: {  	v4 =	vmul.u32 $0x18, v60  }
0x36: {  	v3 =	vand.u32 $0x7, v3  }
0x37: {  	v3 =	vor.u32 v3, v4  }
0x38: {  	v4 =	vperm.xlane v3, v0;
	_ =	sdelay $0x1  }
0x39: {  	v4 =	vadd.s32 v1, v4;
	_ =	sdelay $0x1  }
0x3a: {  	v3 =	vperm.xlane v3, v2;
	_ =	sdelay $0x1  }
0x3b: {  	v3 =	vadd.s32 v1, v3  }
0x3c: {  	[tilespmem:s19], [sflag:$0x1] =	stream.indirect_vreg.gather [hbm4b:s3+s2], $0x80, v4, vm0, $0xb8;
	[tilespmem:$0x4880] =	vst v63  }
0x3d: {  	_ = 	snop  }
0x3e: {  	[tilespmem:s20], [sflag:$0x1] =	stream.indirect_vreg.gather [hbm4b:s5+s2], $0x80, v4, vm1, $0xb8;
	[tilespmem:$0x4880] =	vst v63  }
0x3f: {  	_ = 	snop  }
0x40: {  	[tilespmem:s21], [sflag:$0x1] =	stream.indirect_vreg.gather [hbm4b:s3+s2], $0x80, v3, vm0, $0xb8;
	[tilespmem:$0x4880] =	vst v63  }
0x41: {  	_ = 	snop  }
0x42: {  	[tilespmem:s22], [sflag:$0x1] =	stream.indirect_vreg.gather [hbm4b:s5+s2], $0x80, v3, vm1, $0xb8;
	[tilespmem:$0x4880] =	vst v63  }
0x43: {  	_ =	swait.ge [sflag:s23], $0x4800  }
0x44: {  	[sflag:s23] =	ssyncset.done $0x0  }
0x45: {  	[sflag:s23] =	ssyncadd.s32 $0xFFFFB800  }
0x46: {  	[hbm4b:s6+s2] =	stream.linear.scatter [tilespmem:s11], [sflag:$0x2], $0x4800, $0x38;
	[tilespmem:$0x4880] =	vst v63  }
0x47: {  	_ =	swait.ge [sflag:s10], $0x4800  }
0x48: {  	[sflag:s10] =	ssyncset.done $0x0  }
0x49: {  	[sflag:s10] =	ssyncadd.s32 $0xFFFFB800  }
0x4a: {  	[tilespmem:s2], [sflag:$0x2] =	stream.linear.gather [hbm4b:s7+s2], $0x30, $0x38;
	[tilespmem:$0x4880] =	vst v63  }
0x4b: {  	_ =	swait.ge [sflag:s10], $0x30  }
0x4c: {  	[sflag:s10] =	ssyncset.done $0x0  }
0x4d: {  	[sflag:s10] =	ssyncadd.s32 $0xFFFFFFD0  }
0x4e: {  	v3 =	vld [tilespmem:$0x0];
	_ =	sdelay $0x4  }
0x4f: {  	v61 =	vshrl.u32 v3, $0x3  }
0x50: {  	v4 =	vmul.u32 $0x18, v61  }
0x51: {  	v3 =	vand.u32 $0x7, v3  }
0x52: {  	v3 =	vor.u32 v3, v4  }
0x53: {  	v4 =	vperm.xlane v3, v0;
	_ =	sdelay $0x1  }
0x54: {  	v4 =	vadd.s32 v1, v4;
	_ =	sdelay $0x1  }
0x55: {  	v3 =	vperm.xlane v3, v2;
	_ =	sdelay $0x1  }
0x56: {  	v3 =	vadd.s32 v1, v3  }
0x57: {  	[tilespmem:s11], [sflag:$0x1] =	stream.indirect_vreg.gather [hbm4b:s3+s2], $0x80, v4, vm0, $0xb8;
	[tilespmem:$0x4880] =	vst v63  }
0x58: {  	_ = 	snop  }
0x59: {  	[tilespmem:s12], [sflag:$0x1] =	stream.indirect_vreg.gather [hbm4b:s5+s2], $0x80, v4, vm1, $0xb8;
	[tilespmem:$0x4880] =	vst v63  }
0x5a: {  	_ = 	snop  }
0x5b: {  	[tilespmem:s13], [sflag:$0x1] =	stream.indirect_vreg.gather [hbm4b:s3+s2], $0x80, v3, vm0, $0xb8;
	[tilespmem:$0x4880] =	vst v63  }
0x5c: {  	_ = 	snop  }
0x5d: {  	[tilespmem:s14], [sflag:$0x1] =	stream.indirect_vreg.gather [hbm4b:s5+s2], $0x80, v3, vm1, $0xb8;
	[tilespmem:$0x4880] =	vst v63  }
0x5e: {  	v3 =	vld [tilespmem:$0x10];
	_ =	sdelay $0x4  }
0x5f: {  	v62 =	vshrl.u32 v3, $0x3  }
0x60: {  	v4 =	vmul.u32 $0x18, v62  }
0x61: {  	v3 =	vand.u32 $0x7, v3  }
0x62: {  	v3 =	vor.u32 v3, v4  }
0x63: {  	v4 =	vperm.xlane v3, v0;
	_ =	sdelay $0x1  }
0x64: {  	v4 =	vadd.s32 v1, v4;
	_ =	sdelay $0x1  }
0x65: {  	v3 =	vperm.xlane v3, v2;
	_ =	sdelay $0x1  }
0x66: {  	v3 =	vadd.s32 v1, v3  }
0x67: {  	[tilespmem:s15], [sflag:$0x1] =	stream.indirect_vreg.gather [hbm4b:s3+s2], $0x80, v4, vm0, $0xb8;
	[tilespmem:$0x4880] =	vst v63  }
0x68: {  	_ = 	snop  }
0x69: {  	[tilespmem:s16], [sflag:$0x1] =	stream.indirect_vreg.gather [hbm4b:s5+s2], $0x80, v4, vm1, $0xb8;
	[tilespmem:$0x4880] =	vst v63  }
0x6a: {  	_ = 	snop  }
0x6b: {  	[tilespmem:s17], [sflag:$0x1] =	stream.indirect_vreg.gather [hbm4b:s3+s2], $0x80, v3, vm0, $0xb8;
	[tilespmem:$0x4880] =	vst v63  }
0x6c: {  	_ = 	snop  }
0x6d: {  	[tilespmem:s18], [sflag:$0x1] =	stream.indirect_vreg.gather [hbm4b:s5+s2], $0x80, v3, vm1, $0xb8;
	[tilespmem:$0x4880] =	vst v63  }
0x6e: {  	v3 =	vld [tilespmem:$0x20];
	_ =	sdelay $0x4  }
0x6f: {  	v63 =	vshrl.u32 v3, $0x3  }
0x70: {  	v4 =	vmul.u32 $0x18, v63  }
0x71: {  	v3 =	vand.u32 $0x7, v3  }
0x72: {  	v3 =	vor.u32 v3, v4  }
0x73: {  	v4 =	vperm.xlane v3, v0;
	_ =	sdelay $0x1  }
0x74: {  	v4 =	vadd.s32 v1, v4;
	_ =	sdelay $0x1  }
0x75: {  	v3 =	vperm.xlane v3, v2;
	_ =	sdelay $0x1  }
0x76: {  	v3 =	vadd.s32 v1, v3  }
0x77: {  	[tilespmem:s19], [sflag:$0x1] =	stream.indirect_vreg.gather [hbm4b:s3+s2], $0x80, v4, vm0, $0xb8;
	[tilespmem:$0x4880] =	vst v63  }
0x78: {  	_ = 	snop  }
0x79: {  	[tilespmem:s20], [sflag:$0x1] =	stream.indirect_vreg.gather [hbm4b:s5+s2], $0x80, v4, vm1, $0xb8;
	[tilespmem:$0x4880] =	vst v63  }
0x7a: {  	_ = 	snop  }
0x7b: {  	[tilespmem:s21], [sflag:$0x1] =	stream.indirect_vreg.gather [hbm4b:s3+s2], $0x80, v3, vm0, $0xb8;
	[tilespmem:$0x4880] =	vst v63  }
0x7c: {  	_ = 	snop  }
0x7d: {  	[tilespmem:s22], [sflag:$0x1] =	stream.indirect_vreg.gather [hbm4b:s5+s2], $0x80, v3, vm1, $0xb8;
	[tilespmem:$0x4880] =	vst v63  }
0x7e: {  	_ =	swait.ge [sflag:s23], $0x4800  }
0x7f: {  	p0 =	sne.s32 s9, $0x1;
	[sflag:s23] =	ssyncset.done $0x0  }
.Ltmp0:
0x80: {  	[sflag:s23] =	ssyncadd.s32 $0xFFFFB800;
	(pc) =	sbr.rel @p0 .LBB2_1-.Ltmp0, $4  }
0x81: {  	[hbm4b:s8+s2] =	stream.linear.scatter [tilespmem:s11], [sflag:$0x2], $0x4800, $0x38;
	[tilespmem:$0x4880] =	vst v63  }
0x82: {  	_ =	swait.ge [sflag:s10], $0x4800  }
0x83: {  	[sflag:s10] =	ssyncset.done $0x0  }
0x84: {  	s9 =	sadd.s32 $0xFFFFFFFF, s9;
	[sflag:s10] =	ssyncadd.s32 $0xFFFFB800  }
0x85: {  	_ =	sfence.sel $0x180000  }
0x86: {  	[bflag:$0x0] =	sbarrier.arrive $0xFFFF  }
0x87: {  	p0 =	sne.s32 s0, $0x0;
	_ =	strace $0x9000004A  }
0x88: {  	s0 =	sadd.s32 @!p0 $0x100000, s1;
	[bflag:$0x2] =	sbarrier.arrive $0xFFFF  }
0x89: {  	[sflag:s0] =	ssyncadd.tile.s32 @!p0 $0x1;
	_ =	shalt  }
.Lfunc_end2:
_tile_overlayer_lowered:
.L_overlay_start_2:
0x8a: {  	(tag) =	ssettag $0x2  }
0x8b: {  	s0 =	rddreg [dreg:$0x0];
	s2 =	stileid.u32  }
0x8c: {  	s1 =	rddreg [dreg:$0x1];
	p0 =	sne.s32 s2, $0x0  }
0x8d: {  	s3 =	rddreg [dreg:$0x2];
	[bflag:$0x3] =	sbarrier.arrive $0xFFFF;
	s2 =	simm.s32 @!p0 $0x1C02  }
0x8e: {  	[timem:s3], [sflag:s2] =	dma.local @!p0 [hbm:s0], s1  }
0x8f: {  	s0 =	simm.s32 @!p0 $0x2  }
0x90: {  	_ =	swait.ge @!p0 [sflag:s0], s1  }
0x91: {  	s1 =	ssub.s32 @!p0 $0x0, s1;
	[sflag:s0] =	ssyncset.done @!p0 $0x0  }
0x92: {  	[sflag:s0] =	ssyncadd.s32 @!p0 s1  }
0x93: {  	[bflag:$0x3] =	sbarrier.arrive $0xFFFF  }
0x94: {  	_ =	shalt  }

// kernel: kernel.9.cloned.1.call-start
scs
__scs_entry_jumppad:
0x0: {  	(pc) =	sbr.rel $0x88, $3  }
0x1: {  	(tag) =	ssettag $0x0;
	lr =	simm.s32 $0x1  }
0x2: {  	[smem:$0x3F84] =	sst lr;
	_ =	strace $0xD0000000  }
0x3: {  	_ = 	snop  }
0x4: {  	_ = 	snop  }
0x5: {  	_ = 	snop  }
0x6: {  	_ = 	snop  }
0x7: {  	_ = 	snop  }
__scs_overlays_trampoline_lowered:
0x8: {  	[smem:$0x3F93] =	sst s0  }
0x9: {  	[smem:$0x3F94] =	sst s1  }
0xa: {  	[smem:$0x3F95] =	sst s2  }
0xb: {  	[smem:$0x3F96] =	sst s3  }
0xc: {  	[smem:$0x3F97] =	sst s4  }
0xd: {  	[smem:$0x3F98] =	sst s5  }
0xe: {  	[smem:$0x3F99] =	sst s6  }
0xf: {  	[smem:$0x3F9A] =	sst s7  }
0x10: {  	[smem:$0x3F9B] =	sst s8  }
0x11: {  	[smem:$0x3F9C] =	sst s9;
	s0 =	simm.s32 @!p0 $0x0  }
0x12: {  	s1 =	sld [smem:$0x3F82];
	s0 =	simm.s32 @p0 $0x1  }
0x13: {  	[smem:$0x3F9D] =	sst s0;
	s0 =	simm.s32 @!p1 $0x0  }
0x14: {  	s2 =	sld [smem:$0x3F81];
	s0 =	simm.s32 @p1 $0x1  }
0x15: {  	[smem:$0x3F9E] =	sst s0;
	s0 =	simm.s32 @!p2 $0x0  }
0x16: {  	s3 =	sld [smem:$0x3FDB];
	s0 =	simm.s32 @p2 $0x1  }
0x17: {  	s4 =	simm.s32 $0x1BF5;
	[smem:$0x3FA0] =	sst s0  }
0x18: {  	s0 =	sld [smem:$0x3F83];
	_ =	swait.ge [sflag:s4], $0x0  }
0x19: {  	s7 =	sld [smem:$0x3F84]  }
0x1a: {  	s8 =	sadd.s32 $0xFFFFE003, lr  }
0x1b: {  	s9 =	sadd.s32 $0xFFFFFEF7, lr;
	s5 =	simm.s32 $0xFFFFFFFF;
	p2 =	slt.u32 s8, $0xFFFFF086  }
0x1c: {  	p1 =	slt.u32 s9, $0xF7A;
	s5 =	simm.s32 @!p2 $0x0  }
0x1d: {  	s5 =	simm.s32 @p1 $0x1;
	p0 =	seq.s32 s7, s2  }
0x1e: {  	s7 =	smul.u32 @!p0 $0xF7A, s2;
	p2 =	seq.s32 @!p0 s5, $0x0  }
0x1f: {  	s9 =	smul.u32 $0xF7A, s1;
	s8 =	simm.s32 @!p0 $0x1BF5;
	p2 =	por !p2, p0  }
0x20: {  	[sflag:s8] =	ssyncset.s32 @!p0 $0xFFFFF086;
	s6 =	sadd.s32 @!p0 s3, s7;
	s7 =	simm.s32 @!p0 $0x108  }
0x21: {  	s3 =	sadd.s32 s3, s9;
	s6 =	sadd.s32 @!p0 $0x88, s6;
	s7 =	simm.s32 @p2 $0x1082  }
0x22: {  	[simem:s7], [sflag:s8] =	dma.local @!p0 [hbm:s6], $0xF7A  }
0x23: {  	s9 =	sor.u32 $0xD0000000, s2;
	s6 =	simm.s32 $0x108;
	_ =	swait.ge @!p0 [sflag:s8], $0x0  }
0x24: {  	s3 =	sadd.s32 $0x88, s3;
	s6 =	simm.s32 @!p1 $0x1082;
	[sflag:s4] =	ssyncset.s32 $0xFFFFF086  }
0x25: {  	[simem:s6], [sflag:s4] =	dma.local [hbm:s3], $0xF7A  }
0x26: {  	[smem:$0x3F84] =	sst s1;
	(tag) =	ssettag s2;
	_ =	strace s9  }
0x27: {  	s1 =	sld [smem:$0x3F94]  }
0x28: {  	s2 =	sld [smem:$0x3F95]  }
0x29: {  	s4 =	sld [smem:$0x3F97]  }
0x2a: {  	p0 =	seq.s32 s5, $0x0;
	s5 =	sld [smem:$0x3F98]  }
0x2b: {  	s6 =	sld [smem:$0x3F99]  }
0x2c: {  	s7 =	sld [smem:$0x3F9A]  }
0x2d: {  	s3 =	simm.s32 $0x108;
	s8 =	sld [smem:$0x3F9B]  }
0x2e: {  	s3 =	simm.s32 @!p0 $0x1082;
	s9 =	sld [smem:$0x3F9C]  }
0x2f: {  	lr =	sadd.s32 s0, s3;
	s0 =	sld [smem:$0x3F93]  }
0x30: {  	s3 =	sld [smem:$0x3F96]  }
0x31: {  	[smem:$0x3F9F] =	sst s10  }
0x32: {  	s10 =	sld [smem:$0x3F9D];
	_ =	sdelay $0x3  }
0x33: {  	p0 =	seq.s32 s10, $0x1;
	s10 =	sld [smem:$0x3F9F];
	_ =	sdelay $0x3  }
0x34: {  	[smem:$0x3F9F] =	sst s10  }
0x35: {  	s10 =	sld [smem:$0x3F9E];
	_ =	sdelay $0x3  }
0x36: {  	p1 =	seq.s32 s10, $0x1;
	s10 =	sld [smem:$0x3F9F];
	_ =	sdelay $0x3  }
0x37: {  	[smem:$0x3F9F] =	sst s10  }
0x38: {  	s10 =	sld [smem:$0x3FA0]  }
0x39: {  	_ = 	snop;
	(pc) =	sbr.ind lr, $3  }
0x3a: {  	_ = 	snop  }
0x3b: {  	_ = 	snop  }
0x3c: {  	p2 =	seq.s32 s10, $0x1;
	s10 =	sld [smem:$0x3F9F]  }
0x3d: {  	_ =	shalt  }
0x3e: {  	_ =	shalt  }
0x3f: {  	_ =	shalt  }
0x40: {  	_ =	shalt  }
0x41: {  	_ =	shalt  }
0x42: {  	_ =	shalt  }
0x43: {  	_ =	shalt  }
0x44: {  	_ =	shalt  }
0x45: {  	_ =	shalt  }
0x46: {  	_ =	shalt  }
0x47: {  	_ =	shalt  }
0x48: {  	_ =	shalt  }
0x49: {  	_ =	shalt  }
0x4a: {  	_ =	shalt  }
0x4b: {  	_ =	shalt  }
0x4c: {  	_ =	shalt  }
0x4d: {  	_ =	shalt  }
0x4e: {  	_ =	shalt  }
0x4f: {  	_ =	shalt  }
0x50: {  	_ =	shalt  }
0x51: {  	_ =	shalt  }
0x52: {  	_ =	shalt  }
0x53: {  	_ =	shalt  }
0x54: {  	_ =	shalt  }
0x55: {  	_ =	shalt  }
0x56: {  	_ =	shalt  }
0x57: {  	_ =	shalt  }
0x58: {  	_ =	shalt  }
0x59: {  	_ =	shalt  }
0x5a: {  	_ =	shalt  }
0x5b: {  	_ =	shalt  }
0x5c: {  	_ =	shalt  }
0x5d: {  	_ =	shalt  }
0x5e: {  	_ =	shalt  }
0x5f: {  	_ =	shalt  }
0x60: {  	_ =	shalt  }
0x61: {  	_ =	shalt  }
0x62: {  	_ =	shalt  }
0x63: {  	_ =	shalt  }
0x64: {  	_ =	shalt  }
0x65: {  	_ =	shalt  }
0x66: {  	_ =	shalt  }
0x67: {  	_ =	shalt  }
0x68: {  	_ =	shalt  }
0x69: {  	_ =	shalt  }
0x6a: {  	_ =	shalt  }
0x6b: {  	_ =	shalt  }
0x6c: {  	_ =	shalt  }
0x6d: {  	_ =	shalt  }
0x6e: {  	_ =	shalt  }
0x6f: {  	_ =	shalt  }
0x70: {  	_ =	shalt  }
0x71: {  	_ =	shalt  }
0x72: {  	_ =	shalt  }
0x73: {  	_ =	shalt  }
0x74: {  	_ =	shalt  }
0x75: {  	_ =	shalt  }
0x76: {  	_ =	shalt  }
0x77: {  	_ =	shalt  }
0x78: {  	_ =	shalt  }
0x79: {  	_ =	shalt  }
0x7a: {  	_ =	shalt  }
0x7b: {  	_ =	shalt  }
0x7c: {  	_ =	shalt  }
0x7d: {  	_ =	shalt  }
0x7e: {  	_ =	shalt  }
0x7f: {  	_ =	shalt  }
0x80: {  	_ =	shalt  }
0x81: {  	_ =	shalt  }
0x82: {  	_ =	shalt  }
0x83: {  	_ =	shalt  }
0x84: {  	_ =	shalt  }
0x85: {  	_ =	shalt  }
0x86: {  	_ =	shalt  }
0x87: {  	_ =	shalt  }
.Lfunc_end0:
.L_simem_size_0:
called_computation_lowered:
.L_overlay_start_0:
0x88: {  	s2 =	sld [smem:$0x3FD9]  }
0x89: {  	s3 =	sld [smem:$0x3FFE];
	_ =	sdelay $0x1  }
0x8a: {  	s1 =	srdreg.scid  }
0x8b: {  	s0 =	sand.u32 $0x1, s1  }
0x8c: {  	s14 =	sshll.u32 s0, $0xA;
	s2 =	sadd.s32 s3, s2  }
0x8d: {  	s2 =	sadd.s32 s2, s14  }
0x8e: {  	[smem:$0x3FAB] =	sst s2  }
0x8f: {  	_ = 	snop  }
0x90: {  	s2 =	sld [smem:$0x3FD0];
	_ =	sdelay $0x2  }
0x91: {  	s15 =	simm.s32 $0xB;
	s4 =	simm.s32 $0x10  }
0x92: {  	[smem:s4], [sflag:s15] =	dma.local [hbm:s2], $0x1  }
0x93: {  	_ =	swait.eq [sflag:s15], $0x1  }
0x94: {  	s16 =	sld [smem:$0x10];
	[sflag:s15] =	ssyncset.done $0x0  }
0x95: {  	s17 =	sld [smem:$0x11];
	[sflag:s15] =	ssyncadd.s32 $0xFFFFFFFF  }
0x96: {  	s18 =	sld [smem:$0x13];
	(tm) =	ssettm $0x1  }
0x97: {  	s5 =	sld [smem:$0x3FFB];
	_ =	sdelay $0x3  }
0x98: {  	_ =	strace s5  }
0x99: {  	s5 =	sld [smem:$0x3FFC];
	_ =	sdelay $0x3  }
0x9a: {  	_ =	strace s5  }
0x9b: {  	s5 =	sld [smem:$0x3FFD];
	_ =	sdelay $0x3  }
0x9c: {  	_ =	strace s5  }
0x9d: {  	_ =	strace $0x8FFFFFFF  }
0x9e: {  	s19 =	sld [smem:$0x3FDB];
	_ =	sdelay $0x1  }
0x9f: {  	s6 =	simm.s32 $_scs_section_size  }
0xa0: {  	s7 =	simm.s32 $_size__tile_overlayer_lowered;
	s8 =	simm.s32 $_tile_overlayer_lowered  }
0xa1: {  	s22 =	simm.s32 $0x1BFF;
	s21 =	sshll.u32 s8, $0x1;
	s5 =	sadd.s32 s6, s19  }
0xa2: {  	s9 =	simm.s32 $0x0;
	s20 =	sshll.u32 s7, $0x1;
	s7 =	sadd.s32 s21, s5  }
0xa3: {  	[timem:s9], [sflag:s22] =	dma.local [hbm:s7], s20  }
0xa4: {  	_ =	swait.ge [sflag:s22], s20  }
0xa5: {  	s6 =	ssub.s32 $0x0, s20;
	[sflag:s22] =	ssyncset.done $0x0  }
0xa6: {  	[sflag:s22] =	ssyncadd.s32 s6;
	_ =	sdelay $0x1  }
0xa7: {  	s23 =	simm.s32 $0x1B8B  }
0xa8: {  	_ =	swait.ge [sflag:s23], $0x1  }
0xa9: {  	[sflag:s23] =	ssyncset.done $0x0  }
0xaa: {  	s25 =	simm.s32 $0x1B8E;
	s24 =	sld [smem:$0x3FFE];
	[sflag:s23] =	ssyncadd.s32 $0xFFFFFFFF  }
0xab: {  	s26 =	simm.s32 $execute0_lowered;
	[smem:$0x3FD2] =	sst s25  }
0xac: {  	s7 =	sshll.u32 s26, $0x1;
	_ =	strace $0x80000046;
	[dreg:$0x1] =	wrdreg $0xFFFFFFFF  }
0xad: {  	s28 =	simm.s32 $_size_execute0_lowered;
	s5 =	sadd.s32 s5, s7;
	[dreg:$0x0] =	wrdreg $0x0  }
0xae: {  	s7 =	sshll.u32 s28, $0x1;
	[dreg:$0x2] =	wrdreg s5  }
0xaf: {  	[dreg:$0x3] =	wrdreg s7  }
0xb0: {  	[dreg:$0x4] =	wrdreg $0xC0  }
0xb1: {  	_ =	task [dreg:s9], $0x5FFFF  }
0xb2: {  	[dreg:$0x1] =	wrdreg $0xFFFFFFFF  }
0xb3: {  	[dreg:$0x0] =	wrdreg $0x60  }
0xb4: {  	[dreg:$0x2] =	wrdreg s24  }
0xb5: {  	[dreg:$0x3] =	wrdreg s17  }
0xb6: {  	[dreg:$0x4] =	wrdreg s18  }
0xb7: {  	[dreg:$0x5] =	wrdreg s16  }
0xb8: {  	[dreg:$0x6] =	wrdreg $0x9  }
0xb9: {  	_ =	task.clear_ibuf [dreg:s9], $0x7FFFF;
	_ =	strace $0x90000046  }
0xba: {  	s29 =	simm.s32 $0x9;
	_ =	strace $0x80000048  }
0xbb: {  	_ =	swait.ge [sflag:s29], $0x1  }
0xbc: {  	[sflag:s29] =	ssyncadd.s32 $0xFFFFFFFF  }
0xbd: {  	_ =	strace $0x90000048  }
0xbe: {  	_ =	sfence  }
0xbf: {  	s30 =	sld [smem:$0x0];
	_ =	sdelay $0x2  }
0xc0: {  	s31 =	sshll.u32 s1, $0xD;
	s1 =	sshrl.u32 s1, $0x2  }
0xc1: {  	s3 =	sand.u32 $0x4000, s31;
	s1 =	sadd.s32 s1, s30  }
0xc2: {  	s0 =	sor.u32 s3, s0;
	s1 =	sshll.u32 s1, $0x11  }
0xc3: {  	s0 =	sor.u32 s1, s0  }
0xc4: {  	s0 =	sadd.s32 $0x8F2B, s0  }
0xc5: {  	[sflag:s0] =	ssyncadd.remote.s32 $0x1  }
0xc6: {  	_ =	sfence.sel $0xFFFF  }
0xc7: {  	[dreg:$0x0] =	wrdreg $0xFFFFFFFF;
	(pc) =	sbr.abs _section_cstart, $3  }
0xc8: {  	[dreg:$0x1] =	wrdreg $0xFFFFFFFF  }
0xc9: {  	_ =	task.clear_ibuf [dreg:s9], $0x2FFFF;
	_ =	strace $0x9FFFFFFF  }
0xca: {  	(tm) =	ssettm $0x7FFFFFFF  }
0xcb: {  	_ =	shalt  }
tec
execute0_lowered:
.L_overlay_start_1:
0x0: {  	(tag) =	ssettag $0x1  }
0x1: {  	s0 =	rddreg [dreg:$0x0]  }
0x2: {  	s1 =	rddreg [dreg:$0x1]  }
0x3: {  	s5 =	rddreg [dreg:$0x2]  }
0x4: {  	s7 =	rddreg [dreg:$0x3];
	s3 =	srdreg.scid  }
0x5: {  	s2 =	simm.s32 $0x0;
	s4 =	stileid.u32;
	s6 =	sand.u32 $0x1, s3  }
0x6: {  	[smem:$0x7FF] =	sst s2;
	s4 =	sshll.u32 s4, $0x7;
	s8 =	sshll.u32 s6, $0x6  }
0x7: {  	s3 =	sadd.s32 $0x499800, s0;
	_ =	strace $0x80000047;
	s8 =	sor.u32 s8, s4  }
0x8: {  	s6 =	ssub.s32 $0x2, s6;
	s4 =	sadd.s32 $0x5A00, s0;
	s9 =	sadd.s32 s1, s8  }
0x9: {  	s19 =	sadd.s32 s5, s8;
	s10 =	sor.u32 $0x10, s8;
	[dreg:$0x5] =	wrdreg s9  }
0xa: {  	s12 =	sshrl.u32 s6, $0x1;
	[dreg:$0x6] =	wrdreg s19;
	s20 =	sadd.s32 s1, s10  }
0xb: {  	s23 =	sor.u32 $0x20, s8;
	s21 =	sadd.s32 s5, s10;
	[dreg:$0x7] =	wrdreg s20  }
0xc: {  	s11 =	smul.u32 $0x180, s8;
	s24 =	sadd.s32 s1, s23;
	[dreg:$0x8] =	wrdreg s21  }
0xd: {  	s8 =	sor.u32 $0x30, s8;
	s25 =	sadd.s32 s5, s23;
	[dreg:$0xa] =	wrdreg s24  }
0xe: {  	s12 =	ssub.s32 s6, s12;
	s1 =	sadd.s32 s1, s8;
	[dreg:$0xb] =	wrdreg s25  }
0xf: {  	s10 =	smul.u32 $0x180, s10;
	s29 =	sadd.s32 s5, s8;
	[dreg:$0xd] =	wrdreg s1  }
0x10: {  	s28 =	smul.u32 $0x180, s23;
	s22 =	sadd.s32 s7, s11;
	[dreg:$0xe] =	wrdreg s29  }
0x11: {  	s8 =	smul.u32 $0x180, s8;
	[dreg:$0x9] =	wrdreg s22;
	s26 =	sadd.s32 s7, s10  }
0x12: {  	v2 =	vlaneseq.u32;
	s6 =	sadd.s32 $0x5B00, s0;
	s30 =	sadd.s32 s7, s28;
	[dreg:$0xc] =	wrdreg s26  }
0x13: {  	vm0 =	vmmov $0xffff;
	vm1 =	vmmov $0xff;
	v1 =	vshrl.u32 v2, $0x3;
	s5 =	sadd.s32 $0x499900, s0;
	s31 =	sadd.s32 s7, s8;
	[dreg:$0xf] =	wrdreg s30  }
0x14: {  	v0 =	vand.u32 $0x7, v2;
	v2 =	vor.u32 $0x8, v2;
	v1 =	vmul.u32 $0x8, v1;
	s0 =	smax.u32 s12, $0x1;
	s8 =	simm.s32 $0x3;
	[dreg:$0x10] =	wrdreg s31  }
.LBB2_1:
0x15: {  	[dreg:$0x11] =	wrdreg s0  }
0x16: {  	s7 =	rddreg [dreg:$0x5]  }
0x17: {  	[tilespmem:s2], [sflag:$0x3] =	stream.linear.gather [hbm4b:s7+s2], $0x80, $0x38;
	[tilespmem:$0x18200] =	vst v63  }
0x18: {  	_ =	swait.ge [sflag:s8], $0x80  }
0x19: {  	[sflag:s8] =	ssyncset.done $0x0  }
0x1a: {  	s1 =	simm.s32 $0x100;
	s9 =	rddreg [dreg:$0x6];
	[sflag:s8] =	ssyncadd.s32 $0xFFFFFF80  }
0x1b: {  	[tilespmem:s1], [sflag:$0x3] =	stream.linear.gather [hbm4b:s9+s2], $0x80, $0x38;
	[tilespmem:$0x18200] =	vst v63  }
0x1c: {  	_ =	swait.ge [sflag:s8], $0x80  }
0x1d: {  	[sflag:s8] =	ssyncset.done $0x0  }
0x1e: {  	[sflag:s8] =	ssyncadd.s32 $0xFFFFFF80  }
0x1f: {  	v3 =	vld [tilespmem:$0x0];
	_ =	sdelay $0x4  }
0x20: {  	v4 =	vshrl.u32 v3, $0x3  }
0x21: {  	v4 =	vmul.u32 $0x18, v4  }
0x22: {  	v3 =	vand.u32 $0x7, v3  }
0x23: {  	v3 =	vor.u32 v3, v4  }
0x24: {  	v4 =	vperm.xlane v3, v0;
	_ =	sdelay $0x1  }
0x25: {  	v4 =	vadd.s32 v1, v4;
	_ =	sdelay $0x1  }
0x26: {  	v3 =	vperm.xlane v3, v2;
	_ =	sdelay $0x1  }
0x27: {  	s10 =	simm.s32 $0x200;
	v3 =	vadd.s32 v1, v3  }
0x28: {  	[tilespmem:s10], [sflag:$0x1] =	stream.indirect_vreg.gather [hbm4b:s3+s2], $0x80, v4, vm0, $0xb8;
	[tilespmem:$0x18200] =	vst v63  }
0x29: {  	s11 =	simm.s32 $0xA00  }
0x2a: {  	[tilespmem:s11], [sflag:$0x1] =	stream.indirect_vreg.gather [hbm4b:s5+s2], $0x80, v4, vm1, $0xb8;
	[tilespmem:$0x18200] =	vst v63  }
0x2b: {  	s12 =	simm.s32 $0xE00  }
0x2c: {  	[tilespmem:s12], [sflag:$0x1] =	stream.indirect_vreg.gather [hbm4b:s3+s2], $0x80, v3, vm0, $0xb8;
	[tilespmem:$0x18200] =	vst v63  }
0x2d: {  	s13 =	simm.s32 $0x1600  }
0x2e: {  	[tilespmem:s13], [sflag:$0x1] =	stream.indirect_vreg.gather [hbm4b:s5+s2], $0x80, v3, vm1, $0xb8;
	[tilespmem:$0x18200] =	vst v63  }
0x2f: {  	v3 =	vld [tilespmem:$0x10];
	_ =	sdelay $0x4  }
0x30: {  	v57 =	vshrl.u32 v3, $0x3  }
0x31: {  	v4 =	vmul.u32 $0x18, v57  }
0x32: {  	v3 =	vand.u32 $0x7, v3  }
0x33: {  	v3 =	vor.u32 v3, v4  }
0x34: {  	v4 =	vperm.xlane v3, v0;
	_ =	sdelay $0x1  }
0x35: {  	v4 =	vadd.s32 v1, v4;
	_ =	sdelay $0x1  }
0x36: {  	v3 =	vperm.xlane v3, v2;
	_ =	sdelay $0x1  }
0x37: {  	s14 =	simm.s32 $0x1A00;
	v3 =	vadd.s32 v1, v3  }
0x38: {  	[tilespmem:s14], [sflag:$0x1] =	stream.indirect_vreg.gather [hbm4b:s3+s2], $0x80, v4, vm0, $0xb8;
	[tilespmem:$0x18200] =	vst v63  }
0x39: {  	s15 =	simm.s32 $0x2200  }
0x3a: {  	[tilespmem:s15], [sflag:$0x1] =	stream.indirect_vreg.gather [hbm4b:s5+s2], $0x80, v4, vm1, $0xb8;
	[tilespmem:$0x18200] =	vst v63  }
0x3b: {  	s16 =	simm.s32 $0x2600  }
0x3c: {  	[tilespmem:s16], [sflag:$0x1] =	stream.indirect_vreg.gather [hbm4b:s3+s2], $0x80, v3, vm0, $0xb8;
	[tilespmem:$0x18200] =	vst v63  }
0x3d: {  	s17 =	simm.s32 $0x2E00  }
0x3e: {  	[tilespmem:s17], [sflag:$0x1] =	stream.indirect_vreg.gather [hbm4b:s5+s2], $0x80, v3, vm1, $0xb8;
	[tilespmem:$0x18200] =	vst v63  }
0x3f: {  	v3 =	vld [tilespmem:$0x20];
	_ =	sdelay $0x4  }
0x40: {  	v58 =	vshrl.u32 v3, $0x3  }
0x41: {  	v4 =	vmul.u32 $0x18, v58  }
0x42: {  	v3 =	vand.u32 $0x7, v3  }
0x43: {  	v3 =	vor.u32 v3, v4  }
0x44: {  	v4 =	vperm.xlane v3, v0;
	_ =	sdelay $0x1  }
0x45: {  	v4 =	vadd.s32 v1, v4;
	_ =	sdelay $0x1  }
0x46: {  	v3 =	vperm.xlane v3, v2;
	_ =	sdelay $0x1  }
0x47: {  	s18 =	simm.s32 $0x3200;
	v3 =	vadd.s32 v1, v3  }
0x48: {  	[tilespmem:s18], [sflag:$0x1] =	stream.indirect_vreg.gather [hbm4b:s3+s2], $0x80, v4, vm0, $0xb8;
	[tilespmem:$0x18200] =	vst v63  }
0x49: {  	s19 =	simm.s32 $0x3A00  }
0x4a: {  	[tilespmem:s19], [sflag:$0x1] =	stream.indirect_vreg.gather [hbm4b:s5+s2], $0x80, v4, vm1, $0xb8;
	[tilespmem:$0x18200] =	vst v63  }
0x4b: {  	s20 =	simm.s32 $0x3E00  }
0x4c: {  	[tilespmem:s20], [sflag:$0x1] =	stream.indirect_vreg.gather [hbm4b:s3+s2], $0x80, v3, vm0, $0xb8;
	[tilespmem:$0x18200] =	vst v63  }
0x4d: {  	s21 =	simm.s32 $0x4600  }
0x4e: {  	[tilespmem:s21], [sflag:$0x1] =	stream.indirect_vreg.gather [hbm4b:s5+s2], $0x80, v3, vm1, $0xb8;
	[tilespmem:$0x18200] =	vst v63  }
0x4f: {  	v3 =	vld [tilespmem:$0x30];
	_ =	sdelay $0x4  }
0x50: {  	v59 =	vshrl.u32 v3, $0x3  }
0x51: {  	v4 =	vmul.u32 $0x18, v59  }
0x52: {  	v3 =	vand.u32 $0x7, v3  }
0x53: {  	v3 =	vor.u32 v3, v4  }
0x54: {  	v4 =	vperm.xlane v3, v0;
	_ =	sdelay $0x1  }
0x55: {  	v4 =	vadd.s32 v1, v4;
	_ =	sdelay $0x1  }
0x56: {  	v3 =	vperm.xlane v3, v2;
	_ =	sdelay $0x1  }
0x57: {  	s22 =	simm.s32 $0x4A00;
	v3 =	vadd.s32 v1, v3  }
0x58: {  	[tilespmem:s22], [sflag:$0x1] =	stream.indirect_vreg.gather [hbm4b:s3+s2], $0x80, v4, vm0, $0xb8;
	[tilespmem:$0x18200] =	vst v63  }
0x59: {  	s23 =	simm.s32 $0x5200  }
0x5a: {  	[tilespmem:s23], [sflag:$0x1] =	stream.indirect_vreg.gather [hbm4b:s5+s2], $0x80, v4, vm1, $0xb8;
	[tilespmem:$0x18200] =	vst v63  }
0x5b: {  	s24 =	simm.s32 $0x5600  }
0x5c: {  	[tilespmem:s24], [sflag:$0x1] =	stream.indirect_vreg.gather [hbm4b:s3+s2], $0x80, v3, vm0, $0xb8;
	[tilespmem:$0x18200] =	vst v63  }
0x5d: {  	s25 =	simm.s32 $0x5E00  }
0x5e: {  	[tilespmem:s25], [sflag:$0x1] =	stream.indirect_vreg.gather [hbm4b:s5+s2], $0x80, v3, vm1, $0xb8;
	[tilespmem:$0x18200] =	vst v63  }
0x5f: {  	v3 =	vld [tilespmem:$0x40];
	_ =	sdelay $0x4  }
0x60: {  	v60 =	vshrl.u32 v3, $0x3  }
0x61: {  	v4 =	vmul.u32 $0x18, v60  }
0x62: {  	v3 =	vand.u32 $0x7, v3  }
0x63: {  	v3 =	vor.u32 v3, v4  }
0x64: {  	v4 =	vperm.xlane v3, v0;
	_ =	sdelay $0x1  }
0x65: {  	v4 =	vadd.s32 v1, v4;
	_ =	sdelay $0x1  }
0x66: {  	v3 =	vperm.xlane v3, v2;
	_ =	sdelay $0x1  }
0x67: {  	s26 =	simm.s32 $0x6200;
	v3 =	vadd.s32 v1, v3  }
0x68: {  	[tilespmem:s26], [sflag:$0x1] =	stream.indirect_vreg.gather [hbm4b:s3+s2], $0x80, v4, vm0, $0xb8;
	[tilespmem:$0x18200] =	vst v63  }
0x69: {  	s28 =	simm.s32 $0x6A00  }
0x6a: {  	[tilespmem:s28], [sflag:$0x1] =	stream.indirect_vreg.gather [hbm4b:s5+s2], $0x80, v4, vm1, $0xb8;
	[tilespmem:$0x18200] =	vst v63  }
0x6b: {  	s29 =	simm.s32 $0x6E00  }
0x6c: {  	[tilespmem:s29], [sflag:$0x1] =	stream.indirect_vreg.gather [hbm4b:s3+s2], $0x80, v3, vm0, $0xb8;
	[tilespmem:$0x18200] =	vst v63  }
0x6d: {  	s30 =	simm.s32 $0x7600  }
0x6e: {  	[tilespmem:s30], [sflag:$0x1] =	stream.indirect_vreg.gather [hbm4b:s5+s2], $0x80, v3, vm1, $0xb8;
	[tilespmem:$0x18200] =	vst v63  }
0x6f: {  	v3 =	vld [tilespmem:$0x50];
	_ =	sdelay $0x4  }
0x70: {  	v61 =	vshrl.u32 v3, $0x3  }
0x71: {  	v4 =	vmul.u32 $0x18, v61  }
0x72: {  	v3 =	vand.u32 $0x7, v3  }
0x73: {  	v3 =	vor.u32 v3, v4  }
0x74: {  	v4 =	vperm.xlane v3, v0;
	_ =	sdelay $0x1  }
0x75: {  	v4 =	vadd.s32 v1, v4;
	_ =	sdelay $0x1  }
0x76: {  	v3 =	vperm.xlane v3, v2;
	_ =	sdelay $0x1  }
0x77: {  	s31 =	simm.s32 $0x7A00;
	v3 =	vadd.s32 v1, v3  }
0x78: {  	[tilespmem:s31], [sflag:$0x1] =	stream.indirect_vreg.gather [hbm4b:s3+s2], $0x80, v4, vm0, $0xb8;
	[tilespmem:$0x18200] =	vst v63  }
0x79: {  	s10 =	simm.s32 $0x8200  }
0x7a: {  	[tilespmem:s10], [sflag:$0x1] =	stream.indirect_vreg.gather [hbm4b:s5+s2], $0x80, v4, vm1, $0xb8;
	[tilespmem:$0x18200] =	vst v63  }
0x7b: {  	s22 =	simm.s32 $0x8600  }
0x7c: {  	[tilespmem:s22], [sflag:$0x1] =	stream.indirect_vreg.gather [hbm4b:s3+s2], $0x80, v3, vm0, $0xb8;
	[tilespmem:$0x18200] =	vst v63  }
0x7d: {  	s23 =	simm.s32 $0x8E00  }
0x7e: {  	[tilespmem:s23], [sflag:$0x1] =	stream.indirect_vreg.gather [hbm4b:s5+s2], $0x80, v3, vm1, $0xb8;
	[tilespmem:$0x18200] =	vst v63  }
0x7f: {  	v3 =	vld [tilespmem:$0x60];
	_ =	sdelay $0x4  }
0x80: {  	v62 =	vshrl.u32 v3, $0x3  }
0x81: {  	v4 =	vmul.u32 $0x18, v62  }
0x82: {  	v3 =	vand.u32 $0x7, v3  }
0x83: {  	v3 =	vor.u32 v3, v4  }
0x84: {  	v4 =	vperm.xlane v3, v0;
	_ =	sdelay $0x1  }
0x85: {  	v4 =	vadd.s32 v1, v4;
	_ =	sdelay $0x1  }
0x86: {  	v3 =	vperm.xlane v3, v2;
	_ =	sdelay $0x1  }
0x87: {  	s24 =	simm.s32 $0x9200;
	v3 =	vadd.s32 v1, v3  }
0x88: {  	[tilespmem:s24], [sflag:$0x1] =	stream.indirect_vreg.gather [hbm4b:s3+s2], $0x80, v4, vm0, $0xb8;
	[tilespmem:$0x18200] =	vst v63  }
0x89: {  	s25 =	simm.s32 $0x9A00  }
0x8a: {  	[tilespmem:s25], [sflag:$0x1] =	stream.indirect_vreg.gather [hbm4b:s5+s2], $0x80, v4, vm1, $0xb8;
	[tilespmem:$0x18200] =	vst v63  }
0x8b: {  	s26 =	simm.s32 $0x9E00  }
0x8c: {  	[tilespmem:s26], [sflag:$0x1] =	stream.indirect_vreg.gather [hbm4b:s3+s2], $0x80, v3, vm0, $0xb8;
	[tilespmem:$0x18200] =	vst v63  }
0x8d: {  	s28 =	simm.s32 $0xA600  }
0x8e: {  	[tilespmem:s28], [sflag:$0x1] =	stream.indirect_vreg.gather [hbm4b:s5+s2], $0x80, v3, vm1, $0xb8;
	[tilespmem:$0x18200] =	vst v63  }
0x8f: {  	v3 =	vld [tilespmem:$0x70];
	_ =	sdelay $0x4  }
0x90: {  	v63 =	vshrl.u32 v3, $0x3  }
0x91: {  	v4 =	vmul.u32 $0x18, v63  }
0x92: {  	v3 =	vand.u32 $0x7, v3  }
0x93: {  	v3 =	vor.u32 v3, v4  }
0x94: {  	v4 =	vperm.xlane v3, v0;
	_ =	sdelay $0x1  }
0x95: {  	v4 =	vadd.s32 v1, v4;
	_ =	sdelay $0x1  }
0x96: {  	v3 =	vperm.xlane v3, v2;
	_ =	sdelay $0x1  }
0x97: {  	s29 =	simm.s32 $0xAA00;
	v3 =	vadd.s32 v1, v3  }
0x98: {  	[tilespmem:s29], [sflag:$0x1] =	stream.indirect_vreg.gather [hbm4b:s3+s2], $0x80, v4, vm0, $0xb8;
	[tilespmem:$0x18200] =	vst v63  }
0x99: {  	s30 =	simm.s32 $0xB200  }
0x9a: {  	[tilespmem:s30], [sflag:$0x1] =	stream.indirect_vreg.gather [hbm4b:s5+s2], $0x80, v4, vm1, $0xb8;
	[tilespmem:$0x18200] =	vst v63  }
0x9b: {  	s31 =	simm.s32 $0xB600  }
0x9c: {  	[tilespmem:s31], [sflag:$0x1] =	stream.indirect_vreg.gather [hbm4b:s3+s2], $0x80, v3, vm0, $0xb8;
	[tilespmem:$0x18200] =	vst v63  }
0x9d: {  	s22 =	simm.s32 $0xBE00  }
0x9e: {  	[tilespmem:s22], [sflag:$0x1] =	stream.indirect_vreg.gather [hbm4b:s5+s2], $0x80, v3, vm1, $0xb8;
	[tilespmem:$0x18200] =	vst v63  }
0x9f: {  	s10 =	rddreg [dreg:$0x7];
	s23 =	simm.s32 $0x80  }
0xa0: {  	[tilespmem:s23], [sflag:$0x3] =	stream.linear.gather [hbm4b:s10+s2], $0x80, $0x38;
	[tilespmem:$0x18200] =	vst v63  }
0xa1: {  	_ =	swait.ge [sflag:s8], $0x80  }
0xa2: {  	[sflag:s8] =	ssyncset.done $0x0  }
0xa3: {  	s25 =	simm.s32 $0x180;
	s24 =	rddreg [dreg:$0x8];
	[sflag:s8] =	ssyncadd.s32 $0xFFFFFF80  }
0xa4: {  	[tilespmem:s25], [sflag:$0x3] =	stream.linear.gather [hbm4b:s24+s2], $0x80, $0x38;
	[tilespmem:$0x18200] =	vst v63  }
0xa5: {  	_ =	swait.ge [sflag:s8], $0x80  }
0xa6: {  	[sflag:s8] =	ssyncset.done $0x0  }
0xa7: {  	[sflag:s8] =	ssyncadd.s32 $0xFFFFFF80  }
0xa8: {  	v3 =	vld [tilespmem:$0x80];
	_ =	sdelay $0x4  }
0xa9: {  	v8 =	vshrl.u32 v3, $0x3  }
0xaa: {  	v4 =	vmul.u32 $0x18, v8  }
0xab: {  	v3 =	vand.u32 $0x7, v3  }
0xac: {  	v3 =	vor.u32 v3, v4  }
0xad: {  	v4 =	vperm.xlane v3, v0;
	_ =	sdelay $0x1  }
0xae: {  	v4 =	vadd.s32 v1, v4;
	_ =	sdelay $0x1  }
0xaf: {  	v3 =	vperm.xlane v3, v2;
	_ =	sdelay $0x1  }
0xb0: {  	s26 =	simm.s32 $0xC200;
	v3 =	vadd.s32 v1, v3  }
0xb1: {  	[tilespmem:s26], [sflag:$0x2] =	stream.indirect_vreg.gather [hbm4b:s3+s2], $0x80, v4, vm0, $0xb8;
	[tilespmem:$0x18200] =	vst v63  }
0xb2: {  	s28 =	simm.s32 $0xCA00  }
0xb3: {  	[tilespmem:s28], [sflag:$0x2] =	stream.indirect_vreg.gather [hbm4b:s5+s2], $0x80, v4, vm1, $0xb8;
	[tilespmem:$0x18200] =	vst v63  }
0xb4: {  	s29 =	simm.s32 $0xCE00  }
0xb5: {  	[tilespmem:s29], [sflag:$0x2] =	stream.indirect_vreg.gather [hbm4b:s3+s2], $0x80, v3, vm0, $0xb8;
	[tilespmem:$0x18200] =	vst v63  }
0xb6: {  	s30 =	simm.s32 $0xD600  }
0xb7: {  	[tilespmem:s30], [sflag:$0x2] =	stream.indirect_vreg.gather [hbm4b:s5+s2], $0x80, v3, vm1, $0xb8;
	[tilespmem:$0x18200] =	vst v63  }
0xb8: {  	v3 =	vld [tilespmem:$0x90];
	_ =	sdelay $0x4  }
0xb9: {  	v9 =	vshrl.u32 v3, $0x3  }
0xba: {  	v4 =	vmul.u32 $0x18, v9  }
0xbb: {  	v3 =	vand.u32 $0x7, v3  }
0xbc: {  	v3 =	vor.u32 v3, v4  }
0xbd: {  	v4 =	vperm.xlane v3, v0;
	_ =	sdelay $0x1  }
0xbe: {  	v4 =	vadd.s32 v1, v4;
	_ =	sdelay $0x1  }
0xbf: {  	v3 =	vperm.xlane v3, v2;
	_ =	sdelay $0x1  }
0xc0: {  	s31 =	simm.s32 $0xDA00;
	v3 =	vadd.s32 v1, v3  }
0xc1: {  	[tilespmem:s31], [sflag:$0x2] =	stream.indirect_vreg.gather [hbm4b:s3+s2], $0x80, v4, vm0, $0xb8;
	[tilespmem:$0x18200] =	vst v63  }
0xc2: {  	s10 =	simm.s32 $0xE200  }
0xc3: {  	[tilespmem:s10], [sflag:$0x2] =	stream.indirect_vreg.gather [hbm4b:s5+s2], $0x80, v4, vm1, $0xb8;
	[tilespmem:$0x18200] =	vst v63  }
0xc4: {  	s22 =	simm.s32 $0xE600  }
0xc5: {  	[tilespmem:s22], [sflag:$0x2] =	stream.indirect_vreg.gather [hbm4b:s3+s2], $0x80, v3, vm0, $0xb8;
	[tilespmem:$0x18200] =	vst v63  }
0xc6: {  	s23 =	simm.s32 $0xEE00  }
0xc7: {  	[tilespmem:s23], [sflag:$0x2] =	stream.indirect_vreg.gather [hbm4b:s5+s2], $0x80, v3, vm1, $0xb8;
	[tilespmem:$0x18200] =	vst v63  }
0xc8: {  	v3 =	vld [tilespmem:$0xA0];
	_ =	sdelay $0x4  }
0xc9: {  	v10 =	vshrl.u32 v3, $0x3  }
0xca: {  	v4 =	vmul.u32 $0x18, v10  }
0xcb: {  	v3 =	vand.u32 $0x7, v3  }
0xcc: {  	v3 =	vor.u32 v3, v4  }
0xcd: {  	v4 =	vperm.xlane v3, v0;
	_ =	sdelay $0x1  }
0xce: {  	v4 =	vadd.s32 v1, v4;
	_ =	sdelay $0x1  }
0xcf: {  	v3 =	vperm.xlane v3, v2;
	_ =	sdelay $0x1  }
0xd0: {  	s24 =	simm.s32 $0xF200;
	v3 =	vadd.s32 v1, v3  }
0xd1: {  	[tilespmem:s24], [sflag:$0x2] =	stream.indirect_vreg.gather [hbm4b:s3+s2], $0x80, v4, vm0, $0xb8;
	[tilespmem:$0x18200] =	vst v63  }
0xd2: {  	s25 =	simm.s32 $0xFA00  }
0xd3: {  	[tilespmem:s25], [sflag:$0x2] =	stream.indirect_vreg.gather [hbm4b:s5+s2], $0x80, v4, vm1, $0xb8;
	[tilespmem:$0x18200] =	vst v63  }
0xd4: {  	s26 =	simm.s32 $0xFE00  }
0xd5: {  	[tilespmem:s26], [sflag:$0x2] =	stream.indirect_vreg.gather [hbm4b:s3+s2], $0x80, v3, vm0, $0xb8;
	[tilespmem:$0x18200] =	vst v63  }
0xd6: {  	s28 =	simm.s32 $0x10600  }
0xd7: {  	[tilespmem:s28], [sflag:$0x2] =	stream.indirect_vreg.gather [hbm4b:s5+s2], $0x80, v3, vm1, $0xb8;
	[tilespmem:$0x18200] =	vst v63  }
0xd8: {  	v3 =	vld [tilespmem:$0xB0];
	_ =	sdelay $0x4  }
0xd9: {  	v11 =	vshrl.u32 v3, $0x3  }
0xda: {  	v4 =	vmul.u32 $0x18, v11  }
0xdb: {  	v3 =	vand.u32 $0x7, v3  }
0xdc: {  	v3 =	vor.u32 v3, v4  }
0xdd: {  	v4 =	vperm.xlane v3, v0;
	_ =	sdelay $0x1  }
0xde: {  	v4 =	vadd.s32 v1, v4;
	_ =	sdelay $0x1  }
0xdf: {  	v3 =	vperm.xlane v3, v2;
	_ =	sdelay $0x1  }
0xe0: {  	s29 =	simm.s32 $0x10A00;
	v3 =	vadd.s32 v1, v3  }
0xe1: {  	[tilespmem:s29], [sflag:$0x2] =	stream.indirect_vreg.gather [hbm4b:s3+s2], $0x80, v4, vm0, $0xb8;
	[tilespmem:$0x18200] =	vst v63  }
0xe2: {  	s30 =	simm.s32 $0x11200  }
0xe3: {  	[tilespmem:s30], [sflag:$0x2] =	stream.indirect_vreg.gather [hbm4b:s5+s2], $0x80, v4, vm1, $0xb8;
	[tilespmem:$0x18200] =	vst v63  }
0xe4: {  	s31 =	simm.s32 $0x11600  }
0xe5: {  	[tilespmem:s31], [sflag:$0x2] =	stream.indirect_vreg.gather [hbm4b:s3+s2], $0x80, v3, vm0, $0xb8;
	[tilespmem:$0x18200] =	vst v63  }
0xe6: {  	s10 =	simm.s32 $0x11E00  }
0xe7: {  	[tilespmem:s10], [sflag:$0x2] =	stream.indirect_vreg.gather [hbm4b:s5+s2], $0x80, v3, vm1, $0xb8;
	[tilespmem:$0x18200] =	vst v63  }
0xe8: {  	v3 =	vld [tilespmem:$0xC0];
	_ =	sdelay $0x4  }
0xe9: {  	v12 =	vshrl.u32 v3, $0x3  }
0xea: {  	v4 =	vmul.u32 $0x18, v12  }
0xeb: {  	v3 =	vand.u32 $0x7, v3  }
0xec: {  	v3 =	vor.u32 v3, v4  }
0xed: {  	v4 =	vperm.xlane v3, v0;
	_ =	sdelay $0x1  }
0xee: {  	v4 =	vadd.s32 v1, v4;
	_ =	sdelay $0x1  }
0xef: {  	v3 =	vperm.xlane v3, v2;
	_ =	sdelay $0x1  }
0xf0: {  	s22 =	simm.s32 $0x12200;
	v3 =	vadd.s32 v1, v3  }
0xf1: {  	[tilespmem:s22], [sflag:$0x2] =	stream.indirect_vreg.gather [hbm4b:s3+s2], $0x80, v4, vm0, $0xb8;
	[tilespmem:$0x18200] =	vst v63  }
0xf2: {  	s23 =	simm.s32 $0x12A00  }
0xf3: {  	[tilespmem:s23], [sflag:$0x2] =	stream.indirect_vreg.gather [hbm4b:s5+s2], $0x80, v4, vm1, $0xb8;
	[tilespmem:$0x18200] =	vst v63  }
0xf4: {  	s24 =	simm.s32 $0x12E00  }
0xf5: {  	[tilespmem:s24], [sflag:$0x2] =	stream.indirect_vreg.gather [hbm4b:s3+s2], $0x80, v3, vm0, $0xb8;
	[tilespmem:$0x18200] =	vst v63  }
0xf6: {  	s25 =	simm.s32 $0x13600  }
0xf7: {  	[tilespmem:s25], [sflag:$0x2] =	stream.indirect_vreg.gather [hbm4b:s5+s2], $0x80, v3, vm1, $0xb8;
	[tilespmem:$0x18200] =	vst v63  }
0xf8: {  	v3 =	vld [tilespmem:$0xD0];
	_ =	sdelay $0x4  }
0xf9: {  	v13 =	vshrl.u32 v3, $0x3  }
0xfa: {  	v4 =	vmul.u32 $0x18, v13  }
0xfb: {  	v3 =	vand.u32 $0x7, v3  }
0xfc: {  	v3 =	vor.u32 v3, v4  }
0xfd: {  	v4 =	vperm.xlane v3, v0;
	_ =	sdelay $0x1  }
0xfe: {  	v4 =	vadd.s32 v1, v4;
	_ =	sdelay $0x1  }
0xff: {  	v3 =	vperm.xlane v3, v2;
	_ =	sdelay $0x1  }
0x100: {  	s26 =	simm.s32 $0x13A00;
	v3 =	vadd.s32 v1, v3  }
0x101: {  	[tilespmem:s26], [sflag:$0x2] =	stream.indirect_vreg.gather [hbm4b:s3+s2], $0x80, v4, vm0, $0xb8;
	[tilespmem:$0x18200] =	vst v63  }
0x102: {  	s28 =	simm.s32 $0x14200  }
0x103: {  	[tilespmem:s28], [sflag:$0x2] =	stream.indirect_vreg.gather [hbm4b:s5+s2], $0x80, v4, vm1, $0xb8;
	[tilespmem:$0x18200] =	vst v63  }
0x104: {  	s29 =	simm.s32 $0x14600  }
0x105: {  	[tilespmem:s29], [sflag:$0x2] =	stream.indirect_vreg.gather [hbm4b:s3+s2], $0x80, v3, vm0, $0xb8;
	[tilespmem:$0x18200] =	vst v63  }
0x106: {  	s30 =	simm.s32 $0x14E00  }
0x107: {  	[tilespmem:s30], [sflag:$0x2] =	stream.indirect_vreg.gather [hbm4b:s5+s2], $0x80, v3, vm1, $0xb8;
	[tilespmem:$0x18200] =	vst v63  }
0x108: {  	v3 =	vld [tilespmem:$0xE0];
	_ =	sdelay $0x4  }
0x109: {  	v14 =	vshrl.u32 v3, $0x3  }
0x10a: {  	v4 =	vmul.u32 $0x18, v14  }
0x10b: {  	v3 =	vand.u32 $0x7, v3  }
0x10c: {  	v3 =	vor.u32 v3, v4  }
0x10d: {  	v4 =	vperm.xlane v3, v0;
	_ =	sdelay $0x1  }
0x10e: {  	v4 =	vadd.s32 v1, v4;
	_ =	sdelay $0x1  }
0x10f: {  	v3 =	vperm.xlane v3, v2;
	_ =	sdelay $0x1  }
0x110: {  	s31 =	simm.s32 $0x15200;
	v3 =	vadd.s32 v1, v3  }
0x111: {  	[tilespmem:s31], [sflag:$0x2] =	stream.indirect_vreg.gather [hbm4b:s3+s2], $0x80, v4, vm0, $0xb8;
	[tilespmem:$0x18200] =	vst v63  }
0x112: {  	s10 =	simm.s32 $0x15A00  }
0x113: {  	[tilespmem:s10], [sflag:$0x2] =	stream.indirect_vreg.gather [hbm4b:s5+s2], $0x80, v4, vm1, $0xb8;
	[tilespmem:$0x18200] =	vst v63  }
0x114: {  	s22 =	simm.s32 $0x15E00  }
0x115: {  	[tilespmem:s22], [sflag:$0x2] =	stream.indirect_vreg.gather [hbm4b:s3+s2], $0x80, v3, vm0, $0xb8;
	[tilespmem:$0x18200] =	vst v63  }
0x116: {  	s23 =	simm.s32 $0x16600  }
0x117: {  	[tilespmem:s23], [sflag:$0x2] =	stream.indirect_vreg.gather [hbm4b:s5+s2], $0x80, v3, vm1, $0xb8;
	[tilespmem:$0x18200] =	vst v63  }
0x118: {  	v3 =	vld [tilespmem:$0xF0];
	_ =	sdelay $0x4  }
0x119: {  	v15 =	vshrl.u32 v3, $0x3  }
0x11a: {  	v4 =	vmul.u32 $0x18, v15  }
0x11b: {  	v3 =	vand.u32 $0x7, v3  }
0x11c: {  	v3 =	vor.u32 v3, v4  }
0x11d: {  	v4 =	vperm.xlane v3, v0;
	_ =	sdelay $0x1  }
0x11e: {  	v4 =	vadd.s32 v1, v4;
	_ =	sdelay $0x1  }
0x11f: {  	v3 =	vperm.xlane v3, v2;
	_ =	sdelay $0x1  }
0x120: {  	s24 =	simm.s32 $0x16A00;
	v3 =	vadd.s32 v1, v3  }
0x121: {  	[tilespmem:s24], [sflag:$0x2] =	stream.indirect_vreg.gather [hbm4b:s3+s2], $0x80, v4, vm0, $0xb8;
	[tilespmem:$0x18200] =	vst v63  }
0x122: {  	s25 =	simm.s32 $0x17200  }
0x123: {  	[tilespmem:s25], [sflag:$0x2] =	stream.indirect_vreg.gather [hbm4b:s5+s2], $0x80, v4, vm1, $0xb8;
	[tilespmem:$0x18200] =	vst v63  }
0x124: {  	s26 =	simm.s32 $0x17600  }
0x125: {  	[tilespmem:s26], [sflag:$0x2] =	stream.indirect_vreg.gather [hbm4b:s3+s2], $0x80, v3, vm0, $0xb8;
	[tilespmem:$0x18200] =	vst v63  }
0x126: {  	s28 =	simm.s32 $0x17E00;
	s29 =	simm.s32 $0x1  }
0x127: {  	[tilespmem:s28], [sflag:$0x2] =	stream.indirect_vreg.gather [hbm4b:s5+s2], $0x80, v3, vm1, $0xb8;
	[tilespmem:$0x18200] =	vst v63  }
0x128: {  	_ =	swait.ge [sflag:s29], $0xC000  }
0x129: {  	[sflag:s29] =	ssyncset.done $0x0  }
0x12a: {  	s31 =	simm.s32 $0x200;
	s30 =	rddreg [dreg:$0x9];
	[sflag:s29] =	ssyncadd.s32 $0xFFFF4000  }
0x12b: {  	[hbm4b:s30+s2] =	stream.linear.scatter [tilespmem:s31], [sflag:$0x3], $0xC000, $0x38;
	[tilespmem:$0x18200] =	vst v63  }
0x12c: {  	_ =	swait.ge [sflag:s8], $0xC000  }
0x12d: {  	[sflag:s8] =	ssyncset.done $0x0  }
0x12e: {  	[sflag:s8] =	ssyncadd.s32 $0xFFFF4000  }
0x12f: {  	v3 =	vld [tilespmem:$0x100];
	_ =	sdelay $0x4  }
0x130: {  	v16 =	vshrl.u32 v3, $0x3  }
0x131: {  	v4 =	vmul.u32 $0x18, v16  }
0x132: {  	v3 =	vand.u32 $0x7, v3  }
0x133: {  	v3 =	vor.u32 v3, v4  }
0x134: {  	v4 =	vperm.xlane v3, v0;
	_ =	sdelay $0x1  }
0x135: {  	v4 =	vadd.s32 v1, v4;
	_ =	sdelay $0x1  }
0x136: {  	v3 =	vperm.xlane v3, v2;
	_ =	sdelay $0x1  }
0x137: {  	v3 =	vadd.s32 v1, v3  }
0x138: {  	[hbm4b:s4+s2] =	stream.indirect_vreg.scatter [tilespmem:s31], [sflag:$0x3], $0x80, v4, vm0, $0xb8;
	[tilespmem:$0x18200] =	vst v63  }
0x139: {  	s1 =	simm.s32 $0xA00  }
0x13a: {  	[hbm4b:s6+s2] =	stream.indirect_vreg.scatter [tilespmem:s1], [sflag:$0x3], $0x80, v4, vm1, $0xb8;
	[tilespmem:$0x18200] =	vst v63  }
0x13b: {  	s7 =	simm.s32 $0xE00  }
0x13c: {  	[hbm4b:s4+s2] =	stream.indirect_vreg.scatter [tilespmem:s7], [sflag:$0x3], $0x80, v3, vm0, $0xb8;
	[tilespmem:$0x18200] =	vst v63  }
0x13d: {  	s22 =	simm.s32 $0x1600  }
0x13e: {  	[hbm4b:s6+s2] =	stream.indirect_vreg.scatter [tilespmem:s22], [sflag:$0x3], $0x80, v3, vm1, $0xb8;
	[tilespmem:$0x18200] =	vst v63  }
0x13f: {  	v3 =	vld [tilespmem:$0x110];
	_ =	sdelay $0x4  }
0x140: {  	v17 =	vshrl.u32 v3, $0x3  }
0x141: {  	v4 =	vmul.u32 $0x18, v17  }
0x142: {  	v3 =	vand.u32 $0x7, v3  }
0x143: {  	v3 =	vor.u32 v3, v4  }
0x144: {  	v4 =	vperm.xlane v3, v0;
	_ =	sdelay $0x1  }
0x145: {  	v4 =	vadd.s32 v1, v4;
	_ =	sdelay $0x1  }
0x146: {  	v3 =	vperm.xlane v3, v2;
	_ =	sdelay $0x1  }
0x147: {  	s9 =	simm.s32 $0x1A00;
	v3 =	vadd.s32 v1, v3  }
0x148: {  	[hbm4b:s4+s2] =	stream.indirect_vreg.scatter [tilespmem:s9], [sflag:$0x3], $0x80, v4, vm0, $0xb8;
	[tilespmem:$0x18200] =	vst v63  }
0x149: {  	s11 =	simm.s32 $0x2200  }
0x14a: {  	[hbm4b:s6+s2] =	stream.indirect_vreg.scatter [tilespmem:s11], [sflag:$0x3], $0x80, v4, vm1, $0xb8;
	[tilespmem:$0x18200] =	vst v63  }
0x14b: {  	s12 =	simm.s32 $0x2600  }
0x14c: {  	[hbm4b:s4+s2] =	stream.indirect_vreg.scatter [tilespmem:s12], [sflag:$0x3], $0x80, v3, vm0, $0xb8;
	[tilespmem:$0x18200] =	vst v63  }
0x14d: {  	s23 =	simm.s32 $0x2E00  }
0x14e: {  	[hbm4b:s6+s2] =	stream.indirect_vreg.scatter [tilespmem:s23], [sflag:$0x3], $0x80, v3, vm1, $0xb8;
	[tilespmem:$0x18200] =	vst v63  }
0x14f: {  	v3 =	vld [tilespmem:$0x120];
	_ =	sdelay $0x4  }
0x150: {  	v18 =	vshrl.u32 v3, $0x3  }
0x151: {  	v4 =	vmul.u32 $0x18, v18  }
0x152: {  	v3 =	vand.u32 $0x7, v3  }
0x153: {  	v3 =	vor.u32 v3, v4  }
0x154: {  	v4 =	vperm.xlane v3, v0;
	_ =	sdelay $0x1  }
0x155: {  	v4 =	vadd.s32 v1, v4;
	_ =	sdelay $0x1  }
0x156: {  	v3 =	vperm.xlane v3, v2;
	_ =	sdelay $0x1  }
0x157: {  	s13 =	simm.s32 $0x3200;
	v3 =	vadd.s32 v1, v3  }
0x158: {  	[hbm4b:s4+s2] =	stream.indirect_vreg.scatter [tilespmem:s13], [sflag:$0x3], $0x80, v4, vm0, $0xb8;
	[tilespmem:$0x18200] =	vst v63  }
0x159: {  	s14 =	simm.s32 $0x3A00  }
0x15a: {  	[hbm4b:s6+s2] =	stream.indirect_vreg.scatter [tilespmem:s14], [sflag:$0x3], $0x80, v4, vm1, $0xb8;
	[tilespmem:$0x18200] =	vst v63  }
0x15b: {  	s15 =	simm.s32 $0x3E00  }
0x15c: {  	[hbm4b:s4+s2] =	stream.indirect_vreg.scatter [tilespmem:s15], [sflag:$0x3], $0x80, v3, vm0, $0xb8;
	[tilespmem:$0x18200] =	vst v63  }
0x15d: {  	s24 =	simm.s32 $0x4600  }
0x15e: {  	[hbm4b:s6+s2] =	stream.indirect_vreg.scatter [tilespmem:s24], [sflag:$0x3], $0x80, v3, vm1, $0xb8;
	[tilespmem:$0x18200] =	vst v63  }
0x15f: {  	v3 =	vld [tilespmem:$0x130];
	_ =	sdelay $0x4  }
0x160: {  	v19 =	vshrl.u32 v3, $0x3  }
0x161: {  	v4 =	vmul.u32 $0x18, v19  }
0x162: {  	v3 =	vand.u32 $0x7, v3  }
0x163: {  	v3 =	vor.u32 v3, v4  }
0x164: {  	v4 =	vperm.xlane v3, v0;
	_ =	sdelay $0x1  }
0x165: {  	v4 =	vadd.s32 v1, v4;
	_ =	sdelay $0x1  }
0x166: {  	v3 =	vperm.xlane v3, v2;
	_ =	sdelay $0x1  }
0x167: {  	s16 =	simm.s32 $0x4A00;
	v3 =	vadd.s32 v1, v3  }
0x168: {  	[hbm4b:s4+s2] =	stream.indirect_vreg.scatter [tilespmem:s16], [sflag:$0x3], $0x80, v4, vm0, $0xb8;
	[tilespmem:$0x18200] =	vst v63  }
0x169: {  	s17 =	simm.s32 $0x5200  }
0x16a: {  	[hbm4b:s6+s2] =	stream.indirect_vreg.scatter [tilespmem:s17], [sflag:$0x3], $0x80, v4, vm1, $0xb8;
	[tilespmem:$0x18200] =	vst v63  }
0x16b: {  	s18 =	simm.s32 $0x5600  }
0x16c: {  	[hbm4b:s4+s2] =	stream.indirect_vreg.scatter [tilespmem:s18], [sflag:$0x3], $0x80, v3, vm0, $0xb8;
	[tilespmem:$0x18200] =	vst v63  }
0x16d: {  	s16 =	simm.s32 $0x5E00  }
0x16e: {  	[hbm4b:s6+s2] =	stream.indirect_vreg.scatter [tilespmem:s16], [sflag:$0x3], $0x80, v3, vm1, $0xb8;
	[tilespmem:$0x18200] =	vst v63  }
0x16f: {  	v3 =	vld [tilespmem:$0x140];
	_ =	sdelay $0x4  }
0x170: {  	v20 =	vshrl.u32 v3, $0x3  }
0x171: {  	v4 =	vmul.u32 $0x18, v20  }
0x172: {  	v3 =	vand.u32 $0x7, v3  }
0x173: {  	v3 =	vor.u32 v3, v4  }
0x174: {  	v4 =	vperm.xlane v3, v0;
	_ =	sdelay $0x1  }
0x175: {  	v4 =	vadd.s32 v1, v4;
	_ =	sdelay $0x1  }
0x176: {  	v3 =	vperm.xlane v3, v2;
	_ =	sdelay $0x1  }
0x177: {  	s19 =	simm.s32 $0x6200;
	v3 =	vadd.s32 v1, v3  }
0x178: {  	[hbm4b:s4+s2] =	stream.indirect_vreg.scatter [tilespmem:s19], [sflag:$0x3], $0x80, v4, vm0, $0xb8;
	[tilespmem:$0x18200] =	vst v63  }
0x179: {  	s20 =	simm.s32 $0x6A00  }
0x17a: {  	[hbm4b:s6+s2] =	stream.indirect_vreg.scatter [tilespmem:s20], [sflag:$0x3], $0x80, v4, vm1, $0xb8;
	[tilespmem:$0x18200] =	vst v63  }
0x17b: {  	s21 =	simm.s32 $0x6E00  }
0x17c: {  	[hbm4b:s4+s2] =	stream.indirect_vreg.scatter [tilespmem:s21], [sflag:$0x3], $0x80, v3, vm0, $0xb8;
	[tilespmem:$0x18200] =	vst v63  }
0x17d: {  	s17 =	simm.s32 $0x7600  }
0x17e: {  	[hbm4b:s6+s2] =	stream.indirect_vreg.scatter [tilespmem:s17], [sflag:$0x3], $0x80, v3, vm1, $0xb8;
	[tilespmem:$0x18200] =	vst v63  }
0x17f: {  	v3 =	vld [tilespmem:$0x150];
	_ =	sdelay $0x4  }
0x180: {  	v21 =	vshrl.u32 v3, $0x3  }
0x181: {  	v4 =	vmul.u32 $0x18, v21  }
0x182: {  	v3 =	vand.u32 $0x7, v3  }
0x183: {  	v3 =	vor.u32 v3, v4  }
0x184: {  	v4 =	vperm.xlane v3, v0;
	_ =	sdelay $0x1  }
0x185: {  	v4 =	vadd.s32 v1, v4;
	_ =	sdelay $0x1  }
0x186: {  	v3 =	vperm.xlane v3, v2;
	_ =	sdelay $0x1  }
0x187: {  	s1 =	simm.s32 $0x7A00;
	v3 =	vadd.s32 v1, v3  }
0x188: {  	[hbm4b:s4+s2] =	stream.indirect_vreg.scatter [tilespmem:s1], [sflag:$0x3], $0x80, v4, vm0, $0xb8;
	[tilespmem:$0x18200] =	vst v63  }
0x189: {  	s7 =	simm.s32 $0x8200  }
0x18a: {  	[hbm4b:s6+s2] =	stream.indirect_vreg.scatter [tilespmem:s7], [sflag:$0x3], $0x80, v4, vm1, $0xb8;
	[tilespmem:$0x18200] =	vst v63  }
0x18b: {  	s9 =	simm.s32 $0x8600  }
0x18c: {  	[hbm4b:s4+s2] =	stream.indirect_vreg.scatter [tilespmem:s9], [sflag:$0x3], $0x80, v3, vm0, $0xb8;
	[tilespmem:$0x18200] =	vst v63  }
0x18d: {  	s18 =	simm.s32 $0x8E00  }
0x18e: {  	[hbm4b:s6+s2] =	stream.indirect_vreg.scatter [tilespmem:s18], [sflag:$0x3], $0x80, v3, vm1, $0xb8;
	[tilespmem:$0x18200] =	vst v63  }
0x18f: {  	v3 =	vld [tilespmem:$0x160];
	_ =	sdelay $0x4  }
0x190: {  	v22 =	vshrl.u32 v3, $0x3  }
0x191: {  	v4 =	vmul.u32 $0x18, v22  }
0x192: {  	v3 =	vand.u32 $0x7, v3  }
0x193: {  	v3 =	vor.u32 v3, v4  }
0x194: {  	v4 =	vperm.xlane v3, v0;
	_ =	sdelay $0x1  }
0x195: {  	v4 =	vadd.s32 v1, v4;
	_ =	sdelay $0x1  }
0x196: {  	v3 =	vperm.xlane v3, v2;
	_ =	sdelay $0x1  }
0x197: {  	s11 =	simm.s32 $0x9200;
	v3 =	vadd.s32 v1, v3  }
0x198: {  	[hbm4b:s4+s2] =	stream.indirect_vreg.scatter [tilespmem:s11], [sflag:$0x3], $0x80, v4, vm0, $0xb8;
	[tilespmem:$0x18200] =	vst v63  }
0x199: {  	s12 =	simm.s32 $0x9A00  }
0x19a: {  	[hbm4b:s6+s2] =	stream.indirect_vreg.scatter [tilespmem:s12], [sflag:$0x3], $0x80, v4, vm1, $0xb8;
	[tilespmem:$0x18200] =	vst v63  }
0x19b: {  	s13 =	simm.s32 $0x9E00  }
0x19c: {  	[hbm4b:s4+s2] =	stream.indirect_vreg.scatter [tilespmem:s13], [sflag:$0x3], $0x80, v3, vm0, $0xb8;
	[tilespmem:$0x18200] =	vst v63  }
0x19d: {  	s19 =	simm.s32 $0xA600  }
0x19e: {  	[hbm4b:s6+s2] =	stream.indirect_vreg.scatter [tilespmem:s19], [sflag:$0x3], $0x80, v3, vm1, $0xb8;
	[tilespmem:$0x18200] =	vst v63  }
0x19f: {  	v3 =	vld [tilespmem:$0x170];
	_ =	sdelay $0x4  }
0x1a0: {  	v23 =	vshrl.u32 v3, $0x3  }
0x1a1: {  	v4 =	vmul.u32 $0x18, v23  }
0x1a2: {  	v3 =	vand.u32 $0x7, v3  }
0x1a3: {  	v3 =	vor.u32 v3, v4  }
0x1a4: {  	v4 =	vperm.xlane v3, v0;
	_ =	sdelay $0x1  }
0x1a5: {  	v4 =	vadd.s32 v1, v4;
	_ =	sdelay $0x1  }
0x1a6: {  	v3 =	vperm.xlane v3, v2;
	_ =	sdelay $0x1  }
0x1a7: {  	s14 =	simm.s32 $0xAA00;
	v3 =	vadd.s32 v1, v3  }
0x1a8: {  	[hbm4b:s4+s2] =	stream.indirect_vreg.scatter [tilespmem:s14], [sflag:$0x3], $0x80, v4, vm0, $0xb8;
	[tilespmem:$0x18200] =	vst v63  }
0x1a9: {  	s15 =	simm.s32 $0xB200  }
0x1aa: {  	[hbm4b:s6+s2] =	stream.indirect_vreg.scatter [tilespmem:s15], [sflag:$0x3], $0x80, v4, vm1, $0xb8;
	[tilespmem:$0x18200] =	vst v63  }
0x1ab: {  	s20 =	simm.s32 $0xB600  }
0x1ac: {  	[hbm4b:s4+s2] =	stream.indirect_vreg.scatter [tilespmem:s20], [sflag:$0x3], $0x80, v3, vm0, $0xb8;
	[tilespmem:$0x18200] =	vst v63  }
0x1ad: {  	s21 =	simm.s32 $0xBE00  }
0x1ae: {  	[hbm4b:s6+s2] =	stream.indirect_vreg.scatter [tilespmem:s21], [sflag:$0x3], $0x80, v3, vm1, $0xb8;
	[tilespmem:$0x18200] =	vst v63  }
0x1af: {  	_ =	swait.ge [sflag:s8], $0xC000  }
0x1b0: {  	[sflag:s8] =	ssyncset.done $0x0  }
0x1b1: {  	s10 =	rddreg [dreg:$0xa];
	[sflag:s8] =	ssyncadd.s32 $0xFFFF4000  }
0x1b2: {  	[tilespmem:s2], [sflag:$0x3] =	stream.linear.gather [hbm4b:s10+s2], $0x80, $0x38;
	[tilespmem:$0x18200] =	vst v63  }
0x1b3: {  	_ =	swait.ge [sflag:s8], $0x80  }
0x1b4: {  	[sflag:s8] =	ssyncset.done $0x0  }
0x1b5: {  	s10 =	simm.s32 $0x100;
	s0 =	rddreg [dreg:$0xb];
	[sflag:s8] =	ssyncadd.s32 $0xFFFFFF80  }
0x1b6: {  	[tilespmem:s10], [sflag:$0x3] =	stream.linear.gather [hbm4b:s0+s2], $0x80, $0x38;
	[tilespmem:$0x18200] =	vst v63  }
0x1b7: {  	_ =	swait.ge [sflag:s8], $0x80  }
0x1b8: {  	[sflag:s8] =	ssyncset.done $0x0  }
0x1b9: {  	[sflag:s8] =	ssyncadd.s32 $0xFFFFFF80  }
0x1ba: {  	v3 =	vld [tilespmem:$0x0];
	_ =	sdelay $0x4  }
0x1bb: {  	v24 =	vshrl.u32 v3, $0x3  }
0x1bc: {  	v4 =	vmul.u32 $0x18, v24  }
0x1bd: {  	v3 =	vand.u32 $0x7, v3  }
0x1be: {  	v3 =	vor.u32 v3, v4  }
0x1bf: {  	v4 =	vperm.xlane v3, v0;
	_ =	sdelay $0x1  }
0x1c0: {  	v4 =	vadd.s32 v1, v4;
	_ =	sdelay $0x1  }
0x1c1: {  	v3 =	vperm.xlane v3, v2;
	_ =	sdelay $0x1  }
0x1c2: {  	s10 =	simm.s32 $0x200;
	v3 =	vadd.s32 v1, v3  }
0x1c3: {  	[tilespmem:s10], [sflag:$0x1] =	stream.indirect_vreg.gather [hbm4b:s3+s2], $0x80, v4, vm0, $0xb8;
	[tilespmem:$0x18200] =	vst v63  }
0x1c4: {  	s25 =	simm.s32 $0xA00  }
0x1c5: {  	[tilespmem:s25], [sflag:$0x1] =	stream.indirect_vreg.gather [hbm4b:s5+s2], $0x80, v4, vm1, $0xb8;
	[tilespmem:$0x18200] =	vst v63  }
0x1c6: {  	s26 =	simm.s32 $0xE00  }
0x1c7: {  	[tilespmem:s26], [sflag:$0x1] =	stream.indirect_vreg.gather [hbm4b:s3+s2], $0x80, v3, vm0, $0xb8;
	[tilespmem:$0x18200] =	vst v63  }
0x1c8: {  	_ = 	snop  }
0x1c9: {  	[tilespmem:s22], [sflag:$0x1] =	stream.indirect_vreg.gather [hbm4b:s5+s2], $0x80, v3, vm1, $0xb8;
	[tilespmem:$0x18200] =	vst v63  }
0x1ca: {  	v3 =	vld [tilespmem:$0x10];
	_ =	sdelay $0x4  }
0x1cb: {  	v25 =	vshrl.u32 v3, $0x3  }
0x1cc: {  	v4 =	vmul.u32 $0x18, v25  }
0x1cd: {  	v3 =	vand.u32 $0x7, v3  }
0x1ce: {  	v3 =	vor.u32 v3, v4  }
0x1cf: {  	v4 =	vperm.xlane v3, v0;
	_ =	sdelay $0x1  }
0x1d0: {  	v4 =	vadd.s32 v1, v4;
	_ =	sdelay $0x1  }
0x1d1: {  	v3 =	vperm.xlane v3, v2;
	_ =	sdelay $0x1  }
0x1d2: {  	s28 =	simm.s32 $0x1A00;
	v3 =	vadd.s32 v1, v3  }
0x1d3: {  	[tilespmem:s28], [sflag:$0x1] =	stream.indirect_vreg.gather [hbm4b:s3+s2], $0x80, v4, vm0, $0xb8;
	[tilespmem:$0x18200] =	vst v63  }
0x1d4: {  	s29 =	simm.s32 $0x2200  }
0x1d5: {  	[tilespmem:s29], [sflag:$0x1] =	stream.indirect_vreg.gather [hbm4b:s5+s2], $0x80, v4, vm1, $0xb8;
	[tilespmem:$0x18200] =	vst v63  }
0x1d6: {  	s30 =	simm.s32 $0x2600  }
0x1d7: {  	[tilespmem:s30], [sflag:$0x1] =	stream.indirect_vreg.gather [hbm4b:s3+s2], $0x80, v3, vm0, $0xb8;
	[tilespmem:$0x18200] =	vst v63  }
0x1d8: {  	_ = 	snop  }
0x1d9: {  	[tilespmem:s23], [sflag:$0x1] =	stream.indirect_vreg.gather [hbm4b:s5+s2], $0x80, v3, vm1, $0xb8;
	[tilespmem:$0x18200] =	vst v63  }
0x1da: {  	v3 =	vld [tilespmem:$0x20];
	_ =	sdelay $0x4  }
0x1db: {  	v26 =	vshrl.u32 v3, $0x3  }
0x1dc: {  	v4 =	vmul.u32 $0x18, v26  }
0x1dd: {  	v3 =	vand.u32 $0x7, v3  }
0x1de: {  	v3 =	vor.u32 v3, v4  }
0x1df: {  	v4 =	vperm.xlane v3, v0;
	_ =	sdelay $0x1  }
0x1e0: {  	v4 =	vadd.s32 v1, v4;
	_ =	sdelay $0x1  }
0x1e1: {  	v3 =	vperm.xlane v3, v2;
	_ =	sdelay $0x1  }
0x1e2: {  	s31 =	simm.s32 $0x3200;
	v3 =	vadd.s32 v1, v3  }
0x1e3: {  	[tilespmem:s31], [sflag:$0x1] =	stream.indirect_vreg.gather [hbm4b:s3+s2], $0x80, v4, vm0, $0xb8;
	[tilespmem:$0x18200] =	vst v63  }
0x1e4: {  	s28 =	simm.s32 $0x3A00  }
0x1e5: {  	[tilespmem:s28], [sflag:$0x1] =	stream.indirect_vreg.gather [hbm4b:s5+s2], $0x80, v4, vm1, $0xb8;
	[tilespmem:$0x18200] =	vst v63  }
0x1e6: {  	s29 =	simm.s32 $0x3E00  }
0x1e7: {  	[tilespmem:s29], [sflag:$0x1] =	stream.indirect_vreg.gather [hbm4b:s3+s2], $0x80, v3, vm0, $0xb8;
	[tilespmem:$0x18200] =	vst v63  }
0x1e8: {  	_ = 	snop  }
0x1e9: {  	[tilespmem:s24], [sflag:$0x1] =	stream.indirect_vreg.gather [hbm4b:s5+s2], $0x80, v3, vm1, $0xb8;
	[tilespmem:$0x18200] =	vst v63  }
0x1ea: {  	v3 =	vld [tilespmem:$0x30];
	_ =	sdelay $0x4  }
0x1eb: {  	v27 =	vshrl.u32 v3, $0x3  }
0x1ec: {  	v4 =	vmul.u32 $0x18, v27  }
0x1ed: {  	v3 =	vand.u32 $0x7, v3  }
0x1ee: {  	v3 =	vor.u32 v3, v4  }
0x1ef: {  	v4 =	vperm.xlane v3, v0;
	_ =	sdelay $0x1  }
0x1f0: {  	v4 =	vadd.s32 v1, v4;
	_ =	sdelay $0x1  }
0x1f1: {  	v3 =	vperm.xlane v3, v2;
	_ =	sdelay $0x1  }
0x1f2: {  	s30 =	simm.s32 $0x4A00;
	v3 =	vadd.s32 v1, v3  }
0x1f3: {  	[tilespmem:s30], [sflag:$0x1] =	stream.indirect_vreg.gather [hbm4b:s3+s2], $0x80, v4, vm0, $0xb8;
	[tilespmem:$0x18200] =	vst v63  }
0x1f4: {  	s31 =	simm.s32 $0x5200  }
0x1f5: {  	[tilespmem:s31], [sflag:$0x1] =	stream.indirect_vreg.gather [hbm4b:s5+s2], $0x80, v4, vm1, $0xb8;
	[tilespmem:$0x18200] =	vst v63  }
0x1f6: {  	s10 =	simm.s32 $0x5600  }
0x1f7: {  	[tilespmem:s10], [sflag:$0x1] =	stream.indirect_vreg.gather [hbm4b:s3+s2], $0x80, v3, vm0, $0xb8;
	[tilespmem:$0x18200] =	vst v63  }
0x1f8: {  	_ = 	snop  }
0x1f9: {  	[tilespmem:s16], [sflag:$0x1] =	stream.indirect_vreg.gather [hbm4b:s5+s2], $0x80, v3, vm1, $0xb8;
	[tilespmem:$0x18200] =	vst v63  }
0x1fa: {  	v3 =	vld [tilespmem:$0x40];
	_ =	sdelay $0x4  }
0x1fb: {  	v28 =	vshrl.u32 v3, $0x3  }
0x1fc: {  	v4 =	vmul.u32 $0x18, v28  }
0x1fd: {  	v3 =	vand.u32 $0x7, v3  }
0x1fe: {  	v3 =	vor.u32 v3, v4  }
0x1ff: {  	v4 =	vperm.xlane v3, v0;
	_ =	sdelay $0x1  }
0x200: {  	v4 =	vadd.s32 v1, v4;
	_ =	sdelay $0x1  }
0x201: {  	v3 =	vperm.xlane v3, v2;
	_ =	sdelay $0x1  }
0x202: {  	s16 =	simm.s32 $0x6200;
	v3 =	vadd.s32 v1, v3  }
0x203: {  	[tilespmem:s16], [sflag:$0x1] =	stream.indirect_vreg.gather [hbm4b:s3+s2], $0x80, v4, vm0, $0xb8;
	[tilespmem:$0x18200] =	vst v63  }
0x204: {  	s22 =	simm.s32 $0x6A00  }
0x205: {  	[tilespmem:s22], [sflag:$0x1] =	stream.indirect_vreg.gather [hbm4b:s5+s2], $0x80, v4, vm1, $0xb8;
	[tilespmem:$0x18200] =	vst v63  }
0x206: {  	s23 =	simm.s32 $0x6E00  }
0x207: {  	[tilespmem:s23], [sflag:$0x1] =	stream.indirect_vreg.gather [hbm4b:s3+s2], $0x80, v3, vm0, $0xb8;
	[tilespmem:$0x18200] =	vst v63  }
0x208: {  	_ = 	snop  }
0x209: {  	[tilespmem:s17], [sflag:$0x1] =	stream.indirect_vreg.gather [hbm4b:s5+s2], $0x80, v3, vm1, $0xb8;
	[tilespmem:$0x18200] =	vst v63  }
0x20a: {  	v3 =	vld [tilespmem:$0x50];
	_ =	sdelay $0x4  }
0x20b: {  	v29 =	vshrl.u32 v3, $0x3  }
0x20c: {  	v4 =	vmul.u32 $0x18, v29  }
0x20d: {  	v3 =	vand.u32 $0x7, v3  }
0x20e: {  	v3 =	vor.u32 v3, v4  }
0x20f: {  	v4 =	vperm.xlane v3, v0;
	_ =	sdelay $0x1  }
0x210: {  	v4 =	vadd.s32 v1, v4;
	_ =	sdelay $0x1  }
0x211: {  	v3 =	vperm.xlane v3, v2;
	_ =	sdelay $0x1  }
0x212: {  	v3 =	vadd.s32 v1, v3  }
0x213: {  	[tilespmem:s1], [sflag:$0x1] =	stream.indirect_vreg.gather [hbm4b:s3+s2], $0x80, v4, vm0, $0xb8;
	[tilespmem:$0x18200] =	vst v63  }
0x214: {  	_ = 	snop  }
0x215: {  	[tilespmem:s7], [sflag:$0x1] =	stream.indirect_vreg.gather [hbm4b:s5+s2], $0x80, v4, vm1, $0xb8;
	[tilespmem:$0x18200] =	vst v63  }
0x216: {  	_ = 	snop  }
0x217: {  	[tilespmem:s9], [sflag:$0x1] =	stream.indirect_vreg.gather [hbm4b:s3+s2], $0x80, v3, vm0, $0xb8;
	[tilespmem:$0x18200] =	vst v63  }
0x218: {  	_ = 	snop  }
0x219: {  	[tilespmem:s18], [sflag:$0x1] =	stream.indirect_vreg.gather [hbm4b:s5+s2], $0x80, v3, vm1, $0xb8;
	[tilespmem:$0x18200] =	vst v63  }
0x21a: {  	v3 =	vld [tilespmem:$0x60];
	_ =	sdelay $0x4  }
0x21b: {  	v30 =	vshrl.u32 v3, $0x3  }
0x21c: {  	v4 =	vmul.u32 $0x18, v30  }
0x21d: {  	v3 =	vand.u32 $0x7, v3  }
0x21e: {  	v3 =	vor.u32 v3, v4  }
0x21f: {  	v4 =	vperm.xlane v3, v0;
	_ =	sdelay $0x1  }
0x220: {  	v4 =	vadd.s32 v1, v4;
	_ =	sdelay $0x1  }
0x221: {  	v3 =	vperm.xlane v3, v2;
	_ =	sdelay $0x1  }
0x222: {  	v3 =	vadd.s32 v1, v3  }
0x223: {  	[tilespmem:s11], [sflag:$0x1] =	stream.indirect_vreg.gather [hbm4b:s3+s2], $0x80, v4, vm0, $0xb8;
	[tilespmem:$0x18200] =	vst v63  }
0x224: {  	_ = 	snop  }
0x225: {  	[tilespmem:s12], [sflag:$0x1] =	stream.indirect_vreg.gather [hbm4b:s5+s2], $0x80, v4, vm1, $0xb8;
	[tilespmem:$0x18200] =	vst v63  }
0x226: {  	_ = 	snop  }
0x227: {  	[tilespmem:s13], [sflag:$0x1] =	stream.indirect_vreg.gather [hbm4b:s3+s2], $0x80, v3, vm0, $0xb8;
	[tilespmem:$0x18200] =	vst v63  }
0x228: {  	_ = 	snop  }
0x229: {  	[tilespmem:s19], [sflag:$0x1] =	stream.indirect_vreg.gather [hbm4b:s5+s2], $0x80, v3, vm1, $0xb8;
	[tilespmem:$0x18200] =	vst v63  }
0x22a: {  	v3 =	vld [tilespmem:$0x70];
	_ =	sdelay $0x4  }
0x22b: {  	v31 =	vshrl.u32 v3, $0x3  }
0x22c: {  	v4 =	vmul.u32 $0x18, v31  }
0x22d: {  	v3 =	vand.u32 $0x7, v3  }
0x22e: {  	v3 =	vor.u32 v3, v4  }
0x22f: {  	v4 =	vperm.xlane v3, v0;
	_ =	sdelay $0x1  }
0x230: {  	v4 =	vadd.s32 v1, v4;
	_ =	sdelay $0x1  }
0x231: {  	v3 =	vperm.xlane v3, v2;
	_ =	sdelay $0x1  }
0x232: {  	v3 =	vadd.s32 v1, v3  }
0x233: {  	[tilespmem:s14], [sflag:$0x1] =	stream.indirect_vreg.gather [hbm4b:s3+s2], $0x80, v4, vm0, $0xb8;
	[tilespmem:$0x18200] =	vst v63  }
0x234: {  	_ = 	snop  }
0x235: {  	[tilespmem:s15], [sflag:$0x1] =	stream.indirect_vreg.gather [hbm4b:s5+s2], $0x80, v4, vm1, $0xb8;
	[tilespmem:$0x18200] =	vst v63  }
0x236: {  	_ = 	snop  }
0x237: {  	[tilespmem:s20], [sflag:$0x1] =	stream.indirect_vreg.gather [hbm4b:s3+s2], $0x80, v3, vm0, $0xb8;
	[tilespmem:$0x18200] =	vst v63  }
0x238: {  	s24 =	simm.s32 $0x2  }
0x239: {  	[tilespmem:s21], [sflag:$0x1] =	stream.indirect_vreg.gather [hbm4b:s5+s2], $0x80, v3, vm1, $0xb8;
	[tilespmem:$0x18200] =	vst v63  }
0x23a: {  	_ =	swait.ge [sflag:s24], $0xC000  }
0x23b: {  	[sflag:s24] =	ssyncset.done $0x0  }
0x23c: {  	s26 =	simm.s32 $0xC200;
	s25 =	rddreg [dreg:$0xc];
	[sflag:s24] =	ssyncadd.s32 $0xFFFF4000  }
0x23d: {  	[hbm4b:s25+s2] =	stream.linear.scatter [tilespmem:s26], [sflag:$0x3], $0xC000, $0x38;
	[tilespmem:$0x18200] =	vst v63  }
0x23e: {  	_ =	swait.ge [sflag:s8], $0xC000  }
0x23f: {  	[sflag:s8] =	ssyncset.done $0x0  }
0x240: {  	[sflag:s8] =	ssyncadd.s32 $0xFFFF4000  }
0x241: {  	v3 =	vld [tilespmem:$0x180];
	_ =	sdelay $0x4  }
0x242: {  	v32 =	vshrl.u32 v3, $0x3  }
0x243: {  	v4 =	vmul.u32 $0x18, v32  }
0x244: {  	v3 =	vand.u32 $0x7, v3  }
0x245: {  	v3 =	vor.u32 v3, v4  }
0x246: {  	v4 =	vperm.xlane v3, v0;
	_ =	sdelay $0x1  }
0x247: {  	v4 =	vadd.s32 v1, v4;
	_ =	sdelay $0x1  }
0x248: {  	v3 =	vperm.xlane v3, v2;
	_ =	sdelay $0x1  }
0x249: {  	v3 =	vadd.s32 v1, v3  }
0x24a: {  	[hbm4b:s4+s2] =	stream.indirect_vreg.scatter [tilespmem:s26], [sflag:$0x3], $0x80, v4, vm0, $0xb8;
	[tilespmem:$0x18200] =	vst v63  }
0x24b: {  	s11 =	simm.s32 $0xCA00  }
0x24c: {  	[hbm4b:s6+s2] =	stream.indirect_vreg.scatter [tilespmem:s11], [sflag:$0x3], $0x80, v4, vm1, $0xb8;
	[tilespmem:$0x18200] =	vst v63  }
0x24d: {  	s12 =	simm.s32 $0xCE00  }
0x24e: {  	[hbm4b:s4+s2] =	stream.indirect_vreg.scatter [tilespmem:s12], [sflag:$0x3], $0x80, v3, vm0, $0xb8;
	[tilespmem:$0x18200] =	vst v63  }
0x24f: {  	s28 =	simm.s32 $0xD600  }
0x250: {  	[hbm4b:s6+s2] =	stream.indirect_vreg.scatter [tilespmem:s28], [sflag:$0x3], $0x80, v3, vm1, $0xb8;
	[tilespmem:$0x18200] =	vst v63  }
0x251: {  	v3 =	vld [tilespmem:$0x190];
	_ =	sdelay $0x4  }
0x252: {  	v33 =	vshrl.u32 v3, $0x3  }
0x253: {  	v4 =	vmul.u32 $0x18, v33  }
0x254: {  	v3 =	vand.u32 $0x7, v3  }
0x255: {  	v3 =	vor.u32 v3, v4  }
0x256: {  	v4 =	vperm.xlane v3, v0;
	_ =	sdelay $0x1  }
0x257: {  	v4 =	vadd.s32 v1, v4;
	_ =	sdelay $0x1  }
0x258: {  	v3 =	vperm.xlane v3, v2;
	_ =	sdelay $0x1  }
0x259: {  	s13 =	simm.s32 $0xDA00;
	v3 =	vadd.s32 v1, v3  }
0x25a: {  	[hbm4b:s4+s2] =	stream.indirect_vreg.scatter [tilespmem:s13], [sflag:$0x3], $0x80, v4, vm0, $0xb8;
	[tilespmem:$0x18200] =	vst v63  }
0x25b: {  	s14 =	simm.s32 $0xE200  }
0x25c: {  	[hbm4b:s6+s2] =	stream.indirect_vreg.scatter [tilespmem:s14], [sflag:$0x3], $0x80, v4, vm1, $0xb8;
	[tilespmem:$0x18200] =	vst v63  }
0x25d: {  	s15 =	simm.s32 $0xE600  }
0x25e: {  	[hbm4b:s4+s2] =	stream.indirect_vreg.scatter [tilespmem:s15], [sflag:$0x3], $0x80, v3, vm0, $0xb8;
	[tilespmem:$0x18200] =	vst v63  }
0x25f: {  	s29 =	simm.s32 $0xEE00  }
0x260: {  	[hbm4b:s6+s2] =	stream.indirect_vreg.scatter [tilespmem:s29], [sflag:$0x3], $0x80, v3, vm1, $0xb8;
	[tilespmem:$0x18200] =	vst v63  }
0x261: {  	v3 =	vld [tilespmem:$0x1A0];
	_ =	sdelay $0x4  }
0x262: {  	v34 =	vshrl.u32 v3, $0x3  }
0x263: {  	v4 =	vmul.u32 $0x18, v34  }
0x264: {  	v3 =	vand.u32 $0x7, v3  }
0x265: {  	v3 =	vor.u32 v3, v4  }
0x266: {  	v4 =	vperm.xlane v3, v0;
	_ =	sdelay $0x1  }
0x267: {  	v4 =	vadd.s32 v1, v4;
	_ =	sdelay $0x1  }
0x268: {  	v3 =	vperm.xlane v3, v2;
	_ =	sdelay $0x1  }
0x269: {  	s16 =	simm.s32 $0xF200;
	v3 =	vadd.s32 v1, v3  }
0x26a: {  	[hbm4b:s4+s2] =	stream.indirect_vreg.scatter [tilespmem:s16], [sflag:$0x3], $0x80, v4, vm0, $0xb8;
	[tilespmem:$0x18200] =	vst v63  }
0x26b: {  	s17 =	simm.s32 $0xFA00  }
0x26c: {  	[hbm4b:s6+s2] =	stream.indirect_vreg.scatter [tilespmem:s17], [sflag:$0x3], $0x80, v4, vm1, $0xb8;
	[tilespmem:$0x18200] =	vst v63  }
0x26d: {  	s18 =	simm.s32 $0xFE00  }
0x26e: {  	[hbm4b:s4+s2] =	stream.indirect_vreg.scatter [tilespmem:s18], [sflag:$0x3], $0x80, v3, vm0, $0xb8;
	[tilespmem:$0x18200] =	vst v63  }
0x26f: {  	s30 =	simm.s32 $0x10600  }
0x270: {  	[hbm4b:s6+s2] =	stream.indirect_vreg.scatter [tilespmem:s30], [sflag:$0x3], $0x80, v3, vm1, $0xb8;
	[tilespmem:$0x18200] =	vst v63  }
0x271: {  	v3 =	vld [tilespmem:$0x1B0];
	_ =	sdelay $0x4  }
0x272: {  	v35 =	vshrl.u32 v3, $0x3  }
0x273: {  	v4 =	vmul.u32 $0x18, v35  }
0x274: {  	v3 =	vand.u32 $0x7, v3  }
0x275: {  	v3 =	vor.u32 v3, v4  }
0x276: {  	v4 =	vperm.xlane v3, v0;
	_ =	sdelay $0x1  }
0x277: {  	v4 =	vadd.s32 v1, v4;
	_ =	sdelay $0x1  }
0x278: {  	v3 =	vperm.xlane v3, v2;
	_ =	sdelay $0x1  }
0x279: {  	s20 =	simm.s32 $0x10A00;
	v3 =	vadd.s32 v1, v3  }
0x27a: {  	[hbm4b:s4+s2] =	stream.indirect_vreg.scatter [tilespmem:s20], [sflag:$0x3], $0x80, v4, vm0, $0xb8;
	[tilespmem:$0x18200] =	vst v63  }
0x27b: {  	s21 =	simm.s32 $0x11200  }
0x27c: {  	[hbm4b:s6+s2] =	stream.indirect_vreg.scatter [tilespmem:s21], [sflag:$0x3], $0x80, v4, vm1, $0xb8;
	[tilespmem:$0x18200] =	vst v63  }
0x27d: {  	s22 =	simm.s32 $0x11600  }
0x27e: {  	[hbm4b:s4+s2] =	stream.indirect_vreg.scatter [tilespmem:s22], [sflag:$0x3], $0x80, v3, vm0, $0xb8;
	[tilespmem:$0x18200] =	vst v63  }
0x27f: {  	s31 =	simm.s32 $0x11E00  }
0x280: {  	[hbm4b:s6+s2] =	stream.indirect_vreg.scatter [tilespmem:s31], [sflag:$0x3], $0x80, v3, vm1, $0xb8;
	[tilespmem:$0x18200] =	vst v63  }
0x281: {  	v3 =	vld [tilespmem:$0x1C0];
	_ =	sdelay $0x4  }
0x282: {  	v36 =	vshrl.u32 v3, $0x3  }
0x283: {  	v4 =	vmul.u32 $0x18, v36  }
0x284: {  	v3 =	vand.u32 $0x7, v3  }
0x285: {  	v3 =	vor.u32 v3, v4  }
0x286: {  	v4 =	vperm.xlane v3, v0;
	_ =	sdelay $0x1  }
0x287: {  	v4 =	vadd.s32 v1, v4;
	_ =	sdelay $0x1  }
0x288: {  	v3 =	vperm.xlane v3, v2;
	_ =	sdelay $0x1  }
0x289: {  	s23 =	simm.s32 $0x12200;
	v3 =	vadd.s32 v1, v3  }
0x28a: {  	[hbm4b:s4+s2] =	stream.indirect_vreg.scatter [tilespmem:s23], [sflag:$0x3], $0x80, v4, vm0, $0xb8;
	[tilespmem:$0x18200] =	vst v63  }
0x28b: {  	s24 =	simm.s32 $0x12A00  }
0x28c: {  	[hbm4b:s6+s2] =	stream.indirect_vreg.scatter [tilespmem:s24], [sflag:$0x3], $0x80, v4, vm1, $0xb8;
	[tilespmem:$0x18200] =	vst v63  }
0x28d: {  	s25 =	simm.s32 $0x12E00  }
0x28e: {  	[hbm4b:s4+s2] =	stream.indirect_vreg.scatter [tilespmem:s25], [sflag:$0x3], $0x80, v3, vm0, $0xb8;
	[tilespmem:$0x18200] =	vst v63  }
0x28f: {  	s1 =	simm.s32 $0x13600  }
0x290: {  	[hbm4b:s6+s2] =	stream.indirect_vreg.scatter [tilespmem:s1], [sflag:$0x3], $0x80, v3, vm1, $0xb8;
	[tilespmem:$0x18200] =	vst v63  }
0x291: {  	v3 =	vld [tilespmem:$0x1D0];
	_ =	sdelay $0x4  }
0x292: {  	v37 =	vshrl.u32 v3, $0x3  }
0x293: {  	v4 =	vmul.u32 $0x18, v37  }
0x294: {  	v3 =	vand.u32 $0x7, v3  }
0x295: {  	v3 =	vor.u32 v3, v4  }
0x296: {  	v4 =	vperm.xlane v3, v0;
	_ =	sdelay $0x1  }
0x297: {  	v4 =	vadd.s32 v1, v4;
	_ =	sdelay $0x1  }
0x298: {  	v3 =	vperm.xlane v3, v2;
	_ =	sdelay $0x1  }
0x299: {  	s26 =	simm.s32 $0x13A00;
	v3 =	vadd.s32 v1, v3  }
0x29a: {  	[hbm4b:s4+s2] =	stream.indirect_vreg.scatter [tilespmem:s26], [sflag:$0x3], $0x80, v4, vm0, $0xb8;
	[tilespmem:$0x18200] =	vst v63  }
0x29b: {  	s28 =	simm.s32 $0x14200  }
0x29c: {  	[hbm4b:s6+s2] =	stream.indirect_vreg.scatter [tilespmem:s28], [sflag:$0x3], $0x80, v4, vm1, $0xb8;
	[tilespmem:$0x18200] =	vst v63  }
0x29d: {  	s29 =	simm.s32 $0x14600  }
0x29e: {  	[hbm4b:s4+s2] =	stream.indirect_vreg.scatter [tilespmem:s29], [sflag:$0x3], $0x80, v3, vm0, $0xb8;
	[tilespmem:$0x18200] =	vst v63  }
0x29f: {  	s7 =	simm.s32 $0x14E00  }
0x2a0: {  	[hbm4b:s6+s2] =	stream.indirect_vreg.scatter [tilespmem:s7], [sflag:$0x3], $0x80, v3, vm1, $0xb8;
	[tilespmem:$0x18200] =	vst v63  }
0x2a1: {  	v3 =	vld [tilespmem:$0x1E0];
	_ =	sdelay $0x4  }
0x2a2: {  	v38 =	vshrl.u32 v3, $0x3  }
0x2a3: {  	v4 =	vmul.u32 $0x18, v38  }
0x2a4: {  	v3 =	vand.u32 $0x7, v3  }
0x2a5: {  	v3 =	vor.u32 v3, v4  }
0x2a6: {  	v4 =	vperm.xlane v3, v0;
	_ =	sdelay $0x1  }
0x2a7: {  	v4 =	vadd.s32 v1, v4;
	_ =	sdelay $0x1  }
0x2a8: {  	v3 =	vperm.xlane v3, v2;
	_ =	sdelay $0x1  }
0x2a9: {  	s30 =	simm.s32 $0x15200;
	v3 =	vadd.s32 v1, v3  }
0x2aa: {  	[hbm4b:s4+s2] =	stream.indirect_vreg.scatter [tilespmem:s30], [sflag:$0x3], $0x80, v4, vm0, $0xb8;
	[tilespmem:$0x18200] =	vst v63  }
0x2ab: {  	s31 =	simm.s32 $0x15A00  }
0x2ac: {  	[hbm4b:s6+s2] =	stream.indirect_vreg.scatter [tilespmem:s31], [sflag:$0x3], $0x80, v4, vm1, $0xb8;
	[tilespmem:$0x18200] =	vst v63  }
0x2ad: {  	s7 =	simm.s32 $0x15E00  }
0x2ae: {  	[hbm4b:s4+s2] =	stream.indirect_vreg.scatter [tilespmem:s7], [sflag:$0x3], $0x80, v3, vm0, $0xb8;
	[tilespmem:$0x18200] =	vst v63  }
0x2af: {  	s9 =	simm.s32 $0x16600  }
0x2b0: {  	[hbm4b:s6+s2] =	stream.indirect_vreg.scatter [tilespmem:s9], [sflag:$0x3], $0x80, v3, vm1, $0xb8;
	[tilespmem:$0x18200] =	vst v63  }
0x2b1: {  	v3 =	vld [tilespmem:$0x1F0];
	_ =	sdelay $0x4  }
0x2b2: {  	v39 =	vshrl.u32 v3, $0x3  }
0x2b3: {  	v4 =	vmul.u32 $0x18, v39  }
0x2b4: {  	v3 =	vand.u32 $0x7, v3  }
0x2b5: {  	v3 =	vor.u32 v3, v4  }
0x2b6: {  	v4 =	vperm.xlane v3, v0;
	_ =	sdelay $0x1  }
0x2b7: {  	v4 =	vadd.s32 v1, v4;
	_ =	sdelay $0x1  }
0x2b8: {  	v3 =	vperm.xlane v3, v2;
	_ =	sdelay $0x1  }
0x2b9: {  	s9 =	simm.s32 $0x16A00;
	v3 =	vadd.s32 v1, v3  }
0x2ba: {  	[hbm4b:s4+s2] =	stream.indirect_vreg.scatter [tilespmem:s9], [sflag:$0x3], $0x80, v4, vm0, $0xb8;
	[tilespmem:$0x18200] =	vst v63  }
0x2bb: {  	s19 =	simm.s32 $0x17200  }
0x2bc: {  	[hbm4b:s6+s2] =	stream.indirect_vreg.scatter [tilespmem:s19], [sflag:$0x3], $0x80, v4, vm1, $0xb8;
	[tilespmem:$0x18200] =	vst v63  }
0x2bd: {  	s10 =	simm.s32 $0x17600  }
0x2be: {  	[hbm4b:s4+s2] =	stream.indirect_vreg.scatter [tilespmem:s10], [sflag:$0x3], $0x80, v3, vm0, $0xb8;
	[tilespmem:$0x18200] =	vst v63  }
0x2bf: {  	s10 =	simm.s32 $0x17E00  }
0x2c0: {  	[hbm4b:s6+s2] =	stream.indirect_vreg.scatter [tilespmem:s10], [sflag:$0x3], $0x80, v3, vm1, $0xb8;
	[tilespmem:$0x18200] =	vst v63  }
0x2c1: {  	_ =	swait.ge [sflag:s8], $0xC000  }
0x2c2: {  	[sflag:s8] =	ssyncset.done $0x0  }
0x2c3: {  	s1 =	simm.s32 $0x80;
	s0 =	rddreg [dreg:$0xd];
	[sflag:s8] =	ssyncadd.s32 $0xFFFF4000  }
0x2c4: {  	[tilespmem:s1], [sflag:$0x3] =	stream.linear.gather [hbm4b:s0+s2], $0x80, $0x38;
	[tilespmem:$0x18200] =	vst v63  }
0x2c5: {  	_ =	swait.ge [sflag:s8], $0x80  }
0x2c6: {  	[sflag:s8] =	ssyncset.done $0x0  }
0x2c7: {  	s1 =	simm.s32 $0x180;
	s0 =	rddreg [dreg:$0xe];
	[sflag:s8] =	ssyncadd.s32 $0xFFFFFF80  }
0x2c8: {  	[tilespmem:s1], [sflag:$0x3] =	stream.linear.gather [hbm4b:s0+s2], $0x80, $0x38;
	[tilespmem:$0x18200] =	vst v63  }
0x2c9: {  	_ =	swait.ge [sflag:s8], $0x80  }
0x2ca: {  	[sflag:s8] =	ssyncset.done $0x0  }
0x2cb: {  	[sflag:s8] =	ssyncadd.s32 $0xFFFFFF80  }
0x2cc: {  	v3 =	vld [tilespmem:$0x80];
	_ =	sdelay $0x4  }
0x2cd: {  	v40 =	vshrl.u32 v3, $0x3  }
0x2ce: {  	v4 =	vmul.u32 $0x18, v40  }
0x2cf: {  	v3 =	vand.u32 $0x7, v3  }
0x2d0: {  	v3 =	vor.u32 v3, v4  }
0x2d1: {  	v4 =	vperm.xlane v3, v0;
	_ =	sdelay $0x1  }
0x2d2: {  	v4 =	vadd.s32 v1, v4;
	_ =	sdelay $0x1  }
0x2d3: {  	v3 =	vperm.xlane v3, v2;
	_ =	sdelay $0x1  }
0x2d4: {  	s1 =	simm.s32 $0xC200;
	v3 =	vadd.s32 v1, v3  }
0x2d5: {  	[tilespmem:s1], [sflag:$0x2] =	stream.indirect_vreg.gather [hbm4b:s3+s2], $0x80, v4, vm0, $0xb8;
	[tilespmem:$0x18200] =	vst v63  }
0x2d6: {  	_ = 	snop  }
0x2d7: {  	[tilespmem:s11], [sflag:$0x2] =	stream.indirect_vreg.gather [hbm4b:s5+s2], $0x80, v4, vm1, $0xb8;
	[tilespmem:$0x18200] =	vst v63  }
0x2d8: {  	_ = 	snop  }
0x2d9: {  	[tilespmem:s12], [sflag:$0x2] =	stream.indirect_vreg.gather [hbm4b:s3+s2], $0x80, v3, vm0, $0xb8;
	[tilespmem:$0x18200] =	vst v63  }
0x2da: {  	s1 =	simm.s32 $0xD600  }
0x2db: {  	[tilespmem:s1], [sflag:$0x2] =	stream.indirect_vreg.gather [hbm4b:s5+s2], $0x80, v3, vm1, $0xb8;
	[tilespmem:$0x18200] =	vst v63  }
0x2dc: {  	v3 =	vld [tilespmem:$0x90];
	_ =	sdelay $0x4  }
0x2dd: {  	v41 =	vshrl.u32 v3, $0x3  }
0x2de: {  	v4 =	vmul.u32 $0x18, v41  }
0x2df: {  	v3 =	vand.u32 $0x7, v3  }
0x2e0: {  	v3 =	vor.u32 v3, v4  }
0x2e1: {  	v4 =	vperm.xlane v3, v0;
	_ =	sdelay $0x1  }
0x2e2: {  	v4 =	vadd.s32 v1, v4;
	_ =	sdelay $0x1  }
0x2e3: {  	v3 =	vperm.xlane v3, v2;
	_ =	sdelay $0x1  }
0x2e4: {  	v3 =	vadd.s32 v1, v3  }
0x2e5: {  	[tilespmem:s13], [sflag:$0x2] =	stream.indirect_vreg.gather [hbm4b:s3+s2], $0x80, v4, vm0, $0xb8;
	[tilespmem:$0x18200] =	vst v63  }
0x2e6: {  	_ = 	snop  }
0x2e7: {  	[tilespmem:s14], [sflag:$0x2] =	stream.indirect_vreg.gather [hbm4b:s5+s2], $0x80, v4, vm1, $0xb8;
	[tilespmem:$0x18200] =	vst v63  }
0x2e8: {  	_ = 	snop  }
0x2e9: {  	[tilespmem:s15], [sflag:$0x2] =	stream.indirect_vreg.gather [hbm4b:s3+s2], $0x80, v3, vm0, $0xb8;
	[tilespmem:$0x18200] =	vst v63  }
0x2ea: {  	s1 =	simm.s32 $0xEE00  }
0x2eb: {  	[tilespmem:s1], [sflag:$0x2] =	stream.indirect_vreg.gather [hbm4b:s5+s2], $0x80, v3, vm1, $0xb8;
	[tilespmem:$0x18200] =	vst v63  }
0x2ec: {  	v3 =	vld [tilespmem:$0xA0];
	_ =	sdelay $0x4  }
0x2ed: {  	v42 =	vshrl.u32 v3, $0x3  }
0x2ee: {  	v4 =	vmul.u32 $0x18, v42  }
0x2ef: {  	v3 =	vand.u32 $0x7, v3  }
0x2f0: {  	v3 =	vor.u32 v3, v4  }
0x2f1: {  	v4 =	vperm.xlane v3, v0;
	_ =	sdelay $0x1  }
0x2f2: {  	v4 =	vadd.s32 v1, v4;
	_ =	sdelay $0x1  }
0x2f3: {  	v3 =	vperm.xlane v3, v2;
	_ =	sdelay $0x1  }
0x2f4: {  	v3 =	vadd.s32 v1, v3  }
0x2f5: {  	[tilespmem:s16], [sflag:$0x2] =	stream.indirect_vreg.gather [hbm4b:s3+s2], $0x80, v4, vm0, $0xb8;
	[tilespmem:$0x18200] =	vst v63  }
0x2f6: {  	_ = 	snop  }
0x2f7: {  	[tilespmem:s17], [sflag:$0x2] =	stream.indirect_vreg.gather [hbm4b:s5+s2], $0x80, v4, vm1, $0xb8;
	[tilespmem:$0x18200] =	vst v63  }
0x2f8: {  	_ = 	snop  }
0x2f9: {  	[tilespmem:s18], [sflag:$0x2] =	stream.indirect_vreg.gather [hbm4b:s3+s2], $0x80, v3, vm0, $0xb8;
	[tilespmem:$0x18200] =	vst v63  }
0x2fa: {  	s1 =	simm.s32 $0x10600  }
0x2fb: {  	[tilespmem:s1], [sflag:$0x2] =	stream.indirect_vreg.gather [hbm4b:s5+s2], $0x80, v3, vm1, $0xb8;
	[tilespmem:$0x18200] =	vst v63  }
0x2fc: {  	v3 =	vld [tilespmem:$0xB0];
	_ =	sdelay $0x4  }
0x2fd: {  	v43 =	vshrl.u32 v3, $0x3  }
0x2fe: {  	v4 =	vmul.u32 $0x18, v43  }
0x2ff: {  	v3 =	vand.u32 $0x7, v3  }
0x300: {  	v3 =	vor.u32 v3, v4  }
0x301: {  	v4 =	vperm.xlane v3, v0;
	_ =	sdelay $0x1  }
0x302: {  	v4 =	vadd.s32 v1, v4;
	_ =	sdelay $0x1  }
0x303: {  	v3 =	vperm.xlane v3, v2;
	_ =	sdelay $0x1  }
0x304: {  	v3 =	vadd.s32 v1, v3  }
0x305: {  	[tilespmem:s20], [sflag:$0x2] =	stream.indirect_vreg.gather [hbm4b:s3+s2], $0x80, v4, vm0, $0xb8;
	[tilespmem:$0x18200] =	vst v63  }
0x306: {  	_ = 	snop  }
0x307: {  	[tilespmem:s21], [sflag:$0x2] =	stream.indirect_vreg.gather [hbm4b:s5+s2], $0x80, v4, vm1, $0xb8;
	[tilespmem:$0x18200] =	vst v63  }
0x308: {  	_ = 	snop  }
0x309: {  	[tilespmem:s22], [sflag:$0x2] =	stream.indirect_vreg.gather [hbm4b:s3+s2], $0x80, v3, vm0, $0xb8;
	[tilespmem:$0x18200] =	vst v63  }
0x30a: {  	s1 =	simm.s32 $0x11E00  }
0x30b: {  	[tilespmem:s1], [sflag:$0x2] =	stream.indirect_vreg.gather [hbm4b:s5+s2], $0x80, v3, vm1, $0xb8;
	[tilespmem:$0x18200] =	vst v63  }
0x30c: {  	v3 =	vld [tilespmem:$0xC0];
	_ =	sdelay $0x4  }
0x30d: {  	v44 =	vshrl.u32 v3, $0x3  }
0x30e: {  	v4 =	vmul.u32 $0x18, v44  }
0x30f: {  	v3 =	vand.u32 $0x7, v3  }
0x310: {  	v3 =	vor.u32 v3, v4  }
0x311: {  	v4 =	vperm.xlane v3, v0;
	_ =	sdelay $0x1  }
0x312: {  	v4 =	vadd.s32 v1, v4;
	_ =	sdelay $0x1  }
0x313: {  	v3 =	vperm.xlane v3, v2;
	_ =	sdelay $0x1  }
0x314: {  	v3 =	vadd.s32 v1, v3  }
0x315: {  	[tilespmem:s23], [sflag:$0x2] =	stream.indirect_vreg.gather [hbm4b:s3+s2], $0x80, v4, vm0, $0xb8;
	[tilespmem:$0x18200] =	vst v63  }
0x316: {  	_ = 	snop  }
0x317: {  	[tilespmem:s24], [sflag:$0x2] =	stream.indirect_vreg.gather [hbm4b:s5+s2], $0x80, v4, vm1, $0xb8;
	[tilespmem:$0x18200] =	vst v63  }
0x318: {  	_ = 	snop  }
0x319: {  	[tilespmem:s25], [sflag:$0x2] =	stream.indirect_vreg.gather [hbm4b:s3+s2], $0x80, v3, vm0, $0xb8;
	[tilespmem:$0x18200] =	vst v63  }
0x31a: {  	s1 =	simm.s32 $0x13600  }
0x31b: {  	[tilespmem:s1], [sflag:$0x2] =	stream.indirect_vreg.gather [hbm4b:s5+s2], $0x80, v3, vm1, $0xb8;
	[tilespmem:$0x18200] =	vst v63  }
0x31c: {  	v3 =	vld [tilespmem:$0xD0];
	_ =	sdelay $0x4  }
0x31d: {  	v45 =	vshrl.u32 v3, $0x3  }
0x31e: {  	v4 =	vmul.u32 $0x18, v45  }
0x31f: {  	v3 =	vand.u32 $0x7, v3  }
0x320: {  	v3 =	vor.u32 v3, v4  }
0x321: {  	v4 =	vperm.xlane v3, v0;
	_ =	sdelay $0x1  }
0x322: {  	v4 =	vadd.s32 v1, v4;
	_ =	sdelay $0x1  }
0x323: {  	v3 =	vperm.xlane v3, v2;
	_ =	sdelay $0x1  }
0x324: {  	v3 =	vadd.s32 v1, v3  }
0x325: {  	[tilespmem:s26], [sflag:$0x2] =	stream.indirect_vreg.gather [hbm4b:s3+s2], $0x80, v4, vm0, $0xb8;
	[tilespmem:$0x18200] =	vst v63  }
0x326: {  	_ = 	snop  }
0x327: {  	[tilespmem:s28], [sflag:$0x2] =	stream.indirect_vreg.gather [hbm4b:s5+s2], $0x80, v4, vm1, $0xb8;
	[tilespmem:$0x18200] =	vst v63  }
0x328: {  	_ = 	snop  }
0x329: {  	[tilespmem:s29], [sflag:$0x2] =	stream.indirect_vreg.gather [hbm4b:s3+s2], $0x80, v3, vm0, $0xb8;
	[tilespmem:$0x18200] =	vst v63  }
0x32a: {  	s1 =	simm.s32 $0x14E00  }
0x32b: {  	[tilespmem:s1], [sflag:$0x2] =	stream.indirect_vreg.gather [hbm4b:s5+s2], $0x80, v3, vm1, $0xb8;
	[tilespmem:$0x18200] =	vst v63  }
0x32c: {  	v3 =	vld [tilespmem:$0xE0];
	_ =	sdelay $0x4  }
0x32d: {  	v46 =	vshrl.u32 v3, $0x3  }
0x32e: {  	v4 =	vmul.u32 $0x18, v46  }
0x32f: {  	v3 =	vand.u32 $0x7, v3  }
0x330: {  	v3 =	vor.u32 v3, v4  }
0x331: {  	v4 =	vperm.xlane v3, v0;
	_ =	sdelay $0x1  }
0x332: {  	v4 =	vadd.s32 v1, v4;
	_ =	sdelay $0x1  }
0x333: {  	v3 =	vperm.xlane v3, v2;
	_ =	sdelay $0x1  }
0x334: {  	v3 =	vadd.s32 v1, v3  }
0x335: {  	[tilespmem:s30], [sflag:$0x2] =	stream.indirect_vreg.gather [hbm4b:s3+s2], $0x80, v4, vm0, $0xb8;
	[tilespmem:$0x18200] =	vst v63  }
0x336: {  	_ = 	snop  }
0x337: {  	[tilespmem:s31], [sflag:$0x2] =	stream.indirect_vreg.gather [hbm4b:s5+s2], $0x80, v4, vm1, $0xb8;
	[tilespmem:$0x18200] =	vst v63  }
0x338: {  	_ = 	snop  }
0x339: {  	[tilespmem:s7], [sflag:$0x2] =	stream.indirect_vreg.gather [hbm4b:s3+s2], $0x80, v3, vm0, $0xb8;
	[tilespmem:$0x18200] =	vst v63  }
0x33a: {  	s7 =	simm.s32 $0x16600  }
0x33b: {  	[tilespmem:s7], [sflag:$0x2] =	stream.indirect_vreg.gather [hbm4b:s5+s2], $0x80, v3, vm1, $0xb8;
	[tilespmem:$0x18200] =	vst v63  }
0x33c: {  	v3 =	vld [tilespmem:$0xF0];
	_ =	sdelay $0x4  }
0x33d: {  	v47 =	vshrl.u32 v3, $0x3  }
0x33e: {  	v4 =	vmul.u32 $0x18, v47  }
0x33f: {  	v3 =	vand.u32 $0x7, v3  }
0x340: {  	v3 =	vor.u32 v3, v4  }
0x341: {  	v4 =	vperm.xlane v3, v0;
	_ =	sdelay $0x1  }
0x342: {  	v4 =	vadd.s32 v1, v4;
	_ =	sdelay $0x1  }
0x343: {  	v3 =	vperm.xlane v3, v2;
	_ =	sdelay $0x1  }
0x344: {  	v3 =	vadd.s32 v1, v3  }
0x345: {  	[tilespmem:s9], [sflag:$0x2] =	stream.indirect_vreg.gather [hbm4b:s3+s2], $0x80, v4, vm0, $0xb8;
	[tilespmem:$0x18200] =	vst v63  }
0x346: {  	_ = 	snop  }
0x347: {  	[tilespmem:s19], [sflag:$0x2] =	stream.indirect_vreg.gather [hbm4b:s5+s2], $0x80, v4, vm1, $0xb8;
	[tilespmem:$0x18200] =	vst v63  }
0x348: {  	s1 =	simm.s32 $0x17600  }
0x349: {  	[tilespmem:s1], [sflag:$0x2] =	stream.indirect_vreg.gather [hbm4b:s3+s2], $0x80, v3, vm0, $0xb8;
	[tilespmem:$0x18200] =	vst v63  }
0x34a: {  	_ = 	snop  }
0x34b: {  	[tilespmem:s10], [sflag:$0x2] =	stream.indirect_vreg.gather [hbm4b:s5+s2], $0x80, v3, vm1, $0xb8;
	[tilespmem:$0x18200] =	vst v63  }
0x34c: {  	s10 =	simm.s32 $0x1  }
0x34d: {  	_ =	swait.ge [sflag:s10], $0xC000  }
0x34e: {  	[sflag:s10] =	ssyncset.done $0x0  }
0x34f: {  	s0 =	rddreg [dreg:$0xf];
	[sflag:s10] =	ssyncadd.s32 $0xFFFF4000;
	s10 =	simm.s32 $0x200  }
0x350: {  	[hbm4b:s0+s2] =	stream.linear.scatter [tilespmem:s10], [sflag:$0x3], $0xC000, $0x38;
	[tilespmem:$0x18200] =	vst v63  }
0x351: {  	_ =	swait.ge [sflag:s8], $0xC000  }
0x352: {  	[sflag:s8] =	ssyncset.done $0x0  }
0x353: {  	[sflag:s8] =	ssyncadd.s32 $0xFFFF4000  }
0x354: {  	v3 =	vld [tilespmem:$0x100];
	_ =	sdelay $0x4  }
0x355: {  	v48 =	vshrl.u32 v3, $0x3  }
0x356: {  	v4 =	vmul.u32 $0x18, v48  }
0x357: {  	v3 =	vand.u32 $0x7, v3  }
0x358: {  	v3 =	vor.u32 v3, v4  }
0x359: {  	v4 =	vperm.xlane v3, v0;
	_ =	sdelay $0x1  }
0x35a: {  	v4 =	vadd.s32 v1, v4;
	_ =	sdelay $0x1  }
0x35b: {  	v3 =	vperm.xlane v3, v2;
	_ =	sdelay $0x1  }
0x35c: {  	v3 =	vadd.s32 v1, v3  }
0x35d: {  	[hbm4b:s4+s2] =	stream.indirect_vreg.scatter [tilespmem:s10], [sflag:$0x3], $0x80, v4, vm0, $0xb8;
	[tilespmem:$0x18200] =	vst v63  }
0x35e: {  	s10 =	simm.s32 $0xA00  }
0x35f: {  	[hbm4b:s6+s2] =	stream.indirect_vreg.scatter [tilespmem:s10], [sflag:$0x3], $0x80, v4, vm1, $0xb8;
	[tilespmem:$0x18200] =	vst v63  }
0x360: {  	s10 =	simm.s32 $0xE00  }
0x361: {  	[hbm4b:s4+s2] =	stream.indirect_vreg.scatter [tilespmem:s10], [sflag:$0x3], $0x80, v3, vm0, $0xb8;
	[tilespmem:$0x18200] =	vst v63  }
0x362: {  	s10 =	simm.s32 $0x1600  }
0x363: {  	[hbm4b:s6+s2] =	stream.indirect_vreg.scatter [tilespmem:s10], [sflag:$0x3], $0x80, v3, vm1, $0xb8;
	[tilespmem:$0x18200] =	vst v63  }
0x364: {  	v3 =	vld [tilespmem:$0x110];
	_ =	sdelay $0x4  }
0x365: {  	v49 =	vshrl.u32 v3, $0x3  }
0x366: {  	v4 =	vmul.u32 $0x18, v49  }
0x367: {  	v3 =	vand.u32 $0x7, v3  }
0x368: {  	v3 =	vor.u32 v3, v4  }
0x369: {  	v4 =	vperm.xlane v3, v0;
	_ =	sdelay $0x1  }
0x36a: {  	v4 =	vadd.s32 v1, v4;
	_ =	sdelay $0x1  }
0x36b: {  	v3 =	vperm.xlane v3, v2;
	_ =	sdelay $0x1  }
0x36c: {  	s10 =	simm.s32 $0x1A00;
	v3 =	vadd.s32 v1, v3  }
0x36d: {  	[hbm4b:s4+s2] =	stream.indirect_vreg.scatter [tilespmem:s10], [sflag:$0x3], $0x80, v4, vm0, $0xb8;
	[tilespmem:$0x18200] =	vst v63  }
0x36e: {  	s10 =	simm.s32 $0x2200  }
0x36f: {  	[hbm4b:s6+s2] =	stream.indirect_vreg.scatter [tilespmem:s10], [sflag:$0x3], $0x80, v4, vm1, $0xb8;
	[tilespmem:$0x18200] =	vst v63  }
0x370: {  	s10 =	simm.s32 $0x2600  }
0x371: {  	[hbm4b:s4+s2] =	stream.indirect_vreg.scatter [tilespmem:s10], [sflag:$0x3], $0x80, v3, vm0, $0xb8;
	[tilespmem:$0x18200] =	vst v63  }
0x372: {  	s10 =	simm.s32 $0x2E00  }
0x373: {  	[hbm4b:s6+s2] =	stream.indirect_vreg.scatter [tilespmem:s10], [sflag:$0x3], $0x80, v3, vm1, $0xb8;
	[tilespmem:$0x18200] =	vst v63  }
0x374: {  	v3 =	vld [tilespmem:$0x120];
	_ =	sdelay $0x4  }
0x375: {  	v50 =	vshrl.u32 v3, $0x3  }
0x376: {  	v4 =	vmul.u32 $0x18, v50  }
0x377: {  	v3 =	vand.u32 $0x7, v3  }
0x378: {  	v3 =	vor.u32 v3, v4  }
0x379: {  	v4 =	vperm.xlane v3, v0;
	_ =	sdelay $0x1  }
0x37a: {  	v4 =	vadd.s32 v1, v4;
	_ =	sdelay $0x1  }
0x37b: {  	v3 =	vperm.xlane v3, v2;
	_ =	sdelay $0x1  }
0x37c: {  	s10 =	simm.s32 $0x3200;
	v3 =	vadd.s32 v1, v3  }
0x37d: {  	[hbm4b:s4+s2] =	stream.indirect_vreg.scatter [tilespmem:s10], [sflag:$0x3], $0x80, v4, vm0, $0xb8;
	[tilespmem:$0x18200] =	vst v63  }
0x37e: {  	s10 =	simm.s32 $0x3A00  }
0x37f: {  	[hbm4b:s6+s2] =	stream.indirect_vreg.scatter [tilespmem:s10], [sflag:$0x3], $0x80, v4, vm1, $0xb8;
	[tilespmem:$0x18200] =	vst v63  }
0x380: {  	s10 =	simm.s32 $0x3E00  }
0x381: {  	[hbm4b:s4+s2] =	stream.indirect_vreg.scatter [tilespmem:s10], [sflag:$0x3], $0x80, v3, vm0, $0xb8;
	[tilespmem:$0x18200] =	vst v63  }
0x382: {  	s10 =	simm.s32 $0x4600  }
0x383: {  	[hbm4b:s6+s2] =	stream.indirect_vreg.scatter [tilespmem:s10], [sflag:$0x3], $0x80, v3, vm1, $0xb8;
	[tilespmem:$0x18200] =	vst v63  }
0x384: {  	v3 =	vld [tilespmem:$0x130];
	_ =	sdelay $0x4  }
0x385: {  	v51 =	vshrl.u32 v3, $0x3  }
0x386: {  	v4 =	vmul.u32 $0x18, v51  }
0x387: {  	v3 =	vand.u32 $0x7, v3  }
0x388: {  	v3 =	vor.u32 v3, v4  }
0x389: {  	v4 =	vperm.xlane v3, v0;
	_ =	sdelay $0x1  }
0x38a: {  	v4 =	vadd.s32 v1, v4;
	_ =	sdelay $0x1  }
0x38b: {  	v3 =	vperm.xlane v3, v2;
	_ =	sdelay $0x1  }
0x38c: {  	s10 =	simm.s32 $0x4A00;
	v3 =	vadd.s32 v1, v3  }
0x38d: {  	[hbm4b:s4+s2] =	stream.indirect_vreg.scatter [tilespmem:s10], [sflag:$0x3], $0x80, v4, vm0, $0xb8;
	[tilespmem:$0x18200] =	vst v63  }
0x38e: {  	s10 =	simm.s32 $0x5200  }
0x38f: {  	[hbm4b:s6+s2] =	stream.indirect_vreg.scatter [tilespmem:s10], [sflag:$0x3], $0x80, v4, vm1, $0xb8;
	[tilespmem:$0x18200] =	vst v63  }
0x390: {  	s10 =	simm.s32 $0x5600  }
0x391: {  	[hbm4b:s4+s2] =	stream.indirect_vreg.scatter [tilespmem:s10], [sflag:$0x3], $0x80, v3, vm0, $0xb8;
	[tilespmem:$0x18200] =	vst v63  }
0x392: {  	s10 =	simm.s32 $0x5E00  }
0x393: {  	[hbm4b:s6+s2] =	stream.indirect_vreg.scatter [tilespmem:s10], [sflag:$0x3], $0x80, v3, vm1, $0xb8;
	[tilespmem:$0x18200] =	vst v63  }
0x394: {  	v3 =	vld [tilespmem:$0x140];
	_ =	sdelay $0x4  }
0x395: {  	v52 =	vshrl.u32 v3, $0x3  }
0x396: {  	v4 =	vmul.u32 $0x18, v52  }
0x397: {  	v3 =	vand.u32 $0x7, v3  }
0x398: {  	v3 =	vor.u32 v3, v4  }
0x399: {  	v4 =	vperm.xlane v3, v0;
	_ =	sdelay $0x1  }
0x39a: {  	v4 =	vadd.s32 v1, v4;
	_ =	sdelay $0x1  }
0x39b: {  	v3 =	vperm.xlane v3, v2;
	_ =	sdelay $0x1  }
0x39c: {  	s10 =	simm.s32 $0x6200;
	v3 =	vadd.s32 v1, v3  }
0x39d: {  	[hbm4b:s4+s2] =	stream.indirect_vreg.scatter [tilespmem:s10], [sflag:$0x3], $0x80, v4, vm0, $0xb8;
	[tilespmem:$0x18200] =	vst v63  }
0x39e: {  	s10 =	simm.s32 $0x6A00  }
0x39f: {  	[hbm4b:s6+s2] =	stream.indirect_vreg.scatter [tilespmem:s10], [sflag:$0x3], $0x80, v4, vm1, $0xb8;
	[tilespmem:$0x18200] =	vst v63  }
0x3a0: {  	s10 =	simm.s32 $0x6E00  }
0x3a1: {  	[hbm4b:s4+s2] =	stream.indirect_vreg.scatter [tilespmem:s10], [sflag:$0x3], $0x80, v3, vm0, $0xb8;
	[tilespmem:$0x18200] =	vst v63  }
0x3a2: {  	s10 =	simm.s32 $0x7600  }
0x3a3: {  	[hbm4b:s6+s2] =	stream.indirect_vreg.scatter [tilespmem:s10], [sflag:$0x3], $0x80, v3, vm1, $0xb8;
	[tilespmem:$0x18200] =	vst v63  }
0x3a4: {  	v3 =	vld [tilespmem:$0x150];
	_ =	sdelay $0x4  }
0x3a5: {  	v53 =	vshrl.u32 v3, $0x3  }
0x3a6: {  	v4 =	vmul.u32 $0x18, v53  }
0x3a7: {  	v3 =	vand.u32 $0x7, v3  }
0x3a8: {  	v3 =	vor.u32 v3, v4  }
0x3a9: {  	v4 =	vperm.xlane v3, v0;
	_ =	sdelay $0x1  }
0x3aa: {  	v4 =	vadd.s32 v1, v4;
	_ =	sdelay $0x1  }
0x3ab: {  	v3 =	vperm.xlane v3, v2;
	_ =	sdelay $0x1  }
0x3ac: {  	s10 =	simm.s32 $0x7A00;
	v3 =	vadd.s32 v1, v3  }
0x3ad: {  	[hbm4b:s4+s2] =	stream.indirect_vreg.scatter [tilespmem:s10], [sflag:$0x3], $0x80, v4, vm0, $0xb8;
	[tilespmem:$0x18200] =	vst v63  }
0x3ae: {  	s10 =	simm.s32 $0x8200  }
0x3af: {  	[hbm4b:s6+s2] =	stream.indirect_vreg.scatter [tilespmem:s10], [sflag:$0x3], $0x80, v4, vm1, $0xb8;
	[tilespmem:$0x18200] =	vst v63  }
0x3b0: {  	s10 =	simm.s32 $0x8600  }
0x3b1: {  	[hbm4b:s4+s2] =	stream.indirect_vreg.scatter [tilespmem:s10], [sflag:$0x3], $0x80, v3, vm0, $0xb8;
	[tilespmem:$0x18200] =	vst v63  }
0x3b2: {  	s10 =	simm.s32 $0x8E00  }
0x3b3: {  	[hbm4b:s6+s2] =	stream.indirect_vreg.scatter [tilespmem:s10], [sflag:$0x3], $0x80, v3, vm1, $0xb8;
	[tilespmem:$0x18200] =	vst v63  }
0x3b4: {  	v3 =	vld [tilespmem:$0x160];
	_ =	sdelay $0x4  }
0x3b5: {  	v54 =	vshrl.u32 v3, $0x3  }
0x3b6: {  	v4 =	vmul.u32 $0x18, v54  }
0x3b7: {  	v3 =	vand.u32 $0x7, v3  }
0x3b8: {  	v3 =	vor.u32 v3, v4  }
0x3b9: {  	v4 =	vperm.xlane v3, v0;
	_ =	sdelay $0x1  }
0x3ba: {  	v4 =	vadd.s32 v1, v4;
	_ =	sdelay $0x1  }
0x3bb: {  	v3 =	vperm.xlane v3, v2;
	_ =	sdelay $0x1  }
0x3bc: {  	s10 =	simm.s32 $0x9200;
	v3 =	vadd.s32 v1, v3  }
0x3bd: {  	[hbm4b:s4+s2] =	stream.indirect_vreg.scatter [tilespmem:s10], [sflag:$0x3], $0x80, v4, vm0, $0xb8;
	[tilespmem:$0x18200] =	vst v63  }
0x3be: {  	s10 =	simm.s32 $0x9A00  }
0x3bf: {  	[hbm4b:s6+s2] =	stream.indirect_vreg.scatter [tilespmem:s10], [sflag:$0x3], $0x80, v4, vm1, $0xb8;
	[tilespmem:$0x18200] =	vst v63  }
0x3c0: {  	s10 =	simm.s32 $0x9E00  }
0x3c1: {  	[hbm4b:s4+s2] =	stream.indirect_vreg.scatter [tilespmem:s10], [sflag:$0x3], $0x80, v3, vm0, $0xb8;
	[tilespmem:$0x18200] =	vst v63  }
0x3c2: {  	s10 =	simm.s32 $0xA600  }
0x3c3: {  	[hbm4b:s6+s2] =	stream.indirect_vreg.scatter [tilespmem:s10], [sflag:$0x3], $0x80, v3, vm1, $0xb8;
	[tilespmem:$0x18200] =	vst v63  }
0x3c4: {  	v3 =	vld [tilespmem:$0x170];
	_ =	sdelay $0x4  }
0x3c5: {  	v55 =	vshrl.u32 v3, $0x3  }
0x3c6: {  	v4 =	vmul.u32 $0x18, v55  }
0x3c7: {  	v3 =	vand.u32 $0x7, v3  }
0x3c8: {  	v3 =	vor.u32 v3, v4  }
0x3c9: {  	v4 =	vperm.xlane v3, v0;
	_ =	sdelay $0x1  }
0x3ca: {  	v4 =	vadd.s32 v1, v4;
	_ =	sdelay $0x1  }
0x3cb: {  	v3 =	vperm.xlane v3, v2;
	_ =	sdelay $0x1  }
0x3cc: {  	s10 =	simm.s32 $0xAA00;
	v3 =	vadd.s32 v1, v3  }
0x3cd: {  	[hbm4b:s4+s2] =	stream.indirect_vreg.scatter [tilespmem:s10], [sflag:$0x3], $0x80, v4, vm0, $0xb8;
	[tilespmem:$0x18200] =	vst v63  }
0x3ce: {  	s10 =	simm.s32 $0xB200  }
0x3cf: {  	[hbm4b:s6+s2] =	stream.indirect_vreg.scatter [tilespmem:s10], [sflag:$0x3], $0x80, v4, vm1, $0xb8;
	[tilespmem:$0x18200] =	vst v63  }
0x3d0: {  	s10 =	simm.s32 $0xB600  }
0x3d1: {  	[hbm4b:s4+s2] =	stream.indirect_vreg.scatter [tilespmem:s10], [sflag:$0x3], $0x80, v3, vm0, $0xb8;
	[tilespmem:$0x18200] =	vst v63  }
0x3d2: {  	s10 =	simm.s32 $0xBE00  }
0x3d3: {  	[hbm4b:s6+s2] =	stream.indirect_vreg.scatter [tilespmem:s10], [sflag:$0x3], $0x80, v3, vm1, $0xb8;
	[tilespmem:$0x18200] =	vst v63  }
0x3d4: {  	_ =	swait.ge [sflag:s8], $0xC000  }
0x3d5: {  	[sflag:s8] =	ssyncset.done $0x0  }
0x3d6: {  	s10 =	simm.s32 $0x2;
	[sflag:s8] =	ssyncadd.s32 $0xFFFF4000  }
0x3d7: {  	_ =	swait.ge [sflag:s10], $0xC000  }
0x3d8: {  	[sflag:s10] =	ssyncset.done $0x0  }
0x3d9: {  	s0 =	rddreg [dreg:$0x10];
	[sflag:s10] =	ssyncadd.s32 $0xFFFF4000;
	s10 =	simm.s32 $0xC200  }
0x3da: {  	[hbm4b:s0+s2] =	stream.linear.scatter [tilespmem:s10], [sflag:$0x3], $0xC000, $0x38;
	[tilespmem:$0x18200] =	vst v63  }
0x3db: {  	s0 =	rddreg [dreg:$0x11];
	_ =	swait.ge [sflag:s8], $0xC000  }
0x3dc: {  	[sflag:s8] =	ssyncset.done $0x0  }
0x3dd: {  	[sflag:s8] =	ssyncadd.s32 $0xFFFF4000  }
0x3de: {  	v3 =	vld [tilespmem:$0x180];
	_ =	sdelay $0x4  }
0x3df: {  	v56 =	vshrl.u32 v3, $0x3  }
0x3e0: {  	v4 =	vmul.u32 $0x18, v56  }
0x3e1: {  	v3 =	vand.u32 $0x7, v3  }
0x3e2: {  	v3 =	vor.u32 v3, v4  }
0x3e3: {  	v4 =	vperm.xlane v3, v0;
	_ =	sdelay $0x1  }
0x3e4: {  	v4 =	vadd.s32 v1, v4;
	_ =	sdelay $0x1  }
0x3e5: {  	v3 =	vperm.xlane v3, v2;
	_ =	sdelay $0x1  }
0x3e6: {  	v3 =	vadd.s32 v1, v3  }
0x3e7: {  	[hbm4b:s4+s2] =	stream.indirect_vreg.scatter [tilespmem:s10], [sflag:$0x3], $0x80, v4, vm0, $0xb8;
	[tilespmem:$0x18200] =	vst v63  }
0x3e8: {  	s11 =	simm.s32 $0xCA00  }
0x3e9: {  	[hbm4b:s6+s2] =	stream.indirect_vreg.scatter [tilespmem:s11], [sflag:$0x3], $0x80, v4, vm1, $0xb8;
	[tilespmem:$0x18200] =	vst v63  }
0x3ea: {  	s12 =	simm.s32 $0xCE00  }
0x3eb: {  	[hbm4b:s4+s2] =	stream.indirect_vreg.scatter [tilespmem:s12], [sflag:$0x3], $0x80, v3, vm0, $0xb8;
	[tilespmem:$0x18200] =	vst v63  }
0x3ec: {  	s12 =	simm.s32 $0xD600  }
0x3ed: {  	[hbm4b:s6+s2] =	stream.indirect_vreg.scatter [tilespmem:s12], [sflag:$0x3], $0x80, v3, vm1, $0xb8;
	[tilespmem:$0x18200] =	vst v63  }
0x3ee: {  	v3 =	vld [tilespmem:$0x190];
	_ =	sdelay $0x4  }
0x3ef: {  	v57 =	vshrl.u32 v3, $0x3  }
0x3f0: {  	v4 =	vmul.u32 $0x18, v57  }
0x3f1: {  	v3 =	vand.u32 $0x7, v3  }
0x3f2: {  	v3 =	vor.u32 v3, v4  }
0x3f3: {  	v4 =	vperm.xlane v3, v0;
	_ =	sdelay $0x1  }
0x3f4: {  	v4 =	vadd.s32 v1, v4;
	_ =	sdelay $0x1  }
0x3f5: {  	v3 =	vperm.xlane v3, v2;
	_ =	sdelay $0x1  }
0x3f6: {  	s13 =	simm.s32 $0xDA00;
	v3 =	vadd.s32 v1, v3  }
0x3f7: {  	[hbm4b:s4+s2] =	stream.indirect_vreg.scatter [tilespmem:s13], [sflag:$0x3], $0x80, v4, vm0, $0xb8;
	[tilespmem:$0x18200] =	vst v63  }
0x3f8: {  	s14 =	simm.s32 $0xE200  }
0x3f9: {  	[hbm4b:s6+s2] =	stream.indirect_vreg.scatter [tilespmem:s14], [sflag:$0x3], $0x80, v4, vm1, $0xb8;
	[tilespmem:$0x18200] =	vst v63  }
0x3fa: {  	s15 =	simm.s32 $0xE600  }
0x3fb: {  	[hbm4b:s4+s2] =	stream.indirect_vreg.scatter [tilespmem:s15], [sflag:$0x3], $0x80, v3, vm0, $0xb8;
	[tilespmem:$0x18200] =	vst v63  }
0x3fc: {  	s15 =	simm.s32 $0xEE00  }
0x3fd: {  	[hbm4b:s6+s2] =	stream.indirect_vreg.scatter [tilespmem:s15], [sflag:$0x3], $0x80, v3, vm1, $0xb8;
	[tilespmem:$0x18200] =	vst v63  }
0x3fe: {  	v3 =	vld [tilespmem:$0x1A0];
	_ =	sdelay $0x4  }
0x3ff: {  	v58 =	vshrl.u32 v3, $0x3  }
0x400: {  	v4 =	vmul.u32 $0x18, v58  }
0x401: {  	v3 =	vand.u32 $0x7, v3  }
0x402: {  	v3 =	vor.u32 v3, v4  }
0x403: {  	v4 =	vperm.xlane v3, v0;
	_ =	sdelay $0x1  }
0x404: {  	v4 =	vadd.s32 v1, v4;
	_ =	sdelay $0x1  }
0x405: {  	v3 =	vperm.xlane v3, v2;
	_ =	sdelay $0x1  }
0x406: {  	s16 =	simm.s32 $0xF200;
	v3 =	vadd.s32 v1, v3  }
0x407: {  	[hbm4b:s4+s2] =	stream.indirect_vreg.scatter [tilespmem:s16], [sflag:$0x3], $0x80, v4, vm0, $0xb8;
	[tilespmem:$0x18200] =	vst v63  }
0x408: {  	s17 =	simm.s32 $0xFA00  }
0x409: {  	[hbm4b:s6+s2] =	stream.indirect_vreg.scatter [tilespmem:s17], [sflag:$0x3], $0x80, v4, vm1, $0xb8;
	[tilespmem:$0x18200] =	vst v63  }
0x40a: {  	s18 =	simm.s32 $0xFE00  }
0x40b: {  	[hbm4b:s4+s2] =	stream.indirect_vreg.scatter [tilespmem:s18], [sflag:$0x3], $0x80, v3, vm0, $0xb8;
	[tilespmem:$0x18200] =	vst v63  }
0x40c: {  	s18 =	simm.s32 $0x10600  }
0x40d: {  	[hbm4b:s6+s2] =	stream.indirect_vreg.scatter [tilespmem:s18], [sflag:$0x3], $0x80, v3, vm1, $0xb8;
	[tilespmem:$0x18200] =	vst v63  }
0x40e: {  	v3 =	vld [tilespmem:$0x1B0];
	_ =	sdelay $0x4  }
0x40f: {  	v59 =	vshrl.u32 v3, $0x3  }
0x410: {  	v4 =	vmul.u32 $0x18, v59  }
0x411: {  	v3 =	vand.u32 $0x7, v3  }
0x412: {  	v3 =	vor.u32 v3, v4  }
0x413: {  	v4 =	vperm.xlane v3, v0;
	_ =	sdelay $0x1  }
0x414: {  	v4 =	vadd.s32 v1, v4;
	_ =	sdelay $0x1  }
0x415: {  	v3 =	vperm.xlane v3, v2;
	_ =	sdelay $0x1  }
0x416: {  	s20 =	simm.s32 $0x10A00;
	v3 =	vadd.s32 v1, v3  }
0x417: {  	[hbm4b:s4+s2] =	stream.indirect_vreg.scatter [tilespmem:s20], [sflag:$0x3], $0x80, v4, vm0, $0xb8;
	[tilespmem:$0x18200] =	vst v63  }
0x418: {  	s21 =	simm.s32 $0x11200  }
0x419: {  	[hbm4b:s6+s2] =	stream.indirect_vreg.scatter [tilespmem:s21], [sflag:$0x3], $0x80, v4, vm1, $0xb8;
	[tilespmem:$0x18200] =	vst v63  }
0x41a: {  	s22 =	simm.s32 $0x11600  }
0x41b: {  	[hbm4b:s4+s2] =	stream.indirect_vreg.scatter [tilespmem:s22], [sflag:$0x3], $0x80, v3, vm0, $0xb8;
	[tilespmem:$0x18200] =	vst v63  }
0x41c: {  	s22 =	simm.s32 $0x11E00  }
0x41d: {  	[hbm4b:s6+s2] =	stream.indirect_vreg.scatter [tilespmem:s22], [sflag:$0x3], $0x80, v3, vm1, $0xb8;
	[tilespmem:$0x18200] =	vst v63  }
0x41e: {  	v3 =	vld [tilespmem:$0x1C0];
	_ =	sdelay $0x4  }
0x41f: {  	v60 =	vshrl.u32 v3, $0x3  }
0x420: {  	v4 =	vmul.u32 $0x18, v60  }
0x421: {  	v3 =	vand.u32 $0x7, v3  }
0x422: {  	v3 =	vor.u32 v3, v4  }
0x423: {  	v4 =	vperm.xlane v3, v0;
	_ =	sdelay $0x1  }
0x424: {  	v4 =	vadd.s32 v1, v4;
	_ =	sdelay $0x1  }
0x425: {  	v3 =	vperm.xlane v3, v2;
	_ =	sdelay $0x1  }
0x426: {  	s23 =	simm.s32 $0x12200;
	v3 =	vadd.s32 v1, v3  }
0x427: {  	[hbm4b:s4+s2] =	stream.indirect_vreg.scatter [tilespmem:s23], [sflag:$0x3], $0x80, v4, vm0, $0xb8;
	[tilespmem:$0x18200] =	vst v63  }
0x428: {  	s24 =	simm.s32 $0x12A00  }
0x429: {  	[hbm4b:s6+s2] =	stream.indirect_vreg.scatter [tilespmem:s24], [sflag:$0x3], $0x80, v4, vm1, $0xb8;
	[tilespmem:$0x18200] =	vst v63  }
0x42a: {  	s25 =	simm.s32 $0x12E00  }
0x42b: {  	[hbm4b:s4+s2] =	stream.indirect_vreg.scatter [tilespmem:s25], [sflag:$0x3], $0x80, v3, vm0, $0xb8;
	[tilespmem:$0x18200] =	vst v63  }
0x42c: {  	s25 =	simm.s32 $0x13600  }
0x42d: {  	[hbm4b:s6+s2] =	stream.indirect_vreg.scatter [tilespmem:s25], [sflag:$0x3], $0x80, v3, vm1, $0xb8;
	[tilespmem:$0x18200] =	vst v63  }
0x42e: {  	v3 =	vld [tilespmem:$0x1D0];
	_ =	sdelay $0x4  }
0x42f: {  	v61 =	vshrl.u32 v3, $0x3  }
0x430: {  	v4 =	vmul.u32 $0x18, v61  }
0x431: {  	v3 =	vand.u32 $0x7, v3  }
0x432: {  	v3 =	vor.u32 v3, v4  }
0x433: {  	v4 =	vperm.xlane v3, v0;
	_ =	sdelay $0x1  }
0x434: {  	v4 =	vadd.s32 v1, v4;
	_ =	sdelay $0x1  }
0x435: {  	v3 =	vperm.xlane v3, v2;
	_ =	sdelay $0x1  }
0x436: {  	s26 =	simm.s32 $0x13A00;
	v3 =	vadd.s32 v1, v3  }
0x437: {  	[hbm4b:s4+s2] =	stream.indirect_vreg.scatter [tilespmem:s26], [sflag:$0x3], $0x80, v4, vm0, $0xb8;
	[tilespmem:$0x18200] =	vst v63  }
0x438: {  	s28 =	simm.s32 $0x14200  }
0x439: {  	[hbm4b:s6+s2] =	stream.indirect_vreg.scatter [tilespmem:s28], [sflag:$0x3], $0x80, v4, vm1, $0xb8;
	[tilespmem:$0x18200] =	vst v63  }
0x43a: {  	s29 =	simm.s32 $0x14600  }
0x43b: {  	[hbm4b:s4+s2] =	stream.indirect_vreg.scatter [tilespmem:s29], [sflag:$0x3], $0x80, v3, vm0, $0xb8;
	[tilespmem:$0x18200] =	vst v63  }
0x43c: {  	s29 =	simm.s32 $0x14E00  }
0x43d: {  	[hbm4b:s6+s2] =	stream.indirect_vreg.scatter [tilespmem:s29], [sflag:$0x3], $0x80, v3, vm1, $0xb8;
	[tilespmem:$0x18200] =	vst v63  }
0x43e: {  	v3 =	vld [tilespmem:$0x1E0];
	_ =	sdelay $0x4  }
0x43f: {  	v62 =	vshrl.u32 v3, $0x3  }
0x440: {  	v4 =	vmul.u32 $0x18, v62  }
0x441: {  	v3 =	vand.u32 $0x7, v3  }
0x442: {  	v3 =	vor.u32 v3, v4  }
0x443: {  	v4 =	vperm.xlane v3, v0;
	_ =	sdelay $0x1  }
0x444: {  	v4 =	vadd.s32 v1, v4;
	_ =	sdelay $0x1  }
0x445: {  	v3 =	vperm.xlane v3, v2;
	_ =	sdelay $0x1  }
0x446: {  	s30 =	simm.s32 $0x15200;
	v3 =	vadd.s32 v1, v3  }
0x447: {  	[hbm4b:s4+s2] =	stream.indirect_vreg.scatter [tilespmem:s30], [sflag:$0x3], $0x80, v4, vm0, $0xb8;
	[tilespmem:$0x18200] =	vst v63  }
0x448: {  	s31 =	simm.s32 $0x15A00  }
0x449: {  	[hbm4b:s6+s2] =	stream.indirect_vreg.scatter [tilespmem:s31], [sflag:$0x3], $0x80, v4, vm1, $0xb8;
	[tilespmem:$0x18200] =	vst v63  }
0x44a: {  	s30 =	simm.s32 $0x15E00  }
0x44b: {  	[hbm4b:s4+s2] =	stream.indirect_vreg.scatter [tilespmem:s30], [sflag:$0x3], $0x80, v3, vm0, $0xb8;
	[tilespmem:$0x18200] =	vst v63  }
0x44c: {  	s31 =	simm.s32 $0x16600  }
0x44d: {  	[hbm4b:s6+s2] =	stream.indirect_vreg.scatter [tilespmem:s31], [sflag:$0x3], $0x80, v3, vm1, $0xb8;
	[tilespmem:$0x18200] =	vst v63  }
0x44e: {  	v3 =	vld [tilespmem:$0x1F0];
	_ =	sdelay $0x4  }
0x44f: {  	v63 =	vshrl.u32 v3, $0x3  }
0x450: {  	v4 =	vmul.u32 $0x18, v63  }
0x451: {  	v3 =	vand.u32 $0x7, v3  }
0x452: {  	v3 =	vor.u32 v3, v4  }
0x453: {  	v4 =	vperm.xlane v3, v0;
	_ =	sdelay $0x1  }
0x454: {  	v4 =	vadd.s32 v1, v4;
	_ =	sdelay $0x1  }
0x455: {  	v3 =	vperm.xlane v3, v2;
	_ =	sdelay $0x1  }
0x456: {  	s7 =	simm.s32 $0x16A00;
	v3 =	vadd.s32 v1, v3  }
0x457: {  	[hbm4b:s4+s2] =	stream.indirect_vreg.scatter [tilespmem:s7], [sflag:$0x3], $0x80, v4, vm0, $0xb8;
	[tilespmem:$0x18200] =	vst v63  }
0x458: {  	s9 =	simm.s32 $0x17200  }
0x459: {  	[hbm4b:s6+s2] =	stream.indirect_vreg.scatter [tilespmem:s9], [sflag:$0x3], $0x80, v4, vm1, $0xb8;
	[tilespmem:$0x18200] =	vst v63  }
0x45a: {  	s19 =	simm.s32 $0x17600;
	p0 =	sne.s32 s0, $0x1  }
0x45b: {  	[hbm4b:s4+s2] =	stream.indirect_vreg.scatter [tilespmem:s19], [sflag:$0x3], $0x80, v3, vm0, $0xb8;
	[tilespmem:$0x18200] =	vst v63  }
.Ltmp0:
0x45c: {  	s1 =	simm.s32 $0x17E00;
	(pc) =	sbr.rel @p0 .LBB2_1-.Ltmp0, $4  }
0x45d: {  	[hbm4b:s6+s2] =	stream.indirect_vreg.scatter [tilespmem:s1], [sflag:$0x3], $0x80, v3, vm1, $0xb8;
	[tilespmem:$0x18200] =	vst v63  }
0x45e: {  	_ =	swait.ge [sflag:s8], $0xC000  }
0x45f: {  	[sflag:s8] =	ssyncset.done $0x0  }
0x460: {  	s0 =	sadd.s32 $0xFFFFFFFF, s0;
	[sflag:s8] =	ssyncadd.s32 $0xFFFF4000  }
0x461: {  	_ =	sfence.sel $0x180000  }
0x462: {  	[bflag:$0x0] =	sbarrier.arrive $0xFFFF  }
0x463: {  	_ =	strace $0x90000047  }
0x464: {  	s0 =	stileid.u32;
	[bflag:$0x2] =	sbarrier.arrive $0xFFFF  }
0x465: {  	p0 =	sne.s32 s0, $0x0;
	s0 =	rddreg [dreg:$0x4]  }
0x466: {  	s0 =	sadd.s32 @!p0 $0x100000, s0  }
0x467: {  	[sflag:s0] =	ssyncadd.tile.s32 @!p0 $0x1;
	_ =	shalt  }
.Lfunc_end2:
_tile_overlayer_lowered:
.L_overlay_start_2:
0x468: {  	(tag) =	ssettag $0x2  }
0x469: {  	s0 =	rddreg [dreg:$0x0];
	s2 =	stileid.u32  }
0x46a: {  	s1 =	rddreg [dreg:$0x1];
	p0 =	sne.s32 s2, $0x0  }
0x46b: {  	s3 =	rddreg [dreg:$0x2];
	[bflag:$0x3] =	sbarrier.arrive $0xFFFF;
	s2 =	simm.s32 @!p0 $0x1C03  }
0x46c: {  	[timem:s3], [sflag:s2] =	dma.local @!p0 [hbm:s0], s1  }
0x46d: {  	s0 =	simm.s32 @!p0 $0x3  }
0x46e: {  	_ =	swait.ge @!p0 [sflag:s0], s1  }
0x46f: {  	s1 =	ssub.s32 @!p0 $0x0, s1;
	[sflag:s0] =	ssyncset.done @!p0 $0x0  }
0x470: {  	[sflag:s0] =	ssyncadd.s32 @!p0 s1  }
0x471: {  	[bflag:$0x3] =	sbarrier.arrive $0xFFFF  }
0x472: {  	_ =	shalt  }

</sc_bundles>
